<compile_context>
chip_gen: v7x
topology: tpu7x:2x2x1
jax: 0.10.2.dev20260603
libtpu: 0.0.44.dev20260713+nightly
codegen_flags: <defaults>
</compile_context>

<pallas_src>
import functools

import jax
import jax.numpy as jnp
from jax import lax
from jax.experimental import pallas as pl
from jax.experimental.pallas import tpu as pltpu
from jax.experimental.pallas import tpu_sc as plsc

N_DONORS = 128
N_CLUSTERS = 16
N_VARIANTS = 10000
N_GENES = 20000
N_VXG = 4096
LANES = 16

_LOG2E = 1.4426950408889634

_NC = 2
_NS = 16
_NW = _NC * _NS
_ROWS_PER_W = N_DONORS // _NW


_J_PER_W = N_VXG // _NW


def _sc_gather_body(genoT_hbm, sel_hbm, baseline_hbm, vxg_hbm,
                    gT_out, base_out,
                    selc_v, vxg_v, rows_v, brow_v, bout_v,
                    sem_selc, sem_vxg, sem_brow, sem_rows):
    wid = lax.axis_index("s") * _NC + lax.axis_index("c")
    j0 = wid * _J_PER_W

    h_selc = pltpu.async_copy(sel_hbm.at[pl.ds(j0, _J_PER_W)], selc_v,
                              sem_selc)
    h_vxg = pltpu.async_copy(vxg_hbm, vxg_v, sem_vxg)
    brow_src = baseline_hbm.at[lax.min(wid, N_CLUSTERS - 1)]
    h_brow = pltpu.async_copy(brow_src, brow_v, sem_brow)

    h_selc.wait()
    pltpu.async_copy(genoT_hbm.at[selc_v], rows_v, sem_rows).wait()
    pltpu.sync_copy(rows_v, gT_out.at[pl.ds(j0, _J_PER_W)])

    h_vxg.wait()
    h_brow.wait()

    @pl.when(wid < N_CLUSTERS)
    def _():
        @plsc.parallel_loop(0, N_VXG // LANES, 1, unroll=8)
        def _(j):
            idx = vxg_v[pl.ds(j * LANES, LANES)]
            vals = plsc.load_gather(brow_v, [idx]) * jnp.float32(_LOG2E)
            bout_v[pl.ds(j * LANES, LANES)] = vals

        pltpu.sync_copy(bout_v, base_out.at[wid])


_sc_gather = functools.partial(
    pl.kernel,
    out_type=[
        jax.ShapeDtypeStruct((N_VXG, N_DONORS), jnp.float32),
        jax.ShapeDtypeStruct((N_CLUSTERS, N_VXG), jnp.float32),
    ],
    mesh=plsc.VectorSubcoreMesh(core_axis_name="c", subcore_axis_name="s"),
    scratch_types=[
        pltpu.VMEM((_J_PER_W,), jnp.int32),
        pltpu.VMEM((N_VXG,), jnp.int32),
        pltpu.VMEM((_J_PER_W, N_DONORS), jnp.float32),
        pltpu.VMEM((N_GENES,), jnp.float32),
        pltpu.VMEM((N_VXG,), jnp.float32),
        pltpu.SemaphoreType.DMA,
        pltpu.SemaphoreType.DMA,
        pltpu.SemaphoreType.DMA,
        pltpu.SemaphoreType.DMA,
    ],
    compiler_params=pltpu.CompilerParams(needs_layout_passes=False,
                                         use_tc_tiling_on_sc=True),
)(_sc_gather_body)


_D_BLK = 8
_V_BLK = 4096


_K_DMA = 8
_D_CHK = _D_BLK // _K_DMA


_V_CHUNK = 512


def _tc_dense_body(gT_ref, base_ref, fc_ref, lib_ref, out_hbm,
                   gvm, buf0, buf1, sem0, sem1):
    i = pl.program_id(0)
    nsteps = pl.num_programs(0)

    @pl.when(i == 0)
    def _():
        gvm[...] = gT_ref[...].T

    def compute(buf):
        for v0 in range(0, N_VXG, _V_CHUNK):
            vs = pl.ds(v0, _V_CHUNK)
            bq = base_ref[:, vs]
            fq = fc_ref[:, vs]
            for d in range(_D_BLK):
                gd = gvm[pl.ds(i * _D_BLK + d, 1), vs]
                ld = lib_ref[d, :][:, None]
                buf[d, :, vs] = jnp.exp2(bq + gd * fq) * ld

    def fire(buf, sem, step):
        for k in range(_K_DMA):
            pltpu.make_async_copy(
                buf.at[pl.ds(k * _D_CHK, _D_CHK)],
                out_hbm.at[pl.ds(step * _D_BLK + k * _D_CHK, _D_CHK)],
                sem.at[k]).start()

    def drain(buf, sem, step):
        for k in range(_K_DMA):
            pltpu.make_async_copy(
                buf.at[pl.ds(k * _D_CHK, _D_CHK)],
                out_hbm.at[pl.ds(step * _D_BLK + k * _D_CHK, _D_CHK)],
                sem.at[k]).wait()

    even = i % 2 == 0

    @pl.when(jnp.logical_and(even, i >= 2))
    def _():
        drain(buf0, sem0, i - 2)

    @pl.when(jnp.logical_and(jnp.logical_not(even), i >= 2))
    def _():
        drain(buf1, sem1, i - 2)

    @pl.when(even)
    def _():
        compute(buf0)
        fire(buf0, sem0, i)

    @pl.when(jnp.logical_not(even))
    def _():
        compute(buf1)
        fire(buf1, sem1, i)

    @pl.when(i == nsteps - 1)
    def _():
        drain(buf0, sem0, i - 1)
        drain(buf1, sem1, i)


def kernel(fc_log, genotypes, expression_obs, variantxgene_to_gene,
           local_variant_to_local_variantxgene_selector, variantxgene_to_local_gene,
           lib, baseline_log, dispersion_log):
    del expression_obs, variantxgene_to_local_gene, dispersion_log
    genoT = jnp.swapaxes(genotypes, 0, 1)
    gT, base2 = _sc_gather(genoT, local_variant_to_local_variantxgene_selector,
                           baseline_log, variantxgene_to_gene)
    fc2 = fc_log * jnp.float32(_LOG2E)
    out = pl.pallas_call(
        _tc_dense_body,
        grid=(N_DONORS // _D_BLK,),
        in_specs=[
            pl.BlockSpec((N_VXG, N_DONORS), lambda i: (0, 0)),
            pl.BlockSpec((N_CLUSTERS, N_VXG), lambda i: (0, 0)),
            pl.BlockSpec((N_CLUSTERS, N_VXG), lambda i: (0, 0)),
            pl.BlockSpec((_D_BLK, N_CLUSTERS), lambda i: (i, 0)),
        ],
        out_specs=pl.BlockSpec(memory_space=pl.ANY),
        out_shape=jax.ShapeDtypeStruct((N_DONORS, N_CLUSTERS, N_VXG), jnp.float32),
        scratch_shapes=[
            pltpu.VMEM((N_DONORS, N_VXG), jnp.float32),
            pltpu.VMEM((_D_BLK, N_CLUSTERS, N_VXG), jnp.float32),
            pltpu.VMEM((_D_BLK, N_CLUSTERS, N_VXG), jnp.float32),
            pltpu.SemaphoreType.DMA((_K_DMA,)),
            pltpu.SemaphoreType.DMA((_K_DMA,)),
        ],
        compiler_params=pltpu.CompilerParams(
            dimension_semantics=("arbitrary",)),
    )(gT, base2, fc2, lib)
    return out

# --- scband reference (transcript-rebuilt; emitter-appended) ---
"""Pipeline reference for scband-expression-predictor-16673063043580 (READ-ONLY COPY).

The authoritative reference and input builder live on the scoring server;
editing this copy changes nothing except your own understanding.
"""

import jax, jax.numpy as jnp
import numpy as np
from jax.scipy.special import gammaln

N_DONORS = 128
N_CLUSTERS = 16
N_GENES = 20000
N_VARIANTS = 10000
N_VXG = 4096
N_LOCAL_GENES = 4000
EPS = 1e-08


def setup_inputs(seed: int = 0) -> dict:
    key = jax.random.key(seed)
    ks = jax.random.split(key, 9)
    fc_log = jax.random.normal(ks[0], (N_CLUSTERS, N_VXG), dtype=jnp.float32)
    genotypes = jax.random.uniform(ks[1], (N_DONORS, N_VARIANTS), dtype=jnp.float32)
    expression_obs = jax.random.randint(ks[2], (N_DONORS, N_CLUSTERS, N_LOCAL_GENES), 0, 50).astype(jnp.float32)
    variantxgene_to_gene = jax.random.randint(ks[3], (N_VXG,), 0, N_GENES, dtype=jnp.int32)
    local_variant_to_local_variantxgene_selector = jax.random.randint(ks[4], (N_VXG,), 0, N_VARIANTS, dtype=jnp.int32)
    variantxgene_to_local_gene = jax.random.randint(ks[5], (N_VXG,), 0, N_LOCAL_GENES, dtype=jnp.int32)
    # init-time buffers (registered buffers of the torch module)
    lib = jax.random.uniform(ks[6], (N_DONORS, N_CLUSTERS), dtype=jnp.float32)
    baseline_log = jax.random.normal(ks[7], (N_CLUSTERS, N_GENES), dtype=jnp.float32)
    dispersion_log = jax.random.normal(ks[8], (N_CLUSTERS, N_GENES), dtype=jnp.float32)
    return {
        "fc_log": fc_log,
        "genotypes": genotypes,
        "expression_obs": expression_obs,
        "variantxgene_to_gene": variantxgene_to_gene,
        "local_variant_to_local_variantxgene_selector": local_variant_to_local_variantxgene_selector,
        "variantxgene_to_local_gene": variantxgene_to_local_gene,
        "lib": lib,
        "baseline_log": baseline_log,
        "dispersion_log": dispersion_log,
    }


def _nb2_log_prob(mu, dispersion, value):
    # NegativeBinomial2: clamp dispersion, derive torch-style (total_count, logits)
    dispersion = jnp.minimum(dispersion, 20.0)
    total_count = 1.0 / dispersion
    logits = jnp.log(mu + EPS) - jnp.log(1.0 / dispersion + EPS)
    # torch.distributions.NegativeBinomial.log_prob
    log_unnormalized = total_count * jax.nn.log_sigmoid(-logits) + value * jax.nn.log_sigmoid(logits)
    log_norm = -gammaln(total_count + value) + gammaln(1.0 + value) + gammaln(total_count)
    return log_unnormalized - log_norm


def reference(fc_log, genotypes, expression_obs, variantxgene_to_gene,
              local_variant_to_local_variantxgene_selector, variantxgene_to_local_gene,
              lib, baseline_log, dispersion_log):
    # gather variant columns -> variantxgene columns
    g = jnp.take(genotypes, local_variant_to_local_variantxgene_selector, axis=1)  # [D, VXG]
    expression_delta = g[:, None, :] * fc_log[None, :, :]  # [D, C, VXG]
    base = jnp.take(baseline_log, variantxgene_to_gene, axis=1)  # [C, VXG]
    expression_log = base[None, :, :] + expression_delta
    expression = jnp.exp(expression_log)
    expressed = expression * lib[:, :, None]  # [D, C, VXG]
    dispersion = jnp.take(jnp.exp(dispersion_log), variantxgene_to_gene, axis=1)  # [C, VXG]
    obs = jnp.take(expression_obs, variantxgene_to_local_gene, axis=2)  # [D, C, VXG]
    expression_likelihood = _nb2_log_prob(expressed, dispersion[None, :, :], obs)
    elbo = -expression_likelihood  # tracked side-output in the torch module
    del elbo
    return expressed

if __name__ == "__main__":
    import jax
    _d = setup_inputs()
    print(jax.jit(kernel)(*tuple(_d.values())))

</pallas_src>

<mosaic_0001>
#map = affine_map<(d0, d1) -> (0, 0)>
#map1 = affine_map<(d0, d1) -> (0)>
module attributes {stable_mosaic.version = 14 : i64} {
  func.func @_sc_gather_body(%arg0: i32, %arg1: i32, %arg2: memref<10000x128xf32, #tpu.memory_space<hbm>>, %arg3: memref<4096xi32, #tpu.memory_space<hbm>>, %arg4: memref<16x20000xf32, #tpu.memory_space<hbm>>, %arg5: memref<4096xi32, #tpu.memory_space<hbm>>, %arg6: memref<4096x128xf32, #tpu.memory_space<hbm>>, %arg7: memref<16x4096xf32, #tpu.memory_space<hbm>>, %arg8: memref<128xi32, #tpu.memory_space<vmem>>, %arg9: memref<4096xi32, #tpu.memory_space<vmem>>, %arg10: memref<128x128xf32, #tpu.memory_space<vmem>>, %arg11: memref<20000xf32, #tpu.memory_space<vmem>>, %arg12: memref<4096xf32, #tpu.memory_space<vmem>>, %arg13: memref<!tpu.dma_semaphore, #tpu.memory_space<semaphore_mem>>, %arg14: memref<!tpu.dma_semaphore, #tpu.memory_space<semaphore_mem>>, %arg15: memref<!tpu.dma_semaphore, #tpu.memory_space<semaphore_mem>>, %arg16: memref<!tpu.dma_semaphore, #tpu.memory_space<semaphore_mem>>) attributes {dimension_semantics = [#tpu.dimension_semantics<core_parallel>, #tpu.dimension_semantics<subcore_parallel>], iteration_bounds = array<i64: 2, 16>, scalar_prefetch = 0 : i64, scratch_operands = 9 : i64, tpu.core_type = #tpu.core_type<sc_vector_subcore>, window_params = [{transform_indices = #map}, {transform_indices = #map1}, {transform_indices = #map}, {transform_indices = #map1}, {transform_indices = #map}, {transform_indices = #map}]} {
    %mul3A = arith.constant 2 : i32
    %mul3A_0 = arith.muli %arg1, %mul3A : i32
    %add3A = arith.addi %mul3A_0, %arg0 : i32
    %mul3A_1 = arith.constant 128 : i32
    %mul3A_2 = arith.muli %add3A, %mul3A_1 : i32
    %dma_start3A = tpu.memref_slice %arg3[%mul3A_2] : memref<4096xi32, #tpu.memory_space<hbm>> -> memref<128xi32, #tpu.memory_space<hbm>>
    %dma_start3A_3 = tpu.memref_slice %arg3[%mul3A_2] : memref<4096xi32, #tpu.memory_space<hbm>> -> memref<128xi32, #tpu.memory_space<hbm>>
    tpu.enqueue_dma source(%dma_start3A_3 : memref<128xi32, #tpu.memory_space<hbm>>) target(%arg8 : memref<128xi32, #tpu.memory_space<vmem>>) target_semaphore(%arg13 : memref<!tpu.dma_semaphore, #tpu.memory_space<semaphore_mem>>)
    tpu.enqueue_dma source(%arg5 : memref<4096xi32, #tpu.memory_space<hbm>>) target(%arg9 : memref<4096xi32, #tpu.memory_space<vmem>>) target_semaphore(%arg14 : memref<!tpu.dma_semaphore, #tpu.memory_space<semaphore_mem>>)
    %min3A = arith.constant 15 : i32
    %min3A_4 = arith.minsi %add3A, %min3A : i32
    %dma_start3A_5 = arith.constant 0 : i32
    %dma_start3A_6 = tpu.memref_slice %arg4[%min3A_4, %dma_start3A_5] : memref<16x20000xf32, #tpu.memory_space<hbm>> -> memref<1x20000xf32, #tpu.memory_space<hbm>>
    %dma_start3A_7 = tpu.memref_squeeze %dma_start3A_6 : memref<1x20000xf32, #tpu.memory_space<hbm>> -> memref<20000xf32, #tpu.memory_space<hbm>>
    %dma_start3A_8 = arith.constant 0 : i32
    %dma_start3A_9 = tpu.memref_slice %arg4[%min3A_4, %dma_start3A_8] : memref<16x20000xf32, #tpu.memory_space<hbm>> -> memref<1x20000xf32, #tpu.memory_space<hbm>>
    %dma_start3A_10 = tpu.memref_squeeze %dma_start3A_9 : memref<1x20000xf32, #tpu.memory_space<hbm>> -> memref<20000xf32, #tpu.memory_space<hbm>>
    tpu.enqueue_dma source(%dma_start3A_10 : memref<20000xf32, #tpu.memory_space<hbm>>) target(%arg11 : memref<20000xf32, #tpu.memory_space<vmem>>) target_semaphore(%arg15 : memref<!tpu.dma_semaphore, #tpu.memory_space<semaphore_mem>>)
    %dma_wait3A = tpu.memref_slice %arg3[%mul3A_2] : memref<4096xi32, #tpu.memory_space<hbm>> -> memref<128xi32, #tpu.memory_space<hbm>>
    %dma_wait3A_11 = tpu.memref_slice %arg3[%mul3A_2] : memref<4096xi32, #tpu.memory_space<hbm>> -> memref<128xi32, #tpu.memory_space<hbm>>
    tpu.wait_dma2 semaphore(%arg13 : memref<!tpu.dma_semaphore, #tpu.memory_space<semaphore_mem>>) src(%dma_wait3A_11 : memref<128xi32, #tpu.memory_space<hbm>>) dst(%arg8 : memref<128xi32, #tpu.memory_space<vmem>>)
    %dma_start3A_12 = arith.constant 0 : i32
    %dma_start3A_13 = arith.constant 0 : i32
    %dma_start3A_14 = tpu.memref_slice %arg2[%dma_start3A_12, %dma_start3A_13] : memref<10000x128xf32, #tpu.memory_space<hbm>> -> memref<10000x128xf32, #tpu.memory_space<hbm>>
    tpu.enqueue_indirect_dma source(%dma_start3A_14 : memref<10000x128xf32, #tpu.memory_space<hbm>>) target(%arg10 : memref<128x128xf32, #tpu.memory_space<vmem>>) offsets(%arg8 : memref<128xi32, #tpu.memory_space<vmem>>) semaphore(%arg16 : memref<!tpu.dma_semaphore, #tpu.memory_space<semaphore_mem>>)
    %dma_wait3A_15 = arith.constant 0 : i32
    %dma_wait3A_16 = arith.constant 0 : i32
    %dma_wait3A_17 = tpu.memref_slice %arg2[%dma_wait3A_15, %dma_wait3A_16] : memref<10000x128xf32, #tpu.memory_space<hbm>> -> memref<10000x128xf32, #tpu.memory_space<hbm>>
    tpu.wait_indirect_dma semaphore(%arg16 : memref<!tpu.dma_semaphore, #tpu.memory_space<semaphore_mem>>) src(%dma_wait3A_17 : memref<10000x128xf32, #tpu.memory_space<hbm>>) dst(%arg10 : memref<128x128xf32, #tpu.memory_space<vmem>>)
    "tpu.region"() ({
      %run_scoped3A = tpu.sem_alloc : memref<!tpu.dma_semaphore, #tpu.memory_space<semaphore_mem>>
      %dma_start3A_26 = arith.constant 0 : i32
      %dma_start3A_27 = tpu.memref_slice %arg6[%mul3A_2, %dma_start3A_26] : memref<4096x128xf32, #tpu.memory_space<hbm>> -> memref<128x128xf32, #tpu.memory_space<hbm>>
      %dma_start3A_28 = arith.constant 0 : i32
      %dma_start3A_29 = tpu.memref_slice %arg6[%mul3A_2, %dma_start3A_28] : memref<4096x128xf32, #tpu.memory_space<hbm>> -> memref<128x128xf32, #tpu.memory_space<hbm>>
      tpu.enqueue_dma source(%arg10 : memref<128x128xf32, #tpu.memory_space<vmem>>) target(%dma_start3A_29 : memref<128x128xf32, #tpu.memory_space<hbm>>) target_semaphore(%run_scoped3A : memref<!tpu.dma_semaphore, #tpu.memory_space<semaphore_mem>>)
      %dma_wait3A_30 = arith.constant 0 : i32
      %dma_wait3A_31 = tpu.memref_slice %arg6[%mul3A_2, %dma_wait3A_30] : memref<4096x128xf32, #tpu.memory_space<hbm>> -> memref<128x128xf32, #tpu.memory_space<hbm>>
      %dma_wait3A_32 = arith.constant 0 : i32
      %dma_wait3A_33 = tpu.memref_slice %arg6[%mul3A_2, %dma_wait3A_32] : memref<4096x128xf32, #tpu.memory_space<hbm>> -> memref<128x128xf32, #tpu.memory_space<hbm>>
      tpu.wait_dma2 semaphore(%run_scoped3A : memref<!tpu.dma_semaphore, #tpu.memory_space<semaphore_mem>>) src(%arg10 : memref<128x128xf32, #tpu.memory_space<vmem>>) dst(%dma_wait3A_33 : memref<128x128xf32, #tpu.memory_space<hbm>>)
      tpu.yield
    }) : () -> ()
    tpu.wait_dma2 semaphore(%arg14 : memref<!tpu.dma_semaphore, #tpu.memory_space<semaphore_mem>>) src(%arg5 : memref<4096xi32, #tpu.memory_space<hbm>>) dst(%arg9 : memref<4096xi32, #tpu.memory_space<vmem>>)
    %dma_wait3A_18 = arith.constant 0 : i32
    %dma_wait3A_19 = tpu.memref_slice %arg4[%min3A_4, %dma_wait3A_18] : memref<16x20000xf32, #tpu.memory_space<hbm>> -> memref<1x20000xf32, #tpu.memory_space<hbm>>
    %dma_wait3A_20 = tpu.memref_squeeze %dma_wait3A_19 : memref<1x20000xf32, #tpu.memory_space<hbm>> -> memref<20000xf32, #tpu.memory_space<hbm>>
    %dma_wait3A_21 = arith.constant 0 : i32
    %dma_wait3A_22 = tpu.memref_slice %arg4[%min3A_4, %dma_wait3A_21] : memref<16x20000xf32, #tpu.memory_space<hbm>> -> memref<1x20000xf32, #tpu.memory_space<hbm>>
    %dma_wait3A_23 = tpu.memref_squeeze %dma_wait3A_22 : memref<1x20000xf32, #tpu.memory_space<hbm>> -> memref<20000xf32, #tpu.memory_space<hbm>>
    tpu.wait_dma2 semaphore(%arg15 : memref<!tpu.dma_semaphore, #tpu.memory_space<semaphore_mem>>) src(%dma_wait3A_23 : memref<20000xf32, #tpu.memory_space<hbm>>) dst(%arg11 : memref<20000xf32, #tpu.memory_space<vmem>>)
    %lt3A = arith.constant 16 : i32
    %lt3A_24 = arith.cmpi slt, %add3A, %lt3A : i32
    %convert_element_type3A = arith.extui %lt3A_24 : i1 to i32
    %cond3A = arith.constant 0 : i32
    %cond3A_25 = arith.cmpi ne, %convert_element_type3A, %cond3A : i32
    scf.if %cond3A_25 {
      %parallel_loop3A = arith.constant 0 : i32
      %parallel_loop3A_26 = arith.constant 256 : i32
      %parallel_loop3A_27 = arith.constant 1 : i32
      scf.for %parallel_loop3A_28 = %parallel_loop3A to %parallel_loop3A_26 step %parallel_loop3A_27  : i32 {
        %parallel_loop3A_29 = arith.constant 16 : i32
        %parallel_loop3A_30 = arith.muli %parallel_loop3A_28, %parallel_loop3A_29 : i32
        %parallel_loop3A_31 = arith.index_cast %parallel_loop3A_30 : i32 to index
        %parallel_loop3A_32 = tpu.vector_load %arg9[%parallel_loop3A_31] {strides = array<i32>} : memref<4096xi32, #tpu.memory_space<vmem>>, vector<16xi32>,
        %parallel_loop3A_33 = tpu.vector_load_idx %arg11[%parallel_loop3A_32] : memref<20000xf32, #tpu.memory_space<vmem>>[vector<16xi32>], vector<16xf32>,
        %parallel_loop3A_34 = arith.constant 1.44269502 : f32
        %parallel_loop3A_35 = vector.broadcast %parallel_loop3A_34 : f32 to vector<16xf32>
        %parallel_loop3A_36 = arith.mulf %parallel_loop3A_33, %parallel_loop3A_35 : vector<16xf32>
        %parallel_loop3A_37 = arith.constant 16 : i32
        %parallel_loop3A_38 = arith.muli %parallel_loop3A_28, %parallel_loop3A_37 : i32
        %parallel_loop3A_39 = arith.index_cast %parallel_loop3A_38 : i32 to index
        %parallel_loop3A_40 = tpu.vector_load %arg12[%parallel_loop3A_39] {strides = array<i32>} : memref<4096xf32, #tpu.memory_space<vmem>>, vector<16xf32>,
        tpu.vector_store %arg12[%parallel_loop3A_39], %parallel_loop3A_36 {strides = array<i32>} : memref<4096xf32, #tpu.memory_space<vmem>>, vector<16xf32>,
      } {sc.loop_unroll_factor = 8 : i64, sc.parallel_access}
      "tpu.region"() ({
        %run_scoped3A = tpu.sem_alloc : memref<!tpu.dma_semaphore, #tpu.memory_space<semaphore_mem>>
        %dma_start3A_28 = arith.constant 0 : i32
        %dma_start3A_29 = tpu.memref_slice %arg7[%add3A, %dma_start3A_28] : memref<16x4096xf32, #tpu.memory_space<hbm>> -> memref<1x4096xf32, #tpu.memory_space<hbm>>
        %dma_start3A_30 = tpu.memref_squeeze %dma_start3A_29 : memref<1x4096xf32, #tpu.memory_space<hbm>> -> memref<4096xf32, #tpu.memory_space<hbm>>
        %dma_start3A_31 = arith.constant 0 : i32
        %dma_start3A_32 = tpu.memref_slice %arg7[%add3A, %dma_start3A_31] : memref<16x4096xf32, #tpu.memory_space<hbm>> -> memref<1x4096xf32, #tpu.memory_space<hbm>>
        %dma_start3A_33 = tpu.memref_squeeze %dma_start3A_32 : memref<1x4096xf32, #tpu.memory_space<hbm>> -> memref<4096xf32, #tpu.memory_space<hbm>>
        tpu.enqueue_dma source(%arg12 : memref<4096xf32, #tpu.memory_space<vmem>>) target(%dma_start3A_33 : memref<4096xf32, #tpu.memory_space<hbm>>) target_semaphore(%run_scoped3A : memref<!tpu.dma_semaphore, #tpu.memory_space<semaphore_mem>>)
        %dma_wait3A_34 = arith.constant 0 : i32
        %dma_wait3A_35 = tpu.memref_slice %arg7[%add3A, %dma_wait3A_34] : memref<16x4096xf32, #tpu.memory_space<hbm>> -> memref<1x4096xf32, #tpu.memory_space<hbm>>
        %dma_wait3A_36 = tpu.memref_squeeze %dma_wait3A_35 : memref<1x4096xf32, #tpu.memory_space<hbm>> -> memref<4096xf32, #tpu.memory_space<hbm>>
        %dma_wait3A_37 = arith.constant 0 : i32
        %dma_wait3A_38 = tpu.memref_slice %arg7[%add3A, %dma_wait3A_37] : memref<16x4096xf32, #tpu.memory_space<hbm>> -> memref<1x4096xf32, #tpu.memory_space<hbm>>
        %dma_wait3A_39 = tpu.memref_squeeze %dma_wait3A_38 : memref<1x4096xf32, #tpu.memory_space<hbm>> -> memref<4096xf32, #tpu.memory_space<hbm>>
        tpu.wait_dma2 semaphore(%run_scoped3A : memref<!tpu.dma_semaphore, #tpu.memory_space<semaphore_mem>>) src(%arg12 : memref<4096xf32, #tpu.memory_space<vmem>>) dst(%dma_wait3A_39 : memref<4096xf32, #tpu.memory_space<hbm>>)
        tpu.yield
      }) : () -> ()
    } else {
    }
    return
  }
}

module attributes {stable_mosaic.version = 14 : i64} {
  func.func @_tc_dense_body(%arg0: i32, %arg1: memref<4096x128xf32, #tpu.memory_space<vmem>>, %arg2: memref<16x4096xf32, #tpu.memory_space<vmem>>, %arg3: memref<16x4096xf32, #tpu.memory_space<vmem>>, %arg4: memref<8x16xf32, #tpu.memory_space<vmem>>, %arg5: memref<128x16x4096xf32, #tpu.memory_space<any>>, %arg6: memref<128x4096xf32, #tpu.memory_space<vmem>>, %arg7: memref<8x16x4096xf32, #tpu.memory_space<vmem>>, %arg8: memref<8x16x4096xf32, #tpu.memory_space<vmem>>, %arg9: memref<8x!tpu.dma_semaphore, #tpu.memory_space<semaphore_mem>>, %arg10: memref<8x!tpu.dma_semaphore, #tpu.memory_space<semaphore_mem>>) attributes {dimension_semantics = [#tpu.dimension_semantics<arbitrary>], iteration_bounds = array<i64: 16>, scalar_prefetch = 0 : i64, scratch_operands = 5 : i64, tpu.core_type = #tpu.core_type<tc>, window_params = [{pipeline_mode = #tpu.pipeline_mode<synchronous>, transform_indices = @transform_0, window_bounds = array<i64: 4096, 128>}, {pipeline_mode = #tpu.pipeline_mode<synchronous>, transform_indices = @transform_1, window_bounds = array<i64: 16, 4096>}, {pipeline_mode = #tpu.pipeline_mode<synchronous>, transform_indices = @transform_2, window_bounds = array<i64: 16, 4096>}, {transform_indices = @transform_3, window_bounds = array<i64: 8, 16>}, {}]} {
    %eq3A = arith.constant 0 : i32
    %eq3A_0 = arith.cmpi eq, %arg0, %eq3A : i32
    %convert_element_type3A = arith.extui %eq3A_0 : i1 to i32
    %cond3A = arith.constant 0 : i32
    %cond3A_1 = arith.cmpi ne, %convert_element_type3A, %cond3A : i32
    scf.if %cond3A_1 {
      %get3A = arith.constant 0 : index
      %get3A_38 = arith.constant 0 : index
      %get3A_39 = vector.load %arg1[%get3A, %get3A_38] : memref<4096x128xf32, #tpu.memory_space<vmem>>, vector<4096x128xf32>
      %transpose3A = tpu.transpose %get3A_39, [1, 0] : vector<4096x128xf32> -> vector<128x4096xf32>
      %swap3A = arith.constant 0 : index
      %swap3A_40 = arith.constant 0 : index
      %swap3A_41 = vector.load %arg6[%swap3A, %swap3A_40] : memref<128x4096xf32, #tpu.memory_space<vmem>>, vector<128x4096xf32>
      tpu.vector_store %arg6[%swap3A, %swap3A_40], %transpose3A {strides = array<i32>} : memref<128x4096xf32, #tpu.memory_space<vmem>>, vector<128x4096xf32>,
    } else {
    }
    %jit3A = arith.constant 2 : i32
    %eq3A_2 = arith.constant 0 : i32
    %eq3A_3 = arith.cmpi eq, %jit3A, %eq3A_2 : i32
    %jit3A_4 = arith.constant 1 : i32
    %select_n3A = arith.select %eq3A_3, %jit3A_4, %jit3A : i32
    %rem3A = arith.remsi %arg0, %select_n3A : i32
    %ne3A = arith.constant 0 : i32
    %ne3A_5 = arith.cmpi ne, %rem3A, %ne3A : i32
    %lt3A = arith.constant 0 : i32
    %lt3A_6 = arith.cmpi slt, %rem3A, %lt3A : i32
    %lt3A_7 = arith.constant 0 : i32
    %lt3A_8 = arith.cmpi slt, %select_n3A, %lt3A_7 : i32
    %ne3A_9 = arith.xori %lt3A_6, %lt3A_8 : i1
    %and3A = arith.andi %ne3A_9, %ne3A_5 : i1
    %add3A = arith.addi %rem3A, %select_n3A : i32
    %select_n3A_10 = arith.select %and3A, %add3A, %rem3A : i32
    %eq3A_11 = arith.constant 0 : i32
    %eq3A_12 = arith.cmpi eq, %select_n3A_10, %eq3A_11 : i32
    %ge3A = arith.constant 2 : i32
    %ge3A_13 = arith.cmpi sge, %arg0, %ge3A : i32
    %and3A_14 = arith.andi %eq3A_12, %ge3A_13 : i1
    %convert_element_type3A_15 = arith.extui %and3A_14 : i1 to i32
    %cond3A_16 = arith.constant 0 : i32
    %cond3A_17 = arith.cmpi ne, %convert_element_type3A_15, %cond3A_16 : i32
    scf.if %cond3A_17 {
      %sub3A = arith.constant 2 : i32
      %sub3A_38 = arith.subi %arg0, %sub3A : i32
      %mul3A = arith.constant 8 : i32
      %mul3A_39 = arith.muli %sub3A_38, %mul3A : i32
      %add3A_40 = arith.constant 0 : i32
      %add3A_41 = arith.addi %mul3A_39, %add3A_40 : i32
      %dma_wait3A = arith.constant 0 : i32
      %dma_wait3A_42 = tpu.memref_slice %arg9[%dma_wait3A] : memref<8x!tpu.dma_semaphore, #tpu.memory_space<semaphore_mem>> -> memref<1x!tpu.dma_semaphore, #tpu.memory_space<semaphore_mem>>
      %dma_wait3A_43 = tpu.memref_squeeze %dma_wait3A_42 : memref<1x!tpu.dma_semaphore, #tpu.memory_space<semaphore_mem>> -> memref<!tpu.dma_semaphore, #tpu.memory_space<semaphore_mem>>
      %dma_wait3A_44 = arith.constant 0 : i32
      %dma_wait3A_45 = arith.constant 0 : i32
      %dma_wait3A_46 = tpu.memref_slice %arg5[%add3A_41, %dma_wait3A_44, %dma_wait3A_45] : memref<128x16x4096xf32, #tpu.memory_space<any>> -> memref<1x16x4096xf32, #tpu.memory_space<any>>
      %dma_wait3A_47 = arith.constant 0 : i32
      %dma_wait3A_48 = arith.constant 0 : i32
      %dma_wait3A_49 = arith.constant 0 : i32
      %dma_wait3A_50 = tpu.memref_slice %arg7[%dma_wait3A_47, %dma_wait3A_48, %dma_wait3A_49] : memref<8x16x4096xf32, #tpu.memory_space<vmem>> -> memref<1x16x4096xf32, #tpu.memory_space<vmem>>
      tpu.wait_dma2 semaphore(%dma_wait3A_43 : memref<!tpu.dma_semaphore, #tpu.memory_space<semaphore_mem>>) src(%dma_wait3A_50 : memref<1x16x4096xf32, #tpu.memory_space<vmem>>) dst(%dma_wait3A_46 : memref<1x16x4096xf32, #tpu.memory_space<any>>)
      %mul3A_51 = arith.constant 8 : i32
      %mul3A_52 = arith.muli %sub3A_38, %mul3A_51 : i32
      %add3A_53 = arith.constant 1 : i32
      %add3A_54 = arith.addi %mul3A_52, %add3A_53 : i32
      %dma_wait3A_55 = arith.constant 1 : i32
      %dma_wait3A_56 = tpu.memref_slice %arg9[%dma_wait3A_55] : memref<8x!tpu.dma_semaphore, #tpu.memory_space<semaphore_mem>> -> memref<1x!tpu.dma_semaphore, #tpu.memory_space<semaphore_mem>>
      %dma_wait3A_57 = tpu.memref_squeeze %dma_wait3A_56 : memref<1x!tpu.dma_semaphore, #tpu.memory_space<semaphore_mem>> -> memref<!tpu.dma_semaphore, #tpu.memory_space<semaphore_mem>>
      %dma_wait3A_58 = arith.constant 0 : i32
      %dma_wait3A_59 = arith.constant 0 : i32
      %dma_wait3A_60 = tpu.memref_slice %arg5[%add3A_54, %dma_wait3A_58, %dma_wait3A_59] : memref<128x16x4096xf32, #tpu.memory_space<any>> -> memref<1x16x4096xf32, #tpu.memory_space<any>>
      %dma_wait3A_61 = arith.constant 1 : i32
      %dma_wait3A_62 = arith.constant 0 : i32
      %dma_wait3A_63 = arith.constant 0 : i32
      %dma_wait3A_64 = tpu.memref_slice %arg7[%dma_wait3A_61, %dma_wait3A_62, %dma_wait3A_63] : memref<8x16x4096xf32, #tpu.memory_space<vmem>> -> memref<1x16x4096xf32, #tpu.memory_space<vmem>>
      tpu.wait_dma2 semaphore(%dma_wait3A_57 : memref<!tpu.dma_semaphore, #tpu.memory_space<semaphore_mem>>) src(%dma_wait3A_64 : memref<1x16x4096xf32, #tpu.memory_space<vmem>>) dst(%dma_wait3A_60 : memref<1x16x4096xf32, #tpu.memory_space<any>>)
      %mul3A_65 = arith.constant 8 : i32
      %mul3A_66 = arith.muli %sub3A_38, %mul3A_65 : i32
      %add3A_67 = arith.constant 2 : i32
      %add3A_68 = arith.addi %mul3A_66, %add3A_67 : i32
      %dma_wait3A_69 = arith.constant 2 : i32
      %dma_wait3A_70 = tpu.memref_slice %arg9[%dma_wait3A_69] : memref<8x!tpu.dma_semaphore, #tpu.memory_space<semaphore_mem>> -> memref<1x!tpu.dma_semaphore, #tpu.memory_space<semaphore_mem>>
      %dma_wait3A_71 = tpu.memref_squeeze %dma_wait3A_70 : memref<1x!tpu.dma_semaphore, #tpu.memory_space<semaphore_mem>> -> memref<!tpu.dma_semaphore, #tpu.memory_space<semaphore_mem>>
      %dma_wait3A_72 = arith.constant 0 : i32
      %dma_wait3A_73 = arith.constant 0 : i32
      %dma_wait3A_74 = tpu.memref_slice %arg5[%add3A_68, %dma_wait3A_72, %dma_wait3A_73] : memref<128x16x4096xf32, #tpu.memory_space<any>> -> memref<1x16x4096xf32, #tpu.memory_space<any>>
      %dma_wait3A_75 = arith.constant 2 : i32
      %dma_wait3A_76 = arith.constant 0 : i32
      %dma_wait3A_77 = arith.constant 0 : i32
      %dma_wait3A_78 = tpu.memref_slice %arg7[%dma_wait3A_75, %dma_wait3A_76, %dma_wait3A_77] : memref<8x16x4096xf32, #tpu.memory_space<vmem>> -> memref<1x16x4096xf32, #tpu.memory_space<vmem>>
      tpu.wait_dma2 semaphore(%dma_wait3A_71 : memref<!tpu.dma_semaphore, #tpu.memory_space<semaphore_mem>>) src(%dma_wait3A_78 : memref<1x16x4096xf32, #tpu.memory_space<vmem>>) dst(%dma_wait3A_74 : memref<1x16x4096xf32, #tpu.memory_space<any>>)
      %mul3A_79 = arith.constant 8 : i32
      %mul3A_80 = arith.muli %sub3A_38, %mul3A_79 : i32
      %add3A_81 = arith.constant 3 : i32
      %add3A_82 = arith.addi %mul3A_80, %add3A_81 : i32
      %dma_wait3A_83 = arith.constant 3 : i32
      %dma_wait3A_84 = tpu.memref_slice %arg9[%dma_wait3A_83] : memref<8x!tpu.dma_semaphore, #tpu.memory_space<semaphore_mem>> -> memref<1x!tpu.dma_semaphore, #tpu.memory_space<semaphore_mem>>
      %dma_wait3A_85 = tpu.memref_squeeze %dma_wait3A_84 : memref<1x!tpu.dma_semaphore, #tpu.memory_space<semaphore_mem>> -> memref<!tpu.dma_semaphore, #tpu.memory_space<semaphore_mem>>
      %dma_wait3A_86 = arith.constant 0 : i32
      %dma_wait3A_87 = arith.constant 0 : i32
      %dma_wait3A_88 = tpu.memref_slice %arg5[%add3A_82, %dma_wait3A_86, %dma_wait3A_87] : memref<128x16x4096xf32, #tpu.memory_space<any>> -> memref<1x16x4096xf32, #tpu.memory_space<any>>
      %dma_wait3A_89 = arith.constant 3 : i32
      %dma_wait3A_90 = arith.constant 0 : i32
      %dma_wait3A_91 = arith.constant 0 : i32
      %dma_wait3A_92 = tpu.memref_slice %arg7[%dma_wait3A_89, %dma_wait3A_90, %dma_wait3A_91] : memref<8x16x4096xf32, #tpu.memory_space<vmem>> -> memref<1x16x4096xf32, #tpu.memory_space<vmem>>
      tpu.wait_dma2 semaphore(%dma_wait3A_85 : memref<!tpu.dma_semaphore, #tpu.memory_space<semaphore_mem>>) src(%dma_wait3A_92 : memref<1x16x4096xf32, #tpu.memory_space<vmem>>) dst(%dma_wait3A_88 : memref<1x16x4096xf32, #tpu.memory_space<any>>)
      %mul3A_93 = arith.constant 8 : i32
      %mul3A_94 = arith.muli %sub3A_38, %mul3A_93 : i32
      %add3A_95 = arith.constant 4 : i32
      %add3A_96 = arith.addi %mul3A_94, %add3A_95 : i32
      %dma_wait3A_97 = arith.constant 4 : i32
      %dma_wait3A_98 = tpu.memref_slice %arg9[%dma_wait3A_97] : memref<8x!tpu.dma_semaphore, #tpu.memory_space<semaphore_mem>> -> memref<1x!tpu.dma_semaphore, #tpu.memory_space<semaphore_mem>>
      %dma_wait3A_99 = tpu.memref_squeeze %dma_wait3A_98 : memref<1x!tpu.dma_semaphore, #tpu.memory_space<semaphore_mem>> -> memref<!tpu.dma_semaphore, #tpu.memory_space<semaphore_mem>>
      %dma_wait3A_100 = arith.constant 0 : i32
      %dma_wait3A_101 = arith.constant 0 : i32
      %dma_wait3A_102 = tpu.memref_slice %arg5[%add3A_96, %dma_wait3A_100, %dma_wait3A_101] : memref<128x16x4096xf32, #tpu.memory_space<any>> -> memref<1x16x4096xf32, #tpu.memory_space<any>>
      %dma_wait3A_103 = arith.constant 4 : i32
      %dma_wait3A_104 = arith.constant 0 : i32
      %dma_wait3A_105 = arith.constant 0 : i32
      %dma_wait3A_106 = tpu.memref_slice %arg7[%dma_wait3A_103, %dma_wait3A_104, %dma_wait3A_105] : memref<8x16x4096xf32, #tpu.memory_space<vmem>> -> memref<1x16x4096xf32, #tpu.memory_space<vmem>>
      tpu.wait_dma2 semaphore(%dma_wait3A_99 : memref<!tpu.dma_semaphore, #tpu.memory_space<semaphore_mem>>) src(%dma_wait3A_106 : memref<1x16x4096xf32, #tpu.memory_space<vmem>>) dst(%dma_wait3A_102 : memref<1x16x4096xf32, #tpu.memory_space<any>>)
      %mul3A_107 = arith.constant 8 : i32
      %mul3A_108 = arith.muli %sub3A_38, %mul3A_107 : i32
      %add3A_109 = arith.constant 5 : i32
      %add3A_110 = arith.addi %mul3A_108, %add3A_109 : i32
      %dma_wait3A_111 = arith.constant 5 : i32
      %dma_wait3A_112 = tpu.memref_slice %arg9[%dma_wait3A_111] : memref<8x!tpu.dma_semaphore, #tpu.memory_space<semaphore_mem>> -> memref<1x!tpu.dma_semaphore, #tpu.memory_space<semaphore_mem>>
      %dma_wait3A_113 = tpu.memref_squeeze %dma_wait3A_112 : memref<1x!tpu.dma_semaphore, #tpu.memory_space<semaphore_mem>> -> memref<!tpu.dma_semaphore, #tpu.memory_space<semaphore_mem>>
      %dma_wait3A_114 = arith.constant 0 : i32
      %dma_wait3A_115 = arith.constant 0 : i32
      %dma_wait3A_116 = tpu.memref_slice %arg5[%add3A_110, %dma_wait3A_114, %dma_wait3A_115] : memref<128x16x4096xf32, #tpu.memory_space<any>> -> memref<1x16x4096xf32, #tpu.memory_space<any>>
      %dma_wait3A_117 = arith.constant 5 : i32
      %dma_wait3A_118 = arith.constant 0 : i32
      %dma_wait3A_119 = arith.constant 0 : i32
      %dma_wait3A_120 = tpu.memref_slice %arg7[%dma_wait3A_117, %dma_wait3A_118, %dma_wait3A_119] : memref<8x16x4096xf32, #tpu.memory_space<vmem>> -> memref<1x16x4096xf32, #tpu.memory_space<vmem>>
      tpu.wait_dma2 semaphore(%dma_wait3A_113 : memref<!tpu.dma_semaphore, #tpu.memory_space<semaphore_mem>>) src(%dma_wait3A_120 : memref<1x16x4096xf32, #tpu.memory_space<vmem>>) dst(%dma_wait3A_116 : memref<1x16x4096xf32, #tpu.memory_space<any>>)
      %mul3A_121 = arith.constant 8 : i32
      %mul3A_122 = arith.muli %sub3A_38, %mul3A_121 : i32
      %add3A_123 = arith.constant 6 : i32
      %add3A_124 = arith.addi %mul3A_122, %add3A_123 : i32
      %dma_wait3A_125 = arith.constant 6 : i32
      %dma_wait3A_126 = tpu.memref_slice %arg9[%dma_wait3A_125] : memref<8x!tpu.dma_semaphore, #tpu.memory_space<semaphore_mem>> -> memref<1x!tpu.dma_semaphore, #tpu.memory_space<semaphore_mem>>
      %dma_wait3A_127 = tpu.memref_squeeze %dma_wait3A_126 : memref<1x!tpu.dma_semaphore, #tpu.memory_space<semaphore_mem>> -> memref<!tpu.dma_semaphore, #tpu.memory_space<semaphore_mem>>
      %dma_wait3A_128 = arith.constant 0 : i32
      %dma_wait3A_129 = arith.constant 0 : i32
      %dma_wait3A_130 = tpu.memref_slice %arg5[%add3A_124, %dma_wait3A_128, %dma_wait3A_129] : memref<128x16x4096xf32, #tpu.memory_space<any>> -> memref<1x16x4096xf32, #tpu.memory_space<any>>
      %dma_wait3A_131 = arith.constant 6 : i32
      %dma_wait3A_132 = arith.constant 0 : i32
      %dma_wait3A_133 = arith.constant 0 : i32
      %dma_wait3A_134 = tpu.memref_slice %arg7[%dma_wait3A_131, %dma_wait3A_132, %dma_wait3A_133] : memref<8x16x4096xf32, #tpu.memory_space<vmem>> -> memref<1x16x4096xf32, #tpu.memory_space<vmem>>
      tpu.wait_dma2 semaphore(%dma_wait3A_127 : memref<!tpu.dma_semaphore, #tpu.memory_space<semaphore_mem>>) src(%dma_wait3A_134 : memref<1x16x4096xf32, #tpu.memory_space<vmem>>) dst(%dma_wait3A_130 : memref<1x16x4096xf32, #tpu.memory_space<any>>)
      %mul3A_135 = arith.constant 8 : i32
      %mul3A_136 = arith.muli %sub3A_38, %mul3A_135 : i32
      %add3A_137 = arith.constant 7 : i32
      %add3A_138 = arith.addi %mul3A_136, %add3A_137 : i32
      %dma_wait3A_139 = arith.constant 7 : i32
      %dma_wait3A_140 = tpu.memref_slice %arg9[%dma_wait3A_139] : memref<8x!tpu.dma_semaphore, #tpu.memory_space<semaphore_mem>> -> memref<1x!tpu.dma_semaphore, #tpu.memory_space<semaphore_mem>>
      %dma_wait3A_141 = tpu.memref_squeeze %dma_wait3A_140 : memref<1x!tpu.dma_semaphore, #tpu.memory_space<semaphore_mem>> -> memref<!tpu.dma_semaphore, #tpu.memory_space<semaphore_mem>>
      %dma_wait3A_142 = arith.constant 0 : i32
      %dma_wait3A_143 = arith.constant 0 : i32
      %dma_wait3A_144 = tpu.memref_slice %arg5[%add3A_138, %dma_wait3A_142, %dma_wait3A_143] : memref<128x16x4096xf32, #tpu.memory_space<any>> -> memref<1x16x4096xf32, #tpu.memory_space<any>>
      %dma_wait3A_145 = arith.constant 7 : i32
      %dma_wait3A_146 = arith.constant 0 : i32
      %dma_wait3A_147 = arith.constant 0 : i32
      %dma_wait3A_148 = tpu.memref_slice %arg7[%dma_wait3A_145, %dma_wait3A_146, %dma_wait3A_147] : memref<8x16x4096xf32, #tpu.memory_space<vmem>> -> memref<1x16x4096xf32, #tpu.memory_space<vmem>>
      tpu.wait_dma2 semaphore(%dma_wait3A_141 : memref<!tpu.dma_semaphore, #tpu.memory_space<semaphore_mem>>) src(%dma_wait3A_148 : memref<1x16x4096xf32, #tpu.memory_space<vmem>>) dst(%dma_wait3A_144 : memref<1x16x4096xf32, #tpu.memory_space<any>>)
    } else {
    }
    %not3A = arith.constant true
    %not3A_18 = arith.xori %eq3A_12, %not3A : i1
    %ge3A_19 = arith.constant 2 : i32
    %ge3A_20 = arith.cmpi sge, %arg0, %ge3A_19 : i32
    %and3A_21 = arith.andi %not3A_18, %ge3A_20 : i1
    %convert_element_type3A_22 = arith.extui %and3A_21 : i1 to i32
    %cond3A_23 = arith.constant 0 : i32
    %cond3A_24 = arith.cmpi ne, %convert_element_type3A_22, %cond3A_23 : i32
    scf.if %cond3A_24 {
      %sub3A = arith.constant 2 : i32
      %sub3A_38 = arith.subi %arg0, %sub3A : i32
      %mul3A = arith.constant 8 : i32
      %mul3A_39 = arith.muli %sub3A_38, %mul3A : i32
      %add3A_40 = arith.constant 0 : i32
      %add3A_41 = arith.addi %mul3A_39, %add3A_40 : i32
      %dma_wait3A = arith.constant 0 : i32
      %dma_wait3A_42 = tpu.memref_slice %arg10[%dma_wait3A] : memref<8x!tpu.dma_semaphore, #tpu.memory_space<semaphore_mem>> -> memref<1x!tpu.dma_semaphore, #tpu.memory_space<semaphore_mem>>
      %dma_wait3A_43 = tpu.memref_squeeze %dma_wait3A_42 : memref<1x!tpu.dma_semaphore, #tpu.memory_space<semaphore_mem>> -> memref<!tpu.dma_semaphore, #tpu.memory_space<semaphore_mem>>
      %dma_wait3A_44 = arith.constant 0 : i32
      %dma_wait3A_45 = arith.constant 0 : i32
      %dma_wait3A_46 = tpu.memref_slice %arg5[%add3A_41, %dma_wait3A_44, %dma_wait3A_45] : memref<128x16x4096xf32, #tpu.memory_space<any>> -> memref<1x16x4096xf32, #tpu.memory_space<any>>
      %dma_wait3A_47 = arith.constant 0 : i32
      %dma_wait3A_48 = arith.constant 0 : i32
      %dma_wait3A_49 = arith.constant 0 : i32
      %dma_wait3A_50 = tpu.memref_slice %arg8[%dma_wait3A_47, %dma_wait3A_48, %dma_wait3A_49] : memref<8x16x4096xf32, #tpu.memory_space<vmem>> -> memref<1x16x4096xf32, #tpu.memory_space<vmem>>
      tpu.wait_dma2 semaphore(%dma_wait3A_43 : memref<!tpu.dma_semaphore, #tpu.memory_space<semaphore_mem>>) src(%dma_wait3A_50 : memref<1x16x4096xf32, #tpu.memory_space<vmem>>) dst(%dma_wait3A_46 : memref<1x16x4096xf32, #tpu.memory_space<any>>)
      %mul3A_51 = arith.constant 8 : i32
      %mul3A_52 = arith.muli %sub3A_38, %mul3A_51 : i32
      %add3A_53 = arith.constant 1 : i32
      %add3A_54 = arith.addi %mul3A_52, %add3A_53 : i32
      %dma_wait3A_55 = arith.constant 1 : i32
      %dma_wait3A_56 = tpu.memref_slice %arg10[%dma_wait3A_55] : memref<8x!tpu.dma_semaphore, #tpu.memory_space<semaphore_mem>> -> memref<1x!tpu.dma_semaphore, #tpu.memory_space<semaphore_mem>>
      %dma_wait3A_57 = tpu.memref_squeeze %dma_wait3A_56 : memref<1x!tpu.dma_semaphore, #tpu.memory_space<semaphore_mem>> -> memref<!tpu.dma_semaphore, #tpu.memory_space<semaphore_mem>>
      %dma_wait3A_58 = arith.constant 0 : i32
      %dma_wait3A_59 = arith.constant 0 : i32
      %dma_wait3A_60 = tpu.memref_slice %arg5[%add3A_54, %dma_wait3A_58, %dma_wait3A_59] : memref<128x16x4096xf32, #tpu.memory_space<any>> -> memref<1x16x4096xf32, #tpu.memory_space<any>>
      %dma_wait3A_61 = arith.constant 1 : i32
      %dma_wait3A_62 = arith.constant 0 : i32
      %dma_wait3A_63 = arith.constant 0 : i32
      %dma_wait3A_64 = tpu.memref_slice %arg8[%dma_wait3A_61, %dma_wait3A_62, %dma_wait3A_63] : memref<8x16x4096xf32, #tpu.memory_space<vmem>> -> memref<1x16x4096xf32, #tpu.memory_space<vmem>>
      tpu.wait_dma2 semaphore(%dma_wait3A_57 : memref<!tpu.dma_semaphore, #tpu.memory_space<semaphore_mem>>) src(%dma_wait3A_64 : memref<1x16x4096xf32, #tpu.memory_space<vmem>>) dst(%dma_wait3A_60 : memref<1x16x4096xf32, #tpu.memory_space<any>>)
      %mul3A_65 = arith.constant 8 : i32
      %mul3A_66 = arith.muli %sub3A_38, %mul3A_65 : i32
      %add3A_67 = arith.constant 2 : i32
      %add3A_68 = arith.addi %mul3A_66, %add3A_67 : i32
      %dma_wait3A_69 = arith.constant 2 : i32
      %dma_wait3A_70 = tpu.memref_slice %arg10[%dma_wait3A_69] : memref<8x!tpu.dma_semaphore, #tpu.memory_space<semaphore_mem>> -> memref<1x!tpu.dma_semaphore, #tpu.memory_space<semaphore_mem>>
      %dma_wait3A_71 = tpu.memref_squeeze %dma_wait3A_70 : memref<1x!tpu.dma_semaphore, #tpu.memory_space<semaphore_mem>> -> memref<!tpu.dma_semaphore, #tpu.memory_space<semaphore_mem>>
      %dma_wait3A_72 = arith.constant 0 : i32
      %dma_wait3A_73 = arith.constant 0 : i32
      %dma_wait3A_74 = tpu.memref_slice %arg5[%add3A_68, %dma_wait3A_72, %dma_wait3A_73] : memref<128x16x4096xf32, #tpu.memory_space<any>> -> memref<1x16x4096xf32, #tpu.memory_space<any>>
      %dma_wait3A_75 = arith.constant 2 : i32
      %dma_wait3A_76 = arith.constant 0 : i32
      %dma_wait3A_77 = arith.constant 0 : i32
      %dma_wait3A_78 = tpu.memref_slice %arg8[%dma_wait3A_75, %dma_wait3A_76, %dma_wait3A_77] : memref<8x16x4096xf32, #tpu.memory_space<vmem>> -> memref<1x16x4096xf32, #tpu.memory_space<vmem>>
      tpu.wait_dma2 semaphore(%dma_wait3A_71 : memref<!tpu.dma_semaphore, #tpu.memory_space<semaphore_mem>>) src(%dma_wait3A_78 : memref<1x16x4096xf32, #tpu.memory_space<vmem>>) dst(%dma_wait3A_74 : memref<1x16x4096xf32, #tpu.memory_space<any>>)
      %mul3A_79 = arith.constant 8 : i32
      %mul3A_80 = arith.muli %sub3A_38, %mul3A_79 : i32
      %add3A_81 = arith.constant 3 : i32
      %add3A_82 = arith.addi %mul3A_80, %add3A_81 : i32
      %dma_wait3A_83 = arith.constant 3 : i32
      %dma_wait3A_84 = tpu.memref_slice %arg10[%dma_wait3A_83] : memref<8x!tpu.dma_semaphore, #tpu.memory_space<semaphore_mem>> -> memref<1x!tpu.dma_semaphore, #tpu.memory_space<semaphore_mem>>
      %dma_wait3A_85 = tpu.memref_squeeze %dma_wait3A_84 : memref<1x!tpu.dma_semaphore, #tpu.memory_space<semaphore_mem>> -> memref<!tpu.dma_semaphore, #tpu.memory_space<semaphore_mem>>
      %dma_wait3A_86 = arith.constant 0 : i32
      %dma_wait3A_87 = arith.constant 0 : i32
      %dma_wait3A_88 = tpu.memref_slice %arg5[%add3A_82, %dma_wait3A_86, %dma_wait3A_87] : memref<128x16x4096xf32, #tpu.memory_space<any>> -> memref<1x16x4096xf32, #tpu.memory_space<any>>
      %dma_wait3A_89 = arith.constant 3 : i32
      %dma_wait3A_90 = arith.constant 0 : i32
      %dma_wait3A_91 = arith.constant 0 : i32
      %dma_wait3A_92 = tpu.memref_slice %arg8[%dma_wait3A_89, %dma_wait3A_90, %dma_wait3A_91] : memref<8x16x4096xf32, #tpu.memory_space<vmem>> -> memref<1x16x4096xf32, #tpu.memory_space<vmem>>
      tpu.wait_dma2 semaphore(%dma_wait3A_85 : memref<!tpu.dma_semaphore, #tpu.memory_space<semaphore_mem>>) src(%dma_wait3A_92 : memref<1x16x4096xf32, #tpu.memory_space<vmem>>) dst(%dma_wait3A_88 : memref<1x16x4096xf32, #tpu.memory_space<any>>)
      %mul3A_93 = arith.constant 8 : i32
      %mul3A_94 = arith.muli %sub3A_38, %mul3A_93 : i32
      %add3A_95 = arith.constant 4 : i32
      %add3A_96 = arith.addi %mul3A_94, %add3A_95 : i32
      %dma_wait3A_97 = arith.constant 4 : i32
      %dma_wait3A_98 = tpu.memref_slice %arg10[%dma_wait3A_97] : memref<8x!tpu.dma_semaphore, #tpu.memory_space<semaphore_mem>> -> memref<1x!tpu.dma_semaphore, #tpu.memory_space<semaphore_mem>>
      %dma_wait3A_99 = tpu.memref_squeeze %dma_wait3A_98 : memref<1x!tpu.dma_semaphore, #tpu.memory_space<semaphore_mem>> -> memref<!tpu.dma_semaphore, #tpu.memory_space<semaphore_mem>>
      %dma_wait3A_100 = arith.constant 0 : i32
      %dma_wait3A_101 = arith.constant 0 : i32
      %dma_wait3A_102 = tpu.memref_slice %arg5[%add3A_96, %dma_wait3A_100, %dma_wait3A_101] : memref<128x16x4096xf32, #tpu.memory_space<any>> -> memref<1x16x4096xf32, #tpu.memory_space<any>>
      %dma_wait3A_103 = arith.constant 4 : i32
      %dma_wait3A_104 = arith.constant 0 : i32
      %dma_wait3A_105 = arith.constant 0 : i32
      %dma_wait3A_106 = tpu.memref_slice %arg8[%dma_wait3A_103, %dma_wait3A_104, %dma_wait3A_105] : memref<8x16x4096xf32, #tpu.memory_space<vmem>> -> memref<1x16x4096xf32, #tpu.memory_space<vmem>>
      tpu.wait_dma2 semaphore(%dma_wait3A_99 : memref<!tpu.dma_semaphore, #tpu.memory_space<semaphore_mem>>) src(%dma_wait3A_106 : memref<1x16x4096xf32, #tpu.memory_space<vmem>>) dst(%dma_wait3A_102 : memref<1x16x4096xf32, #tpu.memory_space<any>>)
      %mul3A_107 = arith.constant 8 : i32
      %mul3A_108 = arith.muli %sub3A_38, %mul3A_107 : i32
      %add3A_109 = arith.constant 5 : i32
      %add3A_110 = arith.addi %mul3A_108, %add3A_109 : i32
      %dma_wait3A_111 = arith.constant 5 : i32
      %dma_wait3A_112 = tpu.memref_slice %arg10[%dma_wait3A_111] : memref<8x!tpu.dma_semaphore, #tpu.memory_space<semaphore_mem>> -> memref<1x!tpu.dma_semaphore, #tpu.memory_space<semaphore_mem>>
      %dma_wait3A_113 = tpu.memref_squeeze %dma_wait3A_112 : memref<1x!tpu.dma_semaphore, #tpu.memory_space<semaphore_mem>> -> memref<!tpu.dma_semaphore, #tpu.memory_space<semaphore_mem>>
      %dma_wait3A_114 = arith.constant 0 : i32
      %dma_wait3A_115 = arith.constant 0 : i32
      %dma_wait3A_116 = tpu.memref_slice %arg5[%add3A_110, %dma_wait3A_114, %dma_wait3A_115] : memref<128x16x4096xf32, #tpu.memory_space<any>> -> memref<1x16x4096xf32, #tpu.memory_space<any>>
      %dma_wait3A_117 = arith.constant 5 : i32
      %dma_wait3A_118 = arith.constant 0 : i32
      %dma_wait3A_119 = arith.constant 0 : i32
      %dma_wait3A_120 = tpu.memref_slice %arg8[%dma_wait3A_117, %dma_wait3A_118, %dma_wait3A_119] : memref<8x16x4096xf32, #tpu.memory_space<vmem>> -> memref<1x16x4096xf32, #tpu.memory_space<vmem>>
      tpu.wait_dma2 semaphore(%dma_wait3A_113 : memref<!tpu.dma_semaphore, #tpu.memory_space<semaphore_mem>>) src(%dma_wait3A_120 : memref<1x16x4096xf32, #tpu.memory_space<vmem>>) dst(%dma_wait3A_116 : memref<1x16x4096xf32, #tpu.memory_space<any>>)
      %mul3A_121 = arith.constant 8 : i32
      %mul3A_122 = arith.muli %sub3A_38, %mul3A_121 : i32
      %add3A_123 = arith.constant 6 : i32
      %add3A_124 = arith.addi %mul3A_122, %add3A_123 : i32
      %dma_wait3A_125 = arith.constant 6 : i32
      %dma_wait3A_126 = tpu.memref_slice %arg10[%dma_wait3A_125] : memref<8x!tpu.dma_semaphore, #tpu.memory_space<semaphore_mem>> -> memref<1x!tpu.dma_semaphore, #tpu.memory_space<semaphore_mem>>
      %dma_wait3A_127 = tpu.memref_squeeze %dma_wait3A_126 : memref<1x!tpu.dma_semaphore, #tpu.memory_space<semaphore_mem>> -> memref<!tpu.dma_semaphore, #tpu.memory_space<semaphore_mem>>
      %dma_wait3A_128 = arith.constant 0 : i32
      %dma_wait3A_129 = arith.constant 0 : i32
      %dma_wait3A_130 = tpu.memref_slice %arg5[%add3A_124, %dma_wait3A_128, %dma_wait3A_129] : memref<128x16x4096xf32, #tpu.memory_space<any>> -> memref<1x16x4096xf32, #tpu.memory_space<any>>
      %dma_wait3A_131 = arith.constant 6 : i32
      %dma_wait3A_132 = arith.constant 0 : i32
      %dma_wait3A_133 = arith.constant 0 : i32
      %dma_wait3A_134 = tpu.memref_slice %arg8[%dma_wait3A_131, %dma_wait3A_132, %dma_wait3A_133] : memref<8x16x4096xf32, #tpu.memory_space<vmem>> -> memref<1x16x4096xf32, #tpu.memory_space<vmem>>
      tpu.wait_dma2 semaphore(%dma_wait3A_127 : memref<!tpu.dma_semaphore, #tpu.memory_space<semaphore_mem>>) src(%dma_wait3A_134 : memref<1x16x4096xf32, #tpu.memory_space<vmem>>) dst(%dma_wait3A_130 : memref<1x16x4096xf32, #tpu.memory_space<any>>)
      %mul3A_135 = arith.constant 8 : i32
      %mul3A_136 = arith.muli %sub3A_38, %mul3A_135 : i32
      %add3A_137 = arith.constant 7 : i32
      %add3A_138 = arith.addi %mul3A_136, %add3A_137 : i32
      %dma_wait3A_139 = arith.constant 7 : i32
      %dma_wait3A_140 = tpu.memref_slice %arg10[%dma_wait3A_139] : memref<8x!tpu.dma_semaphore, #tpu.memory_space<semaphore_mem>> -> memref<1x!tpu.dma_semaphore, #tpu.memory_space<semaphore_mem>>
      %dma_wait3A_141 = tpu.memref_squeeze %dma_wait3A_140 : memref<1x!tpu.dma_semaphore, #tpu.memory_space<semaphore_mem>> -> memref<!tpu.dma_semaphore, #tpu.memory_space<semaphore_mem>>
      %dma_wait3A_142 = arith.constant 0 : i32
      %dma_wait3A_143 = arith.constant 0 : i32
      %dma_wait3A_144 = tpu.memref_slice %arg5[%add3A_138, %dma_wait3A_142, %dma_wait3A_143] : memref<128x16x4096xf32, #tpu.memory_space<any>> -> memref<1x16x4096xf32, #tpu.memory_space<any>>
      %dma_wait3A_145 = arith.constant 7 : i32
      %dma_wait3A_146 = arith.constant 0 : i32
      %dma_wait3A_147 = arith.constant 0 : i32
      %dma_wait3A_148 = tpu.memref_slice %arg8[%dma_wait3A_145, %dma_wait3A_146, %dma_wait3A_147] : memref<8x16x4096xf32, #tpu.memory_space<vmem>> -> memref<1x16x4096xf32, #tpu.memory_space<vmem>>
      tpu.wait_dma2 semaphore(%dma_wait3A_141 : memref<!tpu.dma_semaphore, #tpu.memory_space<semaphore_mem>>) src(%dma_wait3A_148 : memref<1x16x4096xf32, #tpu.memory_space<vmem>>) dst(%dma_wait3A_144 : memref<1x16x4096xf32, #tpu.memory_space<any>>)
    } else {
    }
    %convert_element_type3A_25 = arith.extui %eq3A_12 : i1 to i32
    %cond3A_26 = arith.constant 0 : i32
    %cond3A_27 = arith.cmpi ne, %convert_element_type3A_25, %cond3A_26 : i32
    scf.if %cond3A_27 {
      %get3A = arith.constant 0 : index
      %get3A_38 = arith.constant 0 : index
      %get3A_39 = vector.load %arg2[%get3A, %get3A_38] : memref<16x4096xf32, #tpu.memory_space<vmem>>, vector<16x512xf32>
      %get3A_40 = arith.constant 0 : index
      %get3A_41 = arith.constant 0 : index
      %get3A_42 = vector.load %arg3[%get3A_40, %get3A_41] : memref<16x4096xf32, #tpu.memory_space<vmem>>, vector<16x512xf32>
      %mul3A = arith.constant 8 : i32
      %mul3A_43 = arith.muli %arg0, %mul3A : i32
      %add3A_44 = arith.constant 0 : i32
      %add3A_45 = arith.addi %mul3A_43, %add3A_44 : i32
      %get3A_46 = arith.index_cast %add3A_45 : i32 to index
      %get3A_47 = arith.constant 0 : index
      %get3A_48 = vector.load %arg6[%get3A_46, %get3A_47] : memref<128x4096xf32, #tpu.memory_space<vmem>>, vector<1x512xf32>
      %get3A_49 = arith.constant 0 : index
      %get3A_50 = arith.constant 0 : index
      %get3A_51 = vector.load %arg4[%get3A_49, %get3A_50] : memref<8x16xf32, #tpu.memory_space<vmem>>, vector<1x16xf32>
      %get3A_52 = vector.shape_cast %get3A_51 : vector<1x16xf32> to vector<16xf32>
      %broadcast_in_dim3A = vector.shape_cast %get3A_52 : vector<16xf32> to vector<16x1xf32>
      %mul3A_53 = vector.broadcast %get3A_48 : vector<1x512xf32> to vector<16x512xf32>
      %mul3A_54 = arith.mulf %mul3A_53, %get3A_42 : vector<16x512xf32>
      %add3A_55 = arith.addf %get3A_39, %mul3A_54 : vector<16x512xf32>
      %exp23A = math.exp2 %add3A_55 : vector<16x512xf32>
      %mul3A_56 = vector.broadcast %broadcast_in_dim3A : vector<16x1xf32> to vector<16x512xf32>
      %mul3A_57 = arith.mulf %exp23A, %mul3A_56 : vector<16x512xf32>
      %swap3A = arith.constant 0 : index
      %swap3A_58 = arith.constant 0 : index
      %swap3A_59 = arith.constant 0 : index
      %swap3A_60 = vector.load %arg7[%swap3A, %swap3A_58, %swap3A_59] : memref<8x16x4096xf32, #tpu.memory_space<vmem>>, vector<1x16x512xf32>
      %swap3A_61 = vector.shape_cast %swap3A_60 : vector<1x16x512xf32> to vector<16x512xf32>
      %swap3A_62 = vector.shape_cast %mul3A_57 : vector<16x512xf32> to vector<1x16x512xf32>
      tpu.vector_store %arg7[%swap3A, %swap3A_58, %swap3A_59], %swap3A_62 {strides = array<i32>} : memref<8x16x4096xf32, #tpu.memory_space<vmem>>, vector<1x16x512xf32>,
      %mul3A_63 = arith.constant 8 : i32
      %mul3A_64 = arith.muli %arg0, %mul3A_63 : i32
      %add3A_65 = arith.constant 1 : i32
      %add3A_66 = arith.addi %mul3A_64, %add3A_65 : i32
      %get3A_67 = arith.index_cast %add3A_66 : i32 to index
      %get3A_68 = arith.constant 0 : index
      %get3A_69 = vector.load %arg6[%get3A_67, %get3A_68] : memref<128x4096xf32, #tpu.memory_space<vmem>>, vector<1x512xf32>
      %get3A_70 = arith.constant 1 : index
      %get3A_71 = arith.constant 0 : index
      %get3A_72 = vector.load %arg4[%get3A_70, %get3A_71] : memref<8x16xf32, #tpu.memory_space<vmem>>, vector<1x16xf32>
      %get3A_73 = vector.shape_cast %get3A_72 : vector<1x16xf32> to vector<16xf32>
      %broadcast_in_dim3A_74 = vector.shape_cast %get3A_73 : vector<16xf32> to vector<16x1xf32>
      %mul3A_75 = vector.broadcast %get3A_69 : vector<1x512xf32> to vector<16x512xf32>
      %mul3A_76 = arith.mulf %mul3A_75, %get3A_42 : vector<16x512xf32>
      %add3A_77 = arith.addf %get3A_39, %mul3A_76 : vector<16x512xf32>
      %exp23A_78 = math.exp2 %add3A_77 : vector<16x512xf32>
      %mul3A_79 = vector.broadcast %broadcast_in_dim3A_74 : vector<16x1xf32> to vector<16x512xf32>
      %mul3A_80 = arith.mulf %exp23A_78, %mul3A_79 : vector<16x512xf32>
      %swap3A_81 = arith.constant 1 : index
      %swap3A_82 = arith.constant 0 : index
      %swap3A_83 = arith.constant 0 : index
      %swap3A_84 = vector.load %arg7[%swap3A_81, %swap3A_82, %swap3A_83] : memref<8x16x4096xf32, #tpu.memory_space<vmem>>, vector<1x16x512xf32>
      %swap3A_85 = vector.shape_cast %swap3A_84 : vector<1x16x512xf32> to vector<16x512xf32>
      %swap3A_86 = vector.shape_cast %mul3A_80 : vector<16x512xf32> to vector<1x16x512xf32>
      tpu.vector_store %arg7[%swap3A_81, %swap3A_82, %swap3A_83], %swap3A_86 {strides = array<i32>} : memref<8x16x4096xf32, #tpu.memory_space<vmem>>, vector<1x16x512xf32>,
      %mul3A_87 = arith.constant 8 : i32
      %mul3A_88 = arith.muli %arg0, %mul3A_87 : i32
      %add3A_89 = arith.constant 2 : i32
      %add3A_90 = arith.addi %mul3A_88, %add3A_89 : i32
      %get3A_91 = arith.index_cast %add3A_90 : i32 to index
      %get3A_92 = arith.constant 0 : index
      %get3A_93 = vector.load %arg6[%get3A_91, %get3A_92] : memref<128x4096xf32, #tpu.memory_space<vmem>>, vector<1x512xf32>
      %get3A_94 = arith.constant 2 : index
      %get3A_95 = arith.constant 0 : index
      %get3A_96 = vector.load %arg4[%get3A_94, %get3A_95] : memref<8x16xf32, #tpu.memory_space<vmem>>, vector<1x16xf32>
      %get3A_97 = vector.shape_cast %get3A_96 : vector<1x16xf32> to vector<16xf32>
      %broadcast_in_dim3A_98 = vector.shape_cast %get3A_97 : vector<16xf32> to vector<16x1xf32>
      %mul3A_99 = vector.broadcast %get3A_93 : vector<1x512xf32> to vector<16x512xf32>
      %mul3A_100 = arith.mulf %mul3A_99, %get3A_42 : vector<16x512xf32>
      %add3A_101 = arith.addf %get3A_39, %mul3A_100 : vector<16x512xf32>
      %exp23A_102 = math.exp2 %add3A_101 : vector<16x512xf32>
      %mul3A_103 = vector.broadcast %broadcast_in_dim3A_98 : vector<16x1xf32> to vector<16x512xf32>
      %mul3A_104 = arith.mulf %exp23A_102, %mul3A_103 : vector<16x512xf32>
      %swap3A_105 = arith.constant 2 : index
      %swap3A_106 = arith.constant 0 : index
      %swap3A_107 = arith.constant 0 : index
      %swap3A_108 = vector.load %arg7[%swap3A_105, %swap3A_106, %swap3A_107] : memref<8x16x4096xf32, #tpu.memory_space<vmem>>, vector<1x16x512xf32>
      %swap3A_109 = vector.shape_cast %swap3A_108 : vector<1x16x512xf32> to vector<16x512xf32>
      %swap3A_110 = vector.shape_cast %mul3A_104 : vector<16x512xf32> to vector<1x16x512xf32>
      tpu.vector_store %arg7[%swap3A_105, %swap3A_106, %swap3A_107], %swap3A_110 {strides = array<i32>} : memref<8x16x4096xf32, #tpu.memory_space<vmem>>, vector<1x16x512xf32>,
      %mul3A_111 = arith.constant 8 : i32
      %mul3A_112 = arith.muli %arg0, %mul3A_111 : i32
      %add3A_113 = arith.constant 3 : i32
      %add3A_114 = arith.addi %mul3A_112, %add3A_113 : i32
      %get3A_115 = arith.index_cast %add3A_114 : i32 to index
      %get3A_116 = arith.constant 0 : index
      %get3A_117 = vector.load %arg6[%get3A_115, %get3A_116] : memref<128x4096xf32, #tpu.memory_space<vmem>>, vector<1x512xf32>
      %get3A_118 = arith.constant 3 : index
      %get3A_119 = arith.constant 0 : index
      %get3A_120 = vector.load %arg4[%get3A_118, %get3A_119] : memref<8x16xf32, #tpu.memory_space<vmem>>, vector<1x16xf32>
      %get3A_121 = vector.shape_cast %get3A_120 : vector<1x16xf32> to vector<16xf32>
      %broadcast_in_dim3A_122 = vector.shape_cast %get3A_121 : vector<16xf32> to vector<16x1xf32>
      %mul3A_123 = vector.broadcast %get3A_117 : vector<1x512xf32> to vector<16x512xf32>
      %mul3A_124 = arith.mulf %mul3A_123, %get3A_42 : vector<16x512xf32>
      %add3A_125 = arith.addf %get3A_39, %mul3A_124 : vector<16x512xf32>
      %exp23A_126 = math.exp2 %add3A_125 : vector<16x512xf32>
      %mul3A_127 = vector.broadcast %broadcast_in_dim3A_122 : vector<16x1xf32> to vector<16x512xf32>
      %mul3A_128 = arith.mulf %exp23A_126, %mul3A_127 : vector<16x512xf32>
      %swap3A_129 = arith.constant 3 : index
      %swap3A_130 = arith.constant 0 : index
      %swap3A_131 = arith.constant 0 : index
      %swap3A_132 = vector.load %arg7[%swap3A_129, %swap3A_130, %swap3A_131] : memref<8x16x4096xf32, #tpu.memory_space<vmem>>, vector<1x16x512xf32>
      %swap3A_133 = vector.shape_cast %swap3A_132 : vector<1x16x512xf32> to vector<16x512xf32>
      %swap3A_134 = vector.shape_cast %mul3A_128 : vector<16x512xf32> to vector<1x16x512xf32>
      tpu.vector_store %arg7[%swap3A_129, %swap3A_130, %swap3A_131], %swap3A_134 {strides = array<i32>} : memref<8x16x4096xf32, #tpu.memory_space<vmem>>, vector<1x16x512xf32>,
      %mul3A_135 = arith.constant 8 : i32
      %mul3A_136 = arith.muli %arg0, %mul3A_135 : i32
      %add3A_137 = arith.constant 4 : i32
      %add3A_138 = arith.addi %mul3A_136, %add3A_137 : i32
      %get3A_139 = arith.index_cast %add3A_138 : i32 to index
      %get3A_140 = arith.constant 0 : index
      %get3A_141 = vector.load %arg6[%get3A_139, %get3A_140] : memref<128x4096xf32, #tpu.memory_space<vmem>>, vector<1x512xf32>
      %get3A_142 = arith.constant 4 : index
      %get3A_143 = arith.constant 0 : index
      %get3A_144 = vector.load %arg4[%get3A_142, %get3A_143] : memref<8x16xf32, #tpu.memory_space<vmem>>, vector<1x16xf32>
      %get3A_145 = vector.shape_cast %get3A_144 : vector<1x16xf32> to vector<16xf32>
      %broadcast_in_dim3A_146 = vector.shape_cast %get3A_145 : vector<16xf32> to vector<16x1xf32>
      %mul3A_147 = vector.broadcast %get3A_141 : vector<1x512xf32> to vector<16x512xf32>
      %mul3A_148 = arith.mulf %mul3A_147, %get3A_42 : vector<16x512xf32>
      %add3A_149 = arith.addf %get3A_39, %mul3A_148 : vector<16x512xf32>
      %exp23A_150 = math.exp2 %add3A_149 : vector<16x512xf32>
      %mul3A_151 = vector.broadcast %broadcast_in_dim3A_146 : vector<16x1xf32> to vector<16x512xf32>
      %mul3A_152 = arith.mulf %exp23A_150, %mul3A_151 : vector<16x512xf32>
      %swap3A_153 = arith.constant 4 : index
      %swap3A_154 = arith.constant 0 : index
      %swap3A_155 = arith.constant 0 : index
      %swap3A_156 = vector.load %arg7[%swap3A_153, %swap3A_154, %swap3A_155] : memref<8x16x4096xf32, #tpu.memory_space<vmem>>, vector<1x16x512xf32>
      %swap3A_157 = vector.shape_cast %swap3A_156 : vector<1x16x512xf32> to vector<16x512xf32>
      %swap3A_158 = vector.shape_cast %mul3A_152 : vector<16x512xf32> to vector<1x16x512xf32>
      tpu.vector_store %arg7[%swap3A_153, %swap3A_154, %swap3A_155], %swap3A_158 {strides = array<i32>} : memref<8x16x4096xf32, #tpu.memory_space<vmem>>, vector<1x16x512xf32>,
      %mul3A_159 = arith.constant 8 : i32
      %mul3A_160 = arith.muli %arg0, %mul3A_159 : i32
      %add3A_161 = arith.constant 5 : i32
      %add3A_162 = arith.addi %mul3A_160, %add3A_161 : i32
      %get3A_163 = arith.index_cast %add3A_162 : i32 to index
      %get3A_164 = arith.constant 0 : index
      %get3A_165 = vector.load %arg6[%get3A_163, %get3A_164] : memref<128x4096xf32, #tpu.memory_space<vmem>>, vector<1x512xf32>
      %get3A_166 = arith.constant 5 : index
      %get3A_167 = arith.constant 0 : index
      %get3A_168 = vector.load %arg4[%get3A_166, %get3A_167] : memref<8x16xf32, #tpu.memory_space<vmem>>, vector<1x16xf32>
      %get3A_169 = vector.shape_cast %get3A_168 : vector<1x16xf32> to vector<16xf32>
      %broadcast_in_dim3A_170 = vector.shape_cast %get3A_169 : vector<16xf32> to vector<16x1xf32>
      %mul3A_171 = vector.broadcast %get3A_165 : vector<1x512xf32> to vector<16x512xf32>
      %mul3A_172 = arith.mulf %mul3A_171, %get3A_42 : vector<16x512xf32>
      %add3A_173 = arith.addf %get3A_39, %mul3A_172 : vector<16x512xf32>
      %exp23A_174 = math.exp2 %add3A_173 : vector<16x512xf32>
      %mul3A_175 = vector.broadcast %broadcast_in_dim3A_170 : vector<16x1xf32> to vector<16x512xf32>
      %mul3A_176 = arith.mulf %exp23A_174, %mul3A_175 : vector<16x512xf32>
      %swap3A_177 = arith.constant 5 : index
      %swap3A_178 = arith.constant 0 : index
      %swap3A_179 = arith.constant 0 : index
      %swap3A_180 = vector.load %arg7[%swap3A_177, %swap3A_178, %swap3A_179] : memref<8x16x4096xf32, #tpu.memory_space<vmem>>, vector<1x16x512xf32>
      %swap3A_181 = vector.shape_cast %swap3A_180 : vector<1x16x512xf32> to vector<16x512xf32>
      %swap3A_182 = vector.shape_cast %mul3A_176 : vector<16x512xf32> to vector<1x16x512xf32>
      tpu.vector_store %arg7[%swap3A_177, %swap3A_178, %swap3A_179], %swap3A_182 {strides = array<i32>} : memref<8x16x4096xf32, #tpu.memory_space<vmem>>, vector<1x16x512xf32>,
      %mul3A_183 = arith.constant 8 : i32
      %mul3A_184 = arith.muli %arg0, %mul3A_183 : i32
      %add3A_185 = arith.constant 6 : i32
      %add3A_186 = arith.addi %mul3A_184, %add3A_185 : i32
      %get3A_187 = arith.index_cast %add3A_186 : i32 to index
      %get3A_188 = arith.constant 0 : index
      %get3A_189 = vector.load %arg6[%get3A_187, %get3A_188] : memref<128x4096xf32, #tpu.memory_space<vmem>>, vector<1x512xf32>
      %get3A_190 = arith.constant 6 : index
      %get3A_191 = arith.constant 0 : index
      %get3A_192 = vector.load %arg4[%get3A_190, %get3A_191] : memref<8x16xf32, #tpu.memory_space<vmem>>, vector<1x16xf32>
      %get3A_193 = vector.shape_cast %get3A_192 : vector<1x16xf32> to vector<16xf32>
      %broadcast_in_dim3A_194 = vector.shape_cast %get3A_193 : vector<16xf32> to vector<16x1xf32>
      %mul3A_195 = vector.broadcast %get3A_189 : vector<1x512xf32> to vector<16x512xf32>
      %mul3A_196 = arith.mulf %mul3A_195, %get3A_42 : vector<16x512xf32>
      %add3A_197 = arith.addf %get3A_39, %mul3A_196 : vector<16x512xf32>
      %exp23A_198 = math.exp2 %add3A_197 : vector<16x512xf32>
      %mul3A_199 = vector.broadcast %broadcast_in_dim3A_194 : vector<16x1xf32> to vector<16x512xf32>
      %mul3A_200 = arith.mulf %exp23A_198, %mul3A_199 : vector<16x512xf32>
      %swap3A_201 = arith.constant 6 : index
      %swap3A_202 = arith.constant 0 : index
      %swap3A_203 = arith.constant 0 : index
      %swap3A_204 = vector.load %arg7[%swap3A_201, %swap3A_202, %swap3A_203] : memref<8x16x4096xf32, #tpu.memory_space<vmem>>, vector<1x16x512xf32>
      %swap3A_205 = vector.shape_cast %swap3A_204 : vector<1x16x512xf32> to vector<16x512xf32>
      %swap3A_206 = vector.shape_cast %mul3A_200 : vector<16x512xf32> to vector<1x16x512xf32>
      tpu.vector_store %arg7[%swap3A_201, %swap3A_202, %swap3A_203], %swap3A_206 {strides = array<i32>} : memref<8x16x4096xf32, #tpu.memory_space<vmem>>, vector<1x16x512xf32>,
      %mul3A_207 = arith.constant 8 : i32
      %mul3A_208 = arith.muli %arg0, %mul3A_207 : i32
      %add3A_209 = arith.constant 7 : i32
      %add3A_210 = arith.addi %mul3A_208, %add3A_209 : i32
      %get3A_211 = arith.index_cast %add3A_210 : i32 to index
      %get3A_212 = arith.constant 0 : index
      %get3A_213 = vector.load %arg6[%get3A_211, %get3A_212] : memref<128x4096xf32, #tpu.memory_space<vmem>>, vector<1x512xf32>
      %get3A_214 = arith.constant 7 : index
      %get3A_215 = arith.constant 0 : index
      %get3A_216 = vector.load %arg4[%get3A_214, %get3A_215] : memref<8x16xf32, #tpu.memory_space<vmem>>, vector<1x16xf32>
      %get3A_217 = vector.shape_cast %get3A_216 : vector<1x16xf32> to vector<16xf32>
      %broadcast_in_dim3A_218 = vector.shape_cast %get3A_217 : vector<16xf32> to vector<16x1xf32>
      %mul3A_219 = vector.broadcast %get3A_213 : vector<1x512xf32> to vector<16x512xf32>
      %mul3A_220 = arith.mulf %mul3A_219, %get3A_42 : vector<16x512xf32>
      %add3A_221 = arith.addf %get3A_39, %mul3A_220 : vector<16x512xf32>
      %exp23A_222 = math.exp2 %add3A_221 : vector<16x512xf32>
      %mul3A_223 = vector.broadcast %broadcast_in_dim3A_218 : vector<16x1xf32> to vector<16x512xf32>
      %mul3A_224 = arith.mulf %exp23A_222, %mul3A_223 : vector<16x512xf32>
      %swap3A_225 = arith.constant 7 : index
      %swap3A_226 = arith.constant 0 : index
      %swap3A_227 = arith.constant 0 : index
      %swap3A_228 = vector.load %arg7[%swap3A_225, %swap3A_226, %swap3A_227] : memref<8x16x4096xf32, #tpu.memory_space<vmem>>, vector<1x16x512xf32>
      %swap3A_229 = vector.shape_cast %swap3A_228 : vector<1x16x512xf32> to vector<16x512xf32>
      %swap3A_230 = vector.shape_cast %mul3A_224 : vector<16x512xf32> to vector<1x16x512xf32>
      tpu.vector_store %arg7[%swap3A_225, %swap3A_226, %swap3A_227], %swap3A_230 {strides = array<i32>} : memref<8x16x4096xf32, #tpu.memory_space<vmem>>, vector<1x16x512xf32>,
      %get3A_231 = arith.constant 0 : index
      %get3A_232 = arith.constant 512 : index
      %get3A_233 = vector.load %arg2[%get3A_231, %get3A_232] : memref<16x4096xf32, #tpu.memory_space<vmem>>, vector<16x512xf32>
      %get3A_234 = arith.constant 0 : index
      %get3A_235 = arith.constant 512 : index
      %get3A_236 = vector.load %arg3[%get3A_234, %get3A_235] : memref<16x4096xf32, #tpu.memory_space<vmem>>, vector<16x512xf32>
      %mul3A_237 = arith.constant 8 : i32
      %mul3A_238 = arith.muli %arg0, %mul3A_237 : i32
      %add3A_239 = arith.constant 0 : i32
      %add3A_240 = arith.addi %mul3A_238, %add3A_239 : i32
      %get3A_241 = arith.index_cast %add3A_240 : i32 to index
      %get3A_242 = arith.constant 512 : index
      %get3A_243 = vector.load %arg6[%get3A_241, %get3A_242] : memref<128x4096xf32, #tpu.memory_space<vmem>>, vector<1x512xf32>
      %get3A_244 = arith.constant 0 : index
      %get3A_245 = arith.constant 0 : index
      %get3A_246 = vector.load %arg4[%get3A_244, %get3A_245] : memref<8x16xf32, #tpu.memory_space<vmem>>, vector<1x16xf32>
      %get3A_247 = vector.shape_cast %get3A_246 : vector<1x16xf32> to vector<16xf32>
      %broadcast_in_dim3A_248 = vector.shape_cast %get3A_247 : vector<16xf32> to vector<16x1xf32>
      %mul3A_249 = vector.broadcast %get3A_243 : vector<1x512xf32> to vector<16x512xf32>
      %mul3A_250 = arith.mulf %mul3A_249, %get3A_236 : vector<16x512xf32>
      %add3A_251 = arith.addf %get3A_233, %mul3A_250 : vector<16x512xf32>
      %exp23A_252 = math.exp2 %add3A_251 : vector<16x512xf32>
      %mul3A_253 = vector.broadcast %broadcast_in_dim3A_248 : vector<16x1xf32> to vector<16x512xf32>
      %mul3A_254 = arith.mulf %exp23A_252, %mul3A_253 : vector<16x512xf32>
      %swap3A_255 = arith.constant 0 : index
      %swap3A_256 = arith.constant 0 : index
      %swap3A_257 = arith.constant 512 : index
      %swap3A_258 = vector.load %arg7[%swap3A_255, %swap3A_256, %swap3A_257] : memref<8x16x4096xf32, #tpu.memory_space<vmem>>, vector<1x16x512xf32>
      %swap3A_259 = vector.shape_cast %swap3A_258 : vector<1x16x512xf32> to vector<16x512xf32>
      %swap3A_260 = vector.shape_cast %mul3A_254 : vector<16x512xf32> to vector<1x16x512xf32>
      tpu.vector_store %arg7[%swap3A_255, %swap3A_256, %swap3A_257], %swap3A_260 {strides = array<i32>} : memref<8x16x4096xf32, #tpu.memory_space<vmem>>, vector<1x16x512xf32>,
      %mul3A_261 = arith.constant 8 : i32
      %mul3A_262 = arith.muli %arg0, %mul3A_261 : i32
      %add3A_263 = arith.constant 1 : i32
      %add3A_264 = arith.addi %mul3A_262, %add3A_263 : i32
      %get3A_265 = arith.index_cast %add3A_264 : i32 to index
      %get3A_266 = arith.constant 512 : index
      %get3A_267 = vector.load %arg6[%get3A_265, %get3A_266] : memref<128x4096xf32, #tpu.memory_space<vmem>>, vector<1x512xf32>
      %get3A_268 = arith.constant 1 : index
      %get3A_269 = arith.constant 0 : index
      %get3A_270 = vector.load %arg4[%get3A_268, %get3A_269] : memref<8x16xf32, #tpu.memory_space<vmem>>, vector<1x16xf32>
      %get3A_271 = vector.shape_cast %get3A_270 : vector<1x16xf32> to vector<16xf32>
      %broadcast_in_dim3A_272 = vector.shape_cast %get3A_271 : vector<16xf32> to vector<16x1xf32>
      %mul3A_273 = vector.broadcast %get3A_267 : vector<1x512xf32> to vector<16x512xf32>
      %mul3A_274 = arith.mulf %mul3A_273, %get3A_236 : vector<16x512xf32>
      %add3A_275 = arith.addf %get3A_233, %mul3A_274 : vector<16x512xf32>
      %exp23A_276 = math.exp2 %add3A_275 : vector<16x512xf32>
      %mul3A_277 = vector.broadcast %broadcast_in_dim3A_272 : vector<16x1xf32> to vector<16x512xf32>
      %mul3A_278 = arith.mulf %exp23A_276, %mul3A_277 : vector<16x512xf32>
      %swap3A_279 = arith.constant 1 : index
      %swap3A_280 = arith.constant 0 : index
      %swap3A_281 = arith.constant 512 : index
      %swap3A_282 = vector.load %arg7[%swap3A_279, %swap3A_280, %swap3A_281] : memref<8x16x4096xf32, #tpu.memory_space<vmem>>, vector<1x16x512xf32>
      %swap3A_283 = vector.shape_cast %swap3A_282 : vector<1x16x512xf32> to vector<16x512xf32>
      %swap3A_284 = vector.shape_cast %mul3A_278 : vector<16x512xf32> to vector<1x16x512xf32>
      tpu.vector_store %arg7[%swap3A_279, %swap3A_280, %swap3A_281], %swap3A_284 {strides = array<i32>} : memref<8x16x4096xf32, #tpu.memory_space<vmem>>, vector<1x16x512xf32>,
      %mul3A_285 = arith.constant 8 : i32
      %mul3A_286 = arith.muli %arg0, %mul3A_285 : i32
      %add3A_287 = arith.constant 2 : i32
      %add3A_288 = arith.addi %mul3A_286, %add3A_287 : i32
      %get3A_289 = arith.index_cast %add3A_288 : i32 to index
      %get3A_290 = arith.constant 512 : index
      %get3A_291 = vector.load %arg6[%get3A_289, %get3A_290] : memref<128x4096xf32, #tpu.memory_space<vmem>>, vector<1x512xf32>
      %get3A_292 = arith.constant 2 : index
      %get3A_293 = arith.constant 0 : index
      %get3A_294 = vector.load %arg4[%get3A_292, %get3A_293] : memref<8x16xf32, #tpu.memory_space<vmem>>, vector<1x16xf32>
      %get3A_295 = vector.shape_cast %get3A_294 : vector<1x16xf32> to vector<16xf32>
      %broadcast_in_dim3A_296 = vector.shape_cast %get3A_295 : vector<16xf32> to vector<16x1xf32>
      %mul3A_297 = vector.broadcast %get3A_291 : vector<1x512xf32> to vector<16x512xf32>
      %mul3A_298 = arith.mulf %mul3A_297, %get3A_236 : vector<16x512xf32>
      %add3A_299 = arith.addf %get3A_233, %mul3A_298 : vector<16x512xf32>
      %exp23A_300 = math.exp2 %add3A_299 : vector<16x512xf32>
      %mul3A_301 = vector.broadcast %broadcast_in_dim3A_296 : vector<16x1xf32> to vector<16x512xf32>
      %mul3A_302 = arith.mulf %exp23A_300, %mul3A_301 : vector<16x512xf32>
      %swap3A_303 = arith.constant 2 : index
      %swap3A_304 = arith.constant 0 : index
      %swap3A_305 = arith.constant 512 : index
      %swap3A_306 = vector.load %arg7[%swap3A_303, %swap3A_304, %swap3A_305] : memref<8x16x4096xf32, #tpu.memory_space<vmem>>, vector<1x16x512xf32>
      %swap3A_307 = vector.shape_cast %swap3A_306 : vector<1x16x512xf32> to vector<16x512xf32>
      %swap3A_308 = vector.shape_cast %mul3A_302 : vector<16x512xf32> to vector<1x16x512xf32>
      tpu.vector_store %arg7[%swap3A_303, %swap3A_304, %swap3A_305], %swap3A_308 {strides = array<i32>} : memref<8x16x4096xf32, #tpu.memory_space<vmem>>, vector<1x16x512xf32>,
      %mul3A_309 = arith.constant 8 : i32
      %mul3A_310 = arith.muli %arg0, %mul3A_309 : i32
      %add3A_311 = arith.constant 3 : i32
      %add3A_312 = arith.addi %mul3A_310, %add3A_311 : i32
      %get3A_313 = arith.index_cast %add3A_312 : i32 to index
      %get3A_314 = arith.constant 512 : index
      %get3A_315 = vector.load %arg6[%get3A_313, %get3A_314] : memref<128x4096xf32, #tpu.memory_space<vmem>>, vector<1x512xf32>
      %get3A_316 = arith.constant 3 : index
      %get3A_317 = arith.constant 0 : index
      %get3A_318 = vector.load %arg4[%get3A_316, %get3A_317] : memref<8x16xf32, #tpu.memory_space<vmem>>, vector<1x16xf32>
      %get3A_319 = vector.shape_cast %get3A_318 : vector<1x16xf32> to vector<16xf32>
      %broadcast_in_dim3A_320 = vector.shape_cast %get3A_319 : vector<16xf32> to vector<16x1xf32>
      %mul3A_321 = vector.broadcast %get3A_315 : vector<1x512xf32> to vector<16x512xf32>
      %mul3A_322 = arith.mulf %mul3A_321, %get3A_236 : vector<16x512xf32>
      %add3A_323 = arith.addf %get3A_233, %mul3A_322 : vector<16x512xf32>
      %exp23A_324 = math.exp2 %add3A_323 : vector<16x512xf32>
      %mul3A_325 = vector.broadcast %broadcast_in_dim3A_320 : vector<16x1xf32> to vector<16x512xf32>
      %mul3A_326 = arith.mulf %exp23A_324, %mul3A_325 : vector<16x512xf32>
      %swap3A_327 = arith.constant 3 : index
      %swap3A_328 = arith.constant 0 : index
      %swap3A_329 = arith.constant 512 : index
      %swap3A_330 = vector.load %arg7[%swap3A_327, %swap3A_328, %swap3A_329] : memref<8x16x4096xf32, #tpu.memory_space<vmem>>, vector<1x16x512xf32>
      %swap3A_331 = vector.shape_cast %swap3A_330 : vector<1x16x512xf32> to vector<16x512xf32>
      %swap3A_332 = vector.shape_cast %mul3A_326 : vector<16x512xf32> to vector<1x16x512xf32>
      tpu.vector_store %arg7[%swap3A_327, %swap3A_328, %swap3A_329], %swap3A_332 {strides = array<i32>} : memref<8x16x4096xf32, #tpu.memory_space<vmem>>, vector<1x16x512xf32>,
      %mul3A_333 = arith.constant 8 : i32
      %mul3A_334 = arith.muli %arg0, %mul3A_333 : i32
      %add3A_335 = arith.constant 4 : i32
      %add3A_336 = arith.addi %mul3A_334, %add3A_335 : i32
      %get3A_337 = arith.index_cast %add3A_336 : i32 to index
      %get3A_338 = arith.constant 512 : index
      %get3A_339 = vector.load %arg6[%get3A_337, %get3A_338] : memref<128x4096xf32, #tpu.memory_space<vmem>>, vector<1x512xf32>
      %get3A_340 = arith.constant 4 : index
      %get3A_341 = arith.constant 0 : index
      %get3A_342 = vector.load %arg4[%get3A_340, %get3A_341] : memref<8x16xf32, #tpu.memory_space<vmem>>, vector<1x16xf32>
      %get3A_343 = vector.shape_cast %get3A_342 : vector<1x16xf32> to vector<16xf32>
      %broadcast_in_dim3A_344 = vector.shape_cast %get3A_343 : vector<16xf32> to vector<16x1xf32>
      %mul3A_345 = vector.broadcast %get3A_339 : vector<1x512xf32> to vector<16x512xf32>
      %mul3A_346 = arith.mulf %mul3A_345, %get3A_236 : vector<16x512xf32>
      %add3A_347 = arith.addf %get3A_233, %mul3A_346 : vector<16x512xf32>
      %exp23A_348 = math.exp2 %add3A_347 : vector<16x512xf32>
      %mul3A_349 = vector.broadcast %broadcast_in_dim3A_344 : vector<16x1xf32> to vector<16x512xf32>
      %mul3A_350 = arith.mulf %exp23A_348, %mul3A_349 : vector<16x512xf32>
      %swap3A_351 = arith.constant 4 : index
      %swap3A_352 = arith.constant 0 : index
      %swap3A_353 = arith.constant 512 : index
      %swap3A_354 = vector.load %arg7[%swap3A_351, %swap3A_352, %swap3A_353] : memref<8x16x4096xf32, #tpu.memory_space<vmem>>, vector<1x16x512xf32>
      %swap3A_355 = vector.shape_cast %swap3A_354 : vector<1x16x512xf32> to vector<16x512xf32>
      %swap3A_356 = vector.shape_cast %mul3A_350 : vector<16x512xf32> to vector<1x16x512xf32>
      tpu.vector_store %arg7[%swap3A_351, %swap3A_352, %swap3A_353], %swap3A_356 {strides = array<i32>} : memref<8x16x4096xf32, #tpu.memory_space<vmem>>, vector<1x16x512xf32>,
      %mul3A_357 = arith.constant 8 : i32
      %mul3A_358 = arith.muli %arg0, %mul3A_357 : i32
      %add3A_359 = arith.constant 5 : i32
      %add3A_360 = arith.addi %mul3A_358, %add3A_359 : i32
      %get3A_361 = arith.index_cast %add3A_360 : i32 to index
      %get3A_362 = arith.constant 512 : index
      %get3A_363 = vector.load %arg6[%get3A_361, %get3A_362] : memref<128x4096xf32, #tpu.memory_space<vmem>>, vector<1x512xf32>
      %get3A_364 = arith.constant 5 : index
      %get3A_365 = arith.constant 0 : index
      %get3A_366 = vector.load %arg4[%get3A_364, %get3A_365] : memref<8x16xf32, #tpu.memory_space<vmem>>, vector<1x16xf32>
      %get3A_367 = vector.shape_cast %get3A_366 : vector<1x16xf32> to vector<16xf32>
      %broadcast_in_dim3A_368 = vector.shape_cast %get3A_367 : vector<16xf32> to vector<16x1xf32>
      %mul3A_369 = vector.broadcast %get3A_363 : vector<1x512xf32> to vector<16x512xf32>
      %mul3A_370 = arith.mulf %mul3A_369, %get3A_236 : vector<16x512xf32>
      %add3A_371 = arith.addf %get3A_233, %mul3A_370 : vector<16x512xf32>
      %exp23A_372 = math.exp2 %add3A_371 : vector<16x512xf32>
      %mul3A_373 = vector.broadcast %broadcast_in_dim3A_368 : vector<16x1xf32> to vector<16x512xf32>
      %mul3A_374 = arith.mulf %exp23A_372, %mul3A_373 : vector<16x512xf32>
      %swap3A_375 = arith.constant 5 : index
      %swap3A_376 = arith.constant 0 : index
      %swap3A_377 = arith.constant 512 : index
      %swap3A_378 = vector.load %arg7[%swap3A_375, %swap3A_376, %swap3A_377] : memref<8x16x4096xf32, #tpu.memory_space<vmem>>, vector<1x16x512xf32>
      %swap3A_379 = vector.shape_cast %swap3A_378 : vector<1x16x512xf32> to vector<16x512xf32>
      %swap3A_380 = vector.shape_cast %mul3A_374 : vector<16x512xf32> to vector<1x16x512xf32>
      tpu.vector_store %arg7[%swap3A_375, %swap3A_376, %swap3A_377], %swap3A_380 {strides = array<i32>} : memref<8x16x4096xf32, #tpu.memory_space<vmem>>, vector<1x16x512xf32>,
      %mul3A_381 = arith.constant 8 : i32
      %mul3A_382 = arith.muli %arg0, %mul3A_381 : i32
      %add3A_383 = arith.constant 6 : i32
      %add3A_384 = arith.addi %mul3A_382, %add3A_383 : i32
      %get3A_385 = arith.index_cast %add3A_384 : i32 to index
      %get3A_386 = arith.constant 512 : index
      %get3A_387 = vector.load %arg6[%get3A_385, %get3A_386] : memref<128x4096xf32, #tpu.memory_space<vmem>>, vector<1x512xf32>
      %get3A_388 = arith.constant 6 : index
      %get3A_389 = arith.constant 0 : index
      %get3A_390 = vector.load %arg4[%get3A_388, %get3A_389] : memref<8x16xf32, #tpu.memory_space<vmem>>, vector<1x16xf32>
      %get3A_391 = vector.shape_cast %get3A_390 : vector<1x16xf32> to vector<16xf32>
      %broadcast_in_dim3A_392 = vector.shape_cast %get3A_391 : vector<16xf32> to vector<16x1xf32>
      %mul3A_393 = vector.broadcast %get3A_387 : vector<1x512xf32> to vector<16x512xf32>
      %mul3A_394 = arith.mulf %mul3A_393, %get3A_236 : vector<16x512xf32>
      %add3A_395 = arith.addf %get3A_233, %mul3A_394 : vector<16x512xf32>
      %exp23A_396 = math.exp2 %add3A_395 : vector<16x512xf32>
      %mul3A_397 = vector.broadcast %broadcast_in_dim3A_392 : vector<16x1xf32> to vector<16x512xf32>
      %mul3A_398 = arith.mulf %exp23A_396, %mul3A_397 : vector<16x512xf32>
      %swap3A_399 = arith.constant 6 : index
      %swap3A_400 = arith.constant 0 : index
      %swap3A_401 = arith.constant 512 : index
      %swap3A_402 = vector.load %arg7[%swap3A_399, %swap3A_400, %swap3A_401] : memref<8x16x4096xf32, #tpu.memory_space<vmem>>, vector<1x16x512xf32>
      %swap3A_403 = vector.shape_cast %swap3A_402 : vector<1x16x512xf32> to vector<16x512xf32>
      %swap3A_404 = vector.shape_cast %mul3A_398 : vector<16x512xf32> to vector<1x16x512xf32>
      tpu.vector_store %arg7[%swap3A_399, %swap3A_400, %swap3A_401], %swap3A_404 {strides = array<i32>} : memref<8x16x4096xf32, #tpu.memory_space<vmem>>, vector<1x16x512xf32>,
      %mul3A_405 = arith.constant 8 : i32
      %mul3A_406 = arith.muli %arg0, %mul3A_405 : i32
      %add3A_407 = arith.constant 7 : i32
      %add3A_408 = arith.addi %mul3A_406, %add3A_407 : i32
      %get3A_409 = arith.index_cast %add3A_408 : i32 to index
      %get3A_410 = arith.constant 512 : index
      %get3A_411 = vector.load %arg6[%get3A_409, %get3A_410] : memref<128x4096xf32, #tpu.memory_space<vmem>>, vector<1x512xf32>
      %get3A_412 = arith.constant 7 : index
      %get3A_413 = arith.constant 0 : index
      %get3A_414 = vector.load %arg4[%get3A_412, %get3A_413] : memref<8x16xf32, #tpu.memory_space<vmem>>, vector<1x16xf32>
      %get3A_415 = vector.shape_cast %get3A_414 : vector<1x16xf32> to vector<16xf32>
      %broadcast_in_dim3A_416 = vector.shape_cast %get3A_415 : vector<16xf32> to vector<16x1xf32>
      %mul3A_417 = vector.broadcast %get3A_411 : vector<1x512xf32> to vector<16x512xf32>
      %mul3A_418 = arith.mulf %mul3A_417, %get3A_236 : vector<16x512xf32>
      %add3A_419 = arith.addf %get3A_233, %mul3A_418 : vector<16x512xf32>
      %exp23A_420 = math.exp2 %add3A_419 : vector<16x512xf32>
      %mul3A_421 = vector.broadcast %broadcast_in_dim3A_416 : vector<16x1xf32> to vector<16x512xf32>
      %mul3A_422 = arith.mulf %exp23A_420, %mul3A_421 : vector<16x512xf32>
      %swap3A_423 = arith.constant 7 : index
      %swap3A_424 = arith.constant 0 : index
      %swap3A_425 = arith.constant 512 : index
      %swap3A_426 = vector.load %arg7[%swap3A_423, %swap3A_424, %swap3A_425] : memref<8x16x4096xf32, #tpu.memory_space<vmem>>, vector<1x16x512xf32>
      %swap3A_427 = vector.shape_cast %swap3A_426 : vector<1x16x512xf32> to vector<16x512xf32>
      %swap3A_428 = vector.shape_cast %mul3A_422 : vector<16x512xf32> to vector<1x16x512xf32>
      tpu.vector_store %arg7[%swap3A_423, %swap3A_424, %swap3A_425], %swap3A_428 {strides = array<i32>} : memref<8x16x4096xf32, #tpu.memory_space<vmem>>, vector<1x16x512xf32>,
      %get3A_429 = arith.constant 0 : index
      %get3A_430 = arith.constant 1024 : index
      %get3A_431 = vector.load %arg2[%get3A_429, %get3A_430] : memref<16x4096xf32, #tpu.memory_space<vmem>>, vector<16x512xf32>
      %get3A_432 = arith.constant 0 : index
      %get3A_433 = arith.constant 1024 : index
      %get3A_434 = vector.load %arg3[%get3A_432, %get3A_433] : memref<16x4096xf32, #tpu.memory_space<vmem>>, vector<16x512xf32>
      %mul3A_435 = arith.constant 8 : i32
      %mul3A_436 = arith.muli %arg0, %mul3A_435 : i32
      %add3A_437 = arith.constant 0 : i32
      %add3A_438 = arith.addi %mul3A_436, %add3A_437 : i32
      %get3A_439 = arith.index_cast %add3A_438 : i32 to index
      %get3A_440 = arith.constant 1024 : index
      %get3A_441 = vector.load %arg6[%get3A_439, %get3A_440] : memref<128x4096xf32, #tpu.memory_space<vmem>>, vector<1x512xf32>
      %get3A_442 = arith.constant 0 : index
      %get3A_443 = arith.constant 0 : index
      %get3A_444 = vector.load %arg4[%get3A_442, %get3A_443] : memref<8x16xf32, #tpu.memory_space<vmem>>, vector<1x16xf32>
      %get3A_445 = vector.shape_cast %get3A_444 : vector<1x16xf32> to vector<16xf32>
      %broadcast_in_dim3A_446 = vector.shape_cast %get3A_445 : vector<16xf32> to vector<16x1xf32>
      %mul3A_447 = vector.broadcast %get3A_441 : vector<1x512xf32> to vector<16x512xf32>
      %mul3A_448 = arith.mulf %mul3A_447, %get3A_434 : vector<16x512xf32>
      %add3A_449 = arith.addf %get3A_431, %mul3A_448 : vector<16x512xf32>
      %exp23A_450 = math.exp2 %add3A_449 : vector<16x512xf32>
      %mul3A_451 = vector.broadcast %broadcast_in_dim3A_446 : vector<16x1xf32> to vector<16x512xf32>
      %mul3A_452 = arith.mulf %exp23A_450, %mul3A_451 : vector<16x512xf32>
      %swap3A_453 = arith.constant 0 : index
      %swap3A_454 = arith.constant 0 : index
      %swap3A_455 = arith.constant 1024 : index
      %swap3A_456 = vector.load %arg7[%swap3A_453, %swap3A_454, %swap3A_455] : memref<8x16x4096xf32, #tpu.memory_space<vmem>>, vector<1x16x512xf32>
      %swap3A_457 = vector.shape_cast %swap3A_456 : vector<1x16x512xf32> to vector<16x512xf32>
      %swap3A_458 = vector.shape_cast %mul3A_452 : vector<16x512xf32> to vector<1x16x512xf32>
      tpu.vector_store %arg7[%swap3A_453, %swap3A_454, %swap3A_455], %swap3A_458 {strides = array<i32>} : memref<8x16x4096xf32, #tpu.memory_space<vmem>>, vector<1x16x512xf32>,
      %mul3A_459 = arith.constant 8 : i32
      %mul3A_460 = arith.muli %arg0, %mul3A_459 : i32
      %add3A_461 = arith.constant 1 : i32
      %add3A_462 = arith.addi %mul3A_460, %add3A_461 : i32
      %get3A_463 = arith.index_cast %add3A_462 : i32 to index
      %get3A_464 = arith.constant 1024 : index
      %get3A_465 = vector.load %arg6[%get3A_463, %get3A_464] : memref<128x4096xf32, #tpu.memory_space<vmem>>, vector<1x512xf32>
      %get3A_466 = arith.constant 1 : index
      %get3A_467 = arith.constant 0 : index
      %get3A_468 = vector.load %arg4[%get3A_466, %get3A_467] : memref<8x16xf32, #tpu.memory_space<vmem>>, vector<1x16xf32>
      %get3A_469 = vector.shape_cast %get3A_468 : vector<1x16xf32> to vector<16xf32>
      %broadcast_in_dim3A_470 = vector.shape_cast %get3A_469 : vector<16xf32> to vector<16x1xf32>
      %mul3A_471 = vector.broadcast %get3A_465 : vector<1x512xf32> to vector<16x512xf32>
      %mul3A_472 = arith.mulf %mul3A_471, %get3A_434 : vector<16x512xf32>
      %add3A_473 = arith.addf %get3A_431, %mul3A_472 : vector<16x512xf32>
      %exp23A_474 = math.exp2 %add3A_473 : vector<16x512xf32>
      %mul3A_475 = vector.broadcast %broadcast_in_dim3A_470 : vector<16x1xf32> to vector<16x512xf32>
      %mul3A_476 = arith.mulf %exp23A_474, %mul3A_475 : vector<16x512xf32>
      %swap3A_477 = arith.constant 1 : index
      %swap3A_478 = arith.constant 0 : index
      %swap3A_479 = arith.constant 1024 : index
      %swap3A_480 = vector.load %arg7[%swap3A_477, %swap3A_478, %swap3A_479] : memref<8x16x4096xf32, #tpu.memory_space<vmem>>, vector<1x16x512xf32>
      %swap3A_481 = vector.shape_cast %swap3A_480 : vector<1x16x512xf32> to vector<16x512xf32>
      %swap3A_482 = vector.shape_cast %mul3A_476 : vector<16x512xf32> to vector<1x16x512xf32>
      tpu.vector_store %arg7[%swap3A_477, %swap3A_478, %swap3A_479], %swap3A_482 {strides = array<i32>} : memref<8x16x4096xf32, #tpu.memory_space<vmem>>, vector<1x16x512xf32>,
      %mul3A_483 = arith.constant 8 : i32
      %mul3A_484 = arith.muli %arg0, %mul3A_483 : i32
      %add3A_485 = arith.constant 2 : i32
      %add3A_486 = arith.addi %mul3A_484, %add3A_485 : i32
      %get3A_487 = arith.index_cast %add3A_486 : i32 to index
      %get3A_488 = arith.constant 1024 : index
      %get3A_489 = vector.load %arg6[%get3A_487, %get3A_488] : memref<128x4096xf32, #tpu.memory_space<vmem>>, vector<1x512xf32>
      %get3A_490 = arith.constant 2 : index
      %get3A_491 = arith.constant 0 : index
      %get3A_492 = vector.load %arg4[%get3A_490, %get3A_491] : memref<8x16xf32, #tpu.memory_space<vmem>>, vector<1x16xf32>
      %get3A_493 = vector.shape_cast %get3A_492 : vector<1x16xf32> to vector<16xf32>
      %broadcast_in_dim3A_494 = vector.shape_cast %get3A_493 : vector<16xf32> to vector<16x1xf32>
      %mul3A_495 = vector.broadcast %get3A_489 : vector<1x512xf32> to vector<16x512xf32>
      %mul3A_496 = arith.mulf %mul3A_495, %get3A_434 : vector<16x512xf32>
      %add3A_497 = arith.addf %get3A_431, %mul3A_496 : vector<16x512xf32>
      %exp23A_498 = math.exp2 %add3A_497 : vector<16x512xf32>
      %mul3A_499 = vector.broadcast %broadcast_in_dim3A_494 : vector<16x1xf32> to vector<16x512xf32>
      %mul3A_500 = arith.mulf %exp23A_498, %mul3A_499 : vector<16x512xf32>
      %swap3A_501 = arith.constant 2 : index
      %swap3A_502 = arith.constant 0 : index
      %swap3A_503 = arith.constant 1024 : index
      %swap3A_504 = vector.load %arg7[%swap3A_501, %swap3A_502, %swap3A_503] : memref<8x16x4096xf32, #tpu.memory_space<vmem>>, vector<1x16x512xf32>
      %swap3A_505 = vector.shape_cast %swap3A_504 : vector<1x16x512xf32> to vector<16x512xf32>
      %swap3A_506 = vector.shape_cast %mul3A_500 : vector<16x512xf32> to vector<1x16x512xf32>
      tpu.vector_store %arg7[%swap3A_501, %swap3A_502, %swap3A_503], %swap3A_506 {strides = array<i32>} : memref<8x16x4096xf32, #tpu.memory_space<vmem>>, vector<1x16x512xf32>,
      %mul3A_507 = arith.constant 8 : i32
      %mul3A_508 = arith.muli %arg0, %mul3A_507 : i32
      %add3A_509 = arith.constant 3 : i32
      %add3A_510 = arith.addi %mul3A_508, %add3A_509 : i32
      %get3A_511 = arith.index_cast %add3A_510 : i32 to index
      %get3A_512 = arith.constant 1024 : index
      %get3A_513 = vector.load %arg6[%get3A_511, %get3A_512] : memref<128x4096xf32, #tpu.memory_space<vmem>>, vector<1x512xf32>
      %get3A_514 = arith.constant 3 : index
      %get3A_515 = arith.constant 0 : index
      %get3A_516 = vector.load %arg4[%get3A_514, %get3A_515] : memref<8x16xf32, #tpu.memory_space<vmem>>, vector<1x16xf32>
      %get3A_517 = vector.shape_cast %get3A_516 : vector<1x16xf32> to vector<16xf32>
      %broadcast_in_dim3A_518 = vector.shape_cast %get3A_517 : vector<16xf32> to vector<16x1xf32>
      %mul3A_519 = vector.broadcast %get3A_513 : vector<1x512xf32> to vector<16x512xf32>
      %mul3A_520 = arith.mulf %mul3A_519, %get3A_434 : vector<16x512xf32>
      %add3A_521 = arith.addf %get3A_431, %mul3A_520 : vector<16x512xf32>
      %exp23A_522 = math.exp2 %add3A_521 : vector<16x512xf32>
      %mul3A_523 = vector.broadcast %broadcast_in_dim3A_518 : vector<16x1xf32> to vector<16x512xf32>
      %mul3A_524 = arith.mulf %exp23A_522, %mul3A_523 : vector<16x512xf32>
      %swap3A_525 = arith.constant 3 : index
      %swap3A_526 = arith.constant 0 : index
      %swap3A_527 = arith.constant 1024 : index
      %swap3A_528 = vector.load %arg7[%swap3A_525, %swap3A_526, %swap3A_527] : memref<8x16x4096xf32, #tpu.memory_space<vmem>>, vector<1x16x512xf32>
      %swap3A_529 = vector.shape_cast %swap3A_528 : vector<1x16x512xf32> to vector<16x512xf32>
      %swap3A_530 = vector.shape_cast %mul3A_524 : vector<16x512xf32> to vector<1x16x512xf32>
      tpu.vector_store %arg7[%swap3A_525, %swap3A_526, %swap3A_527], %swap3A_530 {strides = array<i32>} : memref<8x16x4096xf32, #tpu.memory_space<vmem>>, vector<1x16x512xf32>,
      %mul3A_531 = arith.constant 8 : i32
      %mul3A_532 = arith.muli %arg0, %mul3A_531 : i32
      %add3A_533 = arith.constant 4 : i32
      %add3A_534 = arith.addi %mul3A_532, %add3A_533 : i32
      %get3A_535 = arith.index_cast %add3A_534 : i32 to index
      %get3A_536 = arith.constant 1024 : index
      %get3A_537 = vector.load %arg6[%get3A_535, %get3A_536] : memref<128x4096xf32, #tpu.memory_space<vmem>>, vector<1x512xf32>
      %get3A_538 = arith.constant 4 : index
      %get3A_539 = arith.constant 0 : index
      %get3A_540 = vector.load %arg4[%get3A_538, %get3A_539] : memref<8x16xf32, #tpu.memory_space<vmem>>, vector<1x16xf32>
      %get3A_541 = vector.shape_cast %get3A_540 : vector<1x16xf32> to vector<16xf32>
      %broadcast_in_dim3A_542 = vector.shape_cast %get3A_541 : vector<16xf32> to vector<16x1xf32>
      %mul3A_543 = vector.broadcast %get3A_537 : vector<1x512xf32> to vector<16x512xf32>
      %mul3A_544 = arith.mulf %mul3A_543, %get3A_434 : vector<16x512xf32>
      %add3A_545 = arith.addf %get3A_431, %mul3A_544 : vector<16x512xf32>
      %exp23A_546 = math.exp2 %add3A_545 : vector<16x512xf32>
      %mul3A_547 = vector.broadcast %broadcast_in_dim3A_542 : vector<16x1xf32> to vector<16x512xf32>
      %mul3A_548 = arith.mulf %exp23A_546, %mul3A_547 : vector<16x512xf32>
      %swap3A_549 = arith.constant 4 : index
      %swap3A_550 = arith.constant 0 : index
      %swap3A_551 = arith.constant 1024 : index
      %swap3A_552 = vector.load %arg7[%swap3A_549, %swap3A_550, %swap3A_551] : memref<8x16x4096xf32, #tpu.memory_space<vmem>>, vector<1x16x512xf32>
      %swap3A_553 = vector.shape_cast %swap3A_552 : vector<1x16x512xf32> to vector<16x512xf32>
      %swap3A_554 = vector.shape_cast %mul3A_548 : vector<16x512xf32> to vector<1x16x512xf32>
      tpu.vector_store %arg7[%swap3A_549, %swap3A_550, %swap3A_551], %swap3A_554 {strides = array<i32>} : memref<8x16x4096xf32, #tpu.memory_space<vmem>>, vector<1x16x512xf32>,
      %mul3A_555 = arith.constant 8 : i32
      %mul3A_556 = arith.muli %arg0, %mul3A_555 : i32
      %add3A_557 = arith.constant 5 : i32
      %add3A_558 = arith.addi %mul3A_556, %add3A_557 : i32
      %get3A_559 = arith.index_cast %add3A_558 : i32 to index
      %get3A_560 = arith.constant 1024 : index
      %get3A_561 = vector.load %arg6[%get3A_559, %get3A_560] : memref<128x4096xf32, #tpu.memory_space<vmem>>, vector<1x512xf32>
      %get3A_562 = arith.constant 5 : index
      %get3A_563 = arith.constant 0 : index
      %get3A_564 = vector.load %arg4[%get3A_562, %get3A_563] : memref<8x16xf32, #tpu.memory_space<vmem>>, vector<1x16xf32>
      %get3A_565 = vector.shape_cast %get3A_564 : vector<1x16xf32> to vector<16xf32>
      %broadcast_in_dim3A_566 = vector.shape_cast %get3A_565 : vector<16xf32> to vector<16x1xf32>
      %mul3A_567 = vector.broadcast %get3A_561 : vector<1x512xf32> to vector<16x512xf32>
      %mul3A_568 = arith.mulf %mul3A_567, %get3A_434 : vector<16x512xf32>
      %add3A_569 = arith.addf %get3A_431, %mul3A_568 : vector<16x512xf32>
      %exp23A_570 = math.exp2 %add3A_569 : vector<16x512xf32>
      %mul3A_571 = vector.broadcast %broadcast_in_dim3A_566 : vector<16x1xf32> to vector<16x512xf32>
      %mul3A_572 = arith.mulf %exp23A_570, %mul3A_571 : vector<16x512xf32>
      %swap3A_573 = arith.constant 5 : index
      %swap3A_574 = arith.constant 0 : index
      %swap3A_575 = arith.constant 1024 : index
      %swap3A_576 = vector.load %arg7[%swap3A_573, %swap3A_574, %swap3A_575] : memref<8x16x4096xf32, #tpu.memory_space<vmem>>, vector<1x16x512xf32>
      %swap3A_577 = vector.shape_cast %swap3A_576 : vector<1x16x512xf32> to vector<16x512xf32>
      %swap3A_578 = vector.shape_cast %mul3A_572 : vector<16x512xf32> to vector<1x16x512xf32>
      tpu.vector_store %arg7[%swap3A_573, %swap3A_574, %swap3A_575], %swap3A_578 {strides = array<i32>} : memref<8x16x4096xf32, #tpu.memory_space<vmem>>, vector<1x16x512xf32>,
      %mul3A_579 = arith.constant 8 : i32
      %mul3A_580 = arith.muli %arg0, %mul3A_579 : i32
      %add3A_581 = arith.constant 6 : i32
      %add3A_582 = arith.addi %mul3A_580, %add3A_581 : i32
      %get3A_583 = arith.index_cast %add3A_582 : i32 to index
      %get3A_584 = arith.constant 1024 : index
      %get3A_585 = vector.load %arg6[%get3A_583, %get3A_584] : memref<128x4096xf32, #tpu.memory_space<vmem>>, vector<1x512xf32>
      %get3A_586 = arith.constant 6 : index
      %get3A_587 = arith.constant 0 : index
      %get3A_588 = vector.load %arg4[%get3A_586, %get3A_587] : memref<8x16xf32, #tpu.memory_space<vmem>>, vector<1x16xf32>
      %get3A_589 = vector.shape_cast %get3A_588 : vector<1x16xf32> to vector<16xf32>
      %broadcast_in_dim3A_590 = vector.shape_cast %get3A_589 : vector<16xf32> to vector<16x1xf32>
      %mul3A_591 = vector.broadcast %get3A_585 : vector<1x512xf32> to vector<16x512xf32>
      %mul3A_592 = arith.mulf %mul3A_591, %get3A_434 : vector<16x512xf32>
      %add3A_593 = arith.addf %get3A_431, %mul3A_592 : vector<16x512xf32>
      %exp23A_594 = math.exp2 %add3A_593 : vector<16x512xf32>
      %mul3A_595 = vector.broadcast %broadcast_in_dim3A_590 : vector<16x1xf32> to vector<16x512xf32>
      %mul3A_596 = arith.mulf %exp23A_594, %mul3A_595 : vector<16x512xf32>
      %swap3A_597 = arith.constant 6 : index
      %swap3A_598 = arith.constant 0 : index
      %swap3A_599 = arith.constant 1024 : index
      %swap3A_600 = vector.load %arg7[%swap3A_597, %swap3A_598, %swap3A_599] : memref<8x16x4096xf32, #tpu.memory_space<vmem>>, vector<1x16x512xf32>
      %swap3A_601 = vector.shape_cast %swap3A_600 : vector<1x16x512xf32> to vector<16x512xf32>
      %swap3A_602 = vector.shape_cast %mul3A_596 : vector<16x512xf32> to vector<1x16x512xf32>
      tpu.vector_store %arg7[%swap3A_597, %swap3A_598, %swap3A_599], %swap3A_602 {strides = array<i32>} : memref<8x16x4096xf32, #tpu.memory_space<vmem>>, vector<1x16x512xf32>,
      %mul3A_603 = arith.constant 8 : i32
      %mul3A_604 = arith.muli %arg0, %mul3A_603 : i32
      %add3A_605 = arith.constant 7 : i32
      %add3A_606 = arith.addi %mul3A_604, %add3A_605 : i32
      %get3A_607 = arith.index_cast %add3A_606 : i32 to index
      %get3A_608 = arith.constant 1024 : index
      %get3A_609 = vector.load %arg6[%get3A_607, %get3A_608] : memref<128x4096xf32, #tpu.memory_space<vmem>>, vector<1x512xf32>
      %get3A_610 = arith.constant 7 : index
      %get3A_611 = arith.constant 0 : index
      %get3A_612 = vector.load %arg4[%get3A_610, %get3A_611] : memref<8x16xf32, #tpu.memory_space<vmem>>, vector<1x16xf32>
      %get3A_613 = vector.shape_cast %get3A_612 : vector<1x16xf32> to vector<16xf32>
      %broadcast_in_dim3A_614 = vector.shape_cast %get3A_613 : vector<16xf32> to vector<16x1xf32>
      %mul3A_615 = vector.broadcast %get3A_609 : vector<1x512xf32> to vector<16x512xf32>
      %mul3A_616 = arith.mulf %mul3A_615, %get3A_434 : vector<16x512xf32>
      %add3A_617 = arith.addf %get3A_431, %mul3A_616 : vector<16x512xf32>
      %exp23A_618 = math.exp2 %add3A_617 : vector<16x512xf32>
      %mul3A_619 = vector.broadcast %broadcast_in_dim3A_614 : vector<16x1xf32> to vector<16x512xf32>
      %mul3A_620 = arith.mulf %exp23A_618, %mul3A_619 : vector<16x512xf32>
      %swap3A_621 = arith.constant 7 : index
      %swap3A_622 = arith.constant 0 : index
      %swap3A_623 = arith.constant 1024 : index
      %swap3A_624 = vector.load %arg7[%swap3A_621, %swap3A_622, %swap3A_623] : memref<8x16x4096xf32, #tpu.memory_space<vmem>>, vector<1x16x512xf32>
      %swap3A_625 = vector.shape_cast %swap3A_624 : vector<1x16x512xf32> to vector<16x512xf32>
      %swap3A_626 = vector.shape_cast %mul3A_620 : vector<16x512xf32> to vector<1x16x512xf32>
      tpu.vector_store %arg7[%swap3A_621, %swap3A_622, %swap3A_623], %swap3A_626 {strides = array<i32>} : memref<8x16x4096xf32, #tpu.memory_space<vmem>>, vector<1x16x512xf32>,
      %get3A_627 = arith.constant 0 : index
      %get3A_628 = arith.constant 1536 : index
      %get3A_629 = vector.load %arg2[%get3A_627, %get3A_628] : memref<16x4096xf32, #tpu.memory_space<vmem>>, vector<16x512xf32>
      %get3A_630 = arith.constant 0 : index
      %get3A_631 = arith.constant 1536 : index
      %get3A_632 = vector.load %arg3[%get3A_630, %get3A_631] : memref<16x4096xf32, #tpu.memory_space<vmem>>, vector<16x512xf32>
      %mul3A_633 = arith.constant 8 : i32
      %mul3A_634 = arith.muli %arg0, %mul3A_633 : i32
      %add3A_635 = arith.constant 0 : i32
      %add3A_636 = arith.addi %mul3A_634, %add3A_635 : i32
      %get3A_637 = arith.index_cast %add3A_636 : i32 to index
      %get3A_638 = arith.constant 1536 : index
      %get3A_639 = vector.load %arg6[%get3A_637, %get3A_638] : memref<128x4096xf32, #tpu.memory_space<vmem>>, vector<1x512xf32>
      %get3A_640 = arith.constant 0 : index
      %get3A_641 = arith.constant 0 : index
      %get3A_642 = vector.load %arg4[%get3A_640, %get3A_641] : memref<8x16xf32, #tpu.memory_space<vmem>>, vector<1x16xf32>
      %get3A_643 = vector.shape_cast %get3A_642 : vector<1x16xf32> to vector<16xf32>
      %broadcast_in_dim3A_644 = vector.shape_cast %get3A_643 : vector<16xf32> to vector<16x1xf32>
      %mul3A_645 = vector.broadcast %get3A_639 : vector<1x512xf32> to vector<16x512xf32>
      %mul3A_646 = arith.mulf %mul3A_645, %get3A_632 : vector<16x512xf32>
      %add3A_647 = arith.addf %get3A_629, %mul3A_646 : vector<16x512xf32>
      %exp23A_648 = math.exp2 %add3A_647 : vector<16x512xf32>
      %mul3A_649 = vector.broadcast %broadcast_in_dim3A_644 : vector<16x1xf32> to vector<16x512xf32>
      %mul3A_650 = arith.mulf %exp23A_648, %mul3A_649 : vector<16x512xf32>
      %swap3A_651 = arith.constant 0 : index
      %swap3A_652 = arith.constant 0 : index
      %swap3A_653 = arith.constant 1536 : index
      %swap3A_654 = vector.load %arg7[%swap3A_651, %swap3A_652, %swap3A_653] : memref<8x16x4096xf32, #tpu.memory_space<vmem>>, vector<1x16x512xf32>
      %swap3A_655 = vector.shape_cast %swap3A_654 : vector<1x16x512xf32> to vector<16x512xf32>
      %swap3A_656 = vector.shape_cast %mul3A_650 : vector<16x512xf32> to vector<1x16x512xf32>
      tpu.vector_store %arg7[%swap3A_651, %swap3A_652, %swap3A_653], %swap3A_656 {strides = array<i32>} : memref<8x16x4096xf32, #tpu.memory_space<vmem>>, vector<1x16x512xf32>,
      %mul3A_657 = arith.constant 8 : i32
      %mul3A_658 = arith.muli %arg0, %mul3A_657 : i32
      %add3A_659 = arith.constant 1 : i32
      %add3A_660 = arith.addi %mul3A_658, %add3A_659 : i32
      %get3A_661 = arith.index_cast %add3A_660 : i32 to index
      %get3A_662 = arith.constant 1536 : index
      %get3A_663 = vector.load %arg6[%get3A_661, %get3A_662] : memref<128x4096xf32, #tpu.memory_space<vmem>>, vector<1x512xf32>
      %get3A_664 = arith.constant 1 : index
      %get3A_665 = arith.constant 0 : index
      %get3A_666 = vector.load %arg4[%get3A_664, %get3A_665] : memref<8x16xf32, #tpu.memory_space<vmem>>, vector<1x16xf32>
      %get3A_667 = vector.shape_cast %get3A_666 : vector<1x16xf32> to vector<16xf32>
      %broadcast_in_dim3A_668 = vector.shape_cast %get3A_667 : vector<16xf32> to vector<16x1xf32>
      %mul3A_669 = vector.broadcast %get3A_663 : vector<1x512xf32> to vector<16x512xf32>
      %mul3A_670 = arith.mulf %mul3A_669, %get3A_632 : vector<16x512xf32>
      %add3A_671 = arith.addf %get3A_629, %mul3A_670 : vector<16x512xf32>
      %exp23A_672 = math.exp2 %add3A_671 : vector<16x512xf32>
      %mul3A_673 = vector.broadcast %broadcast_in_dim3A_668 : vector<16x1xf32> to vector<16x512xf32>
      %mul3A_674 = arith.mulf %exp23A_672, %mul3A_673 : vector<16x512xf32>
      %swap3A_675 = arith.constant 1 : index
      %swap3A_676 = arith.constant 0 : index
      %swap3A_677 = arith.constant 1536 : index
      %swap3A_678 = vector.load %arg7[%swap3A_675, %swap3A_676, %swap3A_677] : memref<8x16x4096xf32, #tpu.memory_space<vmem>>, vector<1x16x512xf32>
      %swap3A_679 = vector.shape_cast %swap3A_678 : vector<1x16x512xf32> to vector<16x512xf32>
      %swap3A_680 = vector.shape_cast %mul3A_674 : vector<16x512xf32> to vector<1x16x512xf32>
      tpu.vector_store %arg7[%swap3A_675, %swap3A_676, %swap3A_677], %swap3A_680 {strides = array<i32>} : memref<8x16x4096xf32, #tpu.memory_space<vmem>>, vector<1x16x512xf32>,
      %mul3A_681 = arith.constant 8 : i32
      %mul3A_682 = arith.muli %arg0, %mul3A_681 : i32
      %add3A_683 = arith.constant 2 : i32
      %add3A_684 = arith.addi %mul3A_682, %add3A_683 : i32
      %get3A_685 = arith.index_cast %add3A_684 : i32 to index
      %get3A_686 = arith.constant 1536 : index
      %get3A_687 = vector.load %arg6[%get3A_685, %get3A_686] : memref<128x4096xf32, #tpu.memory_space<vmem>>, vector<1x512xf32>
      %get3A_688 = arith.constant 2 : index
      %get3A_689 = arith.constant 0 : index
      %get3A_690 = vector.load %arg4[%get3A_688, %get3A_689] : memref<8x16xf32, #tpu.memory_space<vmem>>, vector<1x16xf32>
      %get3A_691 = vector.shape_cast %get3A_690 : vector<1x16xf32> to vector<16xf32>
      %broadcast_in_dim3A_692 = vector.shape_cast %get3A_691 : vector<16xf32> to vector<16x1xf32>
      %mul3A_693 = vector.broadcast %get3A_687 : vector<1x512xf32> to vector<16x512xf32>
      %mul3A_694 = arith.mulf %mul3A_693, %get3A_632 : vector<16x512xf32>
      %add3A_695 = arith.addf %get3A_629, %mul3A_694 : vector<16x512xf32>
      %exp23A_696 = math.exp2 %add3A_695 : vector<16x512xf32>
      %mul3A_697 = vector.broadcast %broadcast_in_dim3A_692 : vector<16x1xf32> to vector<16x512xf32>
      %mul3A_698 = arith.mulf %exp23A_696, %mul3A_697 : vector<16x512xf32>
      %swap3A_699 = arith.constant 2 : index
      %swap3A_700 = arith.constant 0 : index
      %swap3A_701 = arith.constant 1536 : index
      %swap3A_702 = vector.load %arg7[%swap3A_699, %swap3A_700, %swap3A_701] : memref<8x16x4096xf32, #tpu.memory_space<vmem>>, vector<1x16x512xf32>
      %swap3A_703 = vector.shape_cast %swap3A_702 : vector<1x16x512xf32> to vector<16x512xf32>
      %swap3A_704 = vector.shape_cast %mul3A_698 : vector<16x512xf32> to vector<1x16x512xf32>
      tpu.vector_store %arg7[%swap3A_699, %swap3A_700, %swap3A_701], %swap3A_704 {strides = array<i32>} : memref<8x16x4096xf32, #tpu.memory_space<vmem>>, vector<1x16x512xf32>,
      %mul3A_705 = arith.constant 8 : i32
      %mul3A_706 = arith.muli %arg0, %mul3A_705 : i32
      %add3A_707 = arith.constant 3 : i32
      %add3A_708 = arith.addi %mul3A_706, %add3A_707 : i32
      %get3A_709 = arith.index_cast %add3A_708 : i32 to index
      %get3A_710 = arith.constant 1536 : index
      %get3A_711 = vector.load %arg6[%get3A_709, %get3A_710] : memref<128x4096xf32, #tpu.memory_space<vmem>>, vector<1x512xf32>
      %get3A_712 = arith.constant 3 : index
      %get3A_713 = arith.constant 0 : index
      %get3A_714 = vector.load %arg4[%get3A_712, %get3A_713] : memref<8x16xf32, #tpu.memory_space<vmem>>, vector<1x16xf32>
      %get3A_715 = vector.shape_cast %get3A_714 : vector<1x16xf32> to vector<16xf32>
      %broadcast_in_dim3A_716 = vector.shape_cast %get3A_715 : vector<16xf32> to vector<16x1xf32>
      %mul3A_717 = vector.broadcast %get3A_711 : vector<1x512xf32> to vector<16x512xf32>
      %mul3A_718 = arith.mulf %mul3A_717, %get3A_632 : vector<16x512xf32>
      %add3A_719 = arith.addf %get3A_629, %mul3A_718 : vector<16x512xf32>
      %exp23A_720 = math.exp2 %add3A_719 : vector<16x512xf32>
      %mul3A_721 = vector.broadcast %broadcast_in_dim3A_716 : vector<16x1xf32> to vector<16x512xf32>
      %mul3A_722 = arith.mulf %exp23A_720, %mul3A_721 : vector<16x512xf32>
      %swap3A_723 = arith.constant 3 : index
      %swap3A_724 = arith.constant 0 : index
      %swap3A_725 = arith.constant 1536 : index
      %swap3A_726 = vector.load %arg7[%swap3A_723, %swap3A_724, %swap3A_725] : memref<8x16x4096xf32, #tpu.memory_space<vmem>>, vector<1x16x512xf32>
      %swap3A_727 = vector.shape_cast %swap3A_726 : vector<1x16x512xf32> to vector<16x512xf32>
      %swap3A_728 = vector.shape_cast %mul3A_722 : vector<16x512xf32> to vector<1x16x512xf32>
      tpu.vector_store %arg7[%swap3A_723, %swap3A_724, %swap3A_725], %swap3A_728 {strides = array<i32>} : memref<8x16x4096xf32, #tpu.memory_space<vmem>>, vector<1x16x512xf32>,
      %mul3A_729 = arith.constant 8 : i32
      %mul3A_730 = arith.muli %arg0, %mul3A_729 : i32
      %add3A_731 = arith.constant 4 : i32
      %add3A_732 = arith.addi %mul3A_730, %add3A_731 : i32
      %get3A_733 = arith.index_cast %add3A_732 : i32 to index
      %get3A_734 = arith.constant 1536 : index
      %get3A_735 = vector.load %arg6[%get3A_733, %get3A_734] : memref<128x4096xf32, #tpu.memory_space<vmem>>, vector<1x512xf32>
      %get3A_736 = arith.constant 4 : index
      %get3A_737 = arith.constant 0 : index
      %get3A_738 = vector.load %arg4[%get3A_736, %get3A_737] : memref<8x16xf32, #tpu.memory_space<vmem>>, vector<1x16xf32>
      %get3A_739 = vector.shape_cast %get3A_738 : vector<1x16xf32> to vector<16xf32>
      %broadcast_in_dim3A_740 = vector.shape_cast %get3A_739 : vector<16xf32> to vector<16x1xf32>
      %mul3A_741 = vector.broadcast %get3A_735 : vector<1x512xf32> to vector<16x512xf32>
      %mul3A_742 = arith.mulf %mul3A_741, %get3A_632 : vector<16x512xf32>
      %add3A_743 = arith.addf %get3A_629, %mul3A_742 : vector<16x512xf32>
      %exp23A_744 = math.exp2 %add3A_743 : vector<16x512xf32>
      %mul3A_745 = vector.broadcast %broadcast_in_dim3A_740 : vector<16x1xf32> to vector<16x512xf32>
      %mul3A_746 = arith.mulf %exp23A_744, %mul3A_745 : vector<16x512xf32>
      %swap3A_747 = arith.constant 4 : index
      %swap3A_748 = arith.constant 0 : index
      %swap3A_749 = arith.constant 1536 : index
      %swap3A_750 = vector.load %arg7[%swap3A_747, %swap3A_748, %swap3A_749] : memref<8x16x4096xf32, #tpu.memory_space<vmem>>, vector<1x16x512xf32>
      %swap3A_751 = vector.shape_cast %swap3A_750 : vector<1x16x512xf32> to vector<16x512xf32>
      %swap3A_752 = vector.shape_cast %mul3A_746 : vector<16x512xf32> to vector<1x16x512xf32>
      tpu.vector_store %arg7[%swap3A_747, %swap3A_748, %swap3A_749], %swap3A_752 {strides = array<i32>} : memref<8x16x4096xf32, #tpu.memory_space<vmem>>, vector<1x16x512xf32>,
      %mul3A_753 = arith.constant 8 : i32
      %mul3A_754 = arith.muli %arg0, %mul3A_753 : i32
      %add3A_755 = arith.constant 5 : i32
      %add3A_756 = arith.addi %mul3A_754, %add3A_755 : i32
      %get3A_757 = arith.index_cast %add3A_756 : i32 to index
      %get3A_758 = arith.constant 1536 : index
      %get3A_759 = vector.load %arg6[%get3A_757, %get3A_758] : memref<128x4096xf32, #tpu.memory_space<vmem>>, vector<1x512xf32>
      %get3A_760 = arith.constant 5 : index
      %get3A_761 = arith.constant 0 : index
      %get3A_762 = vector.load %arg4[%get3A_760, %get3A_761] : memref<8x16xf32, #tpu.memory_space<vmem>>, vector<1x16xf32>
      %get3A_763 = vector.shape_cast %get3A_762 : vector<1x16xf32> to vector<16xf32>
      %broadcast_in_dim3A_764 = vector.shape_cast %get3A_763 : vector<16xf32> to vector<16x1xf32>
      %mul3A_765 = vector.broadcast %get3A_759 : vector<1x512xf32> to vector<16x512xf32>
      %mul3A_766 = arith.mulf %mul3A_765, %get3A_632 : vector<16x512xf32>
      %add3A_767 = arith.addf %get3A_629, %mul3A_766 : vector<16x512xf32>
      %exp23A_768 = math.exp2 %add3A_767 : vector<16x512xf32>
      %mul3A_769 = vector.broadcast %broadcast_in_dim3A_764 : vector<16x1xf32> to vector<16x512xf32>
      %mul3A_770 = arith.mulf %exp23A_768, %mul3A_769 : vector<16x512xf32>
      %swap3A_771 = arith.constant 5 : index
      %swap3A_772 = arith.constant 0 : index
      %swap3A_773 = arith.constant 1536 : index
      %swap3A_774 = vector.load %arg7[%swap3A_771, %swap3A_772, %swap3A_773] : memref<8x16x4096xf32, #tpu.memory_space<vmem>>, vector<1x16x512xf32>
      %swap3A_775 = vector.shape_cast %swap3A_774 : vector<1x16x512xf32> to vector<16x512xf32>
      %swap3A_776 = vector.shape_cast %mul3A_770 : vector<16x512xf32> to vector<1x16x512xf32>
      tpu.vector_store %arg7[%swap3A_771, %swap3A_772, %swap3A_773], %swap3A_776 {strides = array<i32>} : memref<8x16x4096xf32, #tpu.memory_space<vmem>>, vector<1x16x512xf32>,
      %mul3A_777 = arith.constant 8 : i32
      %mul3A_778 = arith.muli %arg0, %mul3A_777 : i32
      %add3A_779 = arith.constant 6 : i32
      %add3A_780 = arith.addi %mul3A_778, %add3A_779 : i32
      %get3A_781 = arith.index_cast %add3A_780 : i32 to index
      %get3A_782 = arith.constant 1536 : index
      %get3A_783 = vector.load %arg6[%get3A_781, %get3A_782] : memref<128x4096xf32, #tpu.memory_space<vmem>>, vector<1x512xf32>
      %get3A_784 = arith.constant 6 : index
      %get3A_785 = arith.constant 0 : index
      %get3A_786 = vector.load %arg4[%get3A_784, %get3A_785] : memref<8x16xf32, #tpu.memory_space<vmem>>, vector<1x16xf32>
      %get3A_787 = vector.shape_cast %get3A_786 : vector<1x16xf32> to vector<16xf32>
      %broadcast_in_dim3A_788 = vector.shape_cast %get3A_787 : vector<16xf32> to vector<16x1xf32>
      %mul3A_789 = vector.broadcast %get3A_783 : vector<1x512xf32> to vector<16x512xf32>
      %mul3A_790 = arith.mulf %mul3A_789, %get3A_632 : vector<16x512xf32>
      %add3A_791 = arith.addf %get3A_629, %mul3A_790 : vector<16x512xf32>
      %exp23A_792 = math.exp2 %add3A_791 : vector<16x512xf32>
      %mul3A_793 = vector.broadcast %broadcast_in_dim3A_788 : vector<16x1xf32> to vector<16x512xf32>
      %mul3A_794 = arith.mulf %exp23A_792, %mul3A_793 : vector<16x512xf32>
      %swap3A_795 = arith.constant 6 : index
      %swap3A_796 = arith.constant 0 : index
      %swap3A_797 = arith.constant 1536 : index
      %swap3A_798 = vector.load %arg7[%swap3A_795, %swap3A_796, %swap3A_797] : memref<8x16x4096xf32, #tpu.memory_space<vmem>>, vector<1x16x512xf32>
      %swap3A_799 = vector.shape_cast %swap3A_798 : vector<1x16x512xf32> to vector<16x512xf32>
      %swap3A_800 = vector.shape_cast %mul3A_794 : vector<16x512xf32> to vector<1x16x512xf32>
      tpu.vector_store %arg7[%swap3A_795, %swap3A_796, %swap3A_797], %swap3A_800 {strides = array<i32>} : memref<8x16x4096xf32, #tpu.memory_space<vmem>>, vector<1x16x512xf32>,
      %mul3A_801 = arith.constant 8 : i32
      %mul3A_802 = arith.muli %arg0, %mul3A_801 : i32
      %add3A_803 = arith.constant 7 : i32
      %add3A_804 = arith.addi %mul3A_802, %add3A_803 : i32
      %get3A_805 = arith.index_cast %add3A_804 : i32 to index
      %get3A_806 = arith.constant 1536 : index
      %get3A_807 = vector.load %arg6[%get3A_805, %get3A_806] : memref<128x4096xf32, #tpu.memory_space<vmem>>, vector<1x512xf32>
      %get3A_808 = arith.constant 7 : index
      %get3A_809 = arith.constant 0 : index
      %get3A_810 = vector.load %arg4[%get3A_808, %get3A_809] : memref<8x16xf32, #tpu.memory_space<vmem>>, vector<1x16xf32>
      %get3A_811 = vector.shape_cast %get3A_810 : vector<1x16xf32> to vector<16xf32>
      %broadcast_in_dim3A_812 = vector.shape_cast %get3A_811 : vector<16xf32> to vector<16x1xf32>
      %mul3A_813 = vector.broadcast %get3A_807 : vector<1x512xf32> to vector<16x512xf32>
      %mul3A_814 = arith.mulf %mul3A_813, %get3A_632 : vector<16x512xf32>
      %add3A_815 = arith.addf %get3A_629, %mul3A_814 : vector<16x512xf32>
      %exp23A_816 = math.exp2 %add3A_815 : vector<16x512xf32>
      %mul3A_817 = vector.broadcast %broadcast_in_dim3A_812 : vector<16x1xf32> to vector<16x512xf32>
      %mul3A_818 = arith.mulf %exp23A_816, %mul3A_817 : vector<16x512xf32>
      %swap3A_819 = arith.constant 7 : index
      %swap3A_820 = arith.constant 0 : index
      %swap3A_821 = arith.constant 1536 : index
      %swap3A_822 = vector.load %arg7[%swap3A_819, %swap3A_820, %swap3A_821] : memref<8x16x4096xf32, #tpu.memory_space<vmem>>, vector<1x16x512xf32>
      %swap3A_823 = vector.shape_cast %swap3A_822 : vector<1x16x512xf32> to vector<16x512xf32>
      %swap3A_824 = vector.shape_cast %mul3A_818 : vector<16x512xf32> to vector<1x16x512xf32>
      tpu.vector_store %arg7[%swap3A_819, %swap3A_820, %swap3A_821], %swap3A_824 {strides = array<i32>} : memref<8x16x4096xf32, #tpu.memory_space<vmem>>, vector<1x16x512xf32>,
      %get3A_825 = arith.constant 0 : index
      %get3A_826 = arith.constant 2048 : index
      %get3A_827 = vector.load %arg2[%get3A_825, %get3A_826] : memref<16x4096xf32, #tpu.memory_space<vmem>>, vector<16x512xf32>
      %get3A_828 = arith.constant 0 : index
      %get3A_829 = arith.constant 2048 : index
      %get3A_830 = vector.load %arg3[%get3A_828, %get3A_829] : memref<16x4096xf32, #tpu.memory_space<vmem>>, vector<16x512xf32>
      %mul3A_831 = arith.constant 8 : i32
      %mul3A_832 = arith.muli %arg0, %mul3A_831 : i32
      %add3A_833 = arith.constant 0 : i32
      %add3A_834 = arith.addi %mul3A_832, %add3A_833 : i32
      %get3A_835 = arith.index_cast %add3A_834 : i32 to index
      %get3A_836 = arith.constant 2048 : index
      %get3A_837 = vector.load %arg6[%get3A_835, %get3A_836] : memref<128x4096xf32, #tpu.memory_space<vmem>>, vector<1x512xf32>
      %get3A_838 = arith.constant 0 : index
      %get3A_839 = arith.constant 0 : index
      %get3A_840 = vector.load %arg4[%get3A_838, %get3A_839] : memref<8x16xf32, #tpu.memory_space<vmem>>, vector<1x16xf32>
      %get3A_841 = vector.shape_cast %get3A_840 : vector<1x16xf32> to vector<16xf32>
      %broadcast_in_dim3A_842 = vector.shape_cast %get3A_841 : vector<16xf32> to vector<16x1xf32>
      %mul3A_843 = vector.broadcast %get3A_837 : vector<1x512xf32> to vector<16x512xf32>
      %mul3A_844 = arith.mulf %mul3A_843, %get3A_830 : vector<16x512xf32>
      %add3A_845 = arith.addf %get3A_827, %mul3A_844 : vector<16x512xf32>
      %exp23A_846 = math.exp2 %add3A_845 : vector<16x512xf32>
      %mul3A_847 = vector.broadcast %broadcast_in_dim3A_842 : vector<16x1xf32> to vector<16x512xf32>
      %mul3A_848 = arith.mulf %exp23A_846, %mul3A_847 : vector<16x512xf32>
      %swap3A_849 = arith.constant 0 : index
      %swap3A_850 = arith.constant 0 : index
      %swap3A_851 = arith.constant 2048 : index
      %swap3A_852 = vector.load %arg7[%swap3A_849, %swap3A_850, %swap3A_851] : memref<8x16x4096xf32, #tpu.memory_space<vmem>>, vector<1x16x512xf32>
      %swap3A_853 = vector.shape_cast %swap3A_852 : vector<1x16x512xf32> to vector<16x512xf32>
      %swap3A_854 = vector.shape_cast %mul3A_848 : vector<16x512xf32> to vector<1x16x512xf32>
      tpu.vector_store %arg7[%swap3A_849, %swap3A_850, %swap3A_851], %swap3A_854 {strides = array<i32>} : memref<8x16x4096xf32, #tpu.memory_space<vmem>>, vector<1x16x512xf32>,
      %mul3A_855 = arith.constant 8 : i32
      %mul3A_856 = arith.muli %arg0, %mul3A_855 : i32
      %add3A_857 = arith.constant 1 : i32
      %add3A_858 = arith.addi %mul3A_856, %add3A_857 : i32
      %get3A_859 = arith.index_cast %add3A_858 : i32 to index
      %get3A_860 = arith.constant 2048 : index
      %get3A_861 = vector.load %arg6[%get3A_859, %get3A_860] : memref<128x4096xf32, #tpu.memory_space<vmem>>, vector<1x512xf32>
      %get3A_862 = arith.constant 1 : index
      %get3A_863 = arith.constant 0 : index
      %get3A_864 = vector.load %arg4[%get3A_862, %get3A_863] : memref<8x16xf32, #tpu.memory_space<vmem>>, vector<1x16xf32>
      %get3A_865 = vector.shape_cast %get3A_864 : vector<1x16xf32> to vector<16xf32>
      %broadcast_in_dim3A_866 = vector.shape_cast %get3A_865 : vector<16xf32> to vector<16x1xf32>
      %mul3A_867 = vector.broadcast %get3A_861 : vector<1x512xf32> to vector<16x512xf32>
      %mul3A_868 = arith.mulf %mul3A_867, %get3A_830 : vector<16x512xf32>
      %add3A_869 = arith.addf %get3A_827, %mul3A_868 : vector<16x512xf32>
      %exp23A_870 = math.exp2 %add3A_869 : vector<16x512xf32>
      %mul3A_871 = vector.broadcast %broadcast_in_dim3A_866 : vector<16x1xf32> to vector<16x512xf32>
      %mul3A_872 = arith.mulf %exp23A_870, %mul3A_871 : vector<16x512xf32>
      %swap3A_873 = arith.constant 1 : index
      %swap3A_874 = arith.constant 0 : index
      %swap3A_875 = arith.constant 2048 : index
      %swap3A_876 = vector.load %arg7[%swap3A_873, %swap3A_874, %swap3A_875] : memref<8x16x4096xf32, #tpu.memory_space<vmem>>, vector<1x16x512xf32>
      %swap3A_877 = vector.shape_cast %swap3A_876 : vector<1x16x512xf32> to vector<16x512xf32>
      %swap3A_878 = vector.shape_cast %mul3A_872 : vector<16x512xf32> to vector<1x16x512xf32>
      tpu.vector_store %arg7[%swap3A_873, %swap3A_874, %swap3A_875], %swap3A_878 {strides = array<i32>} : memref<8x16x4096xf32, #tpu.memory_space<vmem>>, vector<1x16x512xf32>,
      %mul3A_879 = arith.constant 8 : i32
      %mul3A_880 = arith.muli %arg0, %mul3A_879 : i32
      %add3A_881 = arith.constant 2 : i32
      %add3A_882 = arith.addi %mul3A_880, %add3A_881 : i32
      %get3A_883 = arith.index_cast %add3A_882 : i32 to index
      %get3A_884 = arith.constant 2048 : index
      %get3A_885 = vector.load %arg6[%get3A_883, %get3A_884] : memref<128x4096xf32, #tpu.memory_space<vmem>>, vector<1x512xf32>
      %get3A_886 = arith.constant 2 : index
      %get3A_887 = arith.constant 0 : index
      %get3A_888 = vector.load %arg4[%get3A_886, %get3A_887] : memref<8x16xf32, #tpu.memory_space<vmem>>, vector<1x16xf32>
      %get3A_889 = vector.shape_cast %get3A_888 : vector<1x16xf32> to vector<16xf32>
      %broadcast_in_dim3A_890 = vector.shape_cast %get3A_889 : vector<16xf32> to vector<16x1xf32>
      %mul3A_891 = vector.broadcast %get3A_885 : vector<1x512xf32> to vector<16x512xf32>
      %mul3A_892 = arith.mulf %mul3A_891, %get3A_830 : vector<16x512xf32>
      %add3A_893 = arith.addf %get3A_827, %mul3A_892 : vector<16x512xf32>
      %exp23A_894 = math.exp2 %add3A_893 : vector<16x512xf32>
      %mul3A_895 = vector.broadcast %broadcast_in_dim3A_890 : vector<16x1xf32> to vector<16x512xf32>
      %mul3A_896 = arith.mulf %exp23A_894, %mul3A_895 : vector<16x512xf32>
      %swap3A_897 = arith.constant 2 : index
      %swap3A_898 = arith.constant 0 : index
      %swap3A_899 = arith.constant 2048 : index
      %swap3A_900 = vector.load %arg7[%swap3A_897, %swap3A_898, %swap3A_899] : memref<8x16x4096xf32, #tpu.memory_space<vmem>>, vector<1x16x512xf32>
      %swap3A_901 = vector.shape_cast %swap3A_900 : vector<1x16x512xf32> to vector<16x512xf32>
      %swap3A_902 = vector.shape_cast %mul3A_896 : vector<16x512xf32> to vector<1x16x512xf32>
      tpu.vector_store %arg7[%swap3A_897, %swap3A_898, %swap3A_899], %swap3A_902 {strides = array<i32>} : memref<8x16x4096xf32, #tpu.memory_space<vmem>>, vector<1x16x512xf32>,
      %mul3A_903 = arith.constant 8 : i32
      %mul3A_904 = arith.muli %arg0, %mul3A_903 : i32
      %add3A_905 = arith.constant 3 : i32
      %add3A_906 = arith.addi %mul3A_904, %add3A_905 : i32
      %get3A_907 = arith.index_cast %add3A_906 : i32 to index
      %get3A_908 = arith.constant 2048 : index
      %get3A_909 = vector.load %arg6[%get3A_907, %get3A_908] : memref<128x4096xf32, #tpu.memory_space<vmem>>, vector<1x512xf32>
      %get3A_910 = arith.constant 3 : index
      %get3A_911 = arith.constant 0 : index
      %get3A_912 = vector.load %arg4[%get3A_910, %get3A_911] : memref<8x16xf32, #tpu.memory_space<vmem>>, vector<1x16xf32>
      %get3A_913 = vector.shape_cast %get3A_912 : vector<1x16xf32> to vector<16xf32>
      %broadcast_in_dim3A_914 = vector.shape_cast %get3A_913 : vector<16xf32> to vector<16x1xf32>
      %mul3A_915 = vector.broadcast %get3A_909 : vector<1x512xf32> to vector<16x512xf32>
      %mul3A_916 = arith.mulf %mul3A_915, %get3A_830 : vector<16x512xf32>
      %add3A_917 = arith.addf %get3A_827, %mul3A_916 : vector<16x512xf32>
      %exp23A_918 = math.exp2 %add3A_917 : vector<16x512xf32>
      %mul3A_919 = vector.broadcast %broadcast_in_dim3A_914 : vector<16x1xf32> to vector<16x512xf32>
      %mul3A_920 = arith.mulf %exp23A_918, %mul3A_919 : vector<16x512xf32>
      %swap3A_921 = arith.constant 3 : index
      %swap3A_922 = arith.constant 0 : index
      %swap3A_923 = arith.constant 2048 : index
      %swap3A_924 = vector.load %arg7[%swap3A_921, %swap3A_922, %swap3A_923] : memref<8x16x4096xf32, #tpu.memory_space<vmem>>, vector<1x16x512xf32>
      %swap3A_925 = vector.shape_cast %swap3A_924 : vector<1x16x512xf32> to vector<16x512xf32>
      %swap3A_926 = vector.shape_cast %mul3A_920 : vector<16x512xf32> to vector<1x16x512xf32>
      tpu.vector_store %arg7[%swap3A_921, %swap3A_922, %swap3A_923], %swap3A_926 {strides = array<i32>} : memref<8x16x4096xf32, #tpu.memory_space<vmem>>, vector<1x16x512xf32>,
      %mul3A_927 = arith.constant 8 : i32
      %mul3A_928 = arith.muli %arg0, %mul3A_927 : i32
      %add3A_929 = arith.constant 4 : i32
      %add3A_930 = arith.addi %mul3A_928, %add3A_929 : i32
      %get3A_931 = arith.index_cast %add3A_930 : i32 to index
      %get3A_932 = arith.constant 2048 : index
      %get3A_933 = vector.load %arg6[%get3A_931, %get3A_932] : memref<128x4096xf32, #tpu.memory_space<vmem>>, vector<1x512xf32>
      %get3A_934 = arith.constant 4 : index
      %get3A_935 = arith.constant 0 : index
      %get3A_936 = vector.load %arg4[%get3A_934, %get3A_935] : memref<8x16xf32, #tpu.memory_space<vmem>>, vector<1x16xf32>
      %get3A_937 = vector.shape_cast %get3A_936 : vector<1x16xf32> to vector<16xf32>
      %broadcast_in_dim3A_938 = vector.shape_cast %get3A_937 : vector<16xf32> to vector<16x1xf32>
      %mul3A_939 = vector.broadcast %get3A_933 : vector<1x512xf32> to vector<16x512xf32>
      %mul3A_940 = arith.mulf %mul3A_939, %get3A_830 : vector<16x512xf32>
      %add3A_941 = arith.addf %get3A_827, %mul3A_940 : vector<16x512xf32>
      %exp23A_942 = math.exp2 %add3A_941 : vector<16x512xf32>
      %mul3A_943 = vector.broadcast %broadcast_in_dim3A_938 : vector<16x1xf32> to vector<16x512xf32>
      %mul3A_944 = arith.mulf %exp23A_942, %mul3A_943 : vector<16x512xf32>
      %swap3A_945 = arith.constant 4 : index
      %swap3A_946 = arith.constant 0 : index
      %swap3A_947 = arith.constant 2048 : index
      %swap3A_948 = vector.load %arg7[%swap3A_945, %swap3A_946, %swap3A_947] : memref<8x16x4096xf32, #tpu.memory_space<vmem>>, vector<1x16x512xf32>
      %swap3A_949 = vector.shape_cast %swap3A_948 : vector<1x16x512xf32> to vector<16x512xf32>
      %swap3A_950 = vector.shape_cast %mul3A_944 : vector<16x512xf32> to vector<1x16x512xf32>
      tpu.vector_store %arg7[%swap3A_945, %swap3A_946, %swap3A_947], %swap3A_950 {strides = array<i32>} : memref<8x16x4096xf32, #tpu.memory_space<vmem>>, vector<1x16x512xf32>,
      %mul3A_951 = arith.constant 8 : i32
      %mul3A_952 = arith.muli %arg0, %mul3A_951 : i32
      %add3A_953 = arith.constant 5 : i32
      %add3A_954 = arith.addi %mul3A_952, %add3A_953 : i32
      %get3A_955 = arith.index_cast %add3A_954 : i32 to index
      %get3A_956 = arith.constant 2048 : index
      %get3A_957 = vector.load %arg6[%get3A_955, %get3A_956] : memref<128x4096xf32, #tpu.memory_space<vmem>>, vector<1x512xf32>
      %get3A_958 = arith.constant 5 : index
      %get3A_959 = arith.constant 0 : index
      %get3A_960 = vector.load %arg4[%get3A_958, %get3A_959] : memref<8x16xf32, #tpu.memory_space<vmem>>, vector<1x16xf32>
      %get3A_961 = vector.shape_cast %get3A_960 : vector<1x16xf32> to vector<16xf32>
      %broadcast_in_dim3A_962 = vector.shape_cast %get3A_961 : vector<16xf32> to vector<16x1xf32>
      %mul3A_963 = vector.broadcast %get3A_957 : vector<1x512xf32> to vector<16x512xf32>
      %mul3A_964 = arith.mulf %mul3A_963, %get3A_830 : vector<16x512xf32>
      %add3A_965 = arith.addf %get3A_827, %mul3A_964 : vector<16x512xf32>
      %exp23A_966 = math.exp2 %add3A_965 : vector<16x512xf32>
      %mul3A_967 = vector.broadcast %broadcast_in_dim3A_962 : vector<16x1xf32> to vector<16x512xf32>
      %mul3A_968 = arith.mulf %exp23A_966, %mul3A_967 : vector<16x512xf32>
      %swap3A_969 = arith.constant 5 : index
      %swap3A_970 = arith.constant 0 : index
      %swap3A_971 = arith.constant 2048 : index
      %swap3A_972 = vector.load %arg7[%swap3A_969, %swap3A_970, %swap3A_971] : memref<8x16x4096xf32, #tpu.memory_space<vmem>>, vector<1x16x512xf32>
      %swap3A_973 = vector.shape_cast %swap3A_972 : vector<1x16x512xf32> to vector<16x512xf32>
      %swap3A_974 = vector.shape_cast %mul3A_968 : vector<16x512xf32> to vector<1x16x512xf32>
      tpu.vector_store %arg7[%swap3A_969, %swap3A_970, %swap3A_971], %swap3A_974 {strides = array<i32>} : memref<8x16x4096xf32, #tpu.memory_space<vmem>>, vector<1x16x512xf32>,
      %mul3A_975 = arith.constant 8 : i32
      %mul3A_976 = arith.muli %arg0, %mul3A_975 : i32
      %add3A_977 = arith.constant 6 : i32
      %add3A_978 = arith.addi %mul3A_976, %add3A_977 : i32
      %get3A_979 = arith.index_cast %add3A_978 : i32 to index
      %get3A_980 = arith.constant 2048 : index
      %get3A_981 = vector.load %arg6[%get3A_979, %get3A_980] : memref<128x4096xf32, #tpu.memory_space<vmem>>, vector<1x512xf32>
      %get3A_982 = arith.constant 6 : index
      %get3A_983 = arith.constant 0 : index
      %get3A_984 = vector.load %arg4[%get3A_982, %get3A_983] : memref<8x16xf32, #tpu.memory_space<vmem>>, vector<1x16xf32>
      %get3A_985 = vector.shape_cast %get3A_984 : vector<1x16xf32> to vector<16xf32>
      %broadcast_in_dim3A_986 = vector.shape_cast %get3A_985 : vector<16xf32> to vector<16x1xf32>
      %mul3A_987 = vector.broadcast %get3A_981 : vector<1x512xf32> to vector<16x512xf32>
      %mul3A_988 = arith.mulf %mul3A_987, %get3A_830 : vector<16x512xf32>
      %add3A_989 = arith.addf %get3A_827, %mul3A_988 : vector<16x512xf32>
      %exp23A_990 = math.exp2 %add3A_989 : vector<16x512xf32>
      %mul3A_991 = vector.broadcast %broadcast_in_dim3A_986 : vector<16x1xf32> to vector<16x512xf32>
      %mul3A_992 = arith.mulf %exp23A_990, %mul3A_991 : vector<16x512xf32>
      %swap3A_993 = arith.constant 6 : index
      %swap3A_994 = arith.constant 0 : index
      %swap3A_995 = arith.constant 2048 : index
      %swap3A_996 = vector.load %arg7[%swap3A_993, %swap3A_994, %swap3A_995] : memref<8x16x4096xf32, #tpu.memory_space<vmem>>, vector<1x16x512xf32>
      %swap3A_997 = vector.shape_cast %swap3A_996 : vector<1x16x512xf32> to vector<16x512xf32>
      %swap3A_998 = vector.shape_cast %mul3A_992 : vector<16x512xf32> to vector<1x16x512xf32>
      tpu.vector_store %arg7[%swap3A_993, %swap3A_994, %swap3A_995], %swap3A_998 {strides = array<i32>} : memref<8x16x4096xf32, #tpu.memory_space<vmem>>, vector<1x16x512xf32>,
      %mul3A_999 = arith.constant 8 : i32
      %mul3A_1000 = arith.muli %arg0, %mul3A_999 : i32
      %add3A_1001 = arith.constant 7 : i32
      %add3A_1002 = arith.addi %mul3A_1000, %add3A_1001 : i32
      %get3A_1003 = arith.index_cast %add3A_1002 : i32 to index
      %get3A_1004 = arith.constant 2048 : index
      %get3A_1005 = vector.load %arg6[%get3A_1003, %get3A_1004] : memref<128x4096xf32, #tpu.memory_space<vmem>>, vector<1x512xf32>
      %get3A_1006 = arith.constant 7 : index
      %get3A_1007 = arith.constant 0 : index
      %get3A_1008 = vector.load %arg4[%get3A_1006, %get3A_1007] : memref<8x16xf32, #tpu.memory_space<vmem>>, vector<1x16xf32>
      %get3A_1009 = vector.shape_cast %get3A_1008 : vector<1x16xf32> to vector<16xf32>
      %broadcast_in_dim3A_1010 = vector.shape_cast %get3A_1009 : vector<16xf32> to vector<16x1xf32>
      %mul3A_1011 = vector.broadcast %get3A_1005 : vector<1x512xf32> to vector<16x512xf32>
      %mul3A_1012 = arith.mulf %mul3A_1011, %get3A_830 : vector<16x512xf32>
      %add3A_1013 = arith.addf %get3A_827, %mul3A_1012 : vector<16x512xf32>
      %exp23A_1014 = math.exp2 %add3A_1013 : vector<16x512xf32>
      %mul3A_1015 = vector.broadcast %broadcast_in_dim3A_1010 : vector<16x1xf32> to vector<16x512xf32>
      %mul3A_1016 = arith.mulf %exp23A_1014, %mul3A_1015 : vector<16x512xf32>
      %swap3A_1017 = arith.constant 7 : index
      %swap3A_1018 = arith.constant 0 : index
      %swap3A_1019 = arith.constant 2048 : index
      %swap3A_1020 = vector.load %arg7[%swap3A_1017, %swap3A_1018, %swap3A_1019] : memref<8x16x4096xf32, #tpu.memory_space<vmem>>, vector<1x16x512xf32>
      %swap3A_1021 = vector.shape_cast %swap3A_1020 : vector<1x16x512xf32> to vector<16x512xf32>
      %swap3A_1022 = vector.shape_cast %mul3A_1016 : vector<16x512xf32> to vector<1x16x512xf32>
      tpu.vector_store %arg7[%swap3A_1017, %swap3A_1018, %swap3A_1019], %swap3A_1022 {strides = array<i32>} : memref<8x16x4096xf32, #tpu.memory_space<vmem>>, vector<1x16x512xf32>,
      %get3A_1023 = arith.constant 0 : index
      %get3A_1024 = arith.constant 2560 : index
      %get3A_1025 = vector.load %arg2[%get3A_1023, %get3A_1024] : memref<16x4096xf32, #tpu.memory_space<vmem>>, vector<16x512xf32>
      %get3A_1026 = arith.constant 0 : index
      %get3A_1027 = arith.constant 2560 : index
      %get3A_1028 = vector.load %arg3[%get3A_1026, %get3A_1027] : memref<16x4096xf32, #tpu.memory_space<vmem>>, vector<16x512xf32>
      %mul3A_1029 = arith.constant 8 : i32
      %mul3A_1030 = arith.muli %arg0, %mul3A_1029 : i32
      %add3A_1031 = arith.constant 0 : i32
      %add3A_1032 = arith.addi %mul3A_1030, %add3A_1031 : i32
      %get3A_1033 = arith.index_cast %add3A_1032 : i32 to index
      %get3A_1034 = arith.constant 2560 : index
      %get3A_1035 = vector.load %arg6[%get3A_1033, %get3A_1034] : memref<128x4096xf32, #tpu.memory_space<vmem>>, vector<1x512xf32>
      %get3A_1036 = arith.constant 0 : index
      %get3A_1037 = arith.constant 0 : index
      %get3A_1038 = vector.load %arg4[%get3A_1036, %get3A_1037] : memref<8x16xf32, #tpu.memory_space<vmem>>, vector<1x16xf32>
      %get3A_1039 = vector.shape_cast %get3A_1038 : vector<1x16xf32> to vector<16xf32>
      %broadcast_in_dim3A_1040 = vector.shape_cast %get3A_1039 : vector<16xf32> to vector<16x1xf32>
      %mul3A_1041 = vector.broadcast %get3A_1035 : vector<1x512xf32> to vector<16x512xf32>
      %mul3A_1042 = arith.mulf %mul3A_1041, %get3A_1028 : vector<16x512xf32>
      %add3A_1043 = arith.addf %get3A_1025, %mul3A_1042 : vector<16x512xf32>
      %exp23A_1044 = math.exp2 %add3A_1043 : vector<16x512xf32>
      %mul3A_1045 = vector.broadcast %broadcast_in_dim3A_1040 : vector<16x1xf32> to vector<16x512xf32>
      %mul3A_1046 = arith.mulf %exp23A_1044, %mul3A_1045 : vector<16x512xf32>
      %swap3A_1047 = arith.constant 0 : index
      %swap3A_1048 = arith.constant 0 : index
      %swap3A_1049 = arith.constant 2560 : index
      %swap3A_1050 = vector.load %arg7[%swap3A_1047, %swap3A_1048, %swap3A_1049] : memref<8x16x4096xf32, #tpu.memory_space<vmem>>, vector<1x16x512xf32>
      %swap3A_1051 = vector.shape_cast %swap3A_1050 : vector<1x16x512xf32> to vector<16x512xf32>
      %swap3A_1052 = vector.shape_cast %mul3A_1046 : vector<16x512xf32> to vector<1x16x512xf32>
      tpu.vector_store %arg7[%swap3A_1047, %swap3A_1048, %swap3A_1049], %swap3A_1052 {strides = array<i32>} : memref<8x16x4096xf32, #tpu.memory_space<vmem>>, vector<1x16x512xf32>,
      %mul3A_1053 = arith.constant 8 : i32
      %mul3A_1054 = arith.muli %arg0, %mul3A_1053 : i32
      %add3A_1055 = arith.constant 1 : i32
      %add3A_1056 = arith.addi %mul3A_1054, %add3A_1055 : i32
      %get3A_1057 = arith.index_cast %add3A_1056 : i32 to index
      %get3A_1058 = arith.constant 2560 : index
      %get3A_1059 = vector.load %arg6[%get3A_1057, %get3A_1058] : memref<128x4096xf32, #tpu.memory_space<vmem>>, vector<1x512xf32>
      %get3A_1060 = arith.constant 1 : index
      %get3A_1061 = arith.constant 0 : index
      %get3A_1062 = vector.load %arg4[%get3A_1060, %get3A_1061] : memref<8x16xf32, #tpu.memory_space<vmem>>, vector<1x16xf32>
      %get3A_1063 = vector.shape_cast %get3A_1062 : vector<1x16xf32> to vector<16xf32>
      %broadcast_in_dim3A_1064 = vector.shape_cast %get3A_1063 : vector<16xf32> to vector<16x1xf32>
      %mul3A_1065 = vector.broadcast %get3A_1059 : vector<1x512xf32> to vector<16x512xf32>
      %mul3A_1066 = arith.mulf %mul3A_1065, %get3A_1028 : vector<16x512xf32>
      %add3A_1067 = arith.addf %get3A_1025, %mul3A_1066 : vector<16x512xf32>
      %exp23A_1068 = math.exp2 %add3A_1067 : vector<16x512xf32>
      %mul3A_1069 = vector.broadcast %broadcast_in_dim3A_1064 : vector<16x1xf32> to vector<16x512xf32>
      %mul3A_1070 = arith.mulf %exp23A_1068, %mul3A_1069 : vector<16x512xf32>
      %swap3A_1071 = arith.constant 1 : index
      %swap3A_1072 = arith.constant 0 : index
      %swap3A_1073 = arith.constant 2560 : index
      %swap3A_1074 = vector.load %arg7[%swap3A_1071, %swap3A_1072, %swap3A_1073] : memref<8x16x4096xf32, #tpu.memory_space<vmem>>, vector<1x16x512xf32>
      %swap3A_1075 = vector.shape_cast %swap3A_1074 : vector<1x16x512xf32> to vector<16x512xf32>
      %swap3A_1076 = vector.shape_cast %mul3A_1070 : vector<16x512xf32> to vector<1x16x512xf32>
      tpu.vector_store %arg7[%swap3A_1071, %swap3A_1072, %swap3A_1073], %swap3A_1076 {strides = array<i32>} : memref<8x16x4096xf32, #tpu.memory_space<vmem>>, vector<1x16x512xf32>,
      %mul3A_1077 = arith.constant 8 : i32
      %mul3A_1078 = arith.muli %arg0, %mul3A_1077 : i32
      %add3A_1079 = arith.constant 2 : i32
      %add3A_1080 = arith.addi %mul3A_1078, %add3A_1079 : i32
      %get3A_1081 = arith.index_cast %add3A_1080 : i32 to index
      %get3A_1082 = arith.constant 2560 : index
      %get3A_1083 = vector.load %arg6[%get3A_1081, %get3A_1082] : memref<128x4096xf32, #tpu.memory_space<vmem>>, vector<1x512xf32>
      %get3A_1084 = arith.constant 2 : index
      %get3A_1085 = arith.constant 0 : index
      %get3A_1086 = vector.load %arg4[%get3A_1084, %get3A_1085] : memref<8x16xf32, #tpu.memory_space<vmem>>, vector<1x16xf32>
      %get3A_1087 = vector.shape_cast %get3A_1086 : vector<1x16xf32> to vector<16xf32>
      %broadcast_in_dim3A_1088 = vector.shape_cast %get3A_1087 : vector<16xf32> to vector<16x1xf32>
      %mul3A_1089 = vector.broadcast %get3A_1083 : vector<1x512xf32> to vector<16x512xf32>
      %mul3A_1090 = arith.mulf %mul3A_1089, %get3A_1028 : vector<16x512xf32>
      %add3A_1091 = arith.addf %get3A_1025, %mul3A_1090 : vector<16x512xf32>
      %exp23A_1092 = math.exp2 %add3A_1091 : vector<16x512xf32>
      %mul3A_1093 = vector.broadcast %broadcast_in_dim3A_1088 : vector<16x1xf32> to vector<16x512xf32>
      %mul3A_1094 = arith.mulf %exp23A_1092, %mul3A_1093 : vector<16x512xf32>
      %swap3A_1095 = arith.constant 2 : index
      %swap3A_1096 = arith.constant 0 : index
      %swap3A_1097 = arith.constant 2560 : index
      %swap3A_1098 = vector.load %arg7[%swap3A_1095, %swap3A_1096, %swap3A_1097] : memref<8x16x4096xf32, #tpu.memory_space<vmem>>, vector<1x16x512xf32>
      %swap3A_1099 = vector.shape_cast %swap3A_1098 : vector<1x16x512xf32> to vector<16x512xf32>
      %swap3A_1100 = vector.shape_cast %mul3A_1094 : vector<16x512xf32> to vector<1x16x512xf32>
      tpu.vector_store %arg7[%swap3A_1095, %swap3A_1096, %swap3A_1097], %swap3A_1100 {strides = array<i32>} : memref<8x16x4096xf32, #tpu.memory_space<vmem>>, vector<1x16x512xf32>,
      %mul3A_1101 = arith.constant 8 : i32
      %mul3A_1102 = arith.muli %arg0, %mul3A_1101 : i32
      %add3A_1103 = arith.constant 3 : i32
      %add3A_1104 = arith.addi %mul3A_1102, %add3A_1103 : i32
      %get3A_1105 = arith.index_cast %add3A_1104 : i32 to index
      %get3A_1106 = arith.constant 2560 : index
      %get3A_1107 = vector.load %arg6[%get3A_1105, %get3A_1106] : memref<128x4096xf32, #tpu.memory_space<vmem>>, vector<1x512xf32>
      %get3A_1108 = arith.constant 3 : index
      %get3A_1109 = arith.constant 0 : index
      %get3A_1110 = vector.load %arg4[%get3A_1108, %get3A_1109] : memref<8x16xf32, #tpu.memory_space<vmem>>, vector<1x16xf32>
      %get3A_1111 = vector.shape_cast %get3A_1110 : vector<1x16xf32> to vector<16xf32>
      %broadcast_in_dim3A_1112 = vector.shape_cast %get3A_1111 : vector<16xf32> to vector<16x1xf32>
      %mul3A_1113 = vector.broadcast %get3A_1107 : vector<1x512xf32> to vector<16x512xf32>
      %mul3A_1114 = arith.mulf %mul3A_1113, %get3A_1028 : vector<16x512xf32>
      %add3A_1115 = arith.addf %get3A_1025, %mul3A_1114 : vector<16x512xf32>
      %exp23A_1116 = math.exp2 %add3A_1115 : vector<16x512xf32>
      %mul3A_1117 = vector.broadcast %broadcast_in_dim3A_1112 : vector<16x1xf32> to vector<16x512xf32>
      %mul3A_1118 = arith.mulf %exp23A_1116, %mul3A_1117 : vector<16x512xf32>
      %swap3A_1119 = arith.constant 3 : index
      %swap3A_1120 = arith.constant 0 : index
      %swap3A_1121 = arith.constant 2560 : index
      %swap3A_1122 = vector.load %arg7[%swap3A_1119, %swap3A_1120, %swap3A_1121] : memref<8x16x4096xf32, #tpu.memory_space<vmem>>, vector<1x16x512xf32>
      %swap3A_1123 = vector.shape_cast %swap3A_1122 : vector<1x16x512xf32> to vector<16x512xf32>
      %swap3A_1124 = vector.shape_cast %mul3A_1118 : vector<16x512xf32> to vector<1x16x512xf32>
      tpu.vector_store %arg7[%swap3A_1119, %swap3A_1120, %swap3A_1121], %swap3A_1124 {strides = array<i32>} : memref<8x16x4096xf32, #tpu.memory_space<vmem>>, vector<1x16x512xf32>,
      %mul3A_1125 = arith.constant 8 : i32
      %mul3A_1126 = arith.muli %arg0, %mul3A_1125 : i32
      %add3A_1127 = arith.constant 4 : i32
      %add3A_1128 = arith.addi %mul3A_1126, %add3A_1127 : i32
      %get3A_1129 = arith.index_cast %add3A_1128 : i32 to index
      %get3A_1130 = arith.constant 2560 : index
      %get3A_1131 = vector.load %arg6[%get3A_1129, %get3A_1130] : memref<128x4096xf32, #tpu.memory_space<vmem>>, vector<1x512xf32>
      %get3A_1132 = arith.constant 4 : index
      %get3A_1133 = arith.constant 0 : index
      %get3A_1134 = vector.load %arg4[%get3A_1132, %get3A_1133] : memref<8x16xf32, #tpu.memory_space<vmem>>, vector<1x16xf32>
      %get3A_1135 = vector.shape_cast %get3A_1134 : vector<1x16xf32> to vector<16xf32>
      %broadcast_in_dim3A_1136 = vector.shape_cast %get3A_1135 : vector<16xf32> to vector<16x1xf32>
      %mul3A_1137 = vector.broadcast %get3A_1131 : vector<1x512xf32> to vector<16x512xf32>
      %mul3A_1138 = arith.mulf %mul3A_1137, %get3A_1028 : vector<16x512xf32>
      %add3A_1139 = arith.addf %get3A_1025, %mul3A_1138 : vector<16x512xf32>
      %exp23A_1140 = math.exp2 %add3A_1139 : vector<16x512xf32>
      %mul3A_1141 = vector.broadcast %broadcast_in_dim3A_1136 : vector<16x1xf32> to vector<16x512xf32>
      %mul3A_1142 = arith.mulf %exp23A_1140, %mul3A_1141 : vector<16x512xf32>
      %swap3A_1143 = arith.constant 4 : index
      %swap3A_1144 = arith.constant 0 : index
      %swap3A_1145 = arith.constant 2560 : index
      %swap3A_1146 = vector.load %arg7[%swap3A_1143, %swap3A_1144, %swap3A_1145] : memref<8x16x4096xf32, #tpu.memory_space<vmem>>, vector<1x16x512xf32>
      %swap3A_1147 = vector.shape_cast %swap3A_1146 : vector<1x16x512xf32> to vector<16x512xf32>
      %swap3A_1148 = vector.shape_cast %mul3A_1142 : vector<16x512xf32> to vector<1x16x512xf32>
      tpu.vector_store %arg7[%swap3A_1143, %swap3A_1144, %swap3A_1145], %swap3A_1148 {strides = array<i32>} : memref<8x16x4096xf32, #tpu.memory_space<vmem>>, vector<1x16x512xf32>,
      %mul3A_1149 = arith.constant 8 : i32
      %mul3A_1150 = arith.muli %arg0, %mul3A_1149 : i32
      %add3A_1151 = arith.constant 5 : i32
      %add3A_1152 = arith.addi %mul3A_1150, %add3A_1151 : i32
      %get3A_1153 = arith.index_cast %add3A_1152 : i32 to index
      %get3A_1154 = arith.constant 2560 : index
      %get3A_1155 = vector.load %arg6[%get3A_1153, %get3A_1154] : memref<128x4096xf32, #tpu.memory_space<vmem>>, vector<1x512xf32>
      %get3A_1156 = arith.constant 5 : index
      %get3A_1157 = arith.constant 0 : index
      %get3A_1158 = vector.load %arg4[%get3A_1156, %get3A_1157] : memref<8x16xf32, #tpu.memory_space<vmem>>, vector<1x16xf32>
      %get3A_1159 = vector.shape_cast %get3A_1158 : vector<1x16xf32> to vector<16xf32>
      %broadcast_in_dim3A_1160 = vector.shape_cast %get3A_1159 : vector<16xf32> to vector<16x1xf32>
      %mul3A_1161 = vector.broadcast %get3A_1155 : vector<1x512xf32> to vector<16x512xf32>
      %mul3A_1162 = arith.mulf %mul3A_1161, %get3A_1028 : vector<16x512xf32>
      %add3A_1163 = arith.addf %get3A_1025, %mul3A_1162 : vector<16x512xf32>
      %exp23A_1164 = math.exp2 %add3A_1163 : vector<16x512xf32>
      %mul3A_1165 = vector.broadcast %broadcast_in_dim3A_1160 : vector<16x1xf32> to vector<16x512xf32>
      %mul3A_1166 = arith.mulf %exp23A_1164, %mul3A_1165 : vector<16x512xf32>
      %swap3A_1167 = arith.constant 5 : index
      %swap3A_1168 = arith.constant 0 : index
      %swap3A_1169 = arith.constant 2560 : index
      %swap3A_1170 = vector.load %arg7[%swap3A_1167, %swap3A_1168, %swap3A_1169] : memref<8x16x4096xf32, #tpu.memory_space<vmem>>, vector<1x16x512xf32>
      %swap3A_1171 = vector.shape_cast %swap3A_1170 : vector<1x16x512xf32> to vector<16x512xf32>
      %swap3A_1172 = vector.shape_cast %mul3A_1166 : vector<16x512xf32> to vector<1x16x512xf32>
      tpu.vector_store %arg7[%swap3A_1167, %swap3A_1168, %swap3A_1169], %swap3A_1172 {strides = array<i32>} : memref<8x16x4096xf32, #tpu.memory_space<vmem>>, vector<1x16x512xf32>,
      %mul3A_1173 = arith.constant 8 : i32
      %mul3A_1174 = arith.muli %arg0, %mul3A_1173 : i32
      %add3A_1175 = arith.constant 6 : i32
      %add3A_1176 = arith.addi %mul3A_1174, %add3A_1175 : i32
      %get3A_1177 = arith.index_cast %add3A_1176 : i32 to index
      %get3A_1178 = arith.constant 2560 : index
      %get3A_1179 = vector.load %arg6[%get3A_1177, %get3A_1178] : memref<128x4096xf32, #tpu.memory_space<vmem>>, vector<1x512xf32>
      %get3A_1180 = arith.constant 6 : index
      %get3A_1181 = arith.constant 0 : index
      %get3A_1182 = vector.load %arg4[%get3A_1180, %get3A_1181] : memref<8x16xf32, #tpu.memory_space<vmem>>, vector<1x16xf32>
      %get3A_1183 = vector.shape_cast %get3A_1182 : vector<1x16xf32> to vector<16xf32>
      %broadcast_in_dim3A_1184 = vector.shape_cast %get3A_1183 : vector<16xf32> to vector<16x1xf32>
      %mul3A_1185 = vector.broadcast %get3A_1179 : vector<1x512xf32> to vector<16x512xf32>
      %mul3A_1186 = arith.mulf %mul3A_1185, %get3A_1028 : vector<16x512xf32>
      %add3A_1187 = arith.addf %get3A_1025, %mul3A_1186 : vector<16x512xf32>
      %exp23A_1188 = math.exp2 %add3A_1187 : vector<16x512xf32>
      %mul3A_1189 = vector.broadcast %broadcast_in_dim3A_1184 : vector<16x1xf32> to vector<16x512xf32>
      %mul3A_1190 = arith.mulf %exp23A_1188, %mul3A_1189 : vector<16x512xf32>
      %swap3A_1191 = arith.constant 6 : index
      %swap3A_1192 = arith.constant 0 : index
      %swap3A_1193 = arith.constant 2560 : index
      %swap3A_1194 = vector.load %arg7[%swap3A_1191, %swap3A_1192, %swap3A_1193] : memref<8x16x4096xf32, #tpu.memory_space<vmem>>, vector<1x16x512xf32>
      %swap3A_1195 = vector.shape_cast %swap3A_1194 : vector<1x16x512xf32> to vector<16x512xf32>
      %swap3A_1196 = vector.shape_cast %mul3A_1190 : vector<16x512xf32> to vector<1x16x512xf32>
      tpu.vector_store %arg7[%swap3A_1191, %swap3A_1192, %swap3A_1193], %swap3A_1196 {strides = array<i32>} : memref<8x16x4096xf32, #tpu.memory_space<vmem>>, vector<1x16x512xf32>,
      %mul3A_1197 = arith.constant 8 : i32
      %mul3A_1198 = arith.muli %arg0, %mul3A_1197 : i32
      %add3A_1199 = arith.constant 7 : i32
      %add3A_1200 = arith.addi %mul3A_1198, %add3A_1199 : i32
      %get3A_1201 = arith.index_cast %add3A_1200 : i32 to index
      %get3A_1202 = arith.constant 2560 : index
      %get3A_1203 = vector.load %arg6[%get3A_1201, %get3A_1202] : memref<128x4096xf32, #tpu.memory_space<vmem>>, vector<1x512xf32>
      %get3A_1204 = arith.constant 7 : index
      %get3A_1205 = arith.constant 0 : index
      %get3A_1206 = vector.load %arg4[%get3A_1204, %get3A_1205] : memref<8x16xf32, #tpu.memory_space<vmem>>, vector<1x16xf32>
      %get3A_1207 = vector.shape_cast %get3A_1206 : vector<1x16xf32> to vector<16xf32>
      %broadcast_in_dim3A_1208 = vector.shape_cast %get3A_1207 : vector<16xf32> to vector<16x1xf32>
      %mul3A_1209 = vector.broadcast %get3A_1203 : vector<1x512xf32> to vector<16x512xf32>
      %mul3A_1210 = arith.mulf %mul3A_1209, %get3A_1028 : vector<16x512xf32>
      %add3A_1211 = arith.addf %get3A_1025, %mul3A_1210 : vector<16x512xf32>
      %exp23A_1212 = math.exp2 %add3A_1211 : vector<16x512xf32>
      %mul3A_1213 = vector.broadcast %broadcast_in_dim3A_1208 : vector<16x1xf32> to vector<16x512xf32>
      %mul3A_1214 = arith.mulf %exp23A_1212, %mul3A_1213 : vector<16x512xf32>
      %swap3A_1215 = arith.constant 7 : index
      %swap3A_1216 = arith.constant 0 : index
      %swap3A_1217 = arith.constant 2560 : index
      %swap3A_1218 = vector.load %arg7[%swap3A_1215, %swap3A_1216, %swap3A_1217] : memref<8x16x4096xf32, #tpu.memory_space<vmem>>, vector<1x16x512xf32>
      %swap3A_1219 = vector.shape_cast %swap3A_1218 : vector<1x16x512xf32> to vector<16x512xf32>
      %swap3A_1220 = vector.shape_cast %mul3A_1214 : vector<16x512xf32> to vector<1x16x512xf32>
      tpu.vector_store %arg7[%swap3A_1215, %swap3A_1216, %swap3A_1217], %swap3A_1220 {strides = array<i32>} : memref<8x16x4096xf32, #tpu.memory_space<vmem>>, vector<1x16x512xf32>,
      %get3A_1221 = arith.constant 0 : index
      %get3A_1222 = arith.constant 3072 : index
      %get3A_1223 = vector.load %arg2[%get3A_1221, %get3A_1222] : memref<16x4096xf32, #tpu.memory_space<vmem>>, vector<16x512xf32>
      %get3A_1224 = arith.constant 0 : index
      %get3A_1225 = arith.constant 3072 : index
      %get3A_1226 = vector.load %arg3[%get3A_1224, %get3A_1225] : memref<16x4096xf32, #tpu.memory_space<vmem>>, vector<16x512xf32>
      %mul3A_1227 = arith.constant 8 : i32
      %mul3A_1228 = arith.muli %arg0, %mul3A_1227 : i32
      %add3A_1229 = arith.constant 0 : i32
      %add3A_1230 = arith.addi %mul3A_1228, %add3A_1229 : i32
      %get3A_1231 = arith.index_cast %add3A_1230 : i32 to index
      %get3A_1232 = arith.constant 3072 : index
      %get3A_1233 = vector.load %arg6[%get3A_1231, %get3A_1232] : memref<128x4096xf32, #tpu.memory_space<vmem>>, vector<1x512xf32>
      %get3A_1234 = arith.constant 0 : index
      %get3A_1235 = arith.constant 0 : index
      %get3A_1236 = vector.load %arg4[%get3A_1234, %get3A_1235] : memref<8x16xf32, #tpu.memory_space<vmem>>, vector<1x16xf32>
      %get3A_1237 = vector.shape_cast %get3A_1236 : vector<1x16xf32> to vector<16xf32>
      %broadcast_in_dim3A_1238 = vector.shape_cast %get3A_1237 : vector<16xf32> to vector<16x1xf32>
      %mul3A_1239 = vector.broadcast %get3A_1233 : vector<1x512xf32> to vector<16x512xf32>
      %mul3A_1240 = arith.mulf %mul3A_1239, %get3A_1226 : vector<16x512xf32>
      %add3A_1241 = arith.addf %get3A_1223, %mul3A_1240 : vector<16x512xf32>
      %exp23A_1242 = math.exp2 %add3A_1241 : vector<16x512xf32>
      %mul3A_1243 = vector.broadcast %broadcast_in_dim3A_1238 : vector<16x1xf32> to vector<16x512xf32>
      %mul3A_1244 = arith.mulf %exp23A_1242, %mul3A_1243 : vector<16x512xf32>
      %swap3A_1245 = arith.constant 0 : index
      %swap3A_1246 = arith.constant 0 : index
      %swap3A_1247 = arith.constant 3072 : index
      %swap3A_1248 = vector.load %arg7[%swap3A_1245, %swap3A_1246, %swap3A_1247] : memref<8x16x4096xf32, #tpu.memory_space<vmem>>, vector<1x16x512xf32>
      %swap3A_1249 = vector.shape_cast %swap3A_1248 : vector<1x16x512xf32> to vector<16x512xf32>
      %swap3A_1250 = vector.shape_cast %mul3A_1244 : vector<16x512xf32> to vector<1x16x512xf32>
      tpu.vector_store %arg7[%swap3A_1245, %swap3A_1246, %swap3A_1247], %swap3A_1250 {strides = array<i32>} : memref<8x16x4096xf32, #tpu.memory_space<vmem>>, vector<1x16x512xf32>,
      %mul3A_1251 = arith.constant 8 : i32
      %mul3A_1252 = arith.muli %arg0, %mul3A_1251 : i32
      %add3A_1253 = arith.constant 1 : i32
      %add3A_1254 = arith.addi %mul3A_1252, %add3A_1253 : i32
      %get3A_1255 = arith.index_cast %add3A_1254 : i32 to index
      %get3A_1256 = arith.constant 3072 : index
      %get3A_1257 = vector.load %arg6[%get3A_1255, %get3A_1256] : memref<128x4096xf32, #tpu.memory_space<vmem>>, vector<1x512xf32>
      %get3A_1258 = arith.constant 1 : index
      %get3A_1259 = arith.constant 0 : index
      %get3A_1260 = vector.load %arg4[%get3A_1258, %get3A_1259] : memref<8x16xf32, #tpu.memory_space<vmem>>, vector<1x16xf32>
      %get3A_1261 = vector.shape_cast %get3A_1260 : vector<1x16xf32> to vector<16xf32>
      %broadcast_in_dim3A_1262 = vector.shape_cast %get3A_1261 : vector<16xf32> to vector<16x1xf32>
      %mul3A_1263 = vector.broadcast %get3A_1257 : vector<1x512xf32> to vector<16x512xf32>
      %mul3A_1264 = arith.mulf %mul3A_1263, %get3A_1226 : vector<16x512xf32>
      %add3A_1265 = arith.addf %get3A_1223, %mul3A_1264 : vector<16x512xf32>
      %exp23A_1266 = math.exp2 %add3A_1265 : vector<16x512xf32>
      %mul3A_1267 = vector.broadcast %broadcast_in_dim3A_1262 : vector<16x1xf32> to vector<16x512xf32>
      %mul3A_1268 = arith.mulf %exp23A_1266, %mul3A_1267 : vector<16x512xf32>
      %swap3A_1269 = arith.constant 1 : index
      %swap3A_1270 = arith.constant 0 : index
      %swap3A_1271 = arith.constant 3072 : index
      %swap3A_1272 = vector.load %arg7[%swap3A_1269, %swap3A_1270, %swap3A_1271] : memref<8x16x4096xf32, #tpu.memory_space<vmem>>, vector<1x16x512xf32>
      %swap3A_1273 = vector.shape_cast %swap3A_1272 : vector<1x16x512xf32> to vector<16x512xf32>
      %swap3A_1274 = vector.shape_cast %mul3A_1268 : vector<16x512xf32> to vector<1x16x512xf32>
      tpu.vector_store %arg7[%swap3A_1269, %swap3A_1270, %swap3A_1271], %swap3A_1274 {strides = array<i32>} : memref<8x16x4096xf32, #tpu.memory_space<vmem>>, vector<1x16x512xf32>,
      %mul3A_1275 = arith.constant 8 : i32
      %mul3A_1276 = arith.muli %arg0, %mul3A_1275 : i32
      %add3A_1277 = arith.constant 2 : i32
      %add3A_1278 = arith.addi %mul3A_1276, %add3A_1277 : i32
      %get3A_1279 = arith.index_cast %add3A_1278 : i32 to index
      %get3A_1280 = arith.constant 3072 : index
      %get3A_1281 = vector.load %arg6[%get3A_1279, %get3A_1280] : memref<128x4096xf32, #tpu.memory_space<vmem>>, vector<1x512xf32>
      %get3A_1282 = arith.constant 2 : index
      %get3A_1283 = arith.constant 0 : index
      %get3A_1284 = vector.load %arg4[%get3A_1282, %get3A_1283] : memref<8x16xf32, #tpu.memory_space<vmem>>, vector<1x16xf32>
      %get3A_1285 = vector.shape_cast %get3A_1284 : vector<1x16xf32> to vector<16xf32>
      %broadcast_in_dim3A_1286 = vector.shape_cast %get3A_1285 : vector<16xf32> to vector<16x1xf32>
      %mul3A_1287 = vector.broadcast %get3A_1281 : vector<1x512xf32> to vector<16x512xf32>
      %mul3A_1288 = arith.mulf %mul3A_1287, %get3A_1226 : vector<16x512xf32>
      %add3A_1289 = arith.addf %get3A_1223, %mul3A_1288 : vector<16x512xf32>
      %exp23A_1290 = math.exp2 %add3A_1289 : vector<16x512xf32>
      %mul3A_1291 = vector.broadcast %broadcast_in_dim3A_1286 : vector<16x1xf32> to vector<16x512xf32>
      %mul3A_1292 = arith.mulf %exp23A_1290, %mul3A_1291 : vector<16x512xf32>
      %swap3A_1293 = arith.constant 2 : index
      %swap3A_1294 = arith.constant 0 : index
      %swap3A_1295 = arith.constant 3072 : index
      %swap3A_1296 = vector.load %arg7[%swap3A_1293, %swap3A_1294, %swap3A_1295] : memref<8x16x4096xf32, #tpu.memory_space<vmem>>, vector<1x16x512xf32>
      %swap3A_1297 = vector.shape_cast %swap3A_1296 : vector<1x16x512xf32> to vector<16x512xf32>
      %swap3A_1298 = vector.shape_cast %mul3A_1292 : vector<16x512xf32> to vector<1x16x512xf32>
      tpu.vector_store %arg7[%swap3A_1293, %swap3A_1294, %swap3A_1295], %swap3A_1298 {strides = array<i32>} : memref<8x16x4096xf32, #tpu.memory_space<vmem>>, vector<1x16x512xf32>,
      %mul3A_1299 = arith.constant 8 : i32
      %mul3A_1300 = arith.muli %arg0, %mul3A_1299 : i32
      %add3A_1301 = arith.constant 3 : i32
      %add3A_1302 = arith.addi %mul3A_1300, %add3A_1301 : i32
      %get3A_1303 = arith.index_cast %add3A_1302 : i32 to index
      %get3A_1304 = arith.constant 3072 : index
      %get3A_1305 = vector.load %arg6[%get3A_1303, %get3A_1304] : memref<128x4096xf32, #tpu.memory_space<vmem>>, vector<1x512xf32>
      %get3A_1306 = arith.constant 3 : index
      %get3A_1307 = arith.constant 0 : index
      %get3A_1308 = vector.load %arg4[%get3A_1306, %get3A_1307] : memref<8x16xf32, #tpu.memory_space<vmem>>, vector<1x16xf32>
      %get3A_1309 = vector.shape_cast %get3A_1308 : vector<1x16xf32> to vector<16xf32>
      %broadcast_in_dim3A_1310 = vector.shape_cast %get3A_1309 : vector<16xf32> to vector<16x1xf32>
      %mul3A_1311 = vector.broadcast %get3A_1305 : vector<1x512xf32> to vector<16x512xf32>
      %mul3A_1312 = arith.mulf %mul3A_1311, %get3A_1226 : vector<16x512xf32>
      %add3A_1313 = arith.addf %get3A_1223, %mul3A_1312 : vector<16x512xf32>
      %exp23A_1314 = math.exp2 %add3A_1313 : vector<16x512xf32>
      %mul3A_1315 = vector.broadcast %broadcast_in_dim3A_1310 : vector<16x1xf32> to vector<16x512xf32>
      %mul3A_1316 = arith.mulf %exp23A_1314, %mul3A_1315 : vector<16x512xf32>
      %swap3A_1317 = arith.constant 3 : index
      %swap3A_1318 = arith.constant 0 : index
      %swap3A_1319 = arith.constant 3072 : index
      %swap3A_1320 = vector.load %arg7[%swap3A_1317, %swap3A_1318, %swap3A_1319] : memref<8x16x4096xf32, #tpu.memory_space<vmem>>, vector<1x16x512xf32>
      %swap3A_1321 = vector.shape_cast %swap3A_1320 : vector<1x16x512xf32> to vector<16x512xf32>
      %swap3A_1322 = vector.shape_cast %mul3A_1316 : vector<16x512xf32> to vector<1x16x512xf32>
      tpu.vector_store %arg7[%swap3A_1317, %swap3A_1318, %swap3A_1319], %swap3A_1322 {strides = array<i32>} : memref<8x16x4096xf32, #tpu.memory_space<vmem>>, vector<1x16x512xf32>,
      %mul3A_1323 = arith.constant 8 : i32
      %mul3A_1324 = arith.muli %arg0, %mul3A_1323 : i32
      %add3A_1325 = arith.constant 4 : i32
      %add3A_1326 = arith.addi %mul3A_1324, %add3A_1325 : i32
      %get3A_1327 = arith.index_cast %add3A_1326 : i32 to index
      %get3A_1328 = arith.constant 3072 : index
      %get3A_1329 = vector.load %arg6[%get3A_1327, %get3A_1328] : memref<128x4096xf32, #tpu.memory_space<vmem>>, vector<1x512xf32>
      %get3A_1330 = arith.constant 4 : index
      %get3A_1331 = arith.constant 0 : index
      %get3A_1332 = vector.load %arg4[%get3A_1330, %get3A_1331] : memref<8x16xf32, #tpu.memory_space<vmem>>, vector<1x16xf32>
      %get3A_1333 = vector.shape_cast %get3A_1332 : vector<1x16xf32> to vector<16xf32>
      %broadcast_in_dim3A_1334 = vector.shape_cast %get3A_1333 : vector<16xf32> to vector<16x1xf32>
      %mul3A_1335 = vector.broadcast %get3A_1329 : vector<1x512xf32> to vector<16x512xf32>
      %mul3A_1336 = arith.mulf %mul3A_1335, %get3A_1226 : vector<16x512xf32>
      %add3A_1337 = arith.addf %get3A_1223, %mul3A_1336 : vector<16x512xf32>
      %exp23A_1338 = math.exp2 %add3A_1337 : vector<16x512xf32>
      %mul3A_1339 = vector.broadcast %broadcast_in_dim3A_1334 : vector<16x1xf32> to vector<16x512xf32>
      %mul3A_1340 = arith.mulf %exp23A_1338, %mul3A_1339 : vector<16x512xf32>
      %swap3A_1341 = arith.constant 4 : index
      %swap3A_1342 = arith.constant 0 : index
      %swap3A_1343 = arith.constant 3072 : index
      %swap3A_1344 = vector.load %arg7[%swap3A_1341, %swap3A_1342, %swap3A_1343] : memref<8x16x4096xf32, #tpu.memory_space<vmem>>, vector<1x16x512xf32>
      %swap3A_1345 = vector.shape_cast %swap3A_1344 : vector<1x16x512xf32> to vector<16x512xf32>
      %swap3A_1346 = vector.shape_cast %mul3A_1340 : vector<16x512xf32> to vector<1x16x512xf32>
      tpu.vector_store %arg7[%swap3A_1341, %swap3A_1342, %swap3A_1343], %swap3A_1346 {strides = array<i32>} : memref<8x16x4096xf32, #tpu.memory_space<vmem>>, vector<1x16x512xf32>,
      %mul3A_1347 = arith.constant 8 : i32
      %mul3A_1348 = arith.muli %arg0, %mul3A_1347 : i32
      %add3A_1349 = arith.constant 5 : i32
      %add3A_1350 = arith.addi %mul3A_1348, %add3A_1349 : i32
      %get3A_1351 = arith.index_cast %add3A_1350 : i32 to index
      %get3A_1352 = arith.constant 3072 : index
      %get3A_1353 = vector.load %arg6[%get3A_1351, %get3A_1352] : memref<128x4096xf32, #tpu.memory_space<vmem>>, vector<1x512xf32>
      %get3A_1354 = arith.constant 5 : index
      %get3A_1355 = arith.constant 0 : index
      %get3A_1356 = vector.load %arg4[%get3A_1354, %get3A_1355] : memref<8x16xf32, #tpu.memory_space<vmem>>, vector<1x16xf32>
      %get3A_1357 = vector.shape_cast %get3A_1356 : vector<1x16xf32> to vector<16xf32>
      %broadcast_in_dim3A_1358 = vector.shape_cast %get3A_1357 : vector<16xf32> to vector<16x1xf32>
      %mul3A_1359 = vector.broadcast %get3A_1353 : vector<1x512xf32> to vector<16x512xf32>
      %mul3A_1360 = arith.mulf %mul3A_1359, %get3A_1226 : vector<16x512xf32>
      %add3A_1361 = arith.addf %get3A_1223, %mul3A_1360 : vector<16x512xf32>
      %exp23A_1362 = math.exp2 %add3A_1361 : vector<16x512xf32>
      %mul3A_1363 = vector.broadcast %broadcast_in_dim3A_1358 : vector<16x1xf32> to vector<16x512xf32>
      %mul3A_1364 = arith.mulf %exp23A_1362, %mul3A_1363 : vector<16x512xf32>
      %swap3A_1365 = arith.constant 5 : index
      %swap3A_1366 = arith.constant 0 : index
      %swap3A_1367 = arith.constant 3072 : index
      %swap3A_1368 = vector.load %arg7[%swap3A_1365, %swap3A_1366, %swap3A_1367] : memref<8x16x4096xf32, #tpu.memory_space<vmem>>, vector<1x16x512xf32>
      %swap3A_1369 = vector.shape_cast %swap3A_1368 : vector<1x16x512xf32> to vector<16x512xf32>
      %swap3A_1370 = vector.shape_cast %mul3A_1364 : vector<16x512xf32> to vector<1x16x512xf32>
      tpu.vector_store %arg7[%swap3A_1365, %swap3A_1366, %swap3A_1367], %swap3A_1370 {strides = array<i32>} : memref<8x16x4096xf32, #tpu.memory_space<vmem>>, vector<1x16x512xf32>,
      %mul3A_1371 = arith.constant 8 : i32
      %mul3A_1372 = arith.muli %arg0, %mul3A_1371 : i32
      %add3A_1373 = arith.constant 6 : i32
      %add3A_1374 = arith.addi %mul3A_1372, %add3A_1373 : i32
      %get3A_1375 = arith.index_cast %add3A_1374 : i32 to index
      %get3A_1376 = arith.constant 3072 : index
      %get3A_1377 = vector.load %arg6[%get3A_1375, %get3A_1376] : memref<128x4096xf32, #tpu.memory_space<vmem>>, vector<1x512xf32>
      %get3A_1378 = arith.constant 6 : index
      %get3A_1379 = arith.constant 0 : index
      %get3A_1380 = vector.load %arg4[%get3A_1378, %get3A_1379] : memref<8x16xf32, #tpu.memory_space<vmem>>, vector<1x16xf32>
      %get3A_1381 = vector.shape_cast %get3A_1380 : vector<1x16xf32> to vector<16xf32>
      %broadcast_in_dim3A_1382 = vector.shape_cast %get3A_1381 : vector<16xf32> to vector<16x1xf32>
      %mul3A_1383 = vector.broadcast %get3A_1377 : vector<1x512xf32> to vector<16x512xf32>
      %mul3A_1384 = arith.mulf %mul3A_1383, %get3A_1226 : vector<16x512xf32>
      %add3A_1385 = arith.addf %get3A_1223, %mul3A_1384 : vector<16x512xf32>
      %exp23A_1386 = math.exp2 %add3A_1385 : vector<16x512xf32>
      %mul3A_1387 = vector.broadcast %broadcast_in_dim3A_1382 : vector<16x1xf32> to vector<16x512xf32>
      %mul3A_1388 = arith.mulf %exp23A_1386, %mul3A_1387 : vector<16x512xf32>
      %swap3A_1389 = arith.constant 6 : index
      %swap3A_1390 = arith.constant 0 : index
      %swap3A_1391 = arith.constant 3072 : index
      %swap3A_1392 = vector.load %arg7[%swap3A_1389, %swap3A_1390, %swap3A_1391] : memref<8x16x4096xf32, #tpu.memory_space<vmem>>, vector<1x16x512xf32>
      %swap3A_1393 = vector.shape_cast %swap3A_1392 : vector<1x16x512xf32> to vector<16x512xf32>
      %swap3A_1394 = vector.shape_cast %mul3A_1388 : vector<16x512xf32> to vector<1x16x512xf32>
      tpu.vector_store %arg7[%swap3A_1389, %swap3A_1390, %swap3A_1391], %swap3A_1394 {strides = array<i32>} : memref<8x16x4096xf32, #tpu.memory_space<vmem>>, vector<1x16x512xf32>,
      %mul3A_1395 = arith.constant 8 : i32
      %mul3A_1396 = arith.muli %arg0, %mul3A_1395 : i32
      %add3A_1397 = arith.constant 7 : i32
      %add3A_1398 = arith.addi %mul3A_1396, %add3A_1397 : i32
      %get3A_1399 = arith.index_cast %add3A_1398 : i32 to index
      %get3A_1400 = arith.constant 3072 : index
      %get3A_1401 = vector.load %arg6[%get3A_1399, %get3A_1400] : memref<128x4096xf32, #tpu.memory_space<vmem>>, vector<1x512xf32>
      %get3A_1402 = arith.constant 7 : index
      %get3A_1403 = arith.constant 0 : index
      %get3A_1404 = vector.load %arg4[%get3A_1402, %get3A_1403] : memref<8x16xf32, #tpu.memory_space<vmem>>, vector<1x16xf32>
      %get3A_1405 = vector.shape_cast %get3A_1404 : vector<1x16xf32> to vector<16xf32>
      %broadcast_in_dim3A_1406 = vector.shape_cast %get3A_1405 : vector<16xf32> to vector<16x1xf32>
      %mul3A_1407 = vector.broadcast %get3A_1401 : vector<1x512xf32> to vector<16x512xf32>
      %mul3A_1408 = arith.mulf %mul3A_1407, %get3A_1226 : vector<16x512xf32>
      %add3A_1409 = arith.addf %get3A_1223, %mul3A_1408 : vector<16x512xf32>
      %exp23A_1410 = math.exp2 %add3A_1409 : vector<16x512xf32>
      %mul3A_1411 = vector.broadcast %broadcast_in_dim3A_1406 : vector<16x1xf32> to vector<16x512xf32>
      %mul3A_1412 = arith.mulf %exp23A_1410, %mul3A_1411 : vector<16x512xf32>
      %swap3A_1413 = arith.constant 7 : index
      %swap3A_1414 = arith.constant 0 : index
      %swap3A_1415 = arith.constant 3072 : index
      %swap3A_1416 = vector.load %arg7[%swap3A_1413, %swap3A_1414, %swap3A_1415] : memref<8x16x4096xf32, #tpu.memory_space<vmem>>, vector<1x16x512xf32>
      %swap3A_1417 = vector.shape_cast %swap3A_1416 : vector<1x16x512xf32> to vector<16x512xf32>
      %swap3A_1418 = vector.shape_cast %mul3A_1412 : vector<16x512xf32> to vector<1x16x512xf32>
      tpu.vector_store %arg7[%swap3A_1413, %swap3A_1414, %swap3A_1415], %swap3A_1418 {strides = array<i32>} : memref<8x16x4096xf32, #tpu.memory_space<vmem>>, vector<1x16x512xf32>,
      %get3A_1419 = arith.constant 0 : index
      %get3A_1420 = arith.constant 3584 : index
      %get3A_1421 = vector.load %arg2[%get3A_1419, %get3A_1420] : memref<16x4096xf32, #tpu.memory_space<vmem>>, vector<16x512xf32>
      %get3A_1422 = arith.constant 0 : index
      %get3A_1423 = arith.constant 3584 : index
      %get3A_1424 = vector.load %arg3[%get3A_1422, %get3A_1423] : memref<16x4096xf32, #tpu.memory_space<vmem>>, vector<16x512xf32>
      %mul3A_1425 = arith.constant 8 : i32
      %mul3A_1426 = arith.muli %arg0, %mul3A_1425 : i32
      %add3A_1427 = arith.constant 0 : i32
      %add3A_1428 = arith.addi %mul3A_1426, %add3A_1427 : i32
      %get3A_1429 = arith.index_cast %add3A_1428 : i32 to index
      %get3A_1430 = arith.constant 3584 : index
      %get3A_1431 = vector.load %arg6[%get3A_1429, %get3A_1430] : memref<128x4096xf32, #tpu.memory_space<vmem>>, vector<1x512xf32>
      %get3A_1432 = arith.constant 0 : index
      %get3A_1433 = arith.constant 0 : index
      %get3A_1434 = vector.load %arg4[%get3A_1432, %get3A_1433] : memref<8x16xf32, #tpu.memory_space<vmem>>, vector<1x16xf32>
      %get3A_1435 = vector.shape_cast %get3A_1434 : vector<1x16xf32> to vector<16xf32>
      %broadcast_in_dim3A_1436 = vector.shape_cast %get3A_1435 : vector<16xf32> to vector<16x1xf32>
      %mul3A_1437 = vector.broadcast %get3A_1431 : vector<1x512xf32> to vector<16x512xf32>
      %mul3A_1438 = arith.mulf %mul3A_1437, %get3A_1424 : vector<16x512xf32>
      %add3A_1439 = arith.addf %get3A_1421, %mul3A_1438 : vector<16x512xf32>
      %exp23A_1440 = math.exp2 %add3A_1439 : vector<16x512xf32>
      %mul3A_1441 = vector.broadcast %broadcast_in_dim3A_1436 : vector<16x1xf32> to vector<16x512xf32>
      %mul3A_1442 = arith.mulf %exp23A_1440, %mul3A_1441 : vector<16x512xf32>
      %swap3A_1443 = arith.constant 0 : index
      %swap3A_1444 = arith.constant 0 : index
      %swap3A_1445 = arith.constant 3584 : index
      %swap3A_1446 = vector.load %arg7[%swap3A_1443, %swap3A_1444, %swap3A_1445] : memref<8x16x4096xf32, #tpu.memory_space<vmem>>, vector<1x16x512xf32>
      %swap3A_1447 = vector.shape_cast %swap3A_1446 : vector<1x16x512xf32> to vector<16x512xf32>
      %swap3A_1448 = vector.shape_cast %mul3A_1442 : vector<16x512xf32> to vector<1x16x512xf32>
      tpu.vector_store %arg7[%swap3A_1443, %swap3A_1444, %swap3A_1445], %swap3A_1448 {strides = array<i32>} : memref<8x16x4096xf32, #tpu.memory_space<vmem>>, vector<1x16x512xf32>,
      %mul3A_1449 = arith.constant 8 : i32
      %mul3A_1450 = arith.muli %arg0, %mul3A_1449 : i32
      %add3A_1451 = arith.constant 1 : i32
      %add3A_1452 = arith.addi %mul3A_1450, %add3A_1451 : i32
      %get3A_1453 = arith.index_cast %add3A_1452 : i32 to index
      %get3A_1454 = arith.constant 3584 : index
      %get3A_1455 = vector.load %arg6[%get3A_1453, %get3A_1454] : memref<128x4096xf32, #tpu.memory_space<vmem>>, vector<1x512xf32>
      %get3A_1456 = arith.constant 1 : index
      %get3A_1457 = arith.constant 0 : index
      %get3A_1458 = vector.load %arg4[%get3A_1456, %get3A_1457] : memref<8x16xf32, #tpu.memory_space<vmem>>, vector<1x16xf32>
      %get3A_1459 = vector.shape_cast %get3A_1458 : vector<1x16xf32> to vector<16xf32>
      %broadcast_in_dim3A_1460 = vector.shape_cast %get3A_1459 : vector<16xf32> to vector<16x1xf32>
      %mul3A_1461 = vector.broadcast %get3A_1455 : vector<1x512xf32> to vector<16x512xf32>
      %mul3A_1462 = arith.mulf %mul3A_1461, %get3A_1424 : vector<16x512xf32>
      %add3A_1463 = arith.addf %get3A_1421, %mul3A_1462 : vector<16x512xf32>
      %exp23A_1464 = math.exp2 %add3A_1463 : vector<16x512xf32>
      %mul3A_1465 = vector.broadcast %broadcast_in_dim3A_1460 : vector<16x1xf32> to vector<16x512xf32>
      %mul3A_1466 = arith.mulf %exp23A_1464, %mul3A_1465 : vector<16x512xf32>
      %swap3A_1467 = arith.constant 1 : index
      %swap3A_1468 = arith.constant 0 : index
      %swap3A_1469 = arith.constant 3584 : index
      %swap3A_1470 = vector.load %arg7[%swap3A_1467, %swap3A_1468, %swap3A_1469] : memref<8x16x4096xf32, #tpu.memory_space<vmem>>, vector<1x16x512xf32>
      %swap3A_1471 = vector.shape_cast %swap3A_1470 : vector<1x16x512xf32> to vector<16x512xf32>
      %swap3A_1472 = vector.shape_cast %mul3A_1466 : vector<16x512xf32> to vector<1x16x512xf32>
      tpu.vector_store %arg7[%swap3A_1467, %swap3A_1468, %swap3A_1469], %swap3A_1472 {strides = array<i32>} : memref<8x16x4096xf32, #tpu.memory_space<vmem>>, vector<1x16x512xf32>,
      %mul3A_1473 = arith.constant 8 : i32
      %mul3A_1474 = arith.muli %arg0, %mul3A_1473 : i32
      %add3A_1475 = arith.constant 2 : i32
      %add3A_1476 = arith.addi %mul3A_1474, %add3A_1475 : i32
      %get3A_1477 = arith.index_cast %add3A_1476 : i32 to index
      %get3A_1478 = arith.constant 3584 : index
      %get3A_1479 = vector.load %arg6[%get3A_1477, %get3A_1478] : memref<128x4096xf32, #tpu.memory_space<vmem>>, vector<1x512xf32>
      %get3A_1480 = arith.constant 2 : index
      %get3A_1481 = arith.constant 0 : index
      %get3A_1482 = vector.load %arg4[%get3A_1480, %get3A_1481] : memref<8x16xf32, #tpu.memory_space<vmem>>, vector<1x16xf32>
      %get3A_1483 = vector.shape_cast %get3A_1482 : vector<1x16xf32> to vector<16xf32>
      %broadcast_in_dim3A_1484 = vector.shape_cast %get3A_1483 : vector<16xf32> to vector<16x1xf32>
      %mul3A_1485 = vector.broadcast %get3A_1479 : vector<1x512xf32> to vector<16x512xf32>
      %mul3A_1486 = arith.mulf %mul3A_1485, %get3A_1424 : vector<16x512xf32>
      %add3A_1487 = arith.addf %get3A_1421, %mul3A_1486 : vector<16x512xf32>
      %exp23A_1488 = math.exp2 %add3A_1487 : vector<16x512xf32>
      %mul3A_1489 = vector.broadcast %broadcast_in_dim3A_1484 : vector<16x1xf32> to vector<16x512xf32>
      %mul3A_1490 = arith.mulf %exp23A_1488, %mul3A_1489 : vector<16x512xf32>
      %swap3A_1491 = arith.constant 2 : index
      %swap3A_1492 = arith.constant 0 : index
      %swap3A_1493 = arith.constant 3584 : index
      %swap3A_1494 = vector.load %arg7[%swap3A_1491, %swap3A_1492, %swap3A_1493] : memref<8x16x4096xf32, #tpu.memory_space<vmem>>, vector<1x16x512xf32>
      %swap3A_1495 = vector.shape_cast %swap3A_1494 : vector<1x16x512xf32> to vector<16x512xf32>
      %swap3A_1496 = vector.shape_cast %mul3A_1490 : vector<16x512xf32> to vector<1x16x512xf32>
      tpu.vector_store %arg7[%swap3A_1491, %swap3A_1492, %swap3A_1493], %swap3A_1496 {strides = array<i32>} : memref<8x16x4096xf32, #tpu.memory_space<vmem>>, vector<1x16x512xf32>,
      %mul3A_1497 = arith.constant 8 : i32
      %mul3A_1498 = arith.muli %arg0, %mul3A_1497 : i32
      %add3A_1499 = arith.constant 3 : i32
      %add3A_1500 = arith.addi %mul3A_1498, %add3A_1499 : i32
      %get3A_1501 = arith.index_cast %add3A_1500 : i32 to index
      %get3A_1502 = arith.constant 3584 : index
      %get3A_1503 = vector.load %arg6[%get3A_1501, %get3A_1502] : memref<128x4096xf32, #tpu.memory_space<vmem>>, vector<1x512xf32>
      %get3A_1504 = arith.constant 3 : index
      %get3A_1505 = arith.constant 0 : index
      %get3A_1506 = vector.load %arg4[%get3A_1504, %get3A_1505] : memref<8x16xf32, #tpu.memory_space<vmem>>, vector<1x16xf32>
      %get3A_1507 = vector.shape_cast %get3A_1506 : vector<1x16xf32> to vector<16xf32>
      %broadcast_in_dim3A_1508 = vector.shape_cast %get3A_1507 : vector<16xf32> to vector<16x1xf32>
      %mul3A_1509 = vector.broadcast %get3A_1503 : vector<1x512xf32> to vector<16x512xf32>
      %mul3A_1510 = arith.mulf %mul3A_1509, %get3A_1424 : vector<16x512xf32>
      %add3A_1511 = arith.addf %get3A_1421, %mul3A_1510 : vector<16x512xf32>
      %exp23A_1512 = math.exp2 %add3A_1511 : vector<16x512xf32>
      %mul3A_1513 = vector.broadcast %broadcast_in_dim3A_1508 : vector<16x1xf32> to vector<16x512xf32>
      %mul3A_1514 = arith.mulf %exp23A_1512, %mul3A_1513 : vector<16x512xf32>
      %swap3A_1515 = arith.constant 3 : index
      %swap3A_1516 = arith.constant 0 : index
      %swap3A_1517 = arith.constant 3584 : index
      %swap3A_1518 = vector.load %arg7[%swap3A_1515, %swap3A_1516, %swap3A_1517] : memref<8x16x4096xf32, #tpu.memory_space<vmem>>, vector<1x16x512xf32>
      %swap3A_1519 = vector.shape_cast %swap3A_1518 : vector<1x16x512xf32> to vector<16x512xf32>
      %swap3A_1520 = vector.shape_cast %mul3A_1514 : vector<16x512xf32> to vector<1x16x512xf32>
      tpu.vector_store %arg7[%swap3A_1515, %swap3A_1516, %swap3A_1517], %swap3A_1520 {strides = array<i32>} : memref<8x16x4096xf32, #tpu.memory_space<vmem>>, vector<1x16x512xf32>,
      %mul3A_1521 = arith.constant 8 : i32
      %mul3A_1522 = arith.muli %arg0, %mul3A_1521 : i32
      %add3A_1523 = arith.constant 4 : i32
      %add3A_1524 = arith.addi %mul3A_1522, %add3A_1523 : i32
      %get3A_1525 = arith.index_cast %add3A_1524 : i32 to index
      %get3A_1526 = arith.constant 3584 : index
      %get3A_1527 = vector.load %arg6[%get3A_1525, %get3A_1526] : memref<128x4096xf32, #tpu.memory_space<vmem>>, vector<1x512xf32>
      %get3A_1528 = arith.constant 4 : index
      %get3A_1529 = arith.constant 0 : index
      %get3A_1530 = vector.load %arg4[%get3A_1528, %get3A_1529] : memref<8x16xf32, #tpu.memory_space<vmem>>, vector<1x16xf32>
      %get3A_1531 = vector.shape_cast %get3A_1530 : vector<1x16xf32> to vector<16xf32>
      %broadcast_in_dim3A_1532 = vector.shape_cast %get3A_1531 : vector<16xf32> to vector<16x1xf32>
      %mul3A_1533 = vector.broadcast %get3A_1527 : vector<1x512xf32> to vector<16x512xf32>
      %mul3A_1534 = arith.mulf %mul3A_1533, %get3A_1424 : vector<16x512xf32>
      %add3A_1535 = arith.addf %get3A_1421, %mul3A_1534 : vector<16x512xf32>
      %exp23A_1536 = math.exp2 %add3A_1535 : vector<16x512xf32>
      %mul3A_1537 = vector.broadcast %broadcast_in_dim3A_1532 : vector<16x1xf32> to vector<16x512xf32>
      %mul3A_1538 = arith.mulf %exp23A_1536, %mul3A_1537 : vector<16x512xf32>
      %swap3A_1539 = arith.constant 4 : index
      %swap3A_1540 = arith.constant 0 : index
      %swap3A_1541 = arith.constant 3584 : index
      %swap3A_1542 = vector.load %arg7[%swap3A_1539, %swap3A_1540, %swap3A_1541] : memref<8x16x4096xf32, #tpu.memory_space<vmem>>, vector<1x16x512xf32>
      %swap3A_1543 = vector.shape_cast %swap3A_1542 : vector<1x16x512xf32> to vector<16x512xf32>
      %swap3A_1544 = vector.shape_cast %mul3A_1538 : vector<16x512xf32> to vector<1x16x512xf32>
      tpu.vector_store %arg7[%swap3A_1539, %swap3A_1540, %swap3A_1541], %swap3A_1544 {strides = array<i32>} : memref<8x16x4096xf32, #tpu.memory_space<vmem>>, vector<1x16x512xf32>,
      %mul3A_1545 = arith.constant 8 : i32
      %mul3A_1546 = arith.muli %arg0, %mul3A_1545 : i32
      %add3A_1547 = arith.constant 5 : i32
      %add3A_1548 = arith.addi %mul3A_1546, %add3A_1547 : i32
      %get3A_1549 = arith.index_cast %add3A_1548 : i32 to index
      %get3A_1550 = arith.constant 3584 : index
      %get3A_1551 = vector.load %arg6[%get3A_1549, %get3A_1550] : memref<128x4096xf32, #tpu.memory_space<vmem>>, vector<1x512xf32>
      %get3A_1552 = arith.constant 5 : index
      %get3A_1553 = arith.constant 0 : index
      %get3A_1554 = vector.load %arg4[%get3A_1552, %get3A_1553] : memref<8x16xf32, #tpu.memory_space<vmem>>, vector<1x16xf32>
      %get3A_1555 = vector.shape_cast %get3A_1554 : vector<1x16xf32> to vector<16xf32>
      %broadcast_in_dim3A_1556 = vector.shape_cast %get3A_1555 : vector<16xf32> to vector<16x1xf32>
      %mul3A_1557 = vector.broadcast %get3A_1551 : vector<1x512xf32> to vector<16x512xf32>
      %mul3A_1558 = arith.mulf %mul3A_1557, %get3A_1424 : vector<16x512xf32>
      %add3A_1559 = arith.addf %get3A_1421, %mul3A_1558 : vector<16x512xf32>
      %exp23A_1560 = math.exp2 %add3A_1559 : vector<16x512xf32>
      %mul3A_1561 = vector.broadcast %broadcast_in_dim3A_1556 : vector<16x1xf32> to vector<16x512xf32>
      %mul3A_1562 = arith.mulf %exp23A_1560, %mul3A_1561 : vector<16x512xf32>
      %swap3A_1563 = arith.constant 5 : index
      %swap3A_1564 = arith.constant 0 : index
      %swap3A_1565 = arith.constant 3584 : index
      %swap3A_1566 = vector.load %arg7[%swap3A_1563, %swap3A_1564, %swap3A_1565] : memref<8x16x4096xf32, #tpu.memory_space<vmem>>, vector<1x16x512xf32>
      %swap3A_1567 = vector.shape_cast %swap3A_1566 : vector<1x16x512xf32> to vector<16x512xf32>
      %swap3A_1568 = vector.shape_cast %mul3A_1562 : vector<16x512xf32> to vector<1x16x512xf32>
      tpu.vector_store %arg7[%swap3A_1563, %swap3A_1564, %swap3A_1565], %swap3A_1568 {strides = array<i32>} : memref<8x16x4096xf32, #tpu.memory_space<vmem>>, vector<1x16x512xf32>,
      %mul3A_1569 = arith.constant 8 : i32
      %mul3A_1570 = arith.muli %arg0, %mul3A_1569 : i32
      %add3A_1571 = arith.constant 6 : i32
      %add3A_1572 = arith.addi %mul3A_1570, %add3A_1571 : i32
      %get3A_1573 = arith.index_cast %add3A_1572 : i32 to index
      %get3A_1574 = arith.constant 3584 : index
      %get3A_1575 = vector.load %arg6[%get3A_1573, %get3A_1574] : memref<128x4096xf32, #tpu.memory_space<vmem>>, vector<1x512xf32>
      %get3A_1576 = arith.constant 6 : index
      %get3A_1577 = arith.constant 0 : index
      %get3A_1578 = vector.load %arg4[%get3A_1576, %get3A_1577] : memref<8x16xf32, #tpu.memory_space<vmem>>, vector<1x16xf32>
      %get3A_1579 = vector.shape_cast %get3A_1578 : vector<1x16xf32> to vector<16xf32>
      %broadcast_in_dim3A_1580 = vector.shape_cast %get3A_1579 : vector<16xf32> to vector<16x1xf32>
      %mul3A_1581 = vector.broadcast %get3A_1575 : vector<1x512xf32> to vector<16x512xf32>
      %mul3A_1582 = arith.mulf %mul3A_1581, %get3A_1424 : vector<16x512xf32>
      %add3A_1583 = arith.addf %get3A_1421, %mul3A_1582 : vector<16x512xf32>
      %exp23A_1584 = math.exp2 %add3A_1583 : vector<16x512xf32>
      %mul3A_1585 = vector.broadcast %broadcast_in_dim3A_1580 : vector<16x1xf32> to vector<16x512xf32>
      %mul3A_1586 = arith.mulf %exp23A_1584, %mul3A_1585 : vector<16x512xf32>
      %swap3A_1587 = arith.constant 6 : index
      %swap3A_1588 = arith.constant 0 : index
      %swap3A_1589 = arith.constant 3584 : index
      %swap3A_1590 = vector.load %arg7[%swap3A_1587, %swap3A_1588, %swap3A_1589] : memref<8x16x4096xf32, #tpu.memory_space<vmem>>, vector<1x16x512xf32>
      %swap3A_1591 = vector.shape_cast %swap3A_1590 : vector<1x16x512xf32> to vector<16x512xf32>
      %swap3A_1592 = vector.shape_cast %mul3A_1586 : vector<16x512xf32> to vector<1x16x512xf32>
      tpu.vector_store %arg7[%swap3A_1587, %swap3A_1588, %swap3A_1589], %swap3A_1592 {strides = array<i32>} : memref<8x16x4096xf32, #tpu.memory_space<vmem>>, vector<1x16x512xf32>,
      %mul3A_1593 = arith.constant 8 : i32
      %mul3A_1594 = arith.muli %arg0, %mul3A_1593 : i32
      %add3A_1595 = arith.constant 7 : i32
      %add3A_1596 = arith.addi %mul3A_1594, %add3A_1595 : i32
      %get3A_1597 = arith.index_cast %add3A_1596 : i32 to index
      %get3A_1598 = arith.constant 3584 : index
      %get3A_1599 = vector.load %arg6[%get3A_1597, %get3A_1598] : memref<128x4096xf32, #tpu.memory_space<vmem>>, vector<1x512xf32>
      %get3A_1600 = arith.constant 7 : index
      %get3A_1601 = arith.constant 0 : index
      %get3A_1602 = vector.load %arg4[%get3A_1600, %get3A_1601] : memref<8x16xf32, #tpu.memory_space<vmem>>, vector<1x16xf32>
      %get3A_1603 = vector.shape_cast %get3A_1602 : vector<1x16xf32> to vector<16xf32>
      %broadcast_in_dim3A_1604 = vector.shape_cast %get3A_1603 : vector<16xf32> to vector<16x1xf32>
      %mul3A_1605 = vector.broadcast %get3A_1599 : vector<1x512xf32> to vector<16x512xf32>
      %mul3A_1606 = arith.mulf %mul3A_1605, %get3A_1424 : vector<16x512xf32>
      %add3A_1607 = arith.addf %get3A_1421, %mul3A_1606 : vector<16x512xf32>
      %exp23A_1608 = math.exp2 %add3A_1607 : vector<16x512xf32>
      %mul3A_1609 = vector.broadcast %broadcast_in_dim3A_1604 : vector<16x1xf32> to vector<16x512xf32>
      %mul3A_1610 = arith.mulf %exp23A_1608, %mul3A_1609 : vector<16x512xf32>
      %swap3A_1611 = arith.constant 7 : index
      %swap3A_1612 = arith.constant 0 : index
      %swap3A_1613 = arith.constant 3584 : index
      %swap3A_1614 = vector.load %arg7[%swap3A_1611, %swap3A_1612, %swap3A_1613] : memref<8x16x4096xf32, #tpu.memory_space<vmem>>, vector<1x16x512xf32>
      %swap3A_1615 = vector.shape_cast %swap3A_1614 : vector<1x16x512xf32> to vector<16x512xf32>
      %swap3A_1616 = vector.shape_cast %mul3A_1610 : vector<16x512xf32> to vector<1x16x512xf32>
      tpu.vector_store %arg7[%swap3A_1611, %swap3A_1612, %swap3A_1613], %swap3A_1616 {strides = array<i32>} : memref<8x16x4096xf32, #tpu.memory_space<vmem>>, vector<1x16x512xf32>,
      %mul3A_1617 = arith.constant 8 : i32
      %mul3A_1618 = arith.muli %arg0, %mul3A_1617 : i32
      %add3A_1619 = arith.constant 0 : i32
      %add3A_1620 = arith.addi %mul3A_1618, %add3A_1619 : i32
      %dma_start3A = arith.constant 0 : i32
      %dma_start3A_1621 = tpu.memref_slice %arg9[%dma_start3A] : memref<8x!tpu.dma_semaphore, #tpu.memory_space<semaphore_mem>> -> memref<1x!tpu.dma_semaphore, #tpu.memory_space<semaphore_mem>>
      %dma_start3A_1622 = tpu.memref_squeeze %dma_start3A_1621 : memref<1x!tpu.dma_semaphore, #tpu.memory_space<semaphore_mem>> -> memref<!tpu.dma_semaphore, #tpu.memory_space<semaphore_mem>>
      %dma_start3A_1623 = arith.constant 0 : i32
      %dma_start3A_1624 = arith.constant 0 : i32
      %dma_start3A_1625 = tpu.memref_slice %arg5[%add3A_1620, %dma_start3A_1623, %dma_start3A_1624] : memref<128x16x4096xf32, #tpu.memory_space<any>> -> memref<1x16x4096xf32, #tpu.memory_space<any>>
      %dma_start3A_1626 = arith.constant 0 : i32
      %dma_start3A_1627 = arith.constant 0 : i32
      %dma_start3A_1628 = arith.constant 0 : i32
      %dma_start3A_1629 = tpu.memref_slice %arg7[%dma_start3A_1626, %dma_start3A_1627, %dma_start3A_1628] : memref<8x16x4096xf32, #tpu.memory_space<vmem>> -> memref<1x16x4096xf32, #tpu.memory_space<vmem>>
      tpu.enqueue_dma source(%dma_start3A_1629 : memref<1x16x4096xf32, #tpu.memory_space<vmem>>) target(%dma_start3A_1625 : memref<1x16x4096xf32, #tpu.memory_space<any>>) target_semaphore(%dma_start3A_1622 : memref<!tpu.dma_semaphore, #tpu.memory_space<semaphore_mem>>)
      %mul3A_1630 = arith.constant 8 : i32
      %mul3A_1631 = arith.muli %arg0, %mul3A_1630 : i32
      %add3A_1632 = arith.constant 1 : i32
      %add3A_1633 = arith.addi %mul3A_1631, %add3A_1632 : i32
      %dma_start3A_1634 = arith.constant 1 : i32
      %dma_start3A_1635 = tpu.memref_slice %arg9[%dma_start3A_1634] : memref<8x!tpu.dma_semaphore, #tpu.memory_space<semaphore_mem>> -> memref<1x!tpu.dma_semaphore, #tpu.memory_space<semaphore_mem>>
      %dma_start3A_1636 = tpu.memref_squeeze %dma_start3A_1635 : memref<1x!tpu.dma_semaphore, #tpu.memory_space<semaphore_mem>> -> memref<!tpu.dma_semaphore, #tpu.memory_space<semaphore_mem>>
      %dma_start3A_1637 = arith.constant 0 : i32
      %dma_start3A_1638 = arith.constant 0 : i32
      %dma_start3A_1639 = tpu.memref_slice %arg5[%add3A_1633, %dma_start3A_1637, %dma_start3A_1638] : memref<128x16x4096xf32, #tpu.memory_space<any>> -> memref<1x16x4096xf32, #tpu.memory_space<any>>
      %dma_start3A_1640 = arith.constant 1 : i32
      %dma_start3A_1641 = arith.constant 0 : i32
      %dma_start3A_1642 = arith.constant 0 : i32
      %dma_start3A_1643 = tpu.memref_slice %arg7[%dma_start3A_1640, %dma_start3A_1641, %dma_start3A_1642] : memref<8x16x4096xf32, #tpu.memory_space<vmem>> -> memref<1x16x4096xf32, #tpu.memory_space<vmem>>
      tpu.enqueue_dma source(%dma_start3A_1643 : memref<1x16x4096xf32, #tpu.memory_space<vmem>>) target(%dma_start3A_1639 : memref<1x16x4096xf32, #tpu.memory_space<any>>) target_semaphore(%dma_start3A_1636 : memref<!tpu.dma_semaphore, #tpu.memory_space<semaphore_mem>>)
      %mul3A_1644 = arith.constant 8 : i32
      %mul3A_1645 = arith.muli %arg0, %mul3A_1644 : i32
      %add3A_1646 = arith.constant 2 : i32
      %add3A_1647 = arith.addi %mul3A_1645, %add3A_1646 : i32
      %dma_start3A_1648 = arith.constant 2 : i32
      %dma_start3A_1649 = tpu.memref_slice %arg9[%dma_start3A_1648] : memref<8x!tpu.dma_semaphore, #tpu.memory_space<semaphore_mem>> -> memref<1x!tpu.dma_semaphore, #tpu.memory_space<semaphore_mem>>
      %dma_start3A_1650 = tpu.memref_squeeze %dma_start3A_1649 : memref<1x!tpu.dma_semaphore, #tpu.memory_space<semaphore_mem>> -> memref<!tpu.dma_semaphore, #tpu.memory_space<semaphore_mem>>
      %dma_start3A_1651 = arith.constant 0 : i32
      %dma_start3A_1652 = arith.constant 0 : i32
      %dma_start3A_1653 = tpu.memref_slice %arg5[%add3A_1647, %dma_start3A_1651, %dma_start3A_1652] : memref<128x16x4096xf32, #tpu.memory_space<any>> -> memref<1x16x4096xf32, #tpu.memory_space<any>>
      %dma_start3A_1654 = arith.constant 2 : i32
      %dma_start3A_1655 = arith.constant 0 : i32
      %dma_start3A_1656 = arith.constant 0 : i32
      %dma_start3A_1657 = tpu.memref_slice %arg7[%dma_start3A_1654, %dma_start3A_1655, %dma_start3A_1656] : memref<8x16x4096xf32, #tpu.memory_space<vmem>> -> memref<1x16x4096xf32, #tpu.memory_space<vmem>>
      tpu.enqueue_dma source(%dma_start3A_1657 : memref<1x16x4096xf32, #tpu.memory_space<vmem>>) target(%dma_start3A_1653 : memref<1x16x4096xf32, #tpu.memory_space<any>>) target_semaphore(%dma_start3A_1650 : memref<!tpu.dma_semaphore, #tpu.memory_space<semaphore_mem>>)
      %mul3A_1658 = arith.constant 8 : i32
      %mul3A_1659 = arith.muli %arg0, %mul3A_1658 : i32
      %add3A_1660 = arith.constant 3 : i32
      %add3A_1661 = arith.addi %mul3A_1659, %add3A_1660 : i32
      %dma_start3A_1662 = arith.constant 3 : i32
      %dma_start3A_1663 = tpu.memref_slice %arg9[%dma_start3A_1662] : memref<8x!tpu.dma_semaphore, #tpu.memory_space<semaphore_mem>> -> memref<1x!tpu.dma_semaphore, #tpu.memory_space<semaphore_mem>>
      %dma_start3A_1664 = tpu.memref_squeeze %dma_start3A_1663 : memref<1x!tpu.dma_semaphore, #tpu.memory_space<semaphore_mem>> -> memref<!tpu.dma_semaphore, #tpu.memory_space<semaphore_mem>>
      %dma_start3A_1665 = arith.constant 0 : i32
      %dma_start3A_1666 = arith.constant 0 : i32
      %dma_start3A_1667 = tpu.memref_slice %arg5[%add3A_1661, %dma_start3A_1665, %dma_start3A_1666] : memref<128x16x4096xf32, #tpu.memory_space<any>> -> memref<1x16x4096xf32, #tpu.memory_space<any>>
      %dma_start3A_1668 = arith.constant 3 : i32
      %dma_start3A_1669 = arith.constant 0 : i32
      %dma_start3A_1670 = arith.constant 0 : i32
      %dma_start3A_1671 = tpu.memref_slice %arg7[%dma_start3A_1668, %dma_start3A_1669, %dma_start3A_1670] : memref<8x16x4096xf32, #tpu.memory_space<vmem>> -> memref<1x16x4096xf32, #tpu.memory_space<vmem>>
      tpu.enqueue_dma source(%dma_start3A_1671 : memref<1x16x4096xf32, #tpu.memory_space<vmem>>) target(%dma_start3A_1667 : memref<1x16x4096xf32, #tpu.memory_space<any>>) target_semaphore(%dma_start3A_1664 : memref<!tpu.dma_semaphore, #tpu.memory_space<semaphore_mem>>)
      %mul3A_1672 = arith.constant 8 : i32
      %mul3A_1673 = arith.muli %arg0, %mul3A_1672 : i32
      %add3A_1674 = arith.constant 4 : i32
      %add3A_1675 = arith.addi %mul3A_1673, %add3A_1674 : i32
      %dma_start3A_1676 = arith.constant 4 : i32
      %dma_start3A_1677 = tpu.memref_slice %arg9[%dma_start3A_1676] : memref<8x!tpu.dma_semaphore, #tpu.memory_space<semaphore_mem>> -> memref<1x!tpu.dma_semaphore, #tpu.memory_space<semaphore_mem>>
      %dma_start3A_1678 = tpu.memref_squeeze %dma_start3A_1677 : memref<1x!tpu.dma_semaphore, #tpu.memory_space<semaphore_mem>> -> memref<!tpu.dma_semaphore, #tpu.memory_space<semaphore_mem>>
      %dma_start3A_1679 = arith.constant 0 : i32
      %dma_start3A_1680 = arith.constant 0 : i32
      %dma_start3A_1681 = tpu.memref_slice %arg5[%add3A_1675, %dma_start3A_1679, %dma_start3A_1680] : memref<128x16x4096xf32, #tpu.memory_space<any>> -> memref<1x16x4096xf32, #tpu.memory_space<any>>
      %dma_start3A_1682 = arith.constant 4 : i32
      %dma_start3A_1683 = arith.constant 0 : i32
      %dma_start3A_1684 = arith.constant 0 : i32
      %dma_start3A_1685 = tpu.memref_slice %arg7[%dma_start3A_1682, %dma_start3A_1683, %dma_start3A_1684] : memref<8x16x4096xf32, #tpu.memory_space<vmem>> -> memref<1x16x4096xf32, #tpu.memory_space<vmem>>
      tpu.enqueue_dma source(%dma_start3A_1685 : memref<1x16x4096xf32, #tpu.memory_space<vmem>>) target(%dma_start3A_1681 : memref<1x16x4096xf32, #tpu.memory_space<any>>) target_semaphore(%dma_start3A_1678 : memref<!tpu.dma_semaphore, #tpu.memory_space<semaphore_mem>>)
      %mul3A_1686 = arith.constant 8 : i32
      %mul3A_1687 = arith.muli %arg0, %mul3A_1686 : i32
      %add3A_1688 = arith.constant 5 : i32
      %add3A_1689 = arith.addi %mul3A_1687, %add3A_1688 : i32
      %dma_start3A_1690 = arith.constant 5 : i32
      %dma_start3A_1691 = tpu.memref_slice %arg9[%dma_start3A_1690] : memref<8x!tpu.dma_semaphore, #tpu.memory_space<semaphore_mem>> -> memref<1x!tpu.dma_semaphore, #tpu.memory_space<semaphore_mem>>
      %dma_start3A_1692 = tpu.memref_squeeze %dma_start3A_1691 : memref<1x!tpu.dma_semaphore, #tpu.memory_space<semaphore_mem>> -> memref<!tpu.dma_semaphore, #tpu.memory_space<semaphore_mem>>
      %dma_start3A_1693 = arith.constant 0 : i32
      %dma_start3A_1694 = arith.constant 0 : i32
      %dma_start3A_1695 = tpu.memref_slice %arg5[%add3A_1689, %dma_start3A_1693, %dma_start3A_1694] : memref<128x16x4096xf32, #tpu.memory_space<any>> -> memref<1x16x4096xf32, #tpu.memory_space<any>>
      %dma_start3A_1696 = arith.constant 5 : i32
      %dma_start3A_1697 = arith.constant 0 : i32
      %dma_start3A_1698 = arith.constant 0 : i32
      %dma_start3A_1699 = tpu.memref_slice %arg7[%dma_start3A_1696, %dma_start3A_1697, %dma_start3A_1698] : memref<8x16x4096xf32, #tpu.memory_space<vmem>> -> memref<1x16x4096xf32, #tpu.memory_space<vmem>>
      tpu.enqueue_dma source(%dma_start3A_1699 : memref<1x16x4096xf32, #tpu.memory_space<vmem>>) target(%dma_start3A_1695 : memref<1x16x4096xf32, #tpu.memory_space<any>>) target_semaphore(%dma_start3A_1692 : memref<!tpu.dma_semaphore, #tpu.memory_space<semaphore_mem>>)
      %mul3A_1700 = arith.constant 8 : i32
      %mul3A_1701 = arith.muli %arg0, %mul3A_1700 : i32
      %add3A_1702 = arith.constant 6 : i32
      %add3A_1703 = arith.addi %mul3A_1701, %add3A_1702 : i32
      %dma_start3A_1704 = arith.constant 6 : i32
      %dma_start3A_1705 = tpu.memref_slice %arg9[%dma_start3A_1704] : memref<8x!tpu.dma_semaphore, #tpu.memory_space<semaphore_mem>> -> memref<1x!tpu.dma_semaphore, #tpu.memory_space<semaphore_mem>>
      %dma_start3A_1706 = tpu.memref_squeeze %dma_start3A_1705 : memref<1x!tpu.dma_semaphore, #tpu.memory_space<semaphore_mem>> -> memref<!tpu.dma_semaphore, #tpu.memory_space<semaphore_mem>>
      %dma_start3A_1707 = arith.constant 0 : i32
      %dma_start3A_1708 = arith.constant 0 : i32
      %dma_start3A_1709 = tpu.memref_slice %arg5[%add3A_1703, %dma_start3A_1707, %dma_start3A_1708] : memref<128x16x4096xf32, #tpu.memory_space<any>> -> memref<1x16x4096xf32, #tpu.memory_space<any>>
      %dma_start3A_1710 = arith.constant 6 : i32
      %dma_start3A_1711 = arith.constant 0 : i32
      %dma_start3A_1712 = arith.constant 0 : i32
      %dma_start3A_1713 = tpu.memref_slice %arg7[%dma_start3A_1710, %dma_start3A_1711, %dma_start3A_1712] : memref<8x16x4096xf32, #tpu.memory_space<vmem>> -> memref<1x16x4096xf32, #tpu.memory_space<vmem>>
      tpu.enqueue_dma source(%dma_start3A_1713 : memref<1x16x4096xf32, #tpu.memory_space<vmem>>) target(%dma_start3A_1709 : memref<1x16x4096xf32, #tpu.memory_space<any>>) target_semaphore(%dma_start3A_1706 : memref<!tpu.dma_semaphore, #tpu.memory_space<semaphore_mem>>)
      %mul3A_1714 = arith.constant 8 : i32
      %mul3A_1715 = arith.muli %arg0, %mul3A_1714 : i32
      %add3A_1716 = arith.constant 7 : i32
      %add3A_1717 = arith.addi %mul3A_1715, %add3A_1716 : i32
      %dma_start3A_1718 = arith.constant 7 : i32
      %dma_start3A_1719 = tpu.memref_slice %arg9[%dma_start3A_1718] : memref<8x!tpu.dma_semaphore, #tpu.memory_space<semaphore_mem>> -> memref<1x!tpu.dma_semaphore, #tpu.memory_space<semaphore_mem>>
      %dma_start3A_1720 = tpu.memref_squeeze %dma_start3A_1719 : memref<1x!tpu.dma_semaphore, #tpu.memory_space<semaphore_mem>> -> memref<!tpu.dma_semaphore, #tpu.memory_space<semaphore_mem>>
      %dma_start3A_1721 = arith.constant 0 : i32
      %dma_start3A_1722 = arith.constant 0 : i32
      %dma_start3A_1723 = tpu.memref_slice %arg5[%add3A_1717, %dma_start3A_1721, %dma_start3A_1722] : memref<128x16x4096xf32, #tpu.memory_space<any>> -> memref<1x16x4096xf32, #tpu.memory_space<any>>
      %dma_start3A_1724 = arith.constant 7 : i32
      %dma_start3A_1725 = arith.constant 0 : i32
      %dma_start3A_1726 = arith.constant 0 : i32
      %dma_start3A_1727 = tpu.memref_slice %arg7[%dma_start3A_1724, %dma_start3A_1725, %dma_start3A_1726] : memref<8x16x4096xf32, #tpu.memory_space<vmem>> -> memref<1x16x4096xf32, #tpu.memory_space<vmem>>
      tpu.enqueue_dma source(%dma_start3A_1727 : memref<1x16x4096xf32, #tpu.memory_space<vmem>>) target(%dma_start3A_1723 : memref<1x16x4096xf32, #tpu.memory_space<any>>) target_semaphore(%dma_start3A_1720 : memref<!tpu.dma_semaphore, #tpu.memory_space<semaphore_mem>>)
    } else {
    }
    %not3A_28 = arith.constant true
    %not3A_29 = arith.xori %eq3A_12, %not3A_28 : i1
    %convert_element_type3A_30 = arith.extui %not3A_29 : i1 to i32
    %cond3A_31 = arith.constant 0 : i32
    %cond3A_32 = arith.cmpi ne, %convert_element_type3A_30, %cond3A_31 : i32
    scf.if %cond3A_32 {
      %get3A = arith.constant 0 : index
      %get3A_38 = arith.constant 0 : index
      %get3A_39 = vector.load %arg2[%get3A, %get3A_38] : memref<16x4096xf32, #tpu.memory_space<vmem>>, vector<16x512xf32>
      %get3A_40 = arith.constant 0 : index
      %get3A_41 = arith.constant 0 : index
      %get3A_42 = vector.load %arg3[%get3A_40, %get3A_41] : memref<16x4096xf32, #tpu.memory_space<vmem>>, vector<16x512xf32>
      %mul3A = arith.constant 8 : i32
      %mul3A_43 = arith.muli %arg0, %mul3A : i32
      %add3A_44 = arith.constant 0 : i32
      %add3A_45 = arith.addi %mul3A_43, %add3A_44 : i32
      %get3A_46 = arith.index_cast %add3A_45 : i32 to index
      %get3A_47 = arith.constant 0 : index
      %get3A_48 = vector.load %arg6[%get3A_46, %get3A_47] : memref<128x4096xf32, #tpu.memory_space<vmem>>, vector<1x512xf32>
      %get3A_49 = arith.constant 0 : index
      %get3A_50 = arith.constant 0 : index
      %get3A_51 = vector.load %arg4[%get3A_49, %get3A_50] : memref<8x16xf32, #tpu.memory_space<vmem>>, vector<1x16xf32>
      %get3A_52 = vector.shape_cast %get3A_51 : vector<1x16xf32> to vector<16xf32>
      %broadcast_in_dim3A = vector.shape_cast %get3A_52 : vector<16xf32> to vector<16x1xf32>
      %mul3A_53 = vector.broadcast %get3A_48 : vector<1x512xf32> to vector<16x512xf32>
      %mul3A_54 = arith.mulf %mul3A_53, %get3A_42 : vector<16x512xf32>
      %add3A_55 = arith.addf %get3A_39, %mul3A_54 : vector<16x512xf32>
      %exp23A = math.exp2 %add3A_55 : vector<16x512xf32>
      %mul3A_56 = vector.broadcast %broadcast_in_dim3A : vector<16x1xf32> to vector<16x512xf32>
      %mul3A_57 = arith.mulf %exp23A, %mul3A_56 : vector<16x512xf32>
      %swap3A = arith.constant 0 : index
      %swap3A_58 = arith.constant 0 : index
      %swap3A_59 = arith.constant 0 : index
      %swap3A_60 = vector.load %arg8[%swap3A, %swap3A_58, %swap3A_59] : memref<8x16x4096xf32, #tpu.memory_space<vmem>>, vector<1x16x512xf32>
      %swap3A_61 = vector.shape_cast %swap3A_60 : vector<1x16x512xf32> to vector<16x512xf32>
      %swap3A_62 = vector.shape_cast %mul3A_57 : vector<16x512xf32> to vector<1x16x512xf32>
      tpu.vector_store %arg8[%swap3A, %swap3A_58, %swap3A_59], %swap3A_62 {strides = array<i32>} : memref<8x16x4096xf32, #tpu.memory_space<vmem>>, vector<1x16x512xf32>,
      %mul3A_63 = arith.constant 8 : i32
      %mul3A_64 = arith.muli %arg0, %mul3A_63 : i32
      %add3A_65 = arith.constant 1 : i32
      %add3A_66 = arith.addi %mul3A_64, %add3A_65 : i32
      %get3A_67 = arith.index_cast %add3A_66 : i32 to index
      %get3A_68 = arith.constant 0 : index
      %get3A_69 = vector.load %arg6[%get3A_67, %get3A_68] : memref<128x4096xf32, #tpu.memory_space<vmem>>, vector<1x512xf32>
      %get3A_70 = arith.constant 1 : index
      %get3A_71 = arith.constant 0 : index
      %get3A_72 = vector.load %arg4[%get3A_70, %get3A_71] : memref<8x16xf32, #tpu.memory_space<vmem>>, vector<1x16xf32>
      %get3A_73 = vector.shape_cast %get3A_72 : vector<1x16xf32> to vector<16xf32>
      %broadcast_in_dim3A_74 = vector.shape_cast %get3A_73 : vector<16xf32> to vector<16x1xf32>
      %mul3A_75 = vector.broadcast %get3A_69 : vector<1x512xf32> to vector<16x512xf32>
      %mul3A_76 = arith.mulf %mul3A_75, %get3A_42 : vector<16x512xf32>
      %add3A_77 = arith.addf %get3A_39, %mul3A_76 : vector<16x512xf32>
      %exp23A_78 = math.exp2 %add3A_77 : vector<16x512xf32>
      %mul3A_79 = vector.broadcast %broadcast_in_dim3A_74 : vector<16x1xf32> to vector<16x512xf32>
      %mul3A_80 = arith.mulf %exp23A_78, %mul3A_79 : vector<16x512xf32>
      %swap3A_81 = arith.constant 1 : index
      %swap3A_82 = arith.constant 0 : index
      %swap3A_83 = arith.constant 0 : index
      %swap3A_84 = vector.load %arg8[%swap3A_81, %swap3A_82, %swap3A_83] : memref<8x16x4096xf32, #tpu.memory_space<vmem>>, vector<1x16x512xf32>
      %swap3A_85 = vector.shape_cast %swap3A_84 : vector<1x16x512xf32> to vector<16x512xf32>
      %swap3A_86 = vector.shape_cast %mul3A_80 : vector<16x512xf32> to vector<1x16x512xf32>
      tpu.vector_store %arg8[%swap3A_81, %swap3A_82, %swap3A_83], %swap3A_86 {strides = array<i32>} : memref<8x16x4096xf32, #tpu.memory_space<vmem>>, vector<1x16x512xf32>,
      %mul3A_87 = arith.constant 8 : i32
      %mul3A_88 = arith.muli %arg0, %mul3A_87 : i32
      %add3A_89 = arith.constant 2 : i32
      %add3A_90 = arith.addi %mul3A_88, %add3A_89 : i32
      %get3A_91 = arith.index_cast %add3A_90 : i32 to index
      %get3A_92 = arith.constant 0 : index
      %get3A_93 = vector.load %arg6[%get3A_91, %get3A_92] : memref<128x4096xf32, #tpu.memory_space<vmem>>, vector<1x512xf32>
      %get3A_94 = arith.constant 2 : index
      %get3A_95 = arith.constant 0 : index
      %get3A_96 = vector.load %arg4[%get3A_94, %get3A_95] : memref<8x16xf32, #tpu.memory_space<vmem>>, vector<1x16xf32>
      %get3A_97 = vector.shape_cast %get3A_96 : vector<1x16xf32> to vector<16xf32>
      %broadcast_in_dim3A_98 = vector.shape_cast %get3A_97 : vector<16xf32> to vector<16x1xf32>
      %mul3A_99 = vector.broadcast %get3A_93 : vector<1x512xf32> to vector<16x512xf32>
      %mul3A_100 = arith.mulf %mul3A_99, %get3A_42 : vector<16x512xf32>
      %add3A_101 = arith.addf %get3A_39, %mul3A_100 : vector<16x512xf32>
      %exp23A_102 = math.exp2 %add3A_101 : vector<16x512xf32>
      %mul3A_103 = vector.broadcast %broadcast_in_dim3A_98 : vector<16x1xf32> to vector<16x512xf32>
      %mul3A_104 = arith.mulf %exp23A_102, %mul3A_103 : vector<16x512xf32>
      %swap3A_105 = arith.constant 2 : index
      %swap3A_106 = arith.constant 0 : index
      %swap3A_107 = arith.constant 0 : index
      %swap3A_108 = vector.load %arg8[%swap3A_105, %swap3A_106, %swap3A_107] : memref<8x16x4096xf32, #tpu.memory_space<vmem>>, vector<1x16x512xf32>
      %swap3A_109 = vector.shape_cast %swap3A_108 : vector<1x16x512xf32> to vector<16x512xf32>
      %swap3A_110 = vector.shape_cast %mul3A_104 : vector<16x512xf32> to vector<1x16x512xf32>
      tpu.vector_store %arg8[%swap3A_105, %swap3A_106, %swap3A_107], %swap3A_110 {strides = array<i32>} : memref<8x16x4096xf32, #tpu.memory_space<vmem>>, vector<1x16x512xf32>,
      %mul3A_111 = arith.constant 8 : i32
      %mul3A_112 = arith.muli %arg0, %mul3A_111 : i32
      %add3A_113 = arith.constant 3 : i32
      %add3A_114 = arith.addi %mul3A_112, %add3A_113 : i32
      %get3A_115 = arith.index_cast %add3A_114 : i32 to index
      %get3A_116 = arith.constant 0 : index
      %get3A_117 = vector.load %arg6[%get3A_115, %get3A_116] : memref<128x4096xf32, #tpu.memory_space<vmem>>, vector<1x512xf32>
      %get3A_118 = arith.constant 3 : index
      %get3A_119 = arith.constant 0 : index
      %get3A_120 = vector.load %arg4[%get3A_118, %get3A_119] : memref<8x16xf32, #tpu.memory_space<vmem>>, vector<1x16xf32>
      %get3A_121 = vector.shape_cast %get3A_120 : vector<1x16xf32> to vector<16xf32>
      %broadcast_in_dim3A_122 = vector.shape_cast %get3A_121 : vector<16xf32> to vector<16x1xf32>
      %mul3A_123 = vector.broadcast %get3A_117 : vector<1x512xf32> to vector<16x512xf32>
      %mul3A_124 = arith.mulf %mul3A_123, %get3A_42 : vector<16x512xf32>
      %add3A_125 = arith.addf %get3A_39, %mul3A_124 : vector<16x512xf32>
      %exp23A_126 = math.exp2 %add3A_125 : vector<16x512xf32>
      %mul3A_127 = vector.broadcast %broadcast_in_dim3A_122 : vector<16x1xf32> to vector<16x512xf32>
      %mul3A_128 = arith.mulf %exp23A_126, %mul3A_127 : vector<16x512xf32>
      %swap3A_129 = arith.constant 3 : index
      %swap3A_130 = arith.constant 0 : index
      %swap3A_131 = arith.constant 0 : index
      %swap3A_132 = vector.load %arg8[%swap3A_129, %swap3A_130, %swap3A_131] : memref<8x16x4096xf32, #tpu.memory_space<vmem>>, vector<1x16x512xf32>
      %swap3A_133 = vector.shape_cast %swap3A_132 : vector<1x16x512xf32> to vector<16x512xf32>
      %swap3A_134 = vector.shape_cast %mul3A_128 : vector<16x512xf32> to vector<1x16x512xf32>
      tpu.vector_store %arg8[%swap3A_129, %swap3A_130, %swap3A_131], %swap3A_134 {strides = array<i32>} : memref<8x16x4096xf32, #tpu.memory_space<vmem>>, vector<1x16x512xf32>,
      %mul3A_135 = arith.constant 8 : i32
      %mul3A_136 = arith.muli %arg0, %mul3A_135 : i32
      %add3A_137 = arith.constant 4 : i32
      %add3A_138 = arith.addi %mul3A_136, %add3A_137 : i32
      %get3A_139 = arith.index_cast %add3A_138 : i32 to index
      %get3A_140 = arith.constant 0 : index
      %get3A_141 = vector.load %arg6[%get3A_139, %get3A_140] : memref<128x4096xf32, #tpu.memory_space<vmem>>, vector<1x512xf32>
      %get3A_142 = arith.constant 4 : index
      %get3A_143 = arith.constant 0 : index
      %get3A_144 = vector.load %arg4[%get3A_142, %get3A_143] : memref<8x16xf32, #tpu.memory_space<vmem>>, vector<1x16xf32>
      %get3A_145 = vector.shape_cast %get3A_144 : vector<1x16xf32> to vector<16xf32>
      %broadcast_in_dim3A_146 = vector.shape_cast %get3A_145 : vector<16xf32> to vector<16x1xf32>
      %mul3A_147 = vector.broadcast %get3A_141 : vector<1x512xf32> to vector<16x512xf32>
      %mul3A_148 = arith.mulf %mul3A_147, %get3A_42 : vector<16x512xf32>
      %add3A_149 = arith.addf %get3A_39, %mul3A_148 : vector<16x512xf32>
      %exp23A_150 = math.exp2 %add3A_149 : vector<16x512xf32>
      %mul3A_151 = vector.broadcast %broadcast_in_dim3A_146 : vector<16x1xf32> to vector<16x512xf32>
      %mul3A_152 = arith.mulf %exp23A_150, %mul3A_151 : vector<16x512xf32>
      %swap3A_153 = arith.constant 4 : index
      %swap3A_154 = arith.constant 0 : index
      %swap3A_155 = arith.constant 0 : index
      %swap3A_156 = vector.load %arg8[%swap3A_153, %swap3A_154, %swap3A_155] : memref<8x16x4096xf32, #tpu.memory_space<vmem>>, vector<1x16x512xf32>
      %swap3A_157 = vector.shape_cast %swap3A_156 : vector<1x16x512xf32> to vector<16x512xf32>
      %swap3A_158 = vector.shape_cast %mul3A_152 : vector<16x512xf32> to vector<1x16x512xf32>
      tpu.vector_store %arg8[%swap3A_153, %swap3A_154, %swap3A_155], %swap3A_158 {strides = array<i32>} : memref<8x16x4096xf32, #tpu.memory_space<vmem>>, vector<1x16x512xf32>,
      %mul3A_159 = arith.constant 8 : i32
      %mul3A_160 = arith.muli %arg0, %mul3A_159 : i32
      %add3A_161 = arith.constant 5 : i32
      %add3A_162 = arith.addi %mul3A_160, %add3A_161 : i32
      %get3A_163 = arith.index_cast %add3A_162 : i32 to index
      %get3A_164 = arith.constant 0 : index
      %get3A_165 = vector.load %arg6[%get3A_163, %get3A_164] : memref<128x4096xf32, #tpu.memory_space<vmem>>, vector<1x512xf32>
      %get3A_166 = arith.constant 5 : index
      %get3A_167 = arith.constant 0 : index
      %get3A_168 = vector.load %arg4[%get3A_166, %get3A_167] : memref<8x16xf32, #tpu.memory_space<vmem>>, vector<1x16xf32>
      %get3A_169 = vector.shape_cast %get3A_168 : vector<1x16xf32> to vector<16xf32>
      %broadcast_in_dim3A_170 = vector.shape_cast %get3A_169 : vector<16xf32> to vector<16x1xf32>
      %mul3A_171 = vector.broadcast %get3A_165 : vector<1x512xf32> to vector<16x512xf32>
      %mul3A_172 = arith.mulf %mul3A_171, %get3A_42 : vector<16x512xf32>
      %add3A_173 = arith.addf %get3A_39, %mul3A_172 : vector<16x512xf32>
      %exp23A_174 = math.exp2 %add3A_173 : vector<16x512xf32>
      %mul3A_175 = vector.broadcast %broadcast_in_dim3A_170 : vector<16x1xf32> to vector<16x512xf32>
      %mul3A_176 = arith.mulf %exp23A_174, %mul3A_175 : vector<16x512xf32>
      %swap3A_177 = arith.constant 5 : index
      %swap3A_178 = arith.constant 0 : index
      %swap3A_179 = arith.constant 0 : index
      %swap3A_180 = vector.load %arg8[%swap3A_177, %swap3A_178, %swap3A_179] : memref<8x16x4096xf32, #tpu.memory_space<vmem>>, vector<1x16x512xf32>
      %swap3A_181 = vector.shape_cast %swap3A_180 : vector<1x16x512xf32> to vector<16x512xf32>
      %swap3A_182 = vector.shape_cast %mul3A_176 : vector<16x512xf32> to vector<1x16x512xf32>
      tpu.vector_store %arg8[%swap3A_177, %swap3A_178, %swap3A_179], %swap3A_182 {strides = array<i32>} : memref<8x16x4096xf32, #tpu.memory_space<vmem>>, vector<1x16x512xf32>,
      %mul3A_183 = arith.constant 8 : i32
      %mul3A_184 = arith.muli %arg0, %mul3A_183 : i32
      %add3A_185 = arith.constant 6 : i32
      %add3A_186 = arith.addi %mul3A_184, %add3A_185 : i32
      %get3A_187 = arith.index_cast %add3A_186 : i32 to index
      %get3A_188 = arith.constant 0 : index
      %get3A_189 = vector.load %arg6[%get3A_187, %get3A_188] : memref<128x4096xf32, #tpu.memory_space<vmem>>, vector<1x512xf32>
      %get3A_190 = arith.constant 6 : index
      %get3A_191 = arith.constant 0 : index
      %get3A_192 = vector.load %arg4[%get3A_190, %get3A_191] : memref<8x16xf32, #tpu.memory_space<vmem>>, vector<1x16xf32>
      %get3A_193 = vector.shape_cast %get3A_192 : vector<1x16xf32> to vector<16xf32>
      %broadcast_in_dim3A_194 = vector.shape_cast %get3A_193 : vector<16xf32> to vector<16x1xf32>
      %mul3A_195 = vector.broadcast %get3A_189 : vector<1x512xf32> to vector<16x512xf32>
      %mul3A_196 = arith.mulf %mul3A_195, %get3A_42 : vector<16x512xf32>
      %add3A_197 = arith.addf %get3A_39, %mul3A_196 : vector<16x512xf32>
      %exp23A_198 = math.exp2 %add3A_197 : vector<16x512xf32>
      %mul3A_199 = vector.broadcast %broadcast_in_dim3A_194 : vector<16x1xf32> to vector<16x512xf32>
      %mul3A_200 = arith.mulf %exp23A_198, %mul3A_199 : vector<16x512xf32>
      %swap3A_201 = arith.constant 6 : index
      %swap3A_202 = arith.constant 0 : index
      %swap3A_203 = arith.constant 0 : index
      %swap3A_204 = vector.load %arg8[%swap3A_201, %swap3A_202, %swap3A_203] : memref<8x16x4096xf32, #tpu.memory_space<vmem>>, vector<1x16x512xf32>
      %swap3A_205 = vector.shape_cast %swap3A_204 : vector<1x16x512xf32> to vector<16x512xf32>
      %swap3A_206 = vector.shape_cast %mul3A_200 : vector<16x512xf32> to vector<1x16x512xf32>
      tpu.vector_store %arg8[%swap3A_201, %swap3A_202, %swap3A_203], %swap3A_206 {strides = array<i32>} : memref<8x16x4096xf32, #tpu.memory_space<vmem>>, vector<1x16x512xf32>,
      %mul3A_207 = arith.constant 8 : i32
      %mul3A_208 = arith.muli %arg0, %mul3A_207 : i32
      %add3A_209 = arith.constant 7 : i32
      %add3A_210 = arith.addi %mul3A_208, %add3A_209 : i32
      %get3A_211 = arith.index_cast %add3A_210 : i32 to index
      %get3A_212 = arith.constant 0 : index
      %get3A_213 = vector.load %arg6[%get3A_211, %get3A_212] : memref<128x4096xf32, #tpu.memory_space<vmem>>, vector<1x512xf32>
      %get3A_214 = arith.constant 7 : index
      %get3A_215 = arith.constant 0 : index
      %get3A_216 = vector.load %arg4[%get3A_214, %get3A_215] : memref<8x16xf32, #tpu.memory_space<vmem>>, vector<1x16xf32>
      %get3A_217 = vector.shape_cast %get3A_216 : vector<1x16xf32> to vector<16xf32>
      %broadcast_in_dim3A_218 = vector.shape_cast %get3A_217 : vector<16xf32> to vector<16x1xf32>
      %mul3A_219 = vector.broadcast %get3A_213 : vector<1x512xf32> to vector<16x512xf32>
      %mul3A_220 = arith.mulf %mul3A_219, %get3A_42 : vector<16x512xf32>
      %add3A_221 = arith.addf %get3A_39, %mul3A_220 : vector<16x512xf32>
      %exp23A_222 = math.exp2 %add3A_221 : vector<16x512xf32>
      %mul3A_223 = vector.broadcast %broadcast_in_dim3A_218 : vector<16x1xf32> to vector<16x512xf32>
      %mul3A_224 = arith.mulf %exp23A_222, %mul3A_223 : vector<16x512xf32>
      %swap3A_225 = arith.constant 7 : index
      %swap3A_226 = arith.constant 0 : index
      %swap3A_227 = arith.constant 0 : index
      %swap3A_228 = vector.load %arg8[%swap3A_225, %swap3A_226, %swap3A_227] : memref<8x16x4096xf32, #tpu.memory_space<vmem>>, vector<1x16x512xf32>
      %swap3A_229 = vector.shape_cast %swap3A_228 : vector<1x16x512xf32> to vector<16x512xf32>
      %swap3A_230 = vector.shape_cast %mul3A_224 : vector<16x512xf32> to vector<1x16x512xf32>
      tpu.vector_store %arg8[%swap3A_225, %swap3A_226, %swap3A_227], %swap3A_230 {strides = array<i32>} : memref<8x16x4096xf32, #tpu.memory_space<vmem>>, vector<1x16x512xf32>,
      %get3A_231 = arith.constant 0 : index
      %get3A_232 = arith.constant 512 : index
      %get3A_233 = vector.load %arg2[%get3A_231, %get3A_232] : memref<16x4096xf32, #tpu.memory_space<vmem>>, vector<16x512xf32>
      %get3A_234 = arith.constant 0 : index
      %get3A_235 = arith.constant 512 : index
      %get3A_236 = vector.load %arg3[%get3A_234, %get3A_235] : memref<16x4096xf32, #tpu.memory_space<vmem>>, vector<16x512xf32>
      %mul3A_237 = arith.constant 8 : i32
      %mul3A_238 = arith.muli %arg0, %mul3A_237 : i32
      %add3A_239 = arith.constant 0 : i32
      %add3A_240 = arith.addi %mul3A_238, %add3A_239 : i32
      %get3A_241 = arith.index_cast %add3A_240 : i32 to index
      %get3A_242 = arith.constant 512 : index
      %get3A_243 = vector.load %arg6[%get3A_241, %get3A_242] : memref<128x4096xf32, #tpu.memory_space<vmem>>, vector<1x512xf32>
      %get3A_244 = arith.constant 0 : index
      %get3A_245 = arith.constant 0 : index
      %get3A_246 = vector.load %arg4[%get3A_244, %get3A_245] : memref<8x16xf32, #tpu.memory_space<vmem>>, vector<1x16xf32>
      %get3A_247 = vector.shape_cast %get3A_246 : vector<1x16xf32> to vector<16xf32>
      %broadcast_in_dim3A_248 = vector.shape_cast %get3A_247 : vector<16xf32> to vector<16x1xf32>
      %mul3A_249 = vector.broadcast %get3A_243 : vector<1x512xf32> to vector<16x512xf32>
      %mul3A_250 = arith.mulf %mul3A_249, %get3A_236 : vector<16x512xf32>
      %add3A_251 = arith.addf %get3A_233, %mul3A_250 : vector<16x512xf32>
      %exp23A_252 = math.exp2 %add3A_251 : vector<16x512xf32>
      %mul3A_253 = vector.broadcast %broadcast_in_dim3A_248 : vector<16x1xf32> to vector<16x512xf32>
      %mul3A_254 = arith.mulf %exp23A_252, %mul3A_253 : vector<16x512xf32>
      %swap3A_255 = arith.constant 0 : index
      %swap3A_256 = arith.constant 0 : index
      %swap3A_257 = arith.constant 512 : index
      %swap3A_258 = vector.load %arg8[%swap3A_255, %swap3A_256, %swap3A_257] : memref<8x16x4096xf32, #tpu.memory_space<vmem>>, vector<1x16x512xf32>
      %swap3A_259 = vector.shape_cast %swap3A_258 : vector<1x16x512xf32> to vector<16x512xf32>
      %swap3A_260 = vector.shape_cast %mul3A_254 : vector<16x512xf32> to vector<1x16x512xf32>
      tpu.vector_store %arg8[%swap3A_255, %swap3A_256, %swap3A_257], %swap3A_260 {strides = array<i32>} : memref<8x16x4096xf32, #tpu.memory_space<vmem>>, vector<1x16x512xf32>,
      %mul3A_261 = arith.constant 8 : i32
      %mul3A_262 = arith.muli %arg0, %mul3A_261 : i32
      %add3A_263 = arith.constant 1 : i32
      %add3A_264 = arith.addi %mul3A_262, %add3A_263 : i32
      %get3A_265 = arith.index_cast %add3A_264 : i32 to index
      %get3A_266 = arith.constant 512 : index
      %get3A_267 = vector.load %arg6[%get3A_265, %get3A_266] : memref<128x4096xf32, #tpu.memory_space<vmem>>, vector<1x512xf32>
      %get3A_268 = arith.constant 1 : index
      %get3A_269 = arith.constant 0 : index
      %get3A_270 = vector.load %arg4[%get3A_268, %get3A_269] : memref<8x16xf32, #tpu.memory_space<vmem>>, vector<1x16xf32>
      %get3A_271 = vector.shape_cast %get3A_270 : vector<1x16xf32> to vector<16xf32>
      %broadcast_in_dim3A_272 = vector.shape_cast %get3A_271 : vector<16xf32> to vector<16x1xf32>
      %mul3A_273 = vector.broadcast %get3A_267 : vector<1x512xf32> to vector<16x512xf32>
      %mul3A_274 = arith.mulf %mul3A_273, %get3A_236 : vector<16x512xf32>
      %add3A_275 = arith.addf %get3A_233, %mul3A_274 : vector<16x512xf32>
      %exp23A_276 = math.exp2 %add3A_275 : vector<16x512xf32>
      %mul3A_277 = vector.broadcast %broadcast_in_dim3A_272 : vector<16x1xf32> to vector<16x512xf32>
      %mul3A_278 = arith.mulf %exp23A_276, %mul3A_277 : vector<16x512xf32>
      %swap3A_279 = arith.constant 1 : index
      %swap3A_280 = arith.constant 0 : index
      %swap3A_281 = arith.constant 512 : index
      %swap3A_282 = vector.load %arg8[%swap3A_279, %swap3A_280, %swap3A_281] : memref<8x16x4096xf32, #tpu.memory_space<vmem>>, vector<1x16x512xf32>
      %swap3A_283 = vector.shape_cast %swap3A_282 : vector<1x16x512xf32> to vector<16x512xf32>
      %swap3A_284 = vector.shape_cast %mul3A_278 : vector<16x512xf32> to vector<1x16x512xf32>
      tpu.vector_store %arg8[%swap3A_279, %swap3A_280, %swap3A_281], %swap3A_284 {strides = array<i32>} : memref<8x16x4096xf32, #tpu.memory_space<vmem>>, vector<1x16x512xf32>,
      %mul3A_285 = arith.constant 8 : i32
      %mul3A_286 = arith.muli %arg0, %mul3A_285 : i32
      %add3A_287 = arith.constant 2 : i32
      %add3A_288 = arith.addi %mul3A_286, %add3A_287 : i32
      %get3A_289 = arith.index_cast %add3A_288 : i32 to index
      %get3A_290 = arith.constant 512 : index
      %get3A_291 = vector.load %arg6[%get3A_289, %get3A_290] : memref<128x4096xf32, #tpu.memory_space<vmem>>, vector<1x512xf32>
      %get3A_292 = arith.constant 2 : index
      %get3A_293 = arith.constant 0 : index
      %get3A_294 = vector.load %arg4[%get3A_292, %get3A_293] : memref<8x16xf32, #tpu.memory_space<vmem>>, vector<1x16xf32>
      %get3A_295 = vector.shape_cast %get3A_294 : vector<1x16xf32> to vector<16xf32>
      %broadcast_in_dim3A_296 = vector.shape_cast %get3A_295 : vector<16xf32> to vector<16x1xf32>
      %mul3A_297 = vector.broadcast %get3A_291 : vector<1x512xf32> to vector<16x512xf32>
      %mul3A_298 = arith.mulf %mul3A_297, %get3A_236 : vector<16x512xf32>
      %add3A_299 = arith.addf %get3A_233, %mul3A_298 : vector<16x512xf32>
      %exp23A_300 = math.exp2 %add3A_299 : vector<16x512xf32>
      %mul3A_301 = vector.broadcast %broadcast_in_dim3A_296 : vector<16x1xf32> to vector<16x512xf32>
      %mul3A_302 = arith.mulf %exp23A_300, %mul3A_301 : vector<16x512xf32>
      %swap3A_303 = arith.constant 2 : index
      %swap3A_304 = arith.constant 0 : index
      %swap3A_305 = arith.constant 512 : index
      %swap3A_306 = vector.load %arg8[%swap3A_303, %swap3A_304, %swap3A_305] : memref<8x16x4096xf32, #tpu.memory_space<vmem>>, vector<1x16x512xf32>
      %swap3A_307 = vector.shape_cast %swap3A_306 : vector<1x16x512xf32> to vector<16x512xf32>
      %swap3A_308 = vector.shape_cast %mul3A_302 : vector<16x512xf32> to vector<1x16x512xf32>
      tpu.vector_store %arg8[%swap3A_303, %swap3A_304, %swap3A_305], %swap3A_308 {strides = array<i32>} : memref<8x16x4096xf32, #tpu.memory_space<vmem>>, vector<1x16x512xf32>,
      %mul3A_309 = arith.constant 8 : i32
      %mul3A_310 = arith.muli %arg0, %mul3A_309 : i32
      %add3A_311 = arith.constant 3 : i32
      %add3A_312 = arith.addi %mul3A_310, %add3A_311 : i32
      %get3A_313 = arith.index_cast %add3A_312 : i32 to index
      %get3A_314 = arith.constant 512 : index
      %get3A_315 = vector.load %arg6[%get3A_313, %get3A_314] : memref<128x4096xf32, #tpu.memory_space<vmem>>, vector<1x512xf32>
      %get3A_316 = arith.constant 3 : index
      %get3A_317 = arith.constant 0 : index
      %get3A_318 = vector.load %arg4[%get3A_316, %get3A_317] : memref<8x16xf32, #tpu.memory_space<vmem>>, vector<1x16xf32>
      %get3A_319 = vector.shape_cast %get3A_318 : vector<1x16xf32> to vector<16xf32>
      %broadcast_in_dim3A_320 = vector.shape_cast %get3A_319 : vector<16xf32> to vector<16x1xf32>
      %mul3A_321 = vector.broadcast %get3A_315 : vector<1x512xf32> to vector<16x512xf32>
      %mul3A_322 = arith.mulf %mul3A_321, %get3A_236 : vector<16x512xf32>
      %add3A_323 = arith.addf %get3A_233, %mul3A_322 : vector<16x512xf32>
      %exp23A_324 = math.exp2 %add3A_323 : vector<16x512xf32>
      %mul3A_325 = vector.broadcast %broadcast_in_dim3A_320 : vector<16x1xf32> to vector<16x512xf32>
      %mul3A_326 = arith.mulf %exp23A_324, %mul3A_325 : vector<16x512xf32>
      %swap3A_327 = arith.constant 3 : index
      %swap3A_328 = arith.constant 0 : index
      %swap3A_329 = arith.constant 512 : index
      %swap3A_330 = vector.load %arg8[%swap3A_327, %swap3A_328, %swap3A_329] : memref<8x16x4096xf32, #tpu.memory_space<vmem>>, vector<1x16x512xf32>
      %swap3A_331 = vector.shape_cast %swap3A_330 : vector<1x16x512xf32> to vector<16x512xf32>
      %swap3A_332 = vector.shape_cast %mul3A_326 : vector<16x512xf32> to vector<1x16x512xf32>
      tpu.vector_store %arg8[%swap3A_327, %swap3A_328, %swap3A_329], %swap3A_332 {strides = array<i32>} : memref<8x16x4096xf32, #tpu.memory_space<vmem>>, vector<1x16x512xf32>,
      %mul3A_333 = arith.constant 8 : i32
      %mul3A_334 = arith.muli %arg0, %mul3A_333 : i32
      %add3A_335 = arith.constant 4 : i32
      %add3A_336 = arith.addi %mul3A_334, %add3A_335 : i32
      %get3A_337 = arith.index_cast %add3A_336 : i32 to index
      %get3A_338 = arith.constant 512 : index
      %get3A_339 = vector.load %arg6[%get3A_337, %get3A_338] : memref<128x4096xf32, #tpu.memory_space<vmem>>, vector<1x512xf32>
      %get3A_340 = arith.constant 4 : index
      %get3A_341 = arith.constant 0 : index
      %get3A_342 = vector.load %arg4[%get3A_340, %get3A_341] : memref<8x16xf32, #tpu.memory_space<vmem>>, vector<1x16xf32>
      %get3A_343 = vector.shape_cast %get3A_342 : vector<1x16xf32> to vector<16xf32>
      %broadcast_in_dim3A_344 = vector.shape_cast %get3A_343 : vector<16xf32> to vector<16x1xf32>
      %mul3A_345 = vector.broadcast %get3A_339 : vector<1x512xf32> to vector<16x512xf32>
      %mul3A_346 = arith.mulf %mul3A_345, %get3A_236 : vector<16x512xf32>
      %add3A_347 = arith.addf %get3A_233, %mul3A_346 : vector<16x512xf32>
      %exp23A_348 = math.exp2 %add3A_347 : vector<16x512xf32>
      %mul3A_349 = vector.broadcast %broadcast_in_dim3A_344 : vector<16x1xf32> to vector<16x512xf32>
      %mul3A_350 = arith.mulf %exp23A_348, %mul3A_349 : vector<16x512xf32>
      %swap3A_351 = arith.constant 4 : index
      %swap3A_352 = arith.constant 0 : index
      %swap3A_353 = arith.constant 512 : index
      %swap3A_354 = vector.load %arg8[%swap3A_351, %swap3A_352, %swap3A_353] : memref<8x16x4096xf32, #tpu.memory_space<vmem>>, vector<1x16x512xf32>
      %swap3A_355 = vector.shape_cast %swap3A_354 : vector<1x16x512xf32> to vector<16x512xf32>
      %swap3A_356 = vector.shape_cast %mul3A_350 : vector<16x512xf32> to vector<1x16x512xf32>
      tpu.vector_store %arg8[%swap3A_351, %swap3A_352, %swap3A_353], %swap3A_356 {strides = array<i32>} : memref<8x16x4096xf32, #tpu.memory_space<vmem>>, vector<1x16x512xf32>,
      %mul3A_357 = arith.constant 8 : i32
      %mul3A_358 = arith.muli %arg0, %mul3A_357 : i32
      %add3A_359 = arith.constant 5 : i32
      %add3A_360 = arith.addi %mul3A_358, %add3A_359 : i32
      %get3A_361 = arith.index_cast %add3A_360 : i32 to index
      %get3A_362 = arith.constant 512 : index
      %get3A_363 = vector.load %arg6[%get3A_361, %get3A_362] : memref<128x4096xf32, #tpu.memory_space<vmem>>, vector<1x512xf32>
      %get3A_364 = arith.constant 5 : index
      %get3A_365 = arith.constant 0 : index
      %get3A_366 = vector.load %arg4[%get3A_364, %get3A_365] : memref<8x16xf32, #tpu.memory_space<vmem>>, vector<1x16xf32>
      %get3A_367 = vector.shape_cast %get3A_366 : vector<1x16xf32> to vector<16xf32>
      %broadcast_in_dim3A_368 = vector.shape_cast %get3A_367 : vector<16xf32> to vector<16x1xf32>
      %mul3A_369 = vector.broadcast %get3A_363 : vector<1x512xf32> to vector<16x512xf32>
      %mul3A_370 = arith.mulf %mul3A_369, %get3A_236 : vector<16x512xf32>
      %add3A_371 = arith.addf %get3A_233, %mul3A_370 : vector<16x512xf32>
      %exp23A_372 = math.exp2 %add3A_371 : vector<16x512xf32>
      %mul3A_373 = vector.broadcast %broadcast_in_dim3A_368 : vector<16x1xf32> to vector<16x512xf32>
      %mul3A_374 = arith.mulf %exp23A_372, %mul3A_373 : vector<16x512xf32>
      %swap3A_375 = arith.constant 5 : index
      %swap3A_376 = arith.constant 0 : index
      %swap3A_377 = arith.constant 512 : index
      %swap3A_378 = vector.load %arg8[%swap3A_375, %swap3A_376, %swap3A_377] : memref<8x16x4096xf32, #tpu.memory_space<vmem>>, vector<1x16x512xf32>
      %swap3A_379 = vector.shape_cast %swap3A_378 : vector<1x16x512xf32> to vector<16x512xf32>
      %swap3A_380 = vector.shape_cast %mul3A_374 : vector<16x512xf32> to vector<1x16x512xf32>
      tpu.vector_store %arg8[%swap3A_375, %swap3A_376, %swap3A_377], %swap3A_380 {strides = array<i32>} : memref<8x16x4096xf32, #tpu.memory_space<vmem>>, vector<1x16x512xf32>,
      %mul3A_381 = arith.constant 8 : i32
      %mul3A_382 = arith.muli %arg0, %mul3A_381 : i32
      %add3A_383 = arith.constant 6 : i32
      %add3A_384 = arith.addi %mul3A_382, %add3A_383 : i32
      %get3A_385 = arith.index_cast %add3A_384 : i32 to index
      %get3A_386 = arith.constant 512 : index
      %get3A_387 = vector.load %arg6[%get3A_385, %get3A_386] : memref<128x4096xf32, #tpu.memory_space<vmem>>, vector<1x512xf32>
      %get3A_388 = arith.constant 6 : index
      %get3A_389 = arith.constant 0 : index
      %get3A_390 = vector.load %arg4[%get3A_388, %get3A_389] : memref<8x16xf32, #tpu.memory_space<vmem>>, vector<1x16xf32>
      %get3A_391 = vector.shape_cast %get3A_390 : vector<1x16xf32> to vector<16xf32>
      %broadcast_in_dim3A_392 = vector.shape_cast %get3A_391 : vector<16xf32> to vector<16x1xf32>
      %mul3A_393 = vector.broadcast %get3A_387 : vector<1x512xf32> to vector<16x512xf32>
      %mul3A_394 = arith.mulf %mul3A_393, %get3A_236 : vector<16x512xf32>
      %add3A_395 = arith.addf %get3A_233, %mul3A_394 : vector<16x512xf32>
      %exp23A_396 = math.exp2 %add3A_395 : vector<16x512xf32>
      %mul3A_397 = vector.broadcast %broadcast_in_dim3A_392 : vector<16x1xf32> to vector<16x512xf32>
      %mul3A_398 = arith.mulf %exp23A_396, %mul3A_397 : vector<16x512xf32>
      %swap3A_399 = arith.constant 6 : index
      %swap3A_400 = arith.constant 0 : index
      %swap3A_401 = arith.constant 512 : index
      %swap3A_402 = vector.load %arg8[%swap3A_399, %swap3A_400, %swap3A_401] : memref<8x16x4096xf32, #tpu.memory_space<vmem>>, vector<1x16x512xf32>
      %swap3A_403 = vector.shape_cast %swap3A_402 : vector<1x16x512xf32> to vector<16x512xf32>
      %swap3A_404 = vector.shape_cast %mul3A_398 : vector<16x512xf32> to vector<1x16x512xf32>
      tpu.vector_store %arg8[%swap3A_399, %swap3A_400, %swap3A_401], %swap3A_404 {strides = array<i32>} : memref<8x16x4096xf32, #tpu.memory_space<vmem>>, vector<1x16x512xf32>,
      %mul3A_405 = arith.constant 8 : i32
      %mul3A_406 = arith.muli %arg0, %mul3A_405 : i32
      %add3A_407 = arith.constant 7 : i32
      %add3A_408 = arith.addi %mul3A_406, %add3A_407 : i32
      %get3A_409 = arith.index_cast %add3A_408 : i32 to index
      %get3A_410 = arith.constant 512 : index
      %get3A_411 = vector.load %arg6[%get3A_409, %get3A_410] : memref<128x4096xf32, #tpu.memory_space<vmem>>, vector<1x512xf32>
      %get3A_412 = arith.constant 7 : index
      %get3A_413 = arith.constant 0 : index
      %get3A_414 = vector.load %arg4[%get3A_412, %get3A_413] : memref<8x16xf32, #tpu.memory_space<vmem>>, vector<1x16xf32>
      %get3A_415 = vector.shape_cast %get3A_414 : vector<1x16xf32> to vector<16xf32>
      %broadcast_in_dim3A_416 = vector.shape_cast %get3A_415 : vector<16xf32> to vector<16x1xf32>
      %mul3A_417 = vector.broadcast %get3A_411 : vector<1x512xf32> to vector<16x512xf32>
      %mul3A_418 = arith.mulf %mul3A_417, %get3A_236 : vector<16x512xf32>
      %add3A_419 = arith.addf %get3A_233, %mul3A_418 : vector<16x512xf32>
      %exp23A_420 = math.exp2 %add3A_419 : vector<16x512xf32>
      %mul3A_421 = vector.broadcast %broadcast_in_dim3A_416 : vector<16x1xf32> to vector<16x512xf32>
      %mul3A_422 = arith.mulf %exp23A_420, %mul3A_421 : vector<16x512xf32>
      %swap3A_423 = arith.constant 7 : index
      %swap3A_424 = arith.constant 0 : index
      %swap3A_425 = arith.constant 512 : index
      %swap3A_426 = vector.load %arg8[%swap3A_423, %swap3A_424, %swap3A_425] : memref<8x16x4096xf32, #tpu.memory_space<vmem>>, vector<1x16x512xf32>
      %swap3A_427 = vector.shape_cast %swap3A_426 : vector<1x16x512xf32> to vector<16x512xf32>
      %swap3A_428 = vector.shape_cast %mul3A_422 : vector<16x512xf32> to vector<1x16x512xf32>
      tpu.vector_store %arg8[%swap3A_423, %swap3A_424, %swap3A_425], %swap3A_428 {strides = array<i32>} : memref<8x16x4096xf32, #tpu.memory_space<vmem>>, vector<1x16x512xf32>,
      %get3A_429 = arith.constant 0 : index
      %get3A_430 = arith.constant 1024 : index
      %get3A_431 = vector.load %arg2[%get3A_429, %get3A_430] : memref<16x4096xf32, #tpu.memory_space<vmem>>, vector<16x512xf32>
      %get3A_432 = arith.constant 0 : index
      %get3A_433 = arith.constant 1024 : index
      %get3A_434 = vector.load %arg3[%get3A_432, %get3A_433] : memref<16x4096xf32, #tpu.memory_space<vmem>>, vector<16x512xf32>
      %mul3A_435 = arith.constant 8 : i32
      %mul3A_436 = arith.muli %arg0, %mul3A_435 : i32
      %add3A_437 = arith.constant 0 : i32
      %add3A_438 = arith.addi %mul3A_436, %add3A_437 : i32
      %get3A_439 = arith.index_cast %add3A_438 : i32 to index
      %get3A_440 = arith.constant 1024 : index
      %get3A_441 = vector.load %arg6[%get3A_439, %get3A_440] : memref<128x4096xf32, #tpu.memory_space<vmem>>, vector<1x512xf32>
      %get3A_442 = arith.constant 0 : index
      %get3A_443 = arith.constant 0 : index
      %get3A_444 = vector.load %arg4[%get3A_442, %get3A_443] : memref<8x16xf32, #tpu.memory_space<vmem>>, vector<1x16xf32>
      %get3A_445 = vector.shape_cast %get3A_444 : vector<1x16xf32> to vector<16xf32>
      %broadcast_in_dim3A_446 = vector.shape_cast %get3A_445 : vector<16xf32> to vector<16x1xf32>
      %mul3A_447 = vector.broadcast %get3A_441 : vector<1x512xf32> to vector<16x512xf32>
      %mul3A_448 = arith.mulf %mul3A_447, %get3A_434 : vector<16x512xf32>
      %add3A_449 = arith.addf %get3A_431, %mul3A_448 : vector<16x512xf32>
      %exp23A_450 = math.exp2 %add3A_449 : vector<16x512xf32>
      %mul3A_451 = vector.broadcast %broadcast_in_dim3A_446 : vector<16x1xf32> to vector<16x512xf32>
      %mul3A_452 = arith.mulf %exp23A_450, %mul3A_451 : vector<16x512xf32>
      %swap3A_453 = arith.constant 0 : index
      %swap3A_454 = arith.constant 0 : index
      %swap3A_455 = arith.constant 1024 : index
      %swap3A_456 = vector.load %arg8[%swap3A_453, %swap3A_454, %swap3A_455] : memref<8x16x4096xf32, #tpu.memory_space<vmem>>, vector<1x16x512xf32>
      %swap3A_457 = vector.shape_cast %swap3A_456 : vector<1x16x512xf32> to vector<16x512xf32>
      %swap3A_458 = vector.shape_cast %mul3A_452 : vector<16x512xf32> to vector<1x16x512xf32>
      tpu.vector_store %arg8[%swap3A_453, %swap3A_454, %swap3A_455], %swap3A_458 {strides = array<i32>} : memref<8x16x4096xf32, #tpu.memory_space<vmem>>, vector<1x16x512xf32>,
      %mul3A_459 = arith.constant 8 : i32
      %mul3A_460 = arith.muli %arg0, %mul3A_459 : i32
      %add3A_461 = arith.constant 1 : i32
      %add3A_462 = arith.addi %mul3A_460, %add3A_461 : i32
      %get3A_463 = arith.index_cast %add3A_462 : i32 to index
      %get3A_464 = arith.constant 1024 : index
      %get3A_465 = vector.load %arg6[%get3A_463, %get3A_464] : memref<128x4096xf32, #tpu.memory_space<vmem>>, vector<1x512xf32>
      %get3A_466 = arith.constant 1 : index
      %get3A_467 = arith.constant 0 : index
      %get3A_468 = vector.load %arg4[%get3A_466, %get3A_467] : memref<8x16xf32, #tpu.memory_space<vmem>>, vector<1x16xf32>
      %get3A_469 = vector.shape_cast %get3A_468 : vector<1x16xf32> to vector<16xf32>
      %broadcast_in_dim3A_470 = vector.shape_cast %get3A_469 : vector<16xf32> to vector<16x1xf32>
      %mul3A_471 = vector.broadcast %get3A_465 : vector<1x512xf32> to vector<16x512xf32>
      %mul3A_472 = arith.mulf %mul3A_471, %get3A_434 : vector<16x512xf32>
      %add3A_473 = arith.addf %get3A_431, %mul3A_472 : vector<16x512xf32>
      %exp23A_474 = math.exp2 %add3A_473 : vector<16x512xf32>
      %mul3A_475 = vector.broadcast %broadcast_in_dim3A_470 : vector<16x1xf32> to vector<16x512xf32>
      %mul3A_476 = arith.mulf %exp23A_474, %mul3A_475 : vector<16x512xf32>
      %swap3A_477 = arith.constant 1 : index
      %swap3A_478 = arith.constant 0 : index
      %swap3A_479 = arith.constant 1024 : index
      %swap3A_480 = vector.load %arg8[%swap3A_477, %swap3A_478, %swap3A_479] : memref<8x16x4096xf32, #tpu.memory_space<vmem>>, vector<1x16x512xf32>
      %swap3A_481 = vector.shape_cast %swap3A_480 : vector<1x16x512xf32> to vector<16x512xf32>
      %swap3A_482 = vector.shape_cast %mul3A_476 : vector<16x512xf32> to vector<1x16x512xf32>
      tpu.vector_store %arg8[%swap3A_477, %swap3A_478, %swap3A_479], %swap3A_482 {strides = array<i32>} : memref<8x16x4096xf32, #tpu.memory_space<vmem>>, vector<1x16x512xf32>,
      %mul3A_483 = arith.constant 8 : i32
      %mul3A_484 = arith.muli %arg0, %mul3A_483 : i32
      %add3A_485 = arith.constant 2 : i32
      %add3A_486 = arith.addi %mul3A_484, %add3A_485 : i32
      %get3A_487 = arith.index_cast %add3A_486 : i32 to index
      %get3A_488 = arith.constant 1024 : index
      %get3A_489 = vector.load %arg6[%get3A_487, %get3A_488] : memref<128x4096xf32, #tpu.memory_space<vmem>>, vector<1x512xf32>
      %get3A_490 = arith.constant 2 : index
      %get3A_491 = arith.constant 0 : index
      %get3A_492 = vector.load %arg4[%get3A_490, %get3A_491] : memref<8x16xf32, #tpu.memory_space<vmem>>, vector<1x16xf32>
      %get3A_493 = vector.shape_cast %get3A_492 : vector<1x16xf32> to vector<16xf32>
      %broadcast_in_dim3A_494 = vector.shape_cast %get3A_493 : vector<16xf32> to vector<16x1xf32>
      %mul3A_495 = vector.broadcast %get3A_489 : vector<1x512xf32> to vector<16x512xf32>
      %mul3A_496 = arith.mulf %mul3A_495, %get3A_434 : vector<16x512xf32>
      %add3A_497 = arith.addf %get3A_431, %mul3A_496 : vector<16x512xf32>
      %exp23A_498 = math.exp2 %add3A_497 : vector<16x512xf32>
      %mul3A_499 = vector.broadcast %broadcast_in_dim3A_494 : vector<16x1xf32> to vector<16x512xf32>
      %mul3A_500 = arith.mulf %exp23A_498, %mul3A_499 : vector<16x512xf32>
      %swap3A_501 = arith.constant 2 : index
      %swap3A_502 = arith.constant 0 : index
      %swap3A_503 = arith.constant 1024 : index
      %swap3A_504 = vector.load %arg8[%swap3A_501, %swap3A_502, %swap3A_503] : memref<8x16x4096xf32, #tpu.memory_space<vmem>>, vector<1x16x512xf32>
      %swap3A_505 = vector.shape_cast %swap3A_504 : vector<1x16x512xf32> to vector<16x512xf32>
      %swap3A_506 = vector.shape_cast %mul3A_500 : vector<16x512xf32> to vector<1x16x512xf32>
      tpu.vector_store %arg8[%swap3A_501, %swap3A_502, %swap3A_503], %swap3A_506 {strides = array<i32>} : memref<8x16x4096xf32, #tpu.memory_space<vmem>>, vector<1x16x512xf32>,
      %mul3A_507 = arith.constant 8 : i32
      %mul3A_508 = arith.muli %arg0, %mul3A_507 : i32
      %add3A_509 = arith.constant 3 : i32
      %add3A_510 = arith.addi %mul3A_508, %add3A_509 : i32
      %get3A_511 = arith.index_cast %add3A_510 : i32 to index
      %get3A_512 = arith.constant 1024 : index
      %get3A_513 = vector.load %arg6[%get3A_511, %get3A_512] : memref<128x4096xf32, #tpu.memory_space<vmem>>, vector<1x512xf32>
      %get3A_514 = arith.constant 3 : index
      %get3A_515 = arith.constant 0 : index
      %get3A_516 = vector.load %arg4[%get3A_514, %get3A_515] : memref<8x16xf32, #tpu.memory_space<vmem>>, vector<1x16xf32>
      %get3A_517 = vector.shape_cast %get3A_516 : vector<1x16xf32> to vector<16xf32>
      %broadcast_in_dim3A_518 = vector.shape_cast %get3A_517 : vector<16xf32> to vector<16x1xf32>
      %mul3A_519 = vector.broadcast %get3A_513 : vector<1x512xf32> to vector<16x512xf32>
      %mul3A_520 = arith.mulf %mul3A_519, %get3A_434 : vector<16x512xf32>
      %add3A_521 = arith.addf %get3A_431, %mul3A_520 : vector<16x512xf32>
      %exp23A_522 = math.exp2 %add3A_521 : vector<16x512xf32>
      %mul3A_523 = vector.broadcast %broadcast_in_dim3A_518 : vector<16x1xf32> to vector<16x512xf32>
      %mul3A_524 = arith.mulf %exp23A_522, %mul3A_523 : vector<16x512xf32>
      %swap3A_525 = arith.constant 3 : index
      %swap3A_526 = arith.constant 0 : index
      %swap3A_527 = arith.constant 1024 : index
      %swap3A_528 = vector.load %arg8[%swap3A_525, %swap3A_526, %swap3A_527] : memref<8x16x4096xf32, #tpu.memory_space<vmem>>, vector<1x16x512xf32>
      %swap3A_529 = vector.shape_cast %swap3A_528 : vector<1x16x512xf32> to vector<16x512xf32>
      %swap3A_530 = vector.shape_cast %mul3A_524 : vector<16x512xf32> to vector<1x16x512xf32>
      tpu.vector_store %arg8[%swap3A_525, %swap3A_526, %swap3A_527], %swap3A_530 {strides = array<i32>} : memref<8x16x4096xf32, #tpu.memory_space<vmem>>, vector<1x16x512xf32>,
      %mul3A_531 = arith.constant 8 : i32
      %mul3A_532 = arith.muli %arg0, %mul3A_531 : i32
      %add3A_533 = arith.constant 4 : i32
      %add3A_534 = arith.addi %mul3A_532, %add3A_533 : i32
      %get3A_535 = arith.index_cast %add3A_534 : i32 to index
      %get3A_536 = arith.constant 1024 : index
      %get3A_537 = vector.load %arg6[%get3A_535, %get3A_536] : memref<128x4096xf32, #tpu.memory_space<vmem>>, vector<1x512xf32>
      %get3A_538 = arith.constant 4 : index
      %get3A_539 = arith.constant 0 : index
      %get3A_540 = vector.load %arg4[%get3A_538, %get3A_539] : memref<8x16xf32, #tpu.memory_space<vmem>>, vector<1x16xf32>
      %get3A_541 = vector.shape_cast %get3A_540 : vector<1x16xf32> to vector<16xf32>
      %broadcast_in_dim3A_542 = vector.shape_cast %get3A_541 : vector<16xf32> to vector<16x1xf32>
      %mul3A_543 = vector.broadcast %get3A_537 : vector<1x512xf32> to vector<16x512xf32>
      %mul3A_544 = arith.mulf %mul3A_543, %get3A_434 : vector<16x512xf32>
      %add3A_545 = arith.addf %get3A_431, %mul3A_544 : vector<16x512xf32>
      %exp23A_546 = math.exp2 %add3A_545 : vector<16x512xf32>
      %mul3A_547 = vector.broadcast %broadcast_in_dim3A_542 : vector<16x1xf32> to vector<16x512xf32>
      %mul3A_548 = arith.mulf %exp23A_546, %mul3A_547 : vector<16x512xf32>
      %swap3A_549 = arith.constant 4 : index
      %swap3A_550 = arith.constant 0 : index
      %swap3A_551 = arith.constant 1024 : index
      %swap3A_552 = vector.load %arg8[%swap3A_549, %swap3A_550, %swap3A_551] : memref<8x16x4096xf32, #tpu.memory_space<vmem>>, vector<1x16x512xf32>
      %swap3A_553 = vector.shape_cast %swap3A_552 : vector<1x16x512xf32> to vector<16x512xf32>
      %swap3A_554 = vector.shape_cast %mul3A_548 : vector<16x512xf32> to vector<1x16x512xf32>
      tpu.vector_store %arg8[%swap3A_549, %swap3A_550, %swap3A_551], %swap3A_554 {strides = array<i32>} : memref<8x16x4096xf32, #tpu.memory_space<vmem>>, vector<1x16x512xf32>,
      %mul3A_555 = arith.constant 8 : i32
      %mul3A_556 = arith.muli %arg0, %mul3A_555 : i32
      %add3A_557 = arith.constant 5 : i32
      %add3A_558 = arith.addi %mul3A_556, %add3A_557 : i32
      %get3A_559 = arith.index_cast %add3A_558 : i32 to index
      %get3A_560 = arith.constant 1024 : index
      %get3A_561 = vector.load %arg6[%get3A_559, %get3A_560] : memref<128x4096xf32, #tpu.memory_space<vmem>>, vector<1x512xf32>
      %get3A_562 = arith.constant 5 : index
      %get3A_563 = arith.constant 0 : index
      %get3A_564 = vector.load %arg4[%get3A_562, %get3A_563] : memref<8x16xf32, #tpu.memory_space<vmem>>, vector<1x16xf32>
      %get3A_565 = vector.shape_cast %get3A_564 : vector<1x16xf32> to vector<16xf32>
      %broadcast_in_dim3A_566 = vector.shape_cast %get3A_565 : vector<16xf32> to vector<16x1xf32>
      %mul3A_567 = vector.broadcast %get3A_561 : vector<1x512xf32> to vector<16x512xf32>
      %mul3A_568 = arith.mulf %mul3A_567, %get3A_434 : vector<16x512xf32>
      %add3A_569 = arith.addf %get3A_431, %mul3A_568 : vector<16x512xf32>
      %exp23A_570 = math.exp2 %add3A_569 : vector<16x512xf32>
      %mul3A_571 = vector.broadcast %broadcast_in_dim3A_566 : vector<16x1xf32> to vector<16x512xf32>
      %mul3A_572 = arith.mulf %exp23A_570, %mul3A_571 : vector<16x512xf32>
      %swap3A_573 = arith.constant 5 : index
      %swap3A_574 = arith.constant 0 : index
      %swap3A_575 = arith.constant 1024 : index
      %swap3A_576 = vector.load %arg8[%swap3A_573, %swap3A_574, %swap3A_575] : memref<8x16x4096xf32, #tpu.memory_space<vmem>>, vector<1x16x512xf32>
      %swap3A_577 = vector.shape_cast %swap3A_576 : vector<1x16x512xf32> to vector<16x512xf32>
      %swap3A_578 = vector.shape_cast %mul3A_572 : vector<16x512xf32> to vector<1x16x512xf32>
      tpu.vector_store %arg8[%swap3A_573, %swap3A_574, %swap3A_575], %swap3A_578 {strides = array<i32>} : memref<8x16x4096xf32, #tpu.memory_space<vmem>>, vector<1x16x512xf32>,
      %mul3A_579 = arith.constant 8 : i32
      %mul3A_580 = arith.muli %arg0, %mul3A_579 : i32
      %add3A_581 = arith.constant 6 : i32
      %add3A_582 = arith.addi %mul3A_580, %add3A_581 : i32
      %get3A_583 = arith.index_cast %add3A_582 : i32 to index
      %get3A_584 = arith.constant 1024 : index
      %get3A_585 = vector.load %arg6[%get3A_583, %get3A_584] : memref<128x4096xf32, #tpu.memory_space<vmem>>, vector<1x512xf32>
      %get3A_586 = arith.constant 6 : index
      %get3A_587 = arith.constant 0 : index
      %get3A_588 = vector.load %arg4[%get3A_586, %get3A_587] : memref<8x16xf32, #tpu.memory_space<vmem>>, vector<1x16xf32>
      %get3A_589 = vector.shape_cast %get3A_588 : vector<1x16xf32> to vector<16xf32>
      %broadcast_in_dim3A_590 = vector.shape_cast %get3A_589 : vector<16xf32> to vector<16x1xf32>
      %mul3A_591 = vector.broadcast %get3A_585 : vector<1x512xf32> to vector<16x512xf32>
      %mul3A_592 = arith.mulf %mul3A_591, %get3A_434 : vector<16x512xf32>
      %add3A_593 = arith.addf %get3A_431, %mul3A_592 : vector<16x512xf32>
      %exp23A_594 = math.exp2 %add3A_593 : vector<16x512xf32>
      %mul3A_595 = vector.broadcast %broadcast_in_dim3A_590 : vector<16x1xf32> to vector<16x512xf32>
      %mul3A_596 = arith.mulf %exp23A_594, %mul3A_595 : vector<16x512xf32>
      %swap3A_597 = arith.constant 6 : index
      %swap3A_598 = arith.constant 0 : index
      %swap3A_599 = arith.constant 1024 : index
      %swap3A_600 = vector.load %arg8[%swap3A_597, %swap3A_598, %swap3A_599] : memref<8x16x4096xf32, #tpu.memory_space<vmem>>, vector<1x16x512xf32>
      %swap3A_601 = vector.shape_cast %swap3A_600 : vector<1x16x512xf32> to vector<16x512xf32>
      %swap3A_602 = vector.shape_cast %mul3A_596 : vector<16x512xf32> to vector<1x16x512xf32>
      tpu.vector_store %arg8[%swap3A_597, %swap3A_598, %swap3A_599], %swap3A_602 {strides = array<i32>} : memref<8x16x4096xf32, #tpu.memory_space<vmem>>, vector<1x16x512xf32>,
      %mul3A_603 = arith.constant 8 : i32
      %mul3A_604 = arith.muli %arg0, %mul3A_603 : i32
      %add3A_605 = arith.constant 7 : i32
      %add3A_606 = arith.addi %mul3A_604, %add3A_605 : i32
      %get3A_607 = arith.index_cast %add3A_606 : i32 to index
      %get3A_608 = arith.constant 1024 : index
      %get3A_609 = vector.load %arg6[%get3A_607, %get3A_608] : memref<128x4096xf32, #tpu.memory_space<vmem>>, vector<1x512xf32>
      %get3A_610 = arith.constant 7 : index
      %get3A_611 = arith.constant 0 : index
      %get3A_612 = vector.load %arg4[%get3A_610, %get3A_611] : memref<8x16xf32, #tpu.memory_space<vmem>>, vector<1x16xf32>
      %get3A_613 = vector.shape_cast %get3A_612 : vector<1x16xf32> to vector<16xf32>
      %broadcast_in_dim3A_614 = vector.shape_cast %get3A_613 : vector<16xf32> to vector<16x1xf32>
      %mul3A_615 = vector.broadcast %get3A_609 : vector<1x512xf32> to vector<16x512xf32>
      %mul3A_616 = arith.mulf %mul3A_615, %get3A_434 : vector<16x512xf32>
      %add3A_617 = arith.addf %get3A_431, %mul3A_616 : vector<16x512xf32>
      %exp23A_618 = math.exp2 %add3A_617 : vector<16x512xf32>
      %mul3A_619 = vector.broadcast %broadcast_in_dim3A_614 : vector<16x1xf32> to vector<16x512xf32>
      %mul3A_620 = arith.mulf %exp23A_618, %mul3A_619 : vector<16x512xf32>
      %swap3A_621 = arith.constant 7 : index
      %swap3A_622 = arith.constant 0 : index
      %swap3A_623 = arith.constant 1024 : index
      %swap3A_624 = vector.load %arg8[%swap3A_621, %swap3A_622, %swap3A_623] : memref<8x16x4096xf32, #tpu.memory_space<vmem>>, vector<1x16x512xf32>
      %swap3A_625 = vector.shape_cast %swap3A_624 : vector<1x16x512xf32> to vector<16x512xf32>
      %swap3A_626 = vector.shape_cast %mul3A_620 : vector<16x512xf32> to vector<1x16x512xf32>
      tpu.vector_store %arg8[%swap3A_621, %swap3A_622, %swap3A_623], %swap3A_626 {strides = array<i32>} : memref<8x16x4096xf32, #tpu.memory_space<vmem>>, vector<1x16x512xf32>,
      %get3A_627 = arith.constant 0 : index
      %get3A_628 = arith.constant 1536 : index
      %get3A_629 = vector.load %arg2[%get3A_627, %get3A_628] : memref<16x4096xf32, #tpu.memory_space<vmem>>, vector<16x512xf32>
      %get3A_630 = arith.constant 0 : index
      %get3A_631 = arith.constant 1536 : index
      %get3A_632 = vector.load %arg3[%get3A_630, %get3A_631] : memref<16x4096xf32, #tpu.memory_space<vmem>>, vector<16x512xf32>
      %mul3A_633 = arith.constant 8 : i32
      %mul3A_634 = arith.muli %arg0, %mul3A_633 : i32
      %add3A_635 = arith.constant 0 : i32
      %add3A_636 = arith.addi %mul3A_634, %add3A_635 : i32
      %get3A_637 = arith.index_cast %add3A_636 : i32 to index
      %get3A_638 = arith.constant 1536 : index
      %get3A_639 = vector.load %arg6[%get3A_637, %get3A_638] : memref<128x4096xf32, #tpu.memory_space<vmem>>, vector<1x512xf32>
      %get3A_640 = arith.constant 0 : index
      %get3A_641 = arith.constant 0 : index
      %get3A_642 = vector.load %arg4[%get3A_640, %get3A_641] : memref<8x16xf32, #tpu.memory_space<vmem>>, vector<1x16xf32>
      %get3A_643 = vector.shape_cast %get3A_642 : vector<1x16xf32> to vector<16xf32>
      %broadcast_in_dim3A_644 = vector.shape_cast %get3A_643 : vector<16xf32> to vector<16x1xf32>
      %mul3A_645 = vector.broadcast %get3A_639 : vector<1x512xf32> to vector<16x512xf32>
      %mul3A_646 = arith.mulf %mul3A_645, %get3A_632 : vector<16x512xf32>
      %add3A_647 = arith.addf %get3A_629, %mul3A_646 : vector<16x512xf32>
      %exp23A_648 = math.exp2 %add3A_647 : vector<16x512xf32>
      %mul3A_649 = vector.broadcast %broadcast_in_dim3A_644 : vector<16x1xf32> to vector<16x512xf32>
      %mul3A_650 = arith.mulf %exp23A_648, %mul3A_649 : vector<16x512xf32>
      %swap3A_651 = arith.constant 0 : index
      %swap3A_652 = arith.constant 0 : index
      %swap3A_653 = arith.constant 1536 : index
      %swap3A_654 = vector.load %arg8[%swap3A_651, %swap3A_652, %swap3A_653] : memref<8x16x4096xf32, #tpu.memory_space<vmem>>, vector<1x16x512xf32>
      %swap3A_655 = vector.shape_cast %swap3A_654 : vector<1x16x512xf32> to vector<16x512xf32>
      %swap3A_656 = vector.shape_cast %mul3A_650 : vector<16x512xf32> to vector<1x16x512xf32>
      tpu.vector_store %arg8[%swap3A_651, %swap3A_652, %swap3A_653], %swap3A_656 {strides = array<i32>} : memref<8x16x4096xf32, #tpu.memory_space<vmem>>, vector<1x16x512xf32>,
      %mul3A_657 = arith.constant 8 : i32
      %mul3A_658 = arith.muli %arg0, %mul3A_657 : i32
      %add3A_659 = arith.constant 1 : i32
      %add3A_660 = arith.addi %mul3A_658, %add3A_659 : i32
      %get3A_661 = arith.index_cast %add3A_660 : i32 to index
      %get3A_662 = arith.constant 1536 : index
      %get3A_663 = vector.load %arg6[%get3A_661, %get3A_662] : memref<128x4096xf32, #tpu.memory_space<vmem>>, vector<1x512xf32>
      %get3A_664 = arith.constant 1 : index
      %get3A_665 = arith.constant 0 : index
      %get3A_666 = vector.load %arg4[%get3A_664, %get3A_665] : memref<8x16xf32, #tpu.memory_space<vmem>>, vector<1x16xf32>
      %get3A_667 = vector.shape_cast %get3A_666 : vector<1x16xf32> to vector<16xf32>
      %broadcast_in_dim3A_668 = vector.shape_cast %get3A_667 : vector<16xf32> to vector<16x1xf32>
      %mul3A_669 = vector.broadcast %get3A_663 : vector<1x512xf32> to vector<16x512xf32>
      %mul3A_670 = arith.mulf %mul3A_669, %get3A_632 : vector<16x512xf32>
      %add3A_671 = arith.addf %get3A_629, %mul3A_670 : vector<16x512xf32>
      %exp23A_672 = math.exp2 %add3A_671 : vector<16x512xf32>
      %mul3A_673 = vector.broadcast %broadcast_in_dim3A_668 : vector<16x1xf32> to vector<16x512xf32>
      %mul3A_674 = arith.mulf %exp23A_672, %mul3A_673 : vector<16x512xf32>
      %swap3A_675 = arith.constant 1 : index
      %swap3A_676 = arith.constant 0 : index
      %swap3A_677 = arith.constant 1536 : index
      %swap3A_678 = vector.load %arg8[%swap3A_675, %swap3A_676, %swap3A_677] : memref<8x16x4096xf32, #tpu.memory_space<vmem>>, vector<1x16x512xf32>
      %swap3A_679 = vector.shape_cast %swap3A_678 : vector<1x16x512xf32> to vector<16x512xf32>
      %swap3A_680 = vector.shape_cast %mul3A_674 : vector<16x512xf32> to vector<1x16x512xf32>
      tpu.vector_store %arg8[%swap3A_675, %swap3A_676, %swap3A_677], %swap3A_680 {strides = array<i32>} : memref<8x16x4096xf32, #tpu.memory_space<vmem>>, vector<1x16x512xf32>,
      %mul3A_681 = arith.constant 8 : i32
      %mul3A_682 = arith.muli %arg0, %mul3A_681 : i32
      %add3A_683 = arith.constant 2 : i32
      %add3A_684 = arith.addi %mul3A_682, %add3A_683 : i32
      %get3A_685 = arith.index_cast %add3A_684 : i32 to index
      %get3A_686 = arith.constant 1536 : index
      %get3A_687 = vector.load %arg6[%get3A_685, %get3A_686] : memref<128x4096xf32, #tpu.memory_space<vmem>>, vector<1x512xf32>
      %get3A_688 = arith.constant 2 : index
      %get3A_689 = arith.constant 0 : index
      %get3A_690 = vector.load %arg4[%get3A_688, %get3A_689] : memref<8x16xf32, #tpu.memory_space<vmem>>, vector<1x16xf32>
      %get3A_691 = vector.shape_cast %get3A_690 : vector<1x16xf32> to vector<16xf32>
      %broadcast_in_dim3A_692 = vector.shape_cast %get3A_691 : vector<16xf32> to vector<16x1xf32>
      %mul3A_693 = vector.broadcast %get3A_687 : vector<1x512xf32> to vector<16x512xf32>
      %mul3A_694 = arith.mulf %mul3A_693, %get3A_632 : vector<16x512xf32>
      %add3A_695 = arith.addf %get3A_629, %mul3A_694 : vector<16x512xf32>
      %exp23A_696 = math.exp2 %add3A_695 : vector<16x512xf32>
      %mul3A_697 = vector.broadcast %broadcast_in_dim3A_692 : vector<16x1xf32> to vector<16x512xf32>
      %mul3A_698 = arith.mulf %exp23A_696, %mul3A_697 : vector<16x512xf32>
      %swap3A_699 = arith.constant 2 : index
      %swap3A_700 = arith.constant 0 : index
      %swap3A_701 = arith.constant 1536 : index
      %swap3A_702 = vector.load %arg8[%swap3A_699, %swap3A_700, %swap3A_701] : memref<8x16x4096xf32, #tpu.memory_space<vmem>>, vector<1x16x512xf32>
      %swap3A_703 = vector.shape_cast %swap3A_702 : vector<1x16x512xf32> to vector<16x512xf32>
      %swap3A_704 = vector.shape_cast %mul3A_698 : vector<16x512xf32> to vector<1x16x512xf32>
      tpu.vector_store %arg8[%swap3A_699, %swap3A_700, %swap3A_701], %swap3A_704 {strides = array<i32>} : memref<8x16x4096xf32, #tpu.memory_space<vmem>>, vector<1x16x512xf32>,
      %mul3A_705 = arith.constant 8 : i32
      %mul3A_706 = arith.muli %arg0, %mul3A_705 : i32
      %add3A_707 = arith.constant 3 : i32
      %add3A_708 = arith.addi %mul3A_706, %add3A_707 : i32
      %get3A_709 = arith.index_cast %add3A_708 : i32 to index
      %get3A_710 = arith.constant 1536 : index
      %get3A_711 = vector.load %arg6[%get3A_709, %get3A_710] : memref<128x4096xf32, #tpu.memory_space<vmem>>, vector<1x512xf32>
      %get3A_712 = arith.constant 3 : index
      %get3A_713 = arith.constant 0 : index
      %get3A_714 = vector.load %arg4[%get3A_712, %get3A_713] : memref<8x16xf32, #tpu.memory_space<vmem>>, vector<1x16xf32>
      %get3A_715 = vector.shape_cast %get3A_714 : vector<1x16xf32> to vector<16xf32>
      %broadcast_in_dim3A_716 = vector.shape_cast %get3A_715 : vector<16xf32> to vector<16x1xf32>
      %mul3A_717 = vector.broadcast %get3A_711 : vector<1x512xf32> to vector<16x512xf32>
      %mul3A_718 = arith.mulf %mul3A_717, %get3A_632 : vector<16x512xf32>
      %add3A_719 = arith.addf %get3A_629, %mul3A_718 : vector<16x512xf32>
      %exp23A_720 = math.exp2 %add3A_719 : vector<16x512xf32>
      %mul3A_721 = vector.broadcast %broadcast_in_dim3A_716 : vector<16x1xf32> to vector<16x512xf32>
      %mul3A_722 = arith.mulf %exp23A_720, %mul3A_721 : vector<16x512xf32>
      %swap3A_723 = arith.constant 3 : index
      %swap3A_724 = arith.constant 0 : index
      %swap3A_725 = arith.constant 1536 : index
      %swap3A_726 = vector.load %arg8[%swap3A_723, %swap3A_724, %swap3A_725] : memref<8x16x4096xf32, #tpu.memory_space<vmem>>, vector<1x16x512xf32>
      %swap3A_727 = vector.shape_cast %swap3A_726 : vector<1x16x512xf32> to vector<16x512xf32>
      %swap3A_728 = vector.shape_cast %mul3A_722 : vector<16x512xf32> to vector<1x16x512xf32>
      tpu.vector_store %arg8[%swap3A_723, %swap3A_724, %swap3A_725], %swap3A_728 {strides = array<i32>} : memref<8x16x4096xf32, #tpu.memory_space<vmem>>, vector<1x16x512xf32>,
      %mul3A_729 = arith.constant 8 : i32
      %mul3A_730 = arith.muli %arg0, %mul3A_729 : i32
      %add3A_731 = arith.constant 4 : i32
      %add3A_732 = arith.addi %mul3A_730, %add3A_731 : i32
      %get3A_733 = arith.index_cast %add3A_732 : i32 to index
      %get3A_734 = arith.constant 1536 : index
      %get3A_735 = vector.load %arg6[%get3A_733, %get3A_734] : memref<128x4096xf32, #tpu.memory_space<vmem>>, vector<1x512xf32>
      %get3A_736 = arith.constant 4 : index
      %get3A_737 = arith.constant 0 : index
      %get3A_738 = vector.load %arg4[%get3A_736, %get3A_737] : memref<8x16xf32, #tpu.memory_space<vmem>>, vector<1x16xf32>
      %get3A_739 = vector.shape_cast %get3A_738 : vector<1x16xf32> to vector<16xf32>
      %broadcast_in_dim3A_740 = vector.shape_cast %get3A_739 : vector<16xf32> to vector<16x1xf32>
      %mul3A_741 = vector.broadcast %get3A_735 : vector<1x512xf32> to vector<16x512xf32>
      %mul3A_742 = arith.mulf %mul3A_741, %get3A_632 : vector<16x512xf32>
      %add3A_743 = arith.addf %get3A_629, %mul3A_742 : vector<16x512xf32>
      %exp23A_744 = math.exp2 %add3A_743 : vector<16x512xf32>
      %mul3A_745 = vector.broadcast %broadcast_in_dim3A_740 : vector<16x1xf32> to vector<16x512xf32>
      %mul3A_746 = arith.mulf %exp23A_744, %mul3A_745 : vector<16x512xf32>
      %swap3A_747 = arith.constant 4 : index
      %swap3A_748 = arith.constant 0 : index
      %swap3A_749 = arith.constant 1536 : index
      %swap3A_750 = vector.load %arg8[%swap3A_747, %swap3A_748, %swap3A_749] : memref<8x16x4096xf32, #tpu.memory_space<vmem>>, vector<1x16x512xf32>
      %swap3A_751 = vector.shape_cast %swap3A_750 : vector<1x16x512xf32> to vector<16x512xf32>
      %swap3A_752 = vector.shape_cast %mul3A_746 : vector<16x512xf32> to vector<1x16x512xf32>
      tpu.vector_store %arg8[%swap3A_747, %swap3A_748, %swap3A_749], %swap3A_752 {strides = array<i32>} : memref<8x16x4096xf32, #tpu.memory_space<vmem>>, vector<1x16x512xf32>,
      %mul3A_753 = arith.constant 8 : i32
      %mul3A_754 = arith.muli %arg0, %mul3A_753 : i32
      %add3A_755 = arith.constant 5 : i32
      %add3A_756 = arith.addi %mul3A_754, %add3A_755 : i32
      %get3A_757 = arith.index_cast %add3A_756 : i32 to index
      %get3A_758 = arith.constant 1536 : index
      %get3A_759 = vector.load %arg6[%get3A_757, %get3A_758] : memref<128x4096xf32, #tpu.memory_space<vmem>>, vector<1x512xf32>
      %get3A_760 = arith.constant 5 : index
      %get3A_761 = arith.constant 0 : index
      %get3A_762 = vector.load %arg4[%get3A_760, %get3A_761] : memref<8x16xf32, #tpu.memory_space<vmem>>, vector<1x16xf32>
      %get3A_763 = vector.shape_cast %get3A_762 : vector<1x16xf32> to vector<16xf32>
      %broadcast_in_dim3A_764 = vector.shape_cast %get3A_763 : vector<16xf32> to vector<16x1xf32>
      %mul3A_765 = vector.broadcast %get3A_759 : vector<1x512xf32> to vector<16x512xf32>
      %mul3A_766 = arith.mulf %mul3A_765, %get3A_632 : vector<16x512xf32>
      %add3A_767 = arith.addf %get3A_629, %mul3A_766 : vector<16x512xf32>
      %exp23A_768 = math.exp2 %add3A_767 : vector<16x512xf32>
      %mul3A_769 = vector.broadcast %broadcast_in_dim3A_764 : vector<16x1xf32> to vector<16x512xf32>
      %mul3A_770 = arith.mulf %exp23A_768, %mul3A_769 : vector<16x512xf32>
      %swap3A_771 = arith.constant 5 : index
      %swap3A_772 = arith.constant 0 : index
      %swap3A_773 = arith.constant 1536 : index
      %swap3A_774 = vector.load %arg8[%swap3A_771, %swap3A_772, %swap3A_773] : memref<8x16x4096xf32, #tpu.memory_space<vmem>>, vector<1x16x512xf32>
      %swap3A_775 = vector.shape_cast %swap3A_774 : vector<1x16x512xf32> to vector<16x512xf32>
      %swap3A_776 = vector.shape_cast %mul3A_770 : vector<16x512xf32> to vector<1x16x512xf32>
      tpu.vector_store %arg8[%swap3A_771, %swap3A_772, %swap3A_773], %swap3A_776 {strides = array<i32>} : memref<8x16x4096xf32, #tpu.memory_space<vmem>>, vector<1x16x512xf32>,
      %mul3A_777 = arith.constant 8 : i32
      %mul3A_778 = arith.muli %arg0, %mul3A_777 : i32
      %add3A_779 = arith.constant 6 : i32
      %add3A_780 = arith.addi %mul3A_778, %add3A_779 : i32
      %get3A_781 = arith.index_cast %add3A_780 : i32 to index
      %get3A_782 = arith.constant 1536 : index
      %get3A_783 = vector.load %arg6[%get3A_781, %get3A_782] : memref<128x4096xf32, #tpu.memory_space<vmem>>, vector<1x512xf32>
      %get3A_784 = arith.constant 6 : index
      %get3A_785 = arith.constant 0 : index
      %get3A_786 = vector.load %arg4[%get3A_784, %get3A_785] : memref<8x16xf32, #tpu.memory_space<vmem>>, vector<1x16xf32>
      %get3A_787 = vector.shape_cast %get3A_786 : vector<1x16xf32> to vector<16xf32>
      %broadcast_in_dim3A_788 = vector.shape_cast %get3A_787 : vector<16xf32> to vector<16x1xf32>
      %mul3A_789 = vector.broadcast %get3A_783 : vector<1x512xf32> to vector<16x512xf32>
      %mul3A_790 = arith.mulf %mul3A_789, %get3A_632 : vector<16x512xf32>
      %add3A_791 = arith.addf %get3A_629, %mul3A_790 : vector<16x512xf32>
      %exp23A_792 = math.exp2 %add3A_791 : vector<16x512xf32>
      %mul3A_793 = vector.broadcast %broadcast_in_dim3A_788 : vector<16x1xf32> to vector<16x512xf32>
      %mul3A_794 = arith.mulf %exp23A_792, %mul3A_793 : vector<16x512xf32>
      %swap3A_795 = arith.constant 6 : index
      %swap3A_796 = arith.constant 0 : index
      %swap3A_797 = arith.constant 1536 : index
      %swap3A_798 = vector.load %arg8[%swap3A_795, %swap3A_796, %swap3A_797] : memref<8x16x4096xf32, #tpu.memory_space<vmem>>, vector<1x16x512xf32>
      %swap3A_799 = vector.shape_cast %swap3A_798 : vector<1x16x512xf32> to vector<16x512xf32>
      %swap3A_800 = vector.shape_cast %mul3A_794 : vector<16x512xf32> to vector<1x16x512xf32>
      tpu.vector_store %arg8[%swap3A_795, %swap3A_796, %swap3A_797], %swap3A_800 {strides = array<i32>} : memref<8x16x4096xf32, #tpu.memory_space<vmem>>, vector<1x16x512xf32>,
      %mul3A_801 = arith.constant 8 : i32
      %mul3A_802 = arith.muli %arg0, %mul3A_801 : i32
      %add3A_803 = arith.constant 7 : i32
      %add3A_804 = arith.addi %mul3A_802, %add3A_803 : i32
      %get3A_805 = arith.index_cast %add3A_804 : i32 to index
      %get3A_806 = arith.constant 1536 : index
      %get3A_807 = vector.load %arg6[%get3A_805, %get3A_806] : memref<128x4096xf32, #tpu.memory_space<vmem>>, vector<1x512xf32>
      %get3A_808 = arith.constant 7 : index
      %get3A_809 = arith.constant 0 : index
      %get3A_810 = vector.load %arg4[%get3A_808, %get3A_809] : memref<8x16xf32, #tpu.memory_space<vmem>>, vector<1x16xf32>
      %get3A_811 = vector.shape_cast %get3A_810 : vector<1x16xf32> to vector<16xf32>
      %broadcast_in_dim3A_812 = vector.shape_cast %get3A_811 : vector<16xf32> to vector<16x1xf32>
      %mul3A_813 = vector.broadcast %get3A_807 : vector<1x512xf32> to vector<16x512xf32>
      %mul3A_814 = arith.mulf %mul3A_813, %get3A_632 : vector<16x512xf32>
      %add3A_815 = arith.addf %get3A_629, %mul3A_814 : vector<16x512xf32>
      %exp23A_816 = math.exp2 %add3A_815 : vector<16x512xf32>
      %mul3A_817 = vector.broadcast %broadcast_in_dim3A_812 : vector<16x1xf32> to vector<16x512xf32>
      %mul3A_818 = arith.mulf %exp23A_816, %mul3A_817 : vector<16x512xf32>
      %swap3A_819 = arith.constant 7 : index
      %swap3A_820 = arith.constant 0 : index
      %swap3A_821 = arith.constant 1536 : index
      %swap3A_822 = vector.load %arg8[%swap3A_819, %swap3A_820, %swap3A_821] : memref<8x16x4096xf32, #tpu.memory_space<vmem>>, vector<1x16x512xf32>
      %swap3A_823 = vector.shape_cast %swap3A_822 : vector<1x16x512xf32> to vector<16x512xf32>
      %swap3A_824 = vector.shape_cast %mul3A_818 : vector<16x512xf32> to vector<1x16x512xf32>
      tpu.vector_store %arg8[%swap3A_819, %swap3A_820, %swap3A_821], %swap3A_824 {strides = array<i32>} : memref<8x16x4096xf32, #tpu.memory_space<vmem>>, vector<1x16x512xf32>,
      %get3A_825 = arith.constant 0 : index
      %get3A_826 = arith.constant 2048 : index
      %get3A_827 = vector.load %arg2[%get3A_825, %get3A_826] : memref<16x4096xf32, #tpu.memory_space<vmem>>, vector<16x512xf32>
      %get3A_828 = arith.constant 0 : index
      %get3A_829 = arith.constant 2048 : index
      %get3A_830 = vector.load %arg3[%get3A_828, %get3A_829] : memref<16x4096xf32, #tpu.memory_space<vmem>>, vector<16x512xf32>
      %mul3A_831 = arith.constant 8 : i32
      %mul3A_832 = arith.muli %arg0, %mul3A_831 : i32
      %add3A_833 = arith.constant 0 : i32
      %add3A_834 = arith.addi %mul3A_832, %add3A_833 : i32
      %get3A_835 = arith.index_cast %add3A_834 : i32 to index
      %get3A_836 = arith.constant 2048 : index
      %get3A_837 = vector.load %arg6[%get3A_835, %get3A_836] : memref<128x4096xf32, #tpu.memory_space<vmem>>, vector<1x512xf32>
      %get3A_838 = arith.constant 0 : index
      %get3A_839 = arith.constant 0 : index
      %get3A_840 = vector.load %arg4[%get3A_838, %get3A_839] : memref<8x16xf32, #tpu.memory_space<vmem>>, vector<1x16xf32>
      %get3A_841 = vector.shape_cast %get3A_840 : vector<1x16xf32> to vector<16xf32>
      %broadcast_in_dim3A_842 = vector.shape_cast %get3A_841 : vector<16xf32> to vector<16x1xf32>
      %mul3A_843 = vector.broadcast %get3A_837 : vector<1x512xf32> to vector<16x512xf32>
      %mul3A_844 = arith.mulf %mul3A_843, %get3A_830 : vector<16x512xf32>
      %add3A_845 = arith.addf %get3A_827, %mul3A_844 : vector<16x512xf32>
      %exp23A_846 = math.exp2 %add3A_845 : vector<16x512xf32>
      %mul3A_847 = vector.broadcast %broadcast_in_dim3A_842 : vector<16x1xf32> to vector<16x512xf32>
      %mul3A_848 = arith.mulf %exp23A_846, %mul3A_847 : vector<16x512xf32>
      %swap3A_849 = arith.constant 0 : index
      %swap3A_850 = arith.constant 0 : index
      %swap3A_851 = arith.constant 2048 : index
      %swap3A_852 = vector.load %arg8[%swap3A_849, %swap3A_850, %swap3A_851] : memref<8x16x4096xf32, #tpu.memory_space<vmem>>, vector<1x16x512xf32>
      %swap3A_853 = vector.shape_cast %swap3A_852 : vector<1x16x512xf32> to vector<16x512xf32>
      %swap3A_854 = vector.shape_cast %mul3A_848 : vector<16x512xf32> to vector<1x16x512xf32>
      tpu.vector_store %arg8[%swap3A_849, %swap3A_850, %swap3A_851], %swap3A_854 {strides = array<i32>} : memref<8x16x4096xf32, #tpu.memory_space<vmem>>, vector<1x16x512xf32>,
      %mul3A_855 = arith.constant 8 : i32
      %mul3A_856 = arith.muli %arg0, %mul3A_855 : i32
      %add3A_857 = arith.constant 1 : i32
      %add3A_858 = arith.addi %mul3A_856, %add3A_857 : i32
      %get3A_859 = arith.index_cast %add3A_858 : i32 to index
      %get3A_860 = arith.constant 2048 : index
      %get3A_861 = vector.load %arg6[%get3A_859, %get3A_860] : memref<128x4096xf32, #tpu.memory_space<vmem>>, vector<1x512xf32>
      %get3A_862 = arith.constant 1 : index
      %get3A_863 = arith.constant 0 : index
      %get3A_864 = vector.load %arg4[%get3A_862, %get3A_863] : memref<8x16xf32, #tpu.memory_space<vmem>>, vector<1x16xf32>
      %get3A_865 = vector.shape_cast %get3A_864 : vector<1x16xf32> to vector<16xf32>
      %broadcast_in_dim3A_866 = vector.shape_cast %get3A_865 : vector<16xf32> to vector<16x1xf32>
      %mul3A_867 = vector.broadcast %get3A_861 : vector<1x512xf32> to vector<16x512xf32>
      %mul3A_868 = arith.mulf %mul3A_867, %get3A_830 : vector<16x512xf32>
      %add3A_869 = arith.addf %get3A_827, %mul3A_868 : vector<16x512xf32>
      %exp23A_870 = math.exp2 %add3A_869 : vector<16x512xf32>
      %mul3A_871 = vector.broadcast %broadcast_in_dim3A_866 : vector<16x1xf32> to vector<16x512xf32>
      %mul3A_872 = arith.mulf %exp23A_870, %mul3A_871 : vector<16x512xf32>
      %swap3A_873 = arith.constant 1 : index
      %swap3A_874 = arith.constant 0 : index
      %swap3A_875 = arith.constant 2048 : index
      %swap3A_876 = vector.load %arg8[%swap3A_873, %swap3A_874, %swap3A_875] : memref<8x16x4096xf32, #tpu.memory_space<vmem>>, vector<1x16x512xf32>
      %swap3A_877 = vector.shape_cast %swap3A_876 : vector<1x16x512xf32> to vector<16x512xf32>
      %swap3A_878 = vector.shape_cast %mul3A_872 : vector<16x512xf32> to vector<1x16x512xf32>
      tpu.vector_store %arg8[%swap3A_873, %swap3A_874, %swap3A_875], %swap3A_878 {strides = array<i32>} : memref<8x16x4096xf32, #tpu.memory_space<vmem>>, vector<1x16x512xf32>,
      %mul3A_879 = arith.constant 8 : i32
      %mul3A_880 = arith.muli %arg0, %mul3A_879 : i32
      %add3A_881 = arith.constant 2 : i32
      %add3A_882 = arith.addi %mul3A_880, %add3A_881 : i32
      %get3A_883 = arith.index_cast %add3A_882 : i32 to index
      %get3A_884 = arith.constant 2048 : index
      %get3A_885 = vector.load %arg6[%get3A_883, %get3A_884] : memref<128x4096xf32, #tpu.memory_space<vmem>>, vector<1x512xf32>
      %get3A_886 = arith.constant 2 : index
      %get3A_887 = arith.constant 0 : index
      %get3A_888 = vector.load %arg4[%get3A_886, %get3A_887] : memref<8x16xf32, #tpu.memory_space<vmem>>, vector<1x16xf32>
      %get3A_889 = vector.shape_cast %get3A_888 : vector<1x16xf32> to vector<16xf32>
      %broadcast_in_dim3A_890 = vector.shape_cast %get3A_889 : vector<16xf32> to vector<16x1xf32>
      %mul3A_891 = vector.broadcast %get3A_885 : vector<1x512xf32> to vector<16x512xf32>
      %mul3A_892 = arith.mulf %mul3A_891, %get3A_830 : vector<16x512xf32>
      %add3A_893 = arith.addf %get3A_827, %mul3A_892 : vector<16x512xf32>
      %exp23A_894 = math.exp2 %add3A_893 : vector<16x512xf32>
      %mul3A_895 = vector.broadcast %broadcast_in_dim3A_890 : vector<16x1xf32> to vector<16x512xf32>
      %mul3A_896 = arith.mulf %exp23A_894, %mul3A_895 : vector<16x512xf32>
      %swap3A_897 = arith.constant 2 : index
      %swap3A_898 = arith.constant 0 : index
      %swap3A_899 = arith.constant 2048 : index
      %swap3A_900 = vector.load %arg8[%swap3A_897, %swap3A_898, %swap3A_899] : memref<8x16x4096xf32, #tpu.memory_space<vmem>>, vector<1x16x512xf32>
      %swap3A_901 = vector.shape_cast %swap3A_900 : vector<1x16x512xf32> to vector<16x512xf32>
      %swap3A_902 = vector.shape_cast %mul3A_896 : vector<16x512xf32> to vector<1x16x512xf32>
      tpu.vector_store %arg8[%swap3A_897, %swap3A_898, %swap3A_899], %swap3A_902 {strides = array<i32>} : memref<8x16x4096xf32, #tpu.memory_space<vmem>>, vector<1x16x512xf32>,
      %mul3A_903 = arith.constant 8 : i32
      %mul3A_904 = arith.muli %arg0, %mul3A_903 : i32
      %add3A_905 = arith.constant 3 : i32
      %add3A_906 = arith.addi %mul3A_904, %add3A_905 : i32
      %get3A_907 = arith.index_cast %add3A_906 : i32 to index
      %get3A_908 = arith.constant 2048 : index
      %get3A_909 = vector.load %arg6[%get3A_907, %get3A_908] : memref<128x4096xf32, #tpu.memory_space<vmem>>, vector<1x512xf32>
      %get3A_910 = arith.constant 3 : index
      %get3A_911 = arith.constant 0 : index
      %get3A_912 = vector.load %arg4[%get3A_910, %get3A_911] : memref<8x16xf32, #tpu.memory_space<vmem>>, vector<1x16xf32>
      %get3A_913 = vector.shape_cast %get3A_912 : vector<1x16xf32> to vector<16xf32>
      %broadcast_in_dim3A_914 = vector.shape_cast %get3A_913 : vector<16xf32> to vector<16x1xf32>
      %mul3A_915 = vector.broadcast %get3A_909 : vector<1x512xf32> to vector<16x512xf32>
      %mul3A_916 = arith.mulf %mul3A_915, %get3A_830 : vector<16x512xf32>
      %add3A_917 = arith.addf %get3A_827, %mul3A_916 : vector<16x512xf32>
      %exp23A_918 = math.exp2 %add3A_917 : vector<16x512xf32>
      %mul3A_919 = vector.broadcast %broadcast_in_dim3A_914 : vector<16x1xf32> to vector<16x512xf32>
      %mul3A_920 = arith.mulf %exp23A_918, %mul3A_919 : vector<16x512xf32>
      %swap3A_921 = arith.constant 3 : index
      %swap3A_922 = arith.constant 0 : index
      %swap3A_923 = arith.constant 2048 : index
      %swap3A_924 = vector.load %arg8[%swap3A_921, %swap3A_922, %swap3A_923] : memref<8x16x4096xf32, #tpu.memory_space<vmem>>, vector<1x16x512xf32>
      %swap3A_925 = vector.shape_cast %swap3A_924 : vector<1x16x512xf32> to vector<16x512xf32>
      %swap3A_926 = vector.shape_cast %mul3A_920 : vector<16x512xf32> to vector<1x16x512xf32>
      tpu.vector_store %arg8[%swap3A_921, %swap3A_922, %swap3A_923], %swap3A_926 {strides = array<i32>} : memref<8x16x4096xf32, #tpu.memory_space<vmem>>, vector<1x16x512xf32>,
      %mul3A_927 = arith.constant 8 : i32
      %mul3A_928 = arith.muli %arg0, %mul3A_927 : i32
      %add3A_929 = arith.constant 4 : i32
      %add3A_930 = arith.addi %mul3A_928, %add3A_929 : i32
      %get3A_931 = arith.index_cast %add3A_930 : i32 to index
      %get3A_932 = arith.constant 2048 : index
      %get3A_933 = vector.load %arg6[%get3A_931, %get3A_932] : memref<128x4096xf32, #tpu.memory_space<vmem>>, vector<1x512xf32>
      %get3A_934 = arith.constant 4 : index
      %get3A_935 = arith.constant 0 : index
      %get3A_936 = vector.load %arg4[%get3A_934, %get3A_935] : memref<8x16xf32, #tpu.memory_space<vmem>>, vector<1x16xf32>
      %get3A_937 = vector.shape_cast %get3A_936 : vector<1x16xf32> to vector<16xf32>
      %broadcast_in_dim3A_938 = vector.shape_cast %get3A_937 : vector<16xf32> to vector<16x1xf32>
      %mul3A_939 = vector.broadcast %get3A_933 : vector<1x512xf32> to vector<16x512xf32>
      %mul3A_940 = arith.mulf %mul3A_939, %get3A_830 : vector<16x512xf32>
      %add3A_941 = arith.addf %get3A_827, %mul3A_940 : vector<16x512xf32>
      %exp23A_942 = math.exp2 %add3A_941 : vector<16x512xf32>
      %mul3A_943 = vector.broadcast %broadcast_in_dim3A_938 : vector<16x1xf32> to vector<16x512xf32>
      %mul3A_944 = arith.mulf %exp23A_942, %mul3A_943 : vector<16x512xf32>
      %swap3A_945 = arith.constant 4 : index
      %swap3A_946 = arith.constant 0 : index
      %swap3A_947 = arith.constant 2048 : index
      %swap3A_948 = vector.load %arg8[%swap3A_945, %swap3A_946, %swap3A_947] : memref<8x16x4096xf32, #tpu.memory_space<vmem>>, vector<1x16x512xf32>
      %swap3A_949 = vector.shape_cast %swap3A_948 : vector<1x16x512xf32> to vector<16x512xf32>
      %swap3A_950 = vector.shape_cast %mul3A_944 : vector<16x512xf32> to vector<1x16x512xf32>
      tpu.vector_store %arg8[%swap3A_945, %swap3A_946, %swap3A_947], %swap3A_950 {strides = array<i32>} : memref<8x16x4096xf32, #tpu.memory_space<vmem>>, vector<1x16x512xf32>,
      %mul3A_951 = arith.constant 8 : i32
      %mul3A_952 = arith.muli %arg0, %mul3A_951 : i32
      %add3A_953 = arith.constant 5 : i32
      %add3A_954 = arith.addi %mul3A_952, %add3A_953 : i32
      %get3A_955 = arith.index_cast %add3A_954 : i32 to index
      %get3A_956 = arith.constant 2048 : index
      %get3A_957 = vector.load %arg6[%get3A_955, %get3A_956] : memref<128x4096xf32, #tpu.memory_space<vmem>>, vector<1x512xf32>
      %get3A_958 = arith.constant 5 : index
      %get3A_959 = arith.constant 0 : index
      %get3A_960 = vector.load %arg4[%get3A_958, %get3A_959] : memref<8x16xf32, #tpu.memory_space<vmem>>, vector<1x16xf32>
      %get3A_961 = vector.shape_cast %get3A_960 : vector<1x16xf32> to vector<16xf32>
      %broadcast_in_dim3A_962 = vector.shape_cast %get3A_961 : vector<16xf32> to vector<16x1xf32>
      %mul3A_963 = vector.broadcast %get3A_957 : vector<1x512xf32> to vector<16x512xf32>
      %mul3A_964 = arith.mulf %mul3A_963, %get3A_830 : vector<16x512xf32>
      %add3A_965 = arith.addf %get3A_827, %mul3A_964 : vector<16x512xf32>
      %exp23A_966 = math.exp2 %add3A_965 : vector<16x512xf32>
      %mul3A_967 = vector.broadcast %broadcast_in_dim3A_962 : vector<16x1xf32> to vector<16x512xf32>
      %mul3A_968 = arith.mulf %exp23A_966, %mul3A_967 : vector<16x512xf32>
      %swap3A_969 = arith.constant 5 : index
      %swap3A_970 = arith.constant 0 : index
      %swap3A_971 = arith.constant 2048 : index
      %swap3A_972 = vector.load %arg8[%swap3A_969, %swap3A_970, %swap3A_971] : memref<8x16x4096xf32, #tpu.memory_space<vmem>>, vector<1x16x512xf32>
      %swap3A_973 = vector.shape_cast %swap3A_972 : vector<1x16x512xf32> to vector<16x512xf32>
      %swap3A_974 = vector.shape_cast %mul3A_968 : vector<16x512xf32> to vector<1x16x512xf32>
      tpu.vector_store %arg8[%swap3A_969, %swap3A_970, %swap3A_971], %swap3A_974 {strides = array<i32>} : memref<8x16x4096xf32, #tpu.memory_space<vmem>>, vector<1x16x512xf32>,
      %mul3A_975 = arith.constant 8 : i32
      %mul3A_976 = arith.muli %arg0, %mul3A_975 : i32
      %add3A_977 = arith.constant 6 : i32
      %add3A_978 = arith.addi %mul3A_976, %add3A_977 : i32
      %get3A_979 = arith.index_cast %add3A_978 : i32 to index
      %get3A_980 = arith.constant 2048 : index
      %get3A_981 = vector.load %arg6[%get3A_979, %get3A_980] : memref<128x4096xf32, #tpu.memory_space<vmem>>, vector<1x512xf32>
      %get3A_982 = arith.constant 6 : index
      %get3A_983 = arith.constant 0 : index
      %get3A_984 = vector.load %arg4[%get3A_982, %get3A_983] : memref<8x16xf32, #tpu.memory_space<vmem>>, vector<1x16xf32>
      %get3A_985 = vector.shape_cast %get3A_984 : vector<1x16xf32> to vector<16xf32>
      %broadcast_in_dim3A_986 = vector.shape_cast %get3A_985 : vector<16xf32> to vector<16x1xf32>
      %mul3A_987 = vector.broadcast %get3A_981 : vector<1x512xf32> to vector<16x512xf32>
      %mul3A_988 = arith.mulf %mul3A_987, %get3A_830 : vector<16x512xf32>
      %add3A_989 = arith.addf %get3A_827, %mul3A_988 : vector<16x512xf32>
      %exp23A_990 = math.exp2 %add3A_989 : vector<16x512xf32>
      %mul3A_991 = vector.broadcast %broadcast_in_dim3A_986 : vector<16x1xf32> to vector<16x512xf32>
      %mul3A_992 = arith.mulf %exp23A_990, %mul3A_991 : vector<16x512xf32>
      %swap3A_993 = arith.constant 6 : index
      %swap3A_994 = arith.constant 0 : index
      %swap3A_995 = arith.constant 2048 : index
      %swap3A_996 = vector.load %arg8[%swap3A_993, %swap3A_994, %swap3A_995] : memref<8x16x4096xf32, #tpu.memory_space<vmem>>, vector<1x16x512xf32>
      %swap3A_997 = vector.shape_cast %swap3A_996 : vector<1x16x512xf32> to vector<16x512xf32>
      %swap3A_998 = vector.shape_cast %mul3A_992 : vector<16x512xf32> to vector<1x16x512xf32>
      tpu.vector_store %arg8[%swap3A_993, %swap3A_994, %swap3A_995], %swap3A_998 {strides = array<i32>} : memref<8x16x4096xf32, #tpu.memory_space<vmem>>, vector<1x16x512xf32>,
      %mul3A_999 = arith.constant 8 : i32
      %mul3A_1000 = arith.muli %arg0, %mul3A_999 : i32
      %add3A_1001 = arith.constant 7 : i32
      %add3A_1002 = arith.addi %mul3A_1000, %add3A_1001 : i32
      %get3A_1003 = arith.index_cast %add3A_1002 : i32 to index
      %get3A_1004 = arith.constant 2048 : index
      %get3A_1005 = vector.load %arg6[%get3A_1003, %get3A_1004] : memref<128x4096xf32, #tpu.memory_space<vmem>>, vector<1x512xf32>
      %get3A_1006 = arith.constant 7 : index
      %get3A_1007 = arith.constant 0 : index
      %get3A_1008 = vector.load %arg4[%get3A_1006, %get3A_1007] : memref<8x16xf32, #tpu.memory_space<vmem>>, vector<1x16xf32>
      %get3A_1009 = vector.shape_cast %get3A_1008 : vector<1x16xf32> to vector<16xf32>
      %broadcast_in_dim3A_1010 = vector.shape_cast %get3A_1009 : vector<16xf32> to vector<16x1xf32>
      %mul3A_1011 = vector.broadcast %get3A_1005 : vector<1x512xf32> to vector<16x512xf32>
      %mul3A_1012 = arith.mulf %mul3A_1011, %get3A_830 : vector<16x512xf32>
      %add3A_1013 = arith.addf %get3A_827, %mul3A_1012 : vector<16x512xf32>
      %exp23A_1014 = math.exp2 %add3A_1013 : vector<16x512xf32>
      %mul3A_1015 = vector.broadcast %broadcast_in_dim3A_1010 : vector<16x1xf32> to vector<16x512xf32>
      %mul3A_1016 = arith.mulf %exp23A_1014, %mul3A_1015 : vector<16x512xf32>
      %swap3A_1017 = arith.constant 7 : index
      %swap3A_1018 = arith.constant 0 : index
      %swap3A_1019 = arith.constant 2048 : index
      %swap3A_1020 = vector.load %arg8[%swap3A_1017, %swap3A_1018, %swap3A_1019] : memref<8x16x4096xf32, #tpu.memory_space<vmem>>, vector<1x16x512xf32>
      %swap3A_1021 = vector.shape_cast %swap3A_1020 : vector<1x16x512xf32> to vector<16x512xf32>
      %swap3A_1022 = vector.shape_cast %mul3A_1016 : vector<16x512xf32> to vector<1x16x512xf32>
      tpu.vector_store %arg8[%swap3A_1017, %swap3A_1018, %swap3A_1019], %swap3A_1022 {strides = array<i32>} : memref<8x16x4096xf32, #tpu.memory_space<vmem>>, vector<1x16x512xf32>,
      %get3A_1023 = arith.constant 0 : index
      %get3A_1024 = arith.constant 2560 : index
      %get3A_1025 = vector.load %arg2[%get3A_1023, %get3A_1024] : memref<16x4096xf32, #tpu.memory_space<vmem>>, vector<16x512xf32>
      %get3A_1026 = arith.constant 0 : index
      %get3A_1027 = arith.constant 2560 : index
      %get3A_1028 = vector.load %arg3[%get3A_1026, %get3A_1027] : memref<16x4096xf32, #tpu.memory_space<vmem>>, vector<16x512xf32>
      %mul3A_1029 = arith.constant 8 : i32
      %mul3A_1030 = arith.muli %arg0, %mul3A_1029 : i32
      %add3A_1031 = arith.constant 0 : i32
      %add3A_1032 = arith.addi %mul3A_1030, %add3A_1031 : i32
      %get3A_1033 = arith.index_cast %add3A_1032 : i32 to index
      %get3A_1034 = arith.constant 2560 : index
      %get3A_1035 = vector.load %arg6[%get3A_1033, %get3A_1034] : memref<128x4096xf32, #tpu.memory_space<vmem>>, vector<1x512xf32>
      %get3A_1036 = arith.constant 0 : index
      %get3A_1037 = arith.constant 0 : index
      %get3A_1038 = vector.load %arg4[%get3A_1036, %get3A_1037] : memref<8x16xf32, #tpu.memory_space<vmem>>, vector<1x16xf32>
      %get3A_1039 = vector.shape_cast %get3A_1038 : vector<1x16xf32> to vector<16xf32>
      %broadcast_in_dim3A_1040 = vector.shape_cast %get3A_1039 : vector<16xf32> to vector<16x1xf32>
      %mul3A_1041 = vector.broadcast %get3A_1035 : vector<1x512xf32> to vector<16x512xf32>
      %mul3A_1042 = arith.mulf %mul3A_1041, %get3A_1028 : vector<16x512xf32>
      %add3A_1043 = arith.addf %get3A_1025, %mul3A_1042 : vector<16x512xf32>
      %exp23A_1044 = math.exp2 %add3A_1043 : vector<16x512xf32>
      %mul3A_1045 = vector.broadcast %broadcast_in_dim3A_1040 : vector<16x1xf32> to vector<16x512xf32>
      %mul3A_1046 = arith.mulf %exp23A_1044, %mul3A_1045 : vector<16x512xf32>
      %swap3A_1047 = arith.constant 0 : index
      %swap3A_1048 = arith.constant 0 : index
      %swap3A_1049 = arith.constant 2560 : index
      %swap3A_1050 = vector.load %arg8[%swap3A_1047, %swap3A_1048, %swap3A_1049] : memref<8x16x4096xf32, #tpu.memory_space<vmem>>, vector<1x16x512xf32>
      %swap3A_1051 = vector.shape_cast %swap3A_1050 : vector<1x16x512xf32> to vector<16x512xf32>
      %swap3A_1052 = vector.shape_cast %mul3A_1046 : vector<16x512xf32> to vector<1x16x512xf32>
      tpu.vector_store %arg8[%swap3A_1047, %swap3A_1048, %swap3A_1049], %swap3A_1052 {strides = array<i32>} : memref<8x16x4096xf32, #tpu.memory_space<vmem>>, vector<1x16x512xf32>,
      %mul3A_1053 = arith.constant 8 : i32
      %mul3A_1054 = arith.muli %arg0, %mul3A_1053 : i32
      %add3A_1055 = arith.constant 1 : i32
      %add3A_1056 = arith.addi %mul3A_1054, %add3A_1055 : i32
      %get3A_1057 = arith.index_cast %add3A_1056 : i32 to index
      %get3A_1058 = arith.constant 2560 : index
      %get3A_1059 = vector.load %arg6[%get3A_1057, %get3A_1058] : memref<128x4096xf32, #tpu.memory_space<vmem>>, vector<1x512xf32>
      %get3A_1060 = arith.constant 1 : index
      %get3A_1061 = arith.constant 0 : index
      %get3A_1062 = vector.load %arg4[%get3A_1060, %get3A_1061] : memref<8x16xf32, #tpu.memory_space<vmem>>, vector<1x16xf32>
      %get3A_1063 = vector.shape_cast %get3A_1062 : vector<1x16xf32> to vector<16xf32>
      %broadcast_in_dim3A_1064 = vector.shape_cast %get3A_1063 : vector<16xf32> to vector<16x1xf32>
      %mul3A_1065 = vector.broadcast %get3A_1059 : vector<1x512xf32> to vector<16x512xf32>
      %mul3A_1066 = arith.mulf %mul3A_1065, %get3A_1028 : vector<16x512xf32>
      %add3A_1067 = arith.addf %get3A_1025, %mul3A_1066 : vector<16x512xf32>
      %exp23A_1068 = math.exp2 %add3A_1067 : vector<16x512xf32>
      %mul3A_1069 = vector.broadcast %broadcast_in_dim3A_1064 : vector<16x1xf32> to vector<16x512xf32>
      %mul3A_1070 = arith.mulf %exp23A_1068, %mul3A_1069 : vector<16x512xf32>
      %swap3A_1071 = arith.constant 1 : index
      %swap3A_1072 = arith.constant 0 : index
      %swap3A_1073 = arith.constant 2560 : index
      %swap3A_1074 = vector.load %arg8[%swap3A_1071, %swap3A_1072, %swap3A_1073] : memref<8x16x4096xf32, #tpu.memory_space<vmem>>, vector<1x16x512xf32>
      %swap3A_1075 = vector.shape_cast %swap3A_1074 : vector<1x16x512xf32> to vector<16x512xf32>
      %swap3A_1076 = vector.shape_cast %mul3A_1070 : vector<16x512xf32> to vector<1x16x512xf32>
      tpu.vector_store %arg8[%swap3A_1071, %swap3A_1072, %swap3A_1073], %swap3A_1076 {strides = array<i32>} : memref<8x16x4096xf32, #tpu.memory_space<vmem>>, vector<1x16x512xf32>,
      %mul3A_1077 = arith.constant 8 : i32
      %mul3A_1078 = arith.muli %arg0, %mul3A_1077 : i32
      %add3A_1079 = arith.constant 2 : i32
      %add3A_1080 = arith.addi %mul3A_1078, %add3A_1079 : i32
      %get3A_1081 = arith.index_cast %add3A_1080 : i32 to index
      %get3A_1082 = arith.constant 2560 : index
      %get3A_1083 = vector.load %arg6[%get3A_1081, %get3A_1082] : memref<128x4096xf32, #tpu.memory_space<vmem>>, vector<1x512xf32>
      %get3A_1084 = arith.constant 2 : index
      %get3A_1085 = arith.constant 0 : index
      %get3A_1086 = vector.load %arg4[%get3A_1084, %get3A_1085] : memref<8x16xf32, #tpu.memory_space<vmem>>, vector<1x16xf32>
      %get3A_1087 = vector.shape_cast %get3A_1086 : vector<1x16xf32> to vector<16xf32>
      %broadcast_in_dim3A_1088 = vector.shape_cast %get3A_1087 : vector<16xf32> to vector<16x1xf32>
      %mul3A_1089 = vector.broadcast %get3A_1083 : vector<1x512xf32> to vector<16x512xf32>
      %mul3A_1090 = arith.mulf %mul3A_1089, %get3A_1028 : vector<16x512xf32>
      %add3A_1091 = arith.addf %get3A_1025, %mul3A_1090 : vector<16x512xf32>
      %exp23A_1092 = math.exp2 %add3A_1091 : vector<16x512xf32>
      %mul3A_1093 = vector.broadcast %broadcast_in_dim3A_1088 : vector<16x1xf32> to vector<16x512xf32>
      %mul3A_1094 = arith.mulf %exp23A_1092, %mul3A_1093 : vector<16x512xf32>
      %swap3A_1095 = arith.constant 2 : index
      %swap3A_1096 = arith.constant 0 : index
      %swap3A_1097 = arith.constant 2560 : index
      %swap3A_1098 = vector.load %arg8[%swap3A_1095, %swap3A_1096, %swap3A_1097] : memref<8x16x4096xf32, #tpu.memory_space<vmem>>, vector<1x16x512xf32>
      %swap3A_1099 = vector.shape_cast %swap3A_1098 : vector<1x16x512xf32> to vector<16x512xf32>
      %swap3A_1100 = vector.shape_cast %mul3A_1094 : vector<16x512xf32> to vector<1x16x512xf32>
      tpu.vector_store %arg8[%swap3A_1095, %swap3A_1096, %swap3A_1097], %swap3A_1100 {strides = array<i32>} : memref<8x16x4096xf32, #tpu.memory_space<vmem>>, vector<1x16x512xf32>,
      %mul3A_1101 = arith.constant 8 : i32
      %mul3A_1102 = arith.muli %arg0, %mul3A_1101 : i32
      %add3A_1103 = arith.constant 3 : i32
      %add3A_1104 = arith.addi %mul3A_1102, %add3A_1103 : i32
      %get3A_1105 = arith.index_cast %add3A_1104 : i32 to index
      %get3A_1106 = arith.constant 2560 : index
      %get3A_1107 = vector.load %arg6[%get3A_1105, %get3A_1106] : memref<128x4096xf32, #tpu.memory_space<vmem>>, vector<1x512xf32>
      %get3A_1108 = arith.constant 3 : index
      %get3A_1109 = arith.constant 0 : index
      %get3A_1110 = vector.load %arg4[%get3A_1108, %get3A_1109] : memref<8x16xf32, #tpu.memory_space<vmem>>, vector<1x16xf32>
      %get3A_1111 = vector.shape_cast %get3A_1110 : vector<1x16xf32> to vector<16xf32>
      %broadcast_in_dim3A_1112 = vector.shape_cast %get3A_1111 : vector<16xf32> to vector<16x1xf32>
      %mul3A_1113 = vector.broadcast %get3A_1107 : vector<1x512xf32> to vector<16x512xf32>
      %mul3A_1114 = arith.mulf %mul3A_1113, %get3A_1028 : vector<16x512xf32>
      %add3A_1115 = arith.addf %get3A_1025, %mul3A_1114 : vector<16x512xf32>
      %exp23A_1116 = math.exp2 %add3A_1115 : vector<16x512xf32>
      %mul3A_1117 = vector.broadcast %broadcast_in_dim3A_1112 : vector<16x1xf32> to vector<16x512xf32>
      %mul3A_1118 = arith.mulf %exp23A_1116, %mul3A_1117 : vector<16x512xf32>
      %swap3A_1119 = arith.constant 3 : index
      %swap3A_1120 = arith.constant 0 : index
      %swap3A_1121 = arith.constant 2560 : index
      %swap3A_1122 = vector.load %arg8[%swap3A_1119, %swap3A_1120, %swap3A_1121] : memref<8x16x4096xf32, #tpu.memory_space<vmem>>, vector<1x16x512xf32>
      %swap3A_1123 = vector.shape_cast %swap3A_1122 : vector<1x16x512xf32> to vector<16x512xf32>
      %swap3A_1124 = vector.shape_cast %mul3A_1118 : vector<16x512xf32> to vector<1x16x512xf32>
      tpu.vector_store %arg8[%swap3A_1119, %swap3A_1120, %swap3A_1121], %swap3A_1124 {strides = array<i32>} : memref<8x16x4096xf32, #tpu.memory_space<vmem>>, vector<1x16x512xf32>,
      %mul3A_1125 = arith.constant 8 : i32
      %mul3A_1126 = arith.muli %arg0, %mul3A_1125 : i32
      %add3A_1127 = arith.constant 4 : i32
      %add3A_1128 = arith.addi %mul3A_1126, %add3A_1127 : i32
      %get3A_1129 = arith.index_cast %add3A_1128 : i32 to index
      %get3A_1130 = arith.constant 2560 : index
      %get3A_1131 = vector.load %arg6[%get3A_1129, %get3A_1130] : memref<128x4096xf32, #tpu.memory_space<vmem>>, vector<1x512xf32>
      %get3A_1132 = arith.constant 4 : index
      %get3A_1133 = arith.constant 0 : index
      %get3A_1134 = vector.load %arg4[%get3A_1132, %get3A_1133] : memref<8x16xf32, #tpu.memory_space<vmem>>, vector<1x16xf32>
      %get3A_1135 = vector.shape_cast %get3A_1134 : vector<1x16xf32> to vector<16xf32>
      %broadcast_in_dim3A_1136 = vector.shape_cast %get3A_1135 : vector<16xf32> to vector<16x1xf32>
      %mul3A_1137 = vector.broadcast %get3A_1131 : vector<1x512xf32> to vector<16x512xf32>
      %mul3A_1138 = arith.mulf %mul3A_1137, %get3A_1028 : vector<16x512xf32>
      %add3A_1139 = arith.addf %get3A_1025, %mul3A_1138 : vector<16x512xf32>
      %exp23A_1140 = math.exp2 %add3A_1139 : vector<16x512xf32>
      %mul3A_1141 = vector.broadcast %broadcast_in_dim3A_1136 : vector<16x1xf32> to vector<16x512xf32>
      %mul3A_1142 = arith.mulf %exp23A_1140, %mul3A_1141 : vector<16x512xf32>
      %swap3A_1143 = arith.constant 4 : index
      %swap3A_1144 = arith.constant 0 : index
      %swap3A_1145 = arith.constant 2560 : index
      %swap3A_1146 = vector.load %arg8[%swap3A_1143, %swap3A_1144, %swap3A_1145] : memref<8x16x4096xf32, #tpu.memory_space<vmem>>, vector<1x16x512xf32>
      %swap3A_1147 = vector.shape_cast %swap3A_1146 : vector<1x16x512xf32> to vector<16x512xf32>
      %swap3A_1148 = vector.shape_cast %mul3A_1142 : vector<16x512xf32> to vector<1x16x512xf32>
      tpu.vector_store %arg8[%swap3A_1143, %swap3A_1144, %swap3A_1145], %swap3A_1148 {strides = array<i32>} : memref<8x16x4096xf32, #tpu.memory_space<vmem>>, vector<1x16x512xf32>,
      %mul3A_1149 = arith.constant 8 : i32
      %mul3A_1150 = arith.muli %arg0, %mul3A_1149 : i32
      %add3A_1151 = arith.constant 5 : i32
      %add3A_1152 = arith.addi %mul3A_1150, %add3A_1151 : i32
      %get3A_1153 = arith.index_cast %add3A_1152 : i32 to index
      %get3A_1154 = arith.constant 2560 : index
      %get3A_1155 = vector.load %arg6[%get3A_1153, %get3A_1154] : memref<128x4096xf32, #tpu.memory_space<vmem>>, vector<1x512xf32>
      %get3A_1156 = arith.constant 5 : index
      %get3A_1157 = arith.constant 0 : index
      %get3A_1158 = vector.load %arg4[%get3A_1156, %get3A_1157] : memref<8x16xf32, #tpu.memory_space<vmem>>, vector<1x16xf32>
      %get3A_1159 = vector.shape_cast %get3A_1158 : vector<1x16xf32> to vector<16xf32>
      %broadcast_in_dim3A_1160 = vector.shape_cast %get3A_1159 : vector<16xf32> to vector<16x1xf32>
      %mul3A_1161 = vector.broadcast %get3A_1155 : vector<1x512xf32> to vector<16x512xf32>
      %mul3A_1162 = arith.mulf %mul3A_1161, %get3A_1028 : vector<16x512xf32>
      %add3A_1163 = arith.addf %get3A_1025, %mul3A_1162 : vector<16x512xf32>
      %exp23A_1164 = math.exp2 %add3A_1163 : vector<16x512xf32>
      %mul3A_1165 = vector.broadcast %broadcast_in_dim3A_1160 : vector<16x1xf32> to vector<16x512xf32>
      %mul3A_1166 = arith.mulf %exp23A_1164, %mul3A_1165 : vector<16x512xf32>
      %swap3A_1167 = arith.constant 5 : index
      %swap3A_1168 = arith.constant 0 : index
      %swap3A_1169 = arith.constant 2560 : index
      %swap3A_1170 = vector.load %arg8[%swap3A_1167, %swap3A_1168, %swap3A_1169] : memref<8x16x4096xf32, #tpu.memory_space<vmem>>, vector<1x16x512xf32>
      %swap3A_1171 = vector.shape_cast %swap3A_1170 : vector<1x16x512xf32> to vector<16x512xf32>
      %swap3A_1172 = vector.shape_cast %mul3A_1166 : vector<16x512xf32> to vector<1x16x512xf32>
      tpu.vector_store %arg8[%swap3A_1167, %swap3A_1168, %swap3A_1169], %swap3A_1172 {strides = array<i32>} : memref<8x16x4096xf32, #tpu.memory_space<vmem>>, vector<1x16x512xf32>,
      %mul3A_1173 = arith.constant 8 : i32
      %mul3A_1174 = arith.muli %arg0, %mul3A_1173 : i32
      %add3A_1175 = arith.constant 6 : i32
      %add3A_1176 = arith.addi %mul3A_1174, %add3A_1175 : i32
      %get3A_1177 = arith.index_cast %add3A_1176 : i32 to index
      %get3A_1178 = arith.constant 2560 : index
      %get3A_1179 = vector.load %arg6[%get3A_1177, %get3A_1178] : memref<128x4096xf32, #tpu.memory_space<vmem>>, vector<1x512xf32>
      %get3A_1180 = arith.constant 6 : index
      %get3A_1181 = arith.constant 0 : index
      %get3A_1182 = vector.load %arg4[%get3A_1180, %get3A_1181] : memref<8x16xf32, #tpu.memory_space<vmem>>, vector<1x16xf32>
      %get3A_1183 = vector.shape_cast %get3A_1182 : vector<1x16xf32> to vector<16xf32>
      %broadcast_in_dim3A_1184 = vector.shape_cast %get3A_1183 : vector<16xf32> to vector<16x1xf32>
      %mul3A_1185 = vector.broadcast %get3A_1179 : vector<1x512xf32> to vector<16x512xf32>
      %mul3A_1186 = arith.mulf %mul3A_1185, %get3A_1028 : vector<16x512xf32>
      %add3A_1187 = arith.addf %get3A_1025, %mul3A_1186 : vector<16x512xf32>
      %exp23A_1188 = math.exp2 %add3A_1187 : vector<16x512xf32>
      %mul3A_1189 = vector.broadcast %broadcast_in_dim3A_1184 : vector<16x1xf32> to vector<16x512xf32>
      %mul3A_1190 = arith.mulf %exp23A_1188, %mul3A_1189 : vector<16x512xf32>
      %swap3A_1191 = arith.constant 6 : index
      %swap3A_1192 = arith.constant 0 : index
      %swap3A_1193 = arith.constant 2560 : index
      %swap3A_1194 = vector.load %arg8[%swap3A_1191, %swap3A_1192, %swap3A_1193] : memref<8x16x4096xf32, #tpu.memory_space<vmem>>, vector<1x16x512xf32>
      %swap3A_1195 = vector.shape_cast %swap3A_1194 : vector<1x16x512xf32> to vector<16x512xf32>
      %swap3A_1196 = vector.shape_cast %mul3A_1190 : vector<16x512xf32> to vector<1x16x512xf32>
      tpu.vector_store %arg8[%swap3A_1191, %swap3A_1192, %swap3A_1193], %swap3A_1196 {strides = array<i32>} : memref<8x16x4096xf32, #tpu.memory_space<vmem>>, vector<1x16x512xf32>,
      %mul3A_1197 = arith.constant 8 : i32
      %mul3A_1198 = arith.muli %arg0, %mul3A_1197 : i32
      %add3A_1199 = arith.constant 7 : i32
      %add3A_1200 = arith.addi %mul3A_1198, %add3A_1199 : i32
      %get3A_1201 = arith.index_cast %add3A_1200 : i32 to index
      %get3A_1202 = arith.constant 2560 : index
      %get3A_1203 = vector.load %arg6[%get3A_1201, %get3A_1202] : memref<128x4096xf32, #tpu.memory_space<vmem>>, vector<1x512xf32>
      %get3A_1204 = arith.constant 7 : index
      %get3A_1205 = arith.constant 0 : index
      %get3A_1206 = vector.load %arg4[%get3A_1204, %get3A_1205] : memref<8x16xf32, #tpu.memory_space<vmem>>, vector<1x16xf32>
      %get3A_1207 = vector.shape_cast %get3A_1206 : vector<1x16xf32> to vector<16xf32>
      %broadcast_in_dim3A_1208 = vector.shape_cast %get3A_1207 : vector<16xf32> to vector<16x1xf32>
      %mul3A_1209 = vector.broadcast %get3A_1203 : vector<1x512xf32> to vector<16x512xf32>
      %mul3A_1210 = arith.mulf %mul3A_1209, %get3A_1028 : vector<16x512xf32>
      %add3A_1211 = arith.addf %get3A_1025, %mul3A_1210 : vector<16x512xf32>
      %exp23A_1212 = math.exp2 %add3A_1211 : vector<16x512xf32>
      %mul3A_1213 = vector.broadcast %broadcast_in_dim3A_1208 : vector<16x1xf32> to vector<16x512xf32>
      %mul3A_1214 = arith.mulf %exp23A_1212, %mul3A_1213 : vector<16x512xf32>
      %swap3A_1215 = arith.constant 7 : index
      %swap3A_1216 = arith.constant 0 : index
      %swap3A_1217 = arith.constant 2560 : index
      %swap3A_1218 = vector.load %arg8[%swap3A_1215, %swap3A_1216, %swap3A_1217] : memref<8x16x4096xf32, #tpu.memory_space<vmem>>, vector<1x16x512xf32>
      %swap3A_1219 = vector.shape_cast %swap3A_1218 : vector<1x16x512xf32> to vector<16x512xf32>
      %swap3A_1220 = vector.shape_cast %mul3A_1214 : vector<16x512xf32> to vector<1x16x512xf32>
      tpu.vector_store %arg8[%swap3A_1215, %swap3A_1216, %swap3A_1217], %swap3A_1220 {strides = array<i32>} : memref<8x16x4096xf32, #tpu.memory_space<vmem>>, vector<1x16x512xf32>,
      %get3A_1221 = arith.constant 0 : index
      %get3A_1222 = arith.constant 3072 : index
      %get3A_1223 = vector.load %arg2[%get3A_1221, %get3A_1222] : memref<16x4096xf32, #tpu.memory_space<vmem>>, vector<16x512xf32>
      %get3A_1224 = arith.constant 0 : index
      %get3A_1225 = arith.constant 3072 : index
      %get3A_1226 = vector.load %arg3[%get3A_1224, %get3A_1225] : memref<16x4096xf32, #tpu.memory_space<vmem>>, vector<16x512xf32>
      %mul3A_1227 = arith.constant 8 : i32
      %mul3A_1228 = arith.muli %arg0, %mul3A_1227 : i32
      %add3A_1229 = arith.constant 0 : i32
      %add3A_1230 = arith.addi %mul3A_1228, %add3A_1229 : i32
      %get3A_1231 = arith.index_cast %add3A_1230 : i32 to index
      %get3A_1232 = arith.constant 3072 : index
      %get3A_1233 = vector.load %arg6[%get3A_1231, %get3A_1232] : memref<128x4096xf32, #tpu.memory_space<vmem>>, vector<1x512xf32>
      %get3A_1234 = arith.constant 0 : index
      %get3A_1235 = arith.constant 0 : index
      %get3A_1236 = vector.load %arg4[%get3A_1234, %get3A_1235] : memref<8x16xf32, #tpu.memory_space<vmem>>, vector<1x16xf32>
      %get3A_1237 = vector.shape_cast %get3A_1236 : vector<1x16xf32> to vector<16xf32>
      %broadcast_in_dim3A_1238 = vector.shape_cast %get3A_1237 : vector<16xf32> to vector<16x1xf32>
      %mul3A_1239 = vector.broadcast %get3A_1233 : vector<1x512xf32> to vector<16x512xf32>
      %mul3A_1240 = arith.mulf %mul3A_1239, %get3A_1226 : vector<16x512xf32>
      %add3A_1241 = arith.addf %get3A_1223, %mul3A_1240 : vector<16x512xf32>
      %exp23A_1242 = math.exp2 %add3A_1241 : vector<16x512xf32>
      %mul3A_1243 = vector.broadcast %broadcast_in_dim3A_1238 : vector<16x1xf32> to vector<16x512xf32>
      %mul3A_1244 = arith.mulf %exp23A_1242, %mul3A_1243 : vector<16x512xf32>
      %swap3A_1245 = arith.constant 0 : index
      %swap3A_1246 = arith.constant 0 : index
      %swap3A_1247 = arith.constant 3072 : index
      %swap3A_1248 = vector.load %arg8[%swap3A_1245, %swap3A_1246, %swap3A_1247] : memref<8x16x4096xf32, #tpu.memory_space<vmem>>, vector<1x16x512xf32>
      %swap3A_1249 = vector.shape_cast %swap3A_1248 : vector<1x16x512xf32> to vector<16x512xf32>
      %swap3A_1250 = vector.shape_cast %mul3A_1244 : vector<16x512xf32> to vector<1x16x512xf32>
      tpu.vector_store %arg8[%swap3A_1245, %swap3A_1246, %swap3A_1247], %swap3A_1250 {strides = array<i32>} : memref<8x16x4096xf32, #tpu.memory_space<vmem>>, vector<1x16x512xf32>,
      %mul3A_1251 = arith.constant 8 : i32
      %mul3A_1252 = arith.muli %arg0, %mul3A_1251 : i32
      %add3A_1253 = arith.constant 1 : i32
      %add3A_1254 = arith.addi %mul3A_1252, %add3A_1253 : i32
      %get3A_1255 = arith.index_cast %add3A_1254 : i32 to index
      %get3A_1256 = arith.constant 3072 : index
      %get3A_1257 = vector.load %arg6[%get3A_1255, %get3A_1256] : memref<128x4096xf32, #tpu.memory_space<vmem>>, vector<1x512xf32>
      %get3A_1258 = arith.constant 1 : index
      %get3A_1259 = arith.constant 0 : index
      %get3A_1260 = vector.load %arg4[%get3A_1258, %get3A_1259] : memref<8x16xf32, #tpu.memory_space<vmem>>, vector<1x16xf32>
      %get3A_1261 = vector.shape_cast %get3A_1260 : vector<1x16xf32> to vector<16xf32>
      %broadcast_in_dim3A_1262 = vector.shape_cast %get3A_1261 : vector<16xf32> to vector<16x1xf32>
      %mul3A_1263 = vector.broadcast %get3A_1257 : vector<1x512xf32> to vector<16x512xf32>
      %mul3A_1264 = arith.mulf %mul3A_1263, %get3A_1226 : vector<16x512xf32>
      %add3A_1265 = arith.addf %get3A_1223, %mul3A_1264 : vector<16x512xf32>
      %exp23A_1266 = math.exp2 %add3A_1265 : vector<16x512xf32>
      %mul3A_1267 = vector.broadcast %broadcast_in_dim3A_1262 : vector<16x1xf32> to vector<16x512xf32>
      %mul3A_1268 = arith.mulf %exp23A_1266, %mul3A_1267 : vector<16x512xf32>
      %swap3A_1269 = arith.constant 1 : index
      %swap3A_1270 = arith.constant 0 : index
      %swap3A_1271 = arith.constant 3072 : index
      %swap3A_1272 = vector.load %arg8[%swap3A_1269, %swap3A_1270, %swap3A_1271] : memref<8x16x4096xf32, #tpu.memory_space<vmem>>, vector<1x16x512xf32>
      %swap3A_1273 = vector.shape_cast %swap3A_1272 : vector<1x16x512xf32> to vector<16x512xf32>
      %swap3A_1274 = vector.shape_cast %mul3A_1268 : vector<16x512xf32> to vector<1x16x512xf32>
      tpu.vector_store %arg8[%swap3A_1269, %swap3A_1270, %swap3A_1271], %swap3A_1274 {strides = array<i32>} : memref<8x16x4096xf32, #tpu.memory_space<vmem>>, vector<1x16x512xf32>,
      %mul3A_1275 = arith.constant 8 : i32
      %mul3A_1276 = arith.muli %arg0, %mul3A_1275 : i32
      %add3A_1277 = arith.constant 2 : i32
      %add3A_1278 = arith.addi %mul3A_1276, %add3A_1277 : i32
      %get3A_1279 = arith.index_cast %add3A_1278 : i32 to index
      %get3A_1280 = arith.constant 3072 : index
      %get3A_1281 = vector.load %arg6[%get3A_1279, %get3A_1280] : memref<128x4096xf32, #tpu.memory_space<vmem>>, vector<1x512xf32>
      %get3A_1282 = arith.constant 2 : index
      %get3A_1283 = arith.constant 0 : index
      %get3A_1284 = vector.load %arg4[%get3A_1282, %get3A_1283] : memref<8x16xf32, #tpu.memory_space<vmem>>, vector<1x16xf32>
      %get3A_1285 = vector.shape_cast %get3A_1284 : vector<1x16xf32> to vector<16xf32>
      %broadcast_in_dim3A_1286 = vector.shape_cast %get3A_1285 : vector<16xf32> to vector<16x1xf32>
      %mul3A_1287 = vector.broadcast %get3A_1281 : vector<1x512xf32> to vector<16x512xf32>
      %mul3A_1288 = arith.mulf %mul3A_1287, %get3A_1226 : vector<16x512xf32>
      %add3A_1289 = arith.addf %get3A_1223, %mul3A_1288 : vector<16x512xf32>
      %exp23A_1290 = math.exp2 %add3A_1289 : vector<16x512xf32>
      %mul3A_1291 = vector.broadcast %broadcast_in_dim3A_1286 : vector<16x1xf32> to vector<16x512xf32>
      %mul3A_1292 = arith.mulf %exp23A_1290, %mul3A_1291 : vector<16x512xf32>
      %swap3A_1293 = arith.constant 2 : index
      %swap3A_1294 = arith.constant 0 : index
      %swap3A_1295 = arith.constant 3072 : index
      %swap3A_1296 = vector.load %arg8[%swap3A_1293, %swap3A_1294, %swap3A_1295] : memref<8x16x4096xf32, #tpu.memory_space<vmem>>, vector<1x16x512xf32>
      %swap3A_1297 = vector.shape_cast %swap3A_1296 : vector<1x16x512xf32> to vector<16x512xf32>
      %swap3A_1298 = vector.shape_cast %mul3A_1292 : vector<16x512xf32> to vector<1x16x512xf32>
      tpu.vector_store %arg8[%swap3A_1293, %swap3A_1294, %swap3A_1295], %swap3A_1298 {strides = array<i32>} : memref<8x16x4096xf32, #tpu.memory_space<vmem>>, vector<1x16x512xf32>,
      %mul3A_1299 = arith.constant 8 : i32
      %mul3A_1300 = arith.muli %arg0, %mul3A_1299 : i32
      %add3A_1301 = arith.constant 3 : i32
      %add3A_1302 = arith.addi %mul3A_1300, %add3A_1301 : i32
      %get3A_1303 = arith.index_cast %add3A_1302 : i32 to index
      %get3A_1304 = arith.constant 3072 : index
      %get3A_1305 = vector.load %arg6[%get3A_1303, %get3A_1304] : memref<128x4096xf32, #tpu.memory_space<vmem>>, vector<1x512xf32>
      %get3A_1306 = arith.constant 3 : index
      %get3A_1307 = arith.constant 0 : index
      %get3A_1308 = vector.load %arg4[%get3A_1306, %get3A_1307] : memref<8x16xf32, #tpu.memory_space<vmem>>, vector<1x16xf32>
      %get3A_1309 = vector.shape_cast %get3A_1308 : vector<1x16xf32> to vector<16xf32>
      %broadcast_in_dim3A_1310 = vector.shape_cast %get3A_1309 : vector<16xf32> to vector<16x1xf32>
      %mul3A_1311 = vector.broadcast %get3A_1305 : vector<1x512xf32> to vector<16x512xf32>
      %mul3A_1312 = arith.mulf %mul3A_1311, %get3A_1226 : vector<16x512xf32>
      %add3A_1313 = arith.addf %get3A_1223, %mul3A_1312 : vector<16x512xf32>
      %exp23A_1314 = math.exp2 %add3A_1313 : vector<16x512xf32>
      %mul3A_1315 = vector.broadcast %broadcast_in_dim3A_1310 : vector<16x1xf32> to vector<16x512xf32>
      %mul3A_1316 = arith.mulf %exp23A_1314, %mul3A_1315 : vector<16x512xf32>
      %swap3A_1317 = arith.constant 3 : index
      %swap3A_1318 = arith.constant 0 : index
      %swap3A_1319 = arith.constant 3072 : index
      %swap3A_1320 = vector.load %arg8[%swap3A_1317, %swap3A_1318, %swap3A_1319] : memref<8x16x4096xf32, #tpu.memory_space<vmem>>, vector<1x16x512xf32>
      %swap3A_1321 = vector.shape_cast %swap3A_1320 : vector<1x16x512xf32> to vector<16x512xf32>
      %swap3A_1322 = vector.shape_cast %mul3A_1316 : vector<16x512xf32> to vector<1x16x512xf32>
      tpu.vector_store %arg8[%swap3A_1317, %swap3A_1318, %swap3A_1319], %swap3A_1322 {strides = array<i32>} : memref<8x16x4096xf32, #tpu.memory_space<vmem>>, vector<1x16x512xf32>,
      %mul3A_1323 = arith.constant 8 : i32
      %mul3A_1324 = arith.muli %arg0, %mul3A_1323 : i32
      %add3A_1325 = arith.constant 4 : i32
      %add3A_1326 = arith.addi %mul3A_1324, %add3A_1325 : i32
      %get3A_1327 = arith.index_cast %add3A_1326 : i32 to index
      %get3A_1328 = arith.constant 3072 : index
      %get3A_1329 = vector.load %arg6[%get3A_1327, %get3A_1328] : memref<128x4096xf32, #tpu.memory_space<vmem>>, vector<1x512xf32>
      %get3A_1330 = arith.constant 4 : index
      %get3A_1331 = arith.constant 0 : index
      %get3A_1332 = vector.load %arg4[%get3A_1330, %get3A_1331] : memref<8x16xf32, #tpu.memory_space<vmem>>, vector<1x16xf32>
      %get3A_1333 = vector.shape_cast %get3A_1332 : vector<1x16xf32> to vector<16xf32>
      %broadcast_in_dim3A_1334 = vector.shape_cast %get3A_1333 : vector<16xf32> to vector<16x1xf32>
      %mul3A_1335 = vector.broadcast %get3A_1329 : vector<1x512xf32> to vector<16x512xf32>
      %mul3A_1336 = arith.mulf %mul3A_1335, %get3A_1226 : vector<16x512xf32>
      %add3A_1337 = arith.addf %get3A_1223, %mul3A_1336 : vector<16x512xf32>
      %exp23A_1338 = math.exp2 %add3A_1337 : vector<16x512xf32>
      %mul3A_1339 = vector.broadcast %broadcast_in_dim3A_1334 : vector<16x1xf32> to vector<16x512xf32>
      %mul3A_1340 = arith.mulf %exp23A_1338, %mul3A_1339 : vector<16x512xf32>
      %swap3A_1341 = arith.constant 4 : index
      %swap3A_1342 = arith.constant 0 : index
      %swap3A_1343 = arith.constant 3072 : index
      %swap3A_1344 = vector.load %arg8[%swap3A_1341, %swap3A_1342, %swap3A_1343] : memref<8x16x4096xf32, #tpu.memory_space<vmem>>, vector<1x16x512xf32>
      %swap3A_1345 = vector.shape_cast %swap3A_1344 : vector<1x16x512xf32> to vector<16x512xf32>
      %swap3A_1346 = vector.shape_cast %mul3A_1340 : vector<16x512xf32> to vector<1x16x512xf32>
      tpu.vector_store %arg8[%swap3A_1341, %swap3A_1342, %swap3A_1343], %swap3A_1346 {strides = array<i32>} : memref<8x16x4096xf32, #tpu.memory_space<vmem>>, vector<1x16x512xf32>,
      %mul3A_1347 = arith.constant 8 : i32
      %mul3A_1348 = arith.muli %arg0, %mul3A_1347 : i32
      %add3A_1349 = arith.constant 5 : i32
      %add3A_1350 = arith.addi %mul3A_1348, %add3A_1349 : i32
      %get3A_1351 = arith.index_cast %add3A_1350 : i32 to index
      %get3A_1352 = arith.constant 3072 : index
      %get3A_1353 = vector.load %arg6[%get3A_1351, %get3A_1352] : memref<128x4096xf32, #tpu.memory_space<vmem>>, vector<1x512xf32>
      %get3A_1354 = arith.constant 5 : index
      %get3A_1355 = arith.constant 0 : index
      %get3A_1356 = vector.load %arg4[%get3A_1354, %get3A_1355] : memref<8x16xf32, #tpu.memory_space<vmem>>, vector<1x16xf32>
      %get3A_1357 = vector.shape_cast %get3A_1356 : vector<1x16xf32> to vector<16xf32>
      %broadcast_in_dim3A_1358 = vector.shape_cast %get3A_1357 : vector<16xf32> to vector<16x1xf32>
      %mul3A_1359 = vector.broadcast %get3A_1353 : vector<1x512xf32> to vector<16x512xf32>
      %mul3A_1360 = arith.mulf %mul3A_1359, %get3A_1226 : vector<16x512xf32>
      %add3A_1361 = arith.addf %get3A_1223, %mul3A_1360 : vector<16x512xf32>
      %exp23A_1362 = math.exp2 %add3A_1361 : vector<16x512xf32>
      %mul3A_1363 = vector.broadcast %broadcast_in_dim3A_1358 : vector<16x1xf32> to vector<16x512xf32>
      %mul3A_1364 = arith.mulf %exp23A_1362, %mul3A_1363 : vector<16x512xf32>
      %swap3A_1365 = arith.constant 5 : index
      %swap3A_1366 = arith.constant 0 : index
      %swap3A_1367 = arith.constant 3072 : index
      %swap3A_1368 = vector.load %arg8[%swap3A_1365, %swap3A_1366, %swap3A_1367] : memref<8x16x4096xf32, #tpu.memory_space<vmem>>, vector<1x16x512xf32>
      %swap3A_1369 = vector.shape_cast %swap3A_1368 : vector<1x16x512xf32> to vector<16x512xf32>
      %swap3A_1370 = vector.shape_cast %mul3A_1364 : vector<16x512xf32> to vector<1x16x512xf32>
      tpu.vector_store %arg8[%swap3A_1365, %swap3A_1366, %swap3A_1367], %swap3A_1370 {strides = array<i32>} : memref<8x16x4096xf32, #tpu.memory_space<vmem>>, vector<1x16x512xf32>,
      %mul3A_1371 = arith.constant 8 : i32
      %mul3A_1372 = arith.muli %arg0, %mul3A_1371 : i32
      %add3A_1373 = arith.constant 6 : i32
      %add3A_1374 = arith.addi %mul3A_1372, %add3A_1373 : i32
      %get3A_1375 = arith.index_cast %add3A_1374 : i32 to index
      %get3A_1376 = arith.constant 3072 : index
      %get3A_1377 = vector.load %arg6[%get3A_1375, %get3A_1376] : memref<128x4096xf32, #tpu.memory_space<vmem>>, vector<1x512xf32>
      %get3A_1378 = arith.constant 6 : index
      %get3A_1379 = arith.constant 0 : index
      %get3A_1380 = vector.load %arg4[%get3A_1378, %get3A_1379] : memref<8x16xf32, #tpu.memory_space<vmem>>, vector<1x16xf32>
      %get3A_1381 = vector.shape_cast %get3A_1380 : vector<1x16xf32> to vector<16xf32>
      %broadcast_in_dim3A_1382 = vector.shape_cast %get3A_1381 : vector<16xf32> to vector<16x1xf32>
      %mul3A_1383 = vector.broadcast %get3A_1377 : vector<1x512xf32> to vector<16x512xf32>
      %mul3A_1384 = arith.mulf %mul3A_1383, %get3A_1226 : vector<16x512xf32>
      %add3A_1385 = arith.addf %get3A_1223, %mul3A_1384 : vector<16x512xf32>
      %exp23A_1386 = math.exp2 %add3A_1385 : vector<16x512xf32>
      %mul3A_1387 = vector.broadcast %broadcast_in_dim3A_1382 : vector<16x1xf32> to vector<16x512xf32>
      %mul3A_1388 = arith.mulf %exp23A_1386, %mul3A_1387 : vector<16x512xf32>
      %swap3A_1389 = arith.constant 6 : index
      %swap3A_1390 = arith.constant 0 : index
      %swap3A_1391 = arith.constant 3072 : index
      %swap3A_1392 = vector.load %arg8[%swap3A_1389, %swap3A_1390, %swap3A_1391] : memref<8x16x4096xf32, #tpu.memory_space<vmem>>, vector<1x16x512xf32>
      %swap3A_1393 = vector.shape_cast %swap3A_1392 : vector<1x16x512xf32> to vector<16x512xf32>
      %swap3A_1394 = vector.shape_cast %mul3A_1388 : vector<16x512xf32> to vector<1x16x512xf32>
      tpu.vector_store %arg8[%swap3A_1389, %swap3A_1390, %swap3A_1391], %swap3A_1394 {strides = array<i32>} : memref<8x16x4096xf32, #tpu.memory_space<vmem>>, vector<1x16x512xf32>,
      %mul3A_1395 = arith.constant 8 : i32
      %mul3A_1396 = arith.muli %arg0, %mul3A_1395 : i32
      %add3A_1397 = arith.constant 7 : i32
      %add3A_1398 = arith.addi %mul3A_1396, %add3A_1397 : i32
      %get3A_1399 = arith.index_cast %add3A_1398 : i32 to index
      %get3A_1400 = arith.constant 3072 : index
      %get3A_1401 = vector.load %arg6[%get3A_1399, %get3A_1400] : memref<128x4096xf32, #tpu.memory_space<vmem>>, vector<1x512xf32>
      %get3A_1402 = arith.constant 7 : index
      %get3A_1403 = arith.constant 0 : index
      %get3A_1404 = vector.load %arg4[%get3A_1402, %get3A_1403] : memref<8x16xf32, #tpu.memory_space<vmem>>, vector<1x16xf32>
      %get3A_1405 = vector.shape_cast %get3A_1404 : vector<1x16xf32> to vector<16xf32>
      %broadcast_in_dim3A_1406 = vector.shape_cast %get3A_1405 : vector<16xf32> to vector<16x1xf32>
      %mul3A_1407 = vector.broadcast %get3A_1401 : vector<1x512xf32> to vector<16x512xf32>
      %mul3A_1408 = arith.mulf %mul3A_1407, %get3A_1226 : vector<16x512xf32>
      %add3A_1409 = arith.addf %get3A_1223, %mul3A_1408 : vector<16x512xf32>
      %exp23A_1410 = math.exp2 %add3A_1409 : vector<16x512xf32>
      %mul3A_1411 = vector.broadcast %broadcast_in_dim3A_1406 : vector<16x1xf32> to vector<16x512xf32>
      %mul3A_1412 = arith.mulf %exp23A_1410, %mul3A_1411 : vector<16x512xf32>
      %swap3A_1413 = arith.constant 7 : index
      %swap3A_1414 = arith.constant 0 : index
      %swap3A_1415 = arith.constant 3072 : index
      %swap3A_1416 = vector.load %arg8[%swap3A_1413, %swap3A_1414, %swap3A_1415] : memref<8x16x4096xf32, #tpu.memory_space<vmem>>, vector<1x16x512xf32>
      %swap3A_1417 = vector.shape_cast %swap3A_1416 : vector<1x16x512xf32> to vector<16x512xf32>
      %swap3A_1418 = vector.shape_cast %mul3A_1412 : vector<16x512xf32> to vector<1x16x512xf32>
      tpu.vector_store %arg8[%swap3A_1413, %swap3A_1414, %swap3A_1415], %swap3A_1418 {strides = array<i32>} : memref<8x16x4096xf32, #tpu.memory_space<vmem>>, vector<1x16x512xf32>,
      %get3A_1419 = arith.constant 0 : index
      %get3A_1420 = arith.constant 3584 : index
      %get3A_1421 = vector.load %arg2[%get3A_1419, %get3A_1420] : memref<16x4096xf32, #tpu.memory_space<vmem>>, vector<16x512xf32>
      %get3A_1422 = arith.constant 0 : index
      %get3A_1423 = arith.constant 3584 : index
      %get3A_1424 = vector.load %arg3[%get3A_1422, %get3A_1423] : memref<16x4096xf32, #tpu.memory_space<vmem>>, vector<16x512xf32>
      %mul3A_1425 = arith.constant 8 : i32
      %mul3A_1426 = arith.muli %arg0, %mul3A_1425 : i32
      %add3A_1427 = arith.constant 0 : i32
      %add3A_1428 = arith.addi %mul3A_1426, %add3A_1427 : i32
      %get3A_1429 = arith.index_cast %add3A_1428 : i32 to index
      %get3A_1430 = arith.constant 3584 : index
      %get3A_1431 = vector.load %arg6[%get3A_1429, %get3A_1430] : memref<128x4096xf32, #tpu.memory_space<vmem>>, vector<1x512xf32>
      %get3A_1432 = arith.constant 0 : index
      %get3A_1433 = arith.constant 0 : index
      %get3A_1434 = vector.load %arg4[%get3A_1432, %get3A_1433] : memref<8x16xf32, #tpu.memory_space<vmem>>, vector<1x16xf32>
      %get3A_1435 = vector.shape_cast %get3A_1434 : vector<1x16xf32> to vector<16xf32>
      %broadcast_in_dim3A_1436 = vector.shape_cast %get3A_1435 : vector<16xf32> to vector<16x1xf32>
      %mul3A_1437 = vector.broadcast %get3A_1431 : vector<1x512xf32> to vector<16x512xf32>
      %mul3A_1438 = arith.mulf %mul3A_1437, %get3A_1424 : vector<16x512xf32>
      %add3A_1439 = arith.addf %get3A_1421, %mul3A_1438 : vector<16x512xf32>
      %exp23A_1440 = math.exp2 %add3A_1439 : vector<16x512xf32>
      %mul3A_1441 = vector.broadcast %broadcast_in_dim3A_1436 : vector<16x1xf32> to vector<16x512xf32>
      %mul3A_1442 = arith.mulf %exp23A_1440, %mul3A_1441 : vector<16x512xf32>
      %swap3A_1443 = arith.constant 0 : index
      %swap3A_1444 = arith.constant 0 : index
      %swap3A_1445 = arith.constant 3584 : index
      %swap3A_1446 = vector.load %arg8[%swap3A_1443, %swap3A_1444, %swap3A_1445] : memref<8x16x4096xf32, #tpu.memory_space<vmem>>, vector<1x16x512xf32>
      %swap3A_1447 = vector.shape_cast %swap3A_1446 : vector<1x16x512xf32> to vector<16x512xf32>
      %swap3A_1448 = vector.shape_cast %mul3A_1442 : vector<16x512xf32> to vector<1x16x512xf32>
      tpu.vector_store %arg8[%swap3A_1443, %swap3A_1444, %swap3A_1445], %swap3A_1448 {strides = array<i32>} : memref<8x16x4096xf32, #tpu.memory_space<vmem>>, vector<1x16x512xf32>,
      %mul3A_1449 = arith.constant 8 : i32
      %mul3A_1450 = arith.muli %arg0, %mul3A_1449 : i32
      %add3A_1451 = arith.constant 1 : i32
      %add3A_1452 = arith.addi %mul3A_1450, %add3A_1451 : i32
      %get3A_1453 = arith.index_cast %add3A_1452 : i32 to index
      %get3A_1454 = arith.constant 3584 : index
      %get3A_1455 = vector.load %arg6[%get3A_1453, %get3A_1454] : memref<128x4096xf32, #tpu.memory_space<vmem>>, vector<1x512xf32>
      %get3A_1456 = arith.constant 1 : index
      %get3A_1457 = arith.constant 0 : index
      %get3A_1458 = vector.load %arg4[%get3A_1456, %get3A_1457] : memref<8x16xf32, #tpu.memory_space<vmem>>, vector<1x16xf32>
      %get3A_1459 = vector.shape_cast %get3A_1458 : vector<1x16xf32> to vector<16xf32>
      %broadcast_in_dim3A_1460 = vector.shape_cast %get3A_1459 : vector<16xf32> to vector<16x1xf32>
      %mul3A_1461 = vector.broadcast %get3A_1455 : vector<1x512xf32> to vector<16x512xf32>
      %mul3A_1462 = arith.mulf %mul3A_1461, %get3A_1424 : vector<16x512xf32>
      %add3A_1463 = arith.addf %get3A_1421, %mul3A_1462 : vector<16x512xf32>
      %exp23A_1464 = math.exp2 %add3A_1463 : vector<16x512xf32>
      %mul3A_1465 = vector.broadcast %broadcast_in_dim3A_1460 : vector<16x1xf32> to vector<16x512xf32>
      %mul3A_1466 = arith.mulf %exp23A_1464, %mul3A_1465 : vector<16x512xf32>
      %swap3A_1467 = arith.constant 1 : index
      %swap3A_1468 = arith.constant 0 : index
      %swap3A_1469 = arith.constant 3584 : index
      %swap3A_1470 = vector.load %arg8[%swap3A_1467, %swap3A_1468, %swap3A_1469] : memref<8x16x4096xf32, #tpu.memory_space<vmem>>, vector<1x16x512xf32>
      %swap3A_1471 = vector.shape_cast %swap3A_1470 : vector<1x16x512xf32> to vector<16x512xf32>
      %swap3A_1472 = vector.shape_cast %mul3A_1466 : vector<16x512xf32> to vector<1x16x512xf32>
      tpu.vector_store %arg8[%swap3A_1467, %swap3A_1468, %swap3A_1469], %swap3A_1472 {strides = array<i32>} : memref<8x16x4096xf32, #tpu.memory_space<vmem>>, vector<1x16x512xf32>,
      %mul3A_1473 = arith.constant 8 : i32
      %mul3A_1474 = arith.muli %arg0, %mul3A_1473 : i32
      %add3A_1475 = arith.constant 2 : i32
      %add3A_1476 = arith.addi %mul3A_1474, %add3A_1475 : i32
      %get3A_1477 = arith.index_cast %add3A_1476 : i32 to index
      %get3A_1478 = arith.constant 3584 : index
      %get3A_1479 = vector.load %arg6[%get3A_1477, %get3A_1478] : memref<128x4096xf32, #tpu.memory_space<vmem>>, vector<1x512xf32>
      %get3A_1480 = arith.constant 2 : index
      %get3A_1481 = arith.constant 0 : index
      %get3A_1482 = vector.load %arg4[%get3A_1480, %get3A_1481] : memref<8x16xf32, #tpu.memory_space<vmem>>, vector<1x16xf32>
      %get3A_1483 = vector.shape_cast %get3A_1482 : vector<1x16xf32> to vector<16xf32>
      %broadcast_in_dim3A_1484 = vector.shape_cast %get3A_1483 : vector<16xf32> to vector<16x1xf32>
      %mul3A_1485 = vector.broadcast %get3A_1479 : vector<1x512xf32> to vector<16x512xf32>
      %mul3A_1486 = arith.mulf %mul3A_1485, %get3A_1424 : vector<16x512xf32>
      %add3A_1487 = arith.addf %get3A_1421, %mul3A_1486 : vector<16x512xf32>
      %exp23A_1488 = math.exp2 %add3A_1487 : vector<16x512xf32>
      %mul3A_1489 = vector.broadcast %broadcast_in_dim3A_1484 : vector<16x1xf32> to vector<16x512xf32>
      %mul3A_1490 = arith.mulf %exp23A_1488, %mul3A_1489 : vector<16x512xf32>
      %swap3A_1491 = arith.constant 2 : index
      %swap3A_1492 = arith.constant 0 : index
      %swap3A_1493 = arith.constant 3584 : index
      %swap3A_1494 = vector.load %arg8[%swap3A_1491, %swap3A_1492, %swap3A_1493] : memref<8x16x4096xf32, #tpu.memory_space<vmem>>, vector<1x16x512xf32>
      %swap3A_1495 = vector.shape_cast %swap3A_1494 : vector<1x16x512xf32> to vector<16x512xf32>
      %swap3A_1496 = vector.shape_cast %mul3A_1490 : vector<16x512xf32> to vector<1x16x512xf32>
      tpu.vector_store %arg8[%swap3A_1491, %swap3A_1492, %swap3A_1493], %swap3A_1496 {strides = array<i32>} : memref<8x16x4096xf32, #tpu.memory_space<vmem>>, vector<1x16x512xf32>,
      %mul3A_1497 = arith.constant 8 : i32
      %mul3A_1498 = arith.muli %arg0, %mul3A_1497 : i32
      %add3A_1499 = arith.constant 3 : i32
      %add3A_1500 = arith.addi %mul3A_1498, %add3A_1499 : i32
      %get3A_1501 = arith.index_cast %add3A_1500 : i32 to index
      %get3A_1502 = arith.constant 3584 : index
      %get3A_1503 = vector.load %arg6[%get3A_1501, %get3A_1502] : memref<128x4096xf32, #tpu.memory_space<vmem>>, vector<1x512xf32>
      %get3A_1504 = arith.constant 3 : index
      %get3A_1505 = arith.constant 0 : index
      %get3A_1506 = vector.load %arg4[%get3A_1504, %get3A_1505] : memref<8x16xf32, #tpu.memory_space<vmem>>, vector<1x16xf32>
      %get3A_1507 = vector.shape_cast %get3A_1506 : vector<1x16xf32> to vector<16xf32>
      %broadcast_in_dim3A_1508 = vector.shape_cast %get3A_1507 : vector<16xf32> to vector<16x1xf32>
      %mul3A_1509 = vector.broadcast %get3A_1503 : vector<1x512xf32> to vector<16x512xf32>
      %mul3A_1510 = arith.mulf %mul3A_1509, %get3A_1424 : vector<16x512xf32>
      %add3A_1511 = arith.addf %get3A_1421, %mul3A_1510 : vector<16x512xf32>
      %exp23A_1512 = math.exp2 %add3A_1511 : vector<16x512xf32>
      %mul3A_1513 = vector.broadcast %broadcast_in_dim3A_1508 : vector<16x1xf32> to vector<16x512xf32>
      %mul3A_1514 = arith.mulf %exp23A_1512, %mul3A_1513 : vector<16x512xf32>
      %swap3A_1515 = arith.constant 3 : index
      %swap3A_1516 = arith.constant 0 : index
      %swap3A_1517 = arith.constant 3584 : index
      %swap3A_1518 = vector.load %arg8[%swap3A_1515, %swap3A_1516, %swap3A_1517] : memref<8x16x4096xf32, #tpu.memory_space<vmem>>, vector<1x16x512xf32>
      %swap3A_1519 = vector.shape_cast %swap3A_1518 : vector<1x16x512xf32> to vector<16x512xf32>
      %swap3A_1520 = vector.shape_cast %mul3A_1514 : vector<16x512xf32> to vector<1x16x512xf32>
      tpu.vector_store %arg8[%swap3A_1515, %swap3A_1516, %swap3A_1517], %swap3A_1520 {strides = array<i32>} : memref<8x16x4096xf32, #tpu.memory_space<vmem>>, vector<1x16x512xf32>,
      %mul3A_1521 = arith.constant 8 : i32
      %mul3A_1522 = arith.muli %arg0, %mul3A_1521 : i32
      %add3A_1523 = arith.constant 4 : i32
      %add3A_1524 = arith.addi %mul3A_1522, %add3A_1523 : i32
      %get3A_1525 = arith.index_cast %add3A_1524 : i32 to index
      %get3A_1526 = arith.constant 3584 : index
      %get3A_1527 = vector.load %arg6[%get3A_1525, %get3A_1526] : memref<128x4096xf32, #tpu.memory_space<vmem>>, vector<1x512xf32>
      %get3A_1528 = arith.constant 4 : index
      %get3A_1529 = arith.constant 0 : index
      %get3A_1530 = vector.load %arg4[%get3A_1528, %get3A_1529] : memref<8x16xf32, #tpu.memory_space<vmem>>, vector<1x16xf32>
      %get3A_1531 = vector.shape_cast %get3A_1530 : vector<1x16xf32> to vector<16xf32>
      %broadcast_in_dim3A_1532 = vector.shape_cast %get3A_1531 : vector<16xf32> to vector<16x1xf32>
      %mul3A_1533 = vector.broadcast %get3A_1527 : vector<1x512xf32> to vector<16x512xf32>
      %mul3A_1534 = arith.mulf %mul3A_1533, %get3A_1424 : vector<16x512xf32>
      %add3A_1535 = arith.addf %get3A_1421, %mul3A_1534 : vector<16x512xf32>
      %exp23A_1536 = math.exp2 %add3A_1535 : vector<16x512xf32>
      %mul3A_1537 = vector.broadcast %broadcast_in_dim3A_1532 : vector<16x1xf32> to vector<16x512xf32>
      %mul3A_1538 = arith.mulf %exp23A_1536, %mul3A_1537 : vector<16x512xf32>
      %swap3A_1539 = arith.constant 4 : index
      %swap3A_1540 = arith.constant 0 : index
      %swap3A_1541 = arith.constant 3584 : index
      %swap3A_1542 = vector.load %arg8[%swap3A_1539, %swap3A_1540, %swap3A_1541] : memref<8x16x4096xf32, #tpu.memory_space<vmem>>, vector<1x16x512xf32>
      %swap3A_1543 = vector.shape_cast %swap3A_1542 : vector<1x16x512xf32> to vector<16x512xf32>
      %swap3A_1544 = vector.shape_cast %mul3A_1538 : vector<16x512xf32> to vector<1x16x512xf32>
      tpu.vector_store %arg8[%swap3A_1539, %swap3A_1540, %swap3A_1541], %swap3A_1544 {strides = array<i32>} : memref<8x16x4096xf32, #tpu.memory_space<vmem>>, vector<1x16x512xf32>,
      %mul3A_1545 = arith.constant 8 : i32
      %mul3A_1546 = arith.muli %arg0, %mul3A_1545 : i32
      %add3A_1547 = arith.constant 5 : i32
      %add3A_1548 = arith.addi %mul3A_1546, %add3A_1547 : i32
      %get3A_1549 = arith.index_cast %add3A_1548 : i32 to index
      %get3A_1550 = arith.constant 3584 : index
      %get3A_1551 = vector.load %arg6[%get3A_1549, %get3A_1550] : memref<128x4096xf32, #tpu.memory_space<vmem>>, vector<1x512xf32>
      %get3A_1552 = arith.constant 5 : index
      %get3A_1553 = arith.constant 0 : index
      %get3A_1554 = vector.load %arg4[%get3A_1552, %get3A_1553] : memref<8x16xf32, #tpu.memory_space<vmem>>, vector<1x16xf32>
      %get3A_1555 = vector.shape_cast %get3A_1554 : vector<1x16xf32> to vector<16xf32>
      %broadcast_in_dim3A_1556 = vector.shape_cast %get3A_1555 : vector<16xf32> to vector<16x1xf32>
      %mul3A_1557 = vector.broadcast %get3A_1551 : vector<1x512xf32> to vector<16x512xf32>
      %mul3A_1558 = arith.mulf %mul3A_1557, %get3A_1424 : vector<16x512xf32>
      %add3A_1559 = arith.addf %get3A_1421, %mul3A_1558 : vector<16x512xf32>
      %exp23A_1560 = math.exp2 %add3A_1559 : vector<16x512xf32>
      %mul3A_1561 = vector.broadcast %broadcast_in_dim3A_1556 : vector<16x1xf32> to vector<16x512xf32>
      %mul3A_1562 = arith.mulf %exp23A_1560, %mul3A_1561 : vector<16x512xf32>
      %swap3A_1563 = arith.constant 5 : index
      %swap3A_1564 = arith.constant 0 : index
      %swap3A_1565 = arith.constant 3584 : index
      %swap3A_1566 = vector.load %arg8[%swap3A_1563, %swap3A_1564, %swap3A_1565] : memref<8x16x4096xf32, #tpu.memory_space<vmem>>, vector<1x16x512xf32>
      %swap3A_1567 = vector.shape_cast %swap3A_1566 : vector<1x16x512xf32> to vector<16x512xf32>
      %swap3A_1568 = vector.shape_cast %mul3A_1562 : vector<16x512xf32> to vector<1x16x512xf32>
      tpu.vector_store %arg8[%swap3A_1563, %swap3A_1564, %swap3A_1565], %swap3A_1568 {strides = array<i32>} : memref<8x16x4096xf32, #tpu.memory_space<vmem>>, vector<1x16x512xf32>,
      %mul3A_1569 = arith.constant 8 : i32
      %mul3A_1570 = arith.muli %arg0, %mul3A_1569 : i32
      %add3A_1571 = arith.constant 6 : i32
      %add3A_1572 = arith.addi %mul3A_1570, %add3A_1571 : i32
      %get3A_1573 = arith.index_cast %add3A_1572 : i32 to index
      %get3A_1574 = arith.constant 3584 : index
      %get3A_1575 = vector.load %arg6[%get3A_1573, %get3A_1574] : memref<128x4096xf32, #tpu.memory_space<vmem>>, vector<1x512xf32>
      %get3A_1576 = arith.constant 6 : index
      %get3A_1577 = arith.constant 0 : index
      %get3A_1578 = vector.load %arg4[%get3A_1576, %get3A_1577] : memref<8x16xf32, #tpu.memory_space<vmem>>, vector<1x16xf32>
      %get3A_1579 = vector.shape_cast %get3A_1578 : vector<1x16xf32> to vector<16xf32>
      %broadcast_in_dim3A_1580 = vector.shape_cast %get3A_1579 : vector<16xf32> to vector<16x1xf32>
      %mul3A_1581 = vector.broadcast %get3A_1575 : vector<1x512xf32> to vector<16x512xf32>
      %mul3A_1582 = arith.mulf %mul3A_1581, %get3A_1424 : vector<16x512xf32>
      %add3A_1583 = arith.addf %get3A_1421, %mul3A_1582 : vector<16x512xf32>
      %exp23A_1584 = math.exp2 %add3A_1583 : vector<16x512xf32>
      %mul3A_1585 = vector.broadcast %broadcast_in_dim3A_1580 : vector<16x1xf32> to vector<16x512xf32>
      %mul3A_1586 = arith.mulf %exp23A_1584, %mul3A_1585 : vector<16x512xf32>
      %swap3A_1587 = arith.constant 6 : index
      %swap3A_1588 = arith.constant 0 : index
      %swap3A_1589 = arith.constant 3584 : index
      %swap3A_1590 = vector.load %arg8[%swap3A_1587, %swap3A_1588, %swap3A_1589] : memref<8x16x4096xf32, #tpu.memory_space<vmem>>, vector<1x16x512xf32>
      %swap3A_1591 = vector.shape_cast %swap3A_1590 : vector<1x16x512xf32> to vector<16x512xf32>
      %swap3A_1592 = vector.shape_cast %mul3A_1586 : vector<16x512xf32> to vector<1x16x512xf32>
      tpu.vector_store %arg8[%swap3A_1587, %swap3A_1588, %swap3A_1589], %swap3A_1592 {strides = array<i32>} : memref<8x16x4096xf32, #tpu.memory_space<vmem>>, vector<1x16x512xf32>,
      %mul3A_1593 = arith.constant 8 : i32
      %mul3A_1594 = arith.muli %arg0, %mul3A_1593 : i32
      %add3A_1595 = arith.constant 7 : i32
      %add3A_1596 = arith.addi %mul3A_1594, %add3A_1595 : i32
      %get3A_1597 = arith.index_cast %add3A_1596 : i32 to index
      %get3A_1598 = arith.constant 3584 : index
      %get3A_1599 = vector.load %arg6[%get3A_1597, %get3A_1598] : memref<128x4096xf32, #tpu.memory_space<vmem>>, vector<1x512xf32>
      %get3A_1600 = arith.constant 7 : index
      %get3A_1601 = arith.constant 0 : index
      %get3A_1602 = vector.load %arg4[%get3A_1600, %get3A_1601] : memref<8x16xf32, #tpu.memory_space<vmem>>, vector<1x16xf32>
      %get3A_1603 = vector.shape_cast %get3A_1602 : vector<1x16xf32> to vector<16xf32>
      %broadcast_in_dim3A_1604 = vector.shape_cast %get3A_1603 : vector<16xf32> to vector<16x1xf32>
      %mul3A_1605 = vector.broadcast %get3A_1599 : vector<1x512xf32> to vector<16x512xf32>
      %mul3A_1606 = arith.mulf %mul3A_1605, %get3A_1424 : vector<16x512xf32>
      %add3A_1607 = arith.addf %get3A_1421, %mul3A_1606 : vector<16x512xf32>
      %exp23A_1608 = math.exp2 %add3A_1607 : vector<16x512xf32>
      %mul3A_1609 = vector.broadcast %broadcast_in_dim3A_1604 : vector<16x1xf32> to vector<16x512xf32>
      %mul3A_1610 = arith.mulf %exp23A_1608, %mul3A_1609 : vector<16x512xf32>
      %swap3A_1611 = arith.constant 7 : index
      %swap3A_1612 = arith.constant 0 : index
      %swap3A_1613 = arith.constant 3584 : index
      %swap3A_1614 = vector.load %arg8[%swap3A_1611, %swap3A_1612, %swap3A_1613] : memref<8x16x4096xf32, #tpu.memory_space<vmem>>, vector<1x16x512xf32>
      %swap3A_1615 = vector.shape_cast %swap3A_1614 : vector<1x16x512xf32> to vector<16x512xf32>
      %swap3A_1616 = vector.shape_cast %mul3A_1610 : vector<16x512xf32> to vector<1x16x512xf32>
      tpu.vector_store %arg8[%swap3A_1611, %swap3A_1612, %swap3A_1613], %swap3A_1616 {strides = array<i32>} : memref<8x16x4096xf32, #tpu.memory_space<vmem>>, vector<1x16x512xf32>,
      %mul3A_1617 = arith.constant 8 : i32
      %mul3A_1618 = arith.muli %arg0, %mul3A_1617 : i32
      %add3A_1619 = arith.constant 0 : i32
      %add3A_1620 = arith.addi %mul3A_1618, %add3A_1619 : i32
      %dma_start3A = arith.constant 0 : i32
      %dma_start3A_1621 = tpu.memref_slice %arg10[%dma_start3A] : memref<8x!tpu.dma_semaphore, #tpu.memory_space<semaphore_mem>> -> memref<1x!tpu.dma_semaphore, #tpu.memory_space<semaphore_mem>>
      %dma_start3A_1622 = tpu.memref_squeeze %dma_start3A_1621 : memref<1x!tpu.dma_semaphore, #tpu.memory_space<semaphore_mem>> -> memref<!tpu.dma_semaphore, #tpu.memory_space<semaphore_mem>>
      %dma_start3A_1623 = arith.constant 0 : i32
      %dma_start3A_1624 = arith.constant 0 : i32
      %dma_start3A_1625 = tpu.memref_slice %arg5[%add3A_1620, %dma_start3A_1623, %dma_start3A_1624] : memref<128x16x4096xf32, #tpu.memory_space<any>> -> memref<1x16x4096xf32, #tpu.memory_space<any>>
      %dma_start3A_1626 = arith.constant 0 : i32
      %dma_start3A_1627 = arith.constant 0 : i32
      %dma_start3A_1628 = arith.constant 0 : i32
      %dma_start3A_1629 = tpu.memref_slice %arg8[%dma_start3A_1626, %dma_start3A_1627, %dma_start3A_1628] : memref<8x16x4096xf32, #tpu.memory_space<vmem>> -> memref<1x16x4096xf32, #tpu.memory_space<vmem>>
      tpu.enqueue_dma source(%dma_start3A_1629 : memref<1x16x4096xf32, #tpu.memory_space<vmem>>) target(%dma_start3A_1625 : memref<1x16x4096xf32, #tpu.memory_space<any>>) target_semaphore(%dma_start3A_1622 : memref<!tpu.dma_semaphore, #tpu.memory_space<semaphore_mem>>)
      %mul3A_1630 = arith.constant 8 : i32
      %mul3A_1631 = arith.muli %arg0, %mul3A_1630 : i32
      %add3A_1632 = arith.constant 1 : i32
      %add3A_1633 = arith.addi %mul3A_1631, %add3A_1632 : i32
      %dma_start3A_1634 = arith.constant 1 : i32
      %dma_start3A_1635 = tpu.memref_slice %arg10[%dma_start3A_1634] : memref<8x!tpu.dma_semaphore, #tpu.memory_space<semaphore_mem>> -> memref<1x!tpu.dma_semaphore, #tpu.memory_space<semaphore_mem>>
      %dma_start3A_1636 = tpu.memref_squeeze %dma_start3A_1635 : memref<1x!tpu.dma_semaphore, #tpu.memory_space<semaphore_mem>> -> memref<!tpu.dma_semaphore, #tpu.memory_space<semaphore_mem>>
      %dma_start3A_1637 = arith.constant 0 : i32
      %dma_start3A_1638 = arith.constant 0 : i32
      %dma_start3A_1639 = tpu.memref_slice %arg5[%add3A_1633, %dma_start3A_1637, %dma_start3A_1638] : memref<128x16x4096xf32, #tpu.memory_space<any>> -> memref<1x16x4096xf32, #tpu.memory_space<any>>
      %dma_start3A_1640 = arith.constant 1 : i32
      %dma_start3A_1641 = arith.constant 0 : i32
      %dma_start3A_1642 = arith.constant 0 : i32
      %dma_start3A_1643 = tpu.memref_slice %arg8[%dma_start3A_1640, %dma_start3A_1641, %dma_start3A_1642] : memref<8x16x4096xf32, #tpu.memory_space<vmem>> -> memref<1x16x4096xf32, #tpu.memory_space<vmem>>
      tpu.enqueue_dma source(%dma_start3A_1643 : memref<1x16x4096xf32, #tpu.memory_space<vmem>>) target(%dma_start3A_1639 : memref<1x16x4096xf32, #tpu.memory_space<any>>) target_semaphore(%dma_start3A_1636 : memref<!tpu.dma_semaphore, #tpu.memory_space<semaphore_mem>>)
      %mul3A_1644 = arith.constant 8 : i32
      %mul3A_1645 = arith.muli %arg0, %mul3A_1644 : i32
      %add3A_1646 = arith.constant 2 : i32
      %add3A_1647 = arith.addi %mul3A_1645, %add3A_1646 : i32
      %dma_start3A_1648 = arith.constant 2 : i32
      %dma_start3A_1649 = tpu.memref_slice %arg10[%dma_start3A_1648] : memref<8x!tpu.dma_semaphore, #tpu.memory_space<semaphore_mem>> -> memref<1x!tpu.dma_semaphore, #tpu.memory_space<semaphore_mem>>
      %dma_start3A_1650 = tpu.memref_squeeze %dma_start3A_1649 : memref<1x!tpu.dma_semaphore, #tpu.memory_space<semaphore_mem>> -> memref<!tpu.dma_semaphore, #tpu.memory_space<semaphore_mem>>
      %dma_start3A_1651 = arith.constant 0 : i32
      %dma_start3A_1652 = arith.constant 0 : i32
      %dma_start3A_1653 = tpu.memref_slice %arg5[%add3A_1647, %dma_start3A_1651, %dma_start3A_1652] : memref<128x16x4096xf32, #tpu.memory_space<any>> -> memref<1x16x4096xf32, #tpu.memory_space<any>>
      %dma_start3A_1654 = arith.constant 2 : i32
      %dma_start3A_1655 = arith.constant 0 : i32
      %dma_start3A_1656 = arith.constant 0 : i32
      %dma_start3A_1657 = tpu.memref_slice %arg8[%dma_start3A_1654, %dma_start3A_1655, %dma_start3A_1656] : memref<8x16x4096xf32, #tpu.memory_space<vmem>> -> memref<1x16x4096xf32, #tpu.memory_space<vmem>>
      tpu.enqueue_dma source(%dma_start3A_1657 : memref<1x16x4096xf32, #tpu.memory_space<vmem>>) target(%dma_start3A_1653 : memref<1x16x4096xf32, #tpu.memory_space<any>>) target_semaphore(%dma_start3A_1650 : memref<!tpu.dma_semaphore, #tpu.memory_space<semaphore_mem>>)
      %mul3A_1658 = arith.constant 8 : i32
      %mul3A_1659 = arith.muli %arg0, %mul3A_1658 : i32
      %add3A_1660 = arith.constant 3 : i32
      %add3A_1661 = arith.addi %mul3A_1659, %add3A_1660 : i32
      %dma_start3A_1662 = arith.constant 3 : i32
      %dma_start3A_1663 = tpu.memref_slice %arg10[%dma_start3A_1662] : memref<8x!tpu.dma_semaphore, #tpu.memory_space<semaphore_mem>> -> memref<1x!tpu.dma_semaphore, #tpu.memory_space<semaphore_mem>>
      %dma_start3A_1664 = tpu.memref_squeeze %dma_start3A_1663 : memref<1x!tpu.dma_semaphore, #tpu.memory_space<semaphore_mem>> -> memref<!tpu.dma_semaphore, #tpu.memory_space<semaphore_mem>>
      %dma_start3A_1665 = arith.constant 0 : i32
      %dma_start3A_1666 = arith.constant 0 : i32
      %dma_start3A_1667 = tpu.memref_slice %arg5[%add3A_1661, %dma_start3A_1665, %dma_start3A_1666] : memref<128x16x4096xf32, #tpu.memory_space<any>> -> memref<1x16x4096xf32, #tpu.memory_space<any>>
      %dma_start3A_1668 = arith.constant 3 : i32
      %dma_start3A_1669 = arith.constant 0 : i32
      %dma_start3A_1670 = arith.constant 0 : i32
      %dma_start3A_1671 = tpu.memref_slice %arg8[%dma_start3A_1668, %dma_start3A_1669, %dma_start3A_1670] : memref<8x16x4096xf32, #tpu.memory_space<vmem>> -> memref<1x16x4096xf32, #tpu.memory_space<vmem>>
      tpu.enqueue_dma source(%dma_start3A_1671 : memref<1x16x4096xf32, #tpu.memory_space<vmem>>) target(%dma_start3A_1667 : memref<1x16x4096xf32, #tpu.memory_space<any>>) target_semaphore(%dma_start3A_1664 : memref<!tpu.dma_semaphore, #tpu.memory_space<semaphore_mem>>)
      %mul3A_1672 = arith.constant 8 : i32
      %mul3A_1673 = arith.muli %arg0, %mul3A_1672 : i32
      %add3A_1674 = arith.constant 4 : i32
      %add3A_1675 = arith.addi %mul3A_1673, %add3A_1674 : i32
      %dma_start3A_1676 = arith.constant 4 : i32
      %dma_start3A_1677 = tpu.memref_slice %arg10[%dma_start3A_1676] : memref<8x!tpu.dma_semaphore, #tpu.memory_space<semaphore_mem>> -> memref<1x!tpu.dma_semaphore, #tpu.memory_space<semaphore_mem>>
      %dma_start3A_1678 = tpu.memref_squeeze %dma_start3A_1677 : memref<1x!tpu.dma_semaphore, #tpu.memory_space<semaphore_mem>> -> memref<!tpu.dma_semaphore, #tpu.memory_space<semaphore_mem>>
      %dma_start3A_1679 = arith.constant 0 : i32
      %dma_start3A_1680 = arith.constant 0 : i32
      %dma_start3A_1681 = tpu.memref_slice %arg5[%add3A_1675, %dma_start3A_1679, %dma_start3A_1680] : memref<128x16x4096xf32, #tpu.memory_space<any>> -> memref<1x16x4096xf32, #tpu.memory_space<any>>
      %dma_start3A_1682 = arith.constant 4 : i32
      %dma_start3A_1683 = arith.constant 0 : i32
      %dma_start3A_1684 = arith.constant 0 : i32
      %dma_start3A_1685 = tpu.memref_slice %arg8[%dma_start3A_1682, %dma_start3A_1683, %dma_start3A_1684] : memref<8x16x4096xf32, #tpu.memory_space<vmem>> -> memref<1x16x4096xf32, #tpu.memory_space<vmem>>
      tpu.enqueue_dma source(%dma_start3A_1685 : memref<1x16x4096xf32, #tpu.memory_space<vmem>>) target(%dma_start3A_1681 : memref<1x16x4096xf32, #tpu.memory_space<any>>) target_semaphore(%dma_start3A_1678 : memref<!tpu.dma_semaphore, #tpu.memory_space<semaphore_mem>>)
      %mul3A_1686 = arith.constant 8 : i32
      %mul3A_1687 = arith.muli %arg0, %mul3A_1686 : i32
      %add3A_1688 = arith.constant 5 : i32
      %add3A_1689 = arith.addi %mul3A_1687, %add3A_1688 : i32
      %dma_start3A_1690 = arith.constant 5 : i32
      %dma_start3A_1691 = tpu.memref_slice %arg10[%dma_start3A_1690] : memref<8x!tpu.dma_semaphore, #tpu.memory_space<semaphore_mem>> -> memref<1x!tpu.dma_semaphore, #tpu.memory_space<semaphore_mem>>
      %dma_start3A_1692 = tpu.memref_squeeze %dma_start3A_1691 : memref<1x!tpu.dma_semaphore, #tpu.memory_space<semaphore_mem>> -> memref<!tpu.dma_semaphore, #tpu.memory_space<semaphore_mem>>
      %dma_start3A_1693 = arith.constant 0 : i32
      %dma_start3A_1694 = arith.constant 0 : i32
      %dma_start3A_1695 = tpu.memref_slice %arg5[%add3A_1689, %dma_start3A_1693, %dma_start3A_1694] : memref<128x16x4096xf32, #tpu.memory_space<any>> -> memref<1x16x4096xf32, #tpu.memory_space<any>>
      %dma_start3A_1696 = arith.constant 5 : i32
      %dma_start3A_1697 = arith.constant 0 : i32
      %dma_start3A_1698 = arith.constant 0 : i32
      %dma_start3A_1699 = tpu.memref_slice %arg8[%dma_start3A_1696, %dma_start3A_1697, %dma_start3A_1698] : memref<8x16x4096xf32, #tpu.memory_space<vmem>> -> memref<1x16x4096xf32, #tpu.memory_space<vmem>>
      tpu.enqueue_dma source(%dma_start3A_1699 : memref<1x16x4096xf32, #tpu.memory_space<vmem>>) target(%dma_start3A_1695 : memref<1x16x4096xf32, #tpu.memory_space<any>>) target_semaphore(%dma_start3A_1692 : memref<!tpu.dma_semaphore, #tpu.memory_space<semaphore_mem>>)
      %mul3A_1700 = arith.constant 8 : i32
      %mul3A_1701 = arith.muli %arg0, %mul3A_1700 : i32
      %add3A_1702 = arith.constant 6 : i32
      %add3A_1703 = arith.addi %mul3A_1701, %add3A_1702 : i32
      %dma_start3A_1704 = arith.constant 6 : i32
      %dma_start3A_1705 = tpu.memref_slice %arg10[%dma_start3A_1704] : memref<8x!tpu.dma_semaphore, #tpu.memory_space<semaphore_mem>> -> memref<1x!tpu.dma_semaphore, #tpu.memory_space<semaphore_mem>>
      %dma_start3A_1706 = tpu.memref_squeeze %dma_start3A_1705 : memref<1x!tpu.dma_semaphore, #tpu.memory_space<semaphore_mem>> -> memref<!tpu.dma_semaphore, #tpu.memory_space<semaphore_mem>>
      %dma_start3A_1707 = arith.constant 0 : i32
      %dma_start3A_1708 = arith.constant 0 : i32
      %dma_start3A_1709 = tpu.memref_slice %arg5[%add3A_1703, %dma_start3A_1707, %dma_start3A_1708] : memref<128x16x4096xf32, #tpu.memory_space<any>> -> memref<1x16x4096xf32, #tpu.memory_space<any>>
      %dma_start3A_1710 = arith.constant 6 : i32
      %dma_start3A_1711 = arith.constant 0 : i32
      %dma_start3A_1712 = arith.constant 0 : i32
      %dma_start3A_1713 = tpu.memref_slice %arg8[%dma_start3A_1710, %dma_start3A_1711, %dma_start3A_1712] : memref<8x16x4096xf32, #tpu.memory_space<vmem>> -> memref<1x16x4096xf32, #tpu.memory_space<vmem>>
      tpu.enqueue_dma source(%dma_start3A_1713 : memref<1x16x4096xf32, #tpu.memory_space<vmem>>) target(%dma_start3A_1709 : memref<1x16x4096xf32, #tpu.memory_space<any>>) target_semaphore(%dma_start3A_1706 : memref<!tpu.dma_semaphore, #tpu.memory_space<semaphore_mem>>)
      %mul3A_1714 = arith.constant 8 : i32
      %mul3A_1715 = arith.muli %arg0, %mul3A_1714 : i32
      %add3A_1716 = arith.constant 7 : i32
      %add3A_1717 = arith.addi %mul3A_1715, %add3A_1716 : i32
      %dma_start3A_1718 = arith.constant 7 : i32
      %dma_start3A_1719 = tpu.memref_slice %arg10[%dma_start3A_1718] : memref<8x!tpu.dma_semaphore, #tpu.memory_space<semaphore_mem>> -> memref<1x!tpu.dma_semaphore, #tpu.memory_space<semaphore_mem>>
      %dma_start3A_1720 = tpu.memref_squeeze %dma_start3A_1719 : memref<1x!tpu.dma_semaphore, #tpu.memory_space<semaphore_mem>> -> memref<!tpu.dma_semaphore, #tpu.memory_space<semaphore_mem>>
      %dma_start3A_1721 = arith.constant 0 : i32
      %dma_start3A_1722 = arith.constant 0 : i32
      %dma_start3A_1723 = tpu.memref_slice %arg5[%add3A_1717, %dma_start3A_1721, %dma_start3A_1722] : memref<128x16x4096xf32, #tpu.memory_space<any>> -> memref<1x16x4096xf32, #tpu.memory_space<any>>
      %dma_start3A_1724 = arith.constant 7 : i32
      %dma_start3A_1725 = arith.constant 0 : i32
      %dma_start3A_1726 = arith.constant 0 : i32
      %dma_start3A_1727 = tpu.memref_slice %arg8[%dma_start3A_1724, %dma_start3A_1725, %dma_start3A_1726] : memref<8x16x4096xf32, #tpu.memory_space<vmem>> -> memref<1x16x4096xf32, #tpu.memory_space<vmem>>
      tpu.enqueue_dma source(%dma_start3A_1727 : memref<1x16x4096xf32, #tpu.memory_space<vmem>>) target(%dma_start3A_1723 : memref<1x16x4096xf32, #tpu.memory_space<any>>) target_semaphore(%dma_start3A_1720 : memref<!tpu.dma_semaphore, #tpu.memory_space<semaphore_mem>>)
    } else {
    }
    %eq3A_33 = arith.constant 15 : i32
    %eq3A_34 = arith.cmpi eq, %arg0, %eq3A_33 : i32
    %convert_element_type3A_35 = arith.extui %eq3A_34 : i1 to i32
    %cond3A_36 = arith.constant 0 : i32
    %cond3A_37 = arith.cmpi ne, %convert_element_type3A_35, %cond3A_36 : i32
    scf.if %cond3A_37 {
      %sub3A = arith.constant 1 : i32
      %sub3A_38 = arith.subi %arg0, %sub3A : i32
      %mul3A = arith.constant 8 : i32
      %mul3A_39 = arith.muli %sub3A_38, %mul3A : i32
      %add3A_40 = arith.constant 0 : i32
      %add3A_41 = arith.addi %mul3A_39, %add3A_40 : i32
      %dma_wait3A = arith.constant 0 : i32
      %dma_wait3A_42 = tpu.memref_slice %arg9[%dma_wait3A] : memref<8x!tpu.dma_semaphore, #tpu.memory_space<semaphore_mem>> -> memref<1x!tpu.dma_semaphore, #tpu.memory_space<semaphore_mem>>
      %dma_wait3A_43 = tpu.memref_squeeze %dma_wait3A_42 : memref<1x!tpu.dma_semaphore, #tpu.memory_space<semaphore_mem>> -> memref<!tpu.dma_semaphore, #tpu.memory_space<semaphore_mem>>
      %dma_wait3A_44 = arith.constant 0 : i32
      %dma_wait3A_45 = arith.constant 0 : i32
      %dma_wait3A_46 = tpu.memref_slice %arg5[%add3A_41, %dma_wait3A_44, %dma_wait3A_45] : memref<128x16x4096xf32, #tpu.memory_space<any>> -> memref<1x16x4096xf32, #tpu.memory_space<any>>
      %dma_wait3A_47 = arith.constant 0 : i32
      %dma_wait3A_48 = arith.constant 0 : i32
      %dma_wait3A_49 = arith.constant 0 : i32
      %dma_wait3A_50 = tpu.memref_slice %arg7[%dma_wait3A_47, %dma_wait3A_48, %dma_wait3A_49] : memref<8x16x4096xf32, #tpu.memory_space<vmem>> -> memref<1x16x4096xf32, #tpu.memory_space<vmem>>
      tpu.wait_dma2 semaphore(%dma_wait3A_43 : memref<!tpu.dma_semaphore, #tpu.memory_space<semaphore_mem>>) src(%dma_wait3A_50 : memref<1x16x4096xf32, #tpu.memory_space<vmem>>) dst(%dma_wait3A_46 : memref<1x16x4096xf32, #tpu.memory_space<any>>)
      %mul3A_51 = arith.constant 8 : i32
      %mul3A_52 = arith.muli %sub3A_38, %mul3A_51 : i32
      %add3A_53 = arith.constant 1 : i32
      %add3A_54 = arith.addi %mul3A_52, %add3A_53 : i32
      %dma_wait3A_55 = arith.constant 1 : i32
      %dma_wait3A_56 = tpu.memref_slice %arg9[%dma_wait3A_55] : memref<8x!tpu.dma_semaphore, #tpu.memory_space<semaphore_mem>> -> memref<1x!tpu.dma_semaphore, #tpu.memory_space<semaphore_mem>>
      %dma_wait3A_57 = tpu.memref_squeeze %dma_wait3A_56 : memref<1x!tpu.dma_semaphore, #tpu.memory_space<semaphore_mem>> -> memref<!tpu.dma_semaphore, #tpu.memory_space<semaphore_mem>>
      %dma_wait3A_58 = arith.constant 0 : i32
      %dma_wait3A_59 = arith.constant 0 : i32
      %dma_wait3A_60 = tpu.memref_slice %arg5[%add3A_54, %dma_wait3A_58, %dma_wait3A_59] : memref<128x16x4096xf32, #tpu.memory_space<any>> -> memref<1x16x4096xf32, #tpu.memory_space<any>>
      %dma_wait3A_61 = arith.constant 1 : i32
      %dma_wait3A_62 = arith.constant 0 : i32
      %dma_wait3A_63 = arith.constant 0 : i32
      %dma_wait3A_64 = tpu.memref_slice %arg7[%dma_wait3A_61, %dma_wait3A_62, %dma_wait3A_63] : memref<8x16x4096xf32, #tpu.memory_space<vmem>> -> memref<1x16x4096xf32, #tpu.memory_space<vmem>>
      tpu.wait_dma2 semaphore(%dma_wait3A_57 : memref<!tpu.dma_semaphore, #tpu.memory_space<semaphore_mem>>) src(%dma_wait3A_64 : memref<1x16x4096xf32, #tpu.memory_space<vmem>>) dst(%dma_wait3A_60 : memref<1x16x4096xf32, #tpu.memory_space<any>>)
      %mul3A_65 = arith.constant 8 : i32
      %mul3A_66 = arith.muli %sub3A_38, %mul3A_65 : i32
      %add3A_67 = arith.constant 2 : i32
      %add3A_68 = arith.addi %mul3A_66, %add3A_67 : i32
      %dma_wait3A_69 = arith.constant 2 : i32
      %dma_wait3A_70 = tpu.memref_slice %arg9[%dma_wait3A_69] : memref<8x!tpu.dma_semaphore, #tpu.memory_space<semaphore_mem>> -> memref<1x!tpu.dma_semaphore, #tpu.memory_space<semaphore_mem>>
      %dma_wait3A_71 = tpu.memref_squeeze %dma_wait3A_70 : memref<1x!tpu.dma_semaphore, #tpu.memory_space<semaphore_mem>> -> memref<!tpu.dma_semaphore, #tpu.memory_space<semaphore_mem>>
      %dma_wait3A_72 = arith.constant 0 : i32
      %dma_wait3A_73 = arith.constant 0 : i32
      %dma_wait3A_74 = tpu.memref_slice %arg5[%add3A_68, %dma_wait3A_72, %dma_wait3A_73] : memref<128x16x4096xf32, #tpu.memory_space<any>> -> memref<1x16x4096xf32, #tpu.memory_space<any>>
      %dma_wait3A_75 = arith.constant 2 : i32
      %dma_wait3A_76 = arith.constant 0 : i32
      %dma_wait3A_77 = arith.constant 0 : i32
      %dma_wait3A_78 = tpu.memref_slice %arg7[%dma_wait3A_75, %dma_wait3A_76, %dma_wait3A_77] : memref<8x16x4096xf32, #tpu.memory_space<vmem>> -> memref<1x16x4096xf32, #tpu.memory_space<vmem>>
      tpu.wait_dma2 semaphore(%dma_wait3A_71 : memref<!tpu.dma_semaphore, #tpu.memory_space<semaphore_mem>>) src(%dma_wait3A_78 : memref<1x16x4096xf32, #tpu.memory_space<vmem>>) dst(%dma_wait3A_74 : memref<1x16x4096xf32, #tpu.memory_space<any>>)
      %mul3A_79 = arith.constant 8 : i32
      %mul3A_80 = arith.muli %sub3A_38, %mul3A_79 : i32
      %add3A_81 = arith.constant 3 : i32
      %add3A_82 = arith.addi %mul3A_80, %add3A_81 : i32
      %dma_wait3A_83 = arith.constant 3 : i32
      %dma_wait3A_84 = tpu.memref_slice %arg9[%dma_wait3A_83] : memref<8x!tpu.dma_semaphore, #tpu.memory_space<semaphore_mem>> -> memref<1x!tpu.dma_semaphore, #tpu.memory_space<semaphore_mem>>
      %dma_wait3A_85 = tpu.memref_squeeze %dma_wait3A_84 : memref<1x!tpu.dma_semaphore, #tpu.memory_space<semaphore_mem>> -> memref<!tpu.dma_semaphore, #tpu.memory_space<semaphore_mem>>
      %dma_wait3A_86 = arith.constant 0 : i32
      %dma_wait3A_87 = arith.constant 0 : i32
      %dma_wait3A_88 = tpu.memref_slice %arg5[%add3A_82, %dma_wait3A_86, %dma_wait3A_87] : memref<128x16x4096xf32, #tpu.memory_space<any>> -> memref<1x16x4096xf32, #tpu.memory_space<any>>
      %dma_wait3A_89 = arith.constant 3 : i32
      %dma_wait3A_90 = arith.constant 0 : i32
      %dma_wait3A_91 = arith.constant 0 : i32
      %dma_wait3A_92 = tpu.memref_slice %arg7[%dma_wait3A_89, %dma_wait3A_90, %dma_wait3A_91] : memref<8x16x4096xf32, #tpu.memory_space<vmem>> -> memref<1x16x4096xf32, #tpu.memory_space<vmem>>
      tpu.wait_dma2 semaphore(%dma_wait3A_85 : memref<!tpu.dma_semaphore, #tpu.memory_space<semaphore_mem>>) src(%dma_wait3A_92 : memref<1x16x4096xf32, #tpu.memory_space<vmem>>) dst(%dma_wait3A_88 : memref<1x16x4096xf32, #tpu.memory_space<any>>)
      %mul3A_93 = arith.constant 8 : i32
      %mul3A_94 = arith.muli %sub3A_38, %mul3A_93 : i32
      %add3A_95 = arith.constant 4 : i32
      %add3A_96 = arith.addi %mul3A_94, %add3A_95 : i32
      %dma_wait3A_97 = arith.constant 4 : i32
      %dma_wait3A_98 = tpu.memref_slice %arg9[%dma_wait3A_97] : memref<8x!tpu.dma_semaphore, #tpu.memory_space<semaphore_mem>> -> memref<1x!tpu.dma_semaphore, #tpu.memory_space<semaphore_mem>>
      %dma_wait3A_99 = tpu.memref_squeeze %dma_wait3A_98 : memref<1x!tpu.dma_semaphore, #tpu.memory_space<semaphore_mem>> -> memref<!tpu.dma_semaphore, #tpu.memory_space<semaphore_mem>>
      %dma_wait3A_100 = arith.constant 0 : i32
      %dma_wait3A_101 = arith.constant 0 : i32
      %dma_wait3A_102 = tpu.memref_slice %arg5[%add3A_96, %dma_wait3A_100, %dma_wait3A_101] : memref<128x16x4096xf32, #tpu.memory_space<any>> -> memref<1x16x4096xf32, #tpu.memory_space<any>>
      %dma_wait3A_103 = arith.constant 4 : i32
      %dma_wait3A_104 = arith.constant 0 : i32
      %dma_wait3A_105 = arith.constant 0 : i32
      %dma_wait3A_106 = tpu.memref_slice %arg7[%dma_wait3A_103, %dma_wait3A_104, %dma_wait3A_105] : memref<8x16x4096xf32, #tpu.memory_space<vmem>> -> memref<1x16x4096xf32, #tpu.memory_space<vmem>>
      tpu.wait_dma2 semaphore(%dma_wait3A_99 : memref<!tpu.dma_semaphore, #tpu.memory_space<semaphore_mem>>) src(%dma_wait3A_106 : memref<1x16x4096xf32, #tpu.memory_space<vmem>>) dst(%dma_wait3A_102 : memref<1x16x4096xf32, #tpu.memory_space<any>>)
      %mul3A_107 = arith.constant 8 : i32
      %mul3A_108 = arith.muli %sub3A_38, %mul3A_107 : i32
      %add3A_109 = arith.constant 5 : i32
      %add3A_110 = arith.addi %mul3A_108, %add3A_109 : i32
      %dma_wait3A_111 = arith.constant 5 : i32
      %dma_wait3A_112 = tpu.memref_slice %arg9[%dma_wait3A_111] : memref<8x!tpu.dma_semaphore, #tpu.memory_space<semaphore_mem>> -> memref<1x!tpu.dma_semaphore, #tpu.memory_space<semaphore_mem>>
      %dma_wait3A_113 = tpu.memref_squeeze %dma_wait3A_112 : memref<1x!tpu.dma_semaphore, #tpu.memory_space<semaphore_mem>> -> memref<!tpu.dma_semaphore, #tpu.memory_space<semaphore_mem>>
      %dma_wait3A_114 = arith.constant 0 : i32
      %dma_wait3A_115 = arith.constant 0 : i32
      %dma_wait3A_116 = tpu.memref_slice %arg5[%add3A_110, %dma_wait3A_114, %dma_wait3A_115] : memref<128x16x4096xf32, #tpu.memory_space<any>> -> memref<1x16x4096xf32, #tpu.memory_space<any>>
      %dma_wait3A_117 = arith.constant 5 : i32
      %dma_wait3A_118 = arith.constant 0 : i32
      %dma_wait3A_119 = arith.constant 0 : i32
      %dma_wait3A_120 = tpu.memref_slice %arg7[%dma_wait3A_117, %dma_wait3A_118, %dma_wait3A_119] : memref<8x16x4096xf32, #tpu.memory_space<vmem>> -> memref<1x16x4096xf32, #tpu.memory_space<vmem>>
      tpu.wait_dma2 semaphore(%dma_wait3A_113 : memref<!tpu.dma_semaphore, #tpu.memory_space<semaphore_mem>>) src(%dma_wait3A_120 : memref<1x16x4096xf32, #tpu.memory_space<vmem>>) dst(%dma_wait3A_116 : memref<1x16x4096xf32, #tpu.memory_space<any>>)
      %mul3A_121 = arith.constant 8 : i32
      %mul3A_122 = arith.muli %sub3A_38, %mul3A_121 : i32
      %add3A_123 = arith.constant 6 : i32
      %add3A_124 = arith.addi %mul3A_122, %add3A_123 : i32
      %dma_wait3A_125 = arith.constant 6 : i32
      %dma_wait3A_126 = tpu.memref_slice %arg9[%dma_wait3A_125] : memref<8x!tpu.dma_semaphore, #tpu.memory_space<semaphore_mem>> -> memref<1x!tpu.dma_semaphore, #tpu.memory_space<semaphore_mem>>
      %dma_wait3A_127 = tpu.memref_squeeze %dma_wait3A_126 : memref<1x!tpu.dma_semaphore, #tpu.memory_space<semaphore_mem>> -> memref<!tpu.dma_semaphore, #tpu.memory_space<semaphore_mem>>
      %dma_wait3A_128 = arith.constant 0 : i32
      %dma_wait3A_129 = arith.constant 0 : i32
      %dma_wait3A_130 = tpu.memref_slice %arg5[%add3A_124, %dma_wait3A_128, %dma_wait3A_129] : memref<128x16x4096xf32, #tpu.memory_space<any>> -> memref<1x16x4096xf32, #tpu.memory_space<any>>
      %dma_wait3A_131 = arith.constant 6 : i32
      %dma_wait3A_132 = arith.constant 0 : i32
      %dma_wait3A_133 = arith.constant 0 : i32
      %dma_wait3A_134 = tpu.memref_slice %arg7[%dma_wait3A_131, %dma_wait3A_132, %dma_wait3A_133] : memref<8x16x4096xf32, #tpu.memory_space<vmem>> -> memref<1x16x4096xf32, #tpu.memory_space<vmem>>
      tpu.wait_dma2 semaphore(%dma_wait3A_127 : memref<!tpu.dma_semaphore, #tpu.memory_space<semaphore_mem>>) src(%dma_wait3A_134 : memref<1x16x4096xf32, #tpu.memory_space<vmem>>) dst(%dma_wait3A_130 : memref<1x16x4096xf32, #tpu.memory_space<any>>)
      %mul3A_135 = arith.constant 8 : i32
      %mul3A_136 = arith.muli %sub3A_38, %mul3A_135 : i32
      %add3A_137 = arith.constant 7 : i32
      %add3A_138 = arith.addi %mul3A_136, %add3A_137 : i32
      %dma_wait3A_139 = arith.constant 7 : i32
      %dma_wait3A_140 = tpu.memref_slice %arg9[%dma_wait3A_139] : memref<8x!tpu.dma_semaphore, #tpu.memory_space<semaphore_mem>> -> memref<1x!tpu.dma_semaphore, #tpu.memory_space<semaphore_mem>>
      %dma_wait3A_141 = tpu.memref_squeeze %dma_wait3A_140 : memref<1x!tpu.dma_semaphore, #tpu.memory_space<semaphore_mem>> -> memref<!tpu.dma_semaphore, #tpu.memory_space<semaphore_mem>>
      %dma_wait3A_142 = arith.constant 0 : i32
      %dma_wait3A_143 = arith.constant 0 : i32
      %dma_wait3A_144 = tpu.memref_slice %arg5[%add3A_138, %dma_wait3A_142, %dma_wait3A_143] : memref<128x16x4096xf32, #tpu.memory_space<any>> -> memref<1x16x4096xf32, #tpu.memory_space<any>>
      %dma_wait3A_145 = arith.constant 7 : i32
      %dma_wait3A_146 = arith.constant 0 : i32
      %dma_wait3A_147 = arith.constant 0 : i32
      %dma_wait3A_148 = tpu.memref_slice %arg7[%dma_wait3A_145, %dma_wait3A_146, %dma_wait3A_147] : memref<8x16x4096xf32, #tpu.memory_space<vmem>> -> memref<1x16x4096xf32, #tpu.memory_space<vmem>>
      tpu.wait_dma2 semaphore(%dma_wait3A_141 : memref<!tpu.dma_semaphore, #tpu.memory_space<semaphore_mem>>) src(%dma_wait3A_148 : memref<1x16x4096xf32, #tpu.memory_space<vmem>>) dst(%dma_wait3A_144 : memref<1x16x4096xf32, #tpu.memory_space<any>>)
      %mul3A_149 = arith.constant 8 : i32
      %mul3A_150 = arith.muli %arg0, %mul3A_149 : i32
      %add3A_151 = arith.constant 0 : i32
      %add3A_152 = arith.addi %mul3A_150, %add3A_151 : i32
      %dma_wait3A_153 = arith.constant 0 : i32
      %dma_wait3A_154 = tpu.memref_slice %arg10[%dma_wait3A_153] : memref<8x!tpu.dma_semaphore, #tpu.memory_space<semaphore_mem>> -> memref<1x!tpu.dma_semaphore, #tpu.memory_space<semaphore_mem>>
      %dma_wait3A_155 = tpu.memref_squeeze %dma_wait3A_154 : memref<1x!tpu.dma_semaphore, #tpu.memory_space<semaphore_mem>> -> memref<!tpu.dma_semaphore, #tpu.memory_space<semaphore_mem>>
      %dma_wait3A_156 = arith.constant 0 : i32
      %dma_wait3A_157 = arith.constant 0 : i32
      %dma_wait3A_158 = tpu.memref_slice %arg5[%add3A_152, %dma_wait3A_156, %dma_wait3A_157] : memref<128x16x4096xf32, #tpu.memory_space<any>> -> memref<1x16x4096xf32, #tpu.memory_space<any>>
      %dma_wait3A_159 = arith.constant 0 : i32
      %dma_wait3A_160 = arith.constant 0 : i32
      %dma_wait3A_161 = arith.constant 0 : i32
      %dma_wait3A_162 = tpu.memref_slice %arg8[%dma_wait3A_159, %dma_wait3A_160, %dma_wait3A_161] : memref<8x16x4096xf32, #tpu.memory_space<vmem>> -> memref<1x16x4096xf32, #tpu.memory_space<vmem>>
      tpu.wait_dma2 semaphore(%dma_wait3A_155 : memref<!tpu.dma_semaphore, #tpu.memory_space<semaphore_mem>>) src(%dma_wait3A_162 : memref<1x16x4096xf32, #tpu.memory_space<vmem>>) dst(%dma_wait3A_158 : memref<1x16x4096xf32, #tpu.memory_space<any>>)
      %mul3A_163 = arith.constant 8 : i32
      %mul3A_164 = arith.muli %arg0, %mul3A_163 : i32
      %add3A_165 = arith.constant 1 : i32
      %add3A_166 = arith.addi %mul3A_164, %add3A_165 : i32
      %dma_wait3A_167 = arith.constant 1 : i32
      %dma_wait3A_168 = tpu.memref_slice %arg10[%dma_wait3A_167] : memref<8x!tpu.dma_semaphore, #tpu.memory_space<semaphore_mem>> -> memref<1x!tpu.dma_semaphore, #tpu.memory_space<semaphore_mem>>
      %dma_wait3A_169 = tpu.memref_squeeze %dma_wait3A_168 : memref<1x!tpu.dma_semaphore, #tpu.memory_space<semaphore_mem>> -> memref<!tpu.dma_semaphore, #tpu.memory_space<semaphore_mem>>
      %dma_wait3A_170 = arith.constant 0 : i32
      %dma_wait3A_171 = arith.constant 0 : i32
      %dma_wait3A_172 = tpu.memref_slice %arg5[%add3A_166, %dma_wait3A_170, %dma_wait3A_171] : memref<128x16x4096xf32, #tpu.memory_space<any>> -> memref<1x16x4096xf32, #tpu.memory_space<any>>
      %dma_wait3A_173 = arith.constant 1 : i32
      %dma_wait3A_174 = arith.constant 0 : i32
      %dma_wait3A_175 = arith.constant 0 : i32
      %dma_wait3A_176 = tpu.memref_slice %arg8[%dma_wait3A_173, %dma_wait3A_174, %dma_wait3A_175] : memref<8x16x4096xf32, #tpu.memory_space<vmem>> -> memref<1x16x4096xf32, #tpu.memory_space<vmem>>
      tpu.wait_dma2 semaphore(%dma_wait3A_169 : memref<!tpu.dma_semaphore, #tpu.memory_space<semaphore_mem>>) src(%dma_wait3A_176 : memref<1x16x4096xf32, #tpu.memory_space<vmem>>) dst(%dma_wait3A_172 : memref<1x16x4096xf32, #tpu.memory_space<any>>)
      %mul3A_177 = arith.constant 8 : i32
      %mul3A_178 = arith.muli %arg0, %mul3A_177 : i32
      %add3A_179 = arith.constant 2 : i32
      %add3A_180 = arith.addi %mul3A_178, %add3A_179 : i32
      %dma_wait3A_181 = arith.constant 2 : i32
      %dma_wait3A_182 = tpu.memref_slice %arg10[%dma_wait3A_181] : memref<8x!tpu.dma_semaphore, #tpu.memory_space<semaphore_mem>> -> memref<1x!tpu.dma_semaphore, #tpu.memory_space<semaphore_mem>>
      %dma_wait3A_183 = tpu.memref_squeeze %dma_wait3A_182 : memref<1x!tpu.dma_semaphore, #tpu.memory_space<semaphore_mem>> -> memref<!tpu.dma_semaphore, #tpu.memory_space<semaphore_mem>>
      %dma_wait3A_184 = arith.constant 0 : i32
      %dma_wait3A_185 = arith.constant 0 : i32
      %dma_wait3A_186 = tpu.memref_slice %arg5[%add3A_180, %dma_wait3A_184, %dma_wait3A_185] : memref<128x16x4096xf32, #tpu.memory_space<any>> -> memref<1x16x4096xf32, #tpu.memory_space<any>>
      %dma_wait3A_187 = arith.constant 2 : i32
      %dma_wait3A_188 = arith.constant 0 : i32
      %dma_wait3A_189 = arith.constant 0 : i32
      %dma_wait3A_190 = tpu.memref_slice %arg8[%dma_wait3A_187, %dma_wait3A_188, %dma_wait3A_189] : memref<8x16x4096xf32, #tpu.memory_space<vmem>> -> memref<1x16x4096xf32, #tpu.memory_space<vmem>>
      tpu.wait_dma2 semaphore(%dma_wait3A_183 : memref<!tpu.dma_semaphore, #tpu.memory_space<semaphore_mem>>) src(%dma_wait3A_190 : memref<1x16x4096xf32, #tpu.memory_space<vmem>>) dst(%dma_wait3A_186 : memref<1x16x4096xf32, #tpu.memory_space<any>>)
      %mul3A_191 = arith.constant 8 : i32
      %mul3A_192 = arith.muli %arg0, %mul3A_191 : i32
      %add3A_193 = arith.constant 3 : i32
      %add3A_194 = arith.addi %mul3A_192, %add3A_193 : i32
      %dma_wait3A_195 = arith.constant 3 : i32
      %dma_wait3A_196 = tpu.memref_slice %arg10[%dma_wait3A_195] : memref<8x!tpu.dma_semaphore, #tpu.memory_space<semaphore_mem>> -> memref<1x!tpu.dma_semaphore, #tpu.memory_space<semaphore_mem>>
      %dma_wait3A_197 = tpu.memref_squeeze %dma_wait3A_196 : memref<1x!tpu.dma_semaphore, #tpu.memory_space<semaphore_mem>> -> memref<!tpu.dma_semaphore, #tpu.memory_space<semaphore_mem>>
      %dma_wait3A_198 = arith.constant 0 : i32
      %dma_wait3A_199 = arith.constant 0 : i32
      %dma_wait3A_200 = tpu.memref_slice %arg5[%add3A_194, %dma_wait3A_198, %dma_wait3A_199] : memref<128x16x4096xf32, #tpu.memory_space<any>> -> memref<1x16x4096xf32, #tpu.memory_space<any>>
      %dma_wait3A_201 = arith.constant 3 : i32
      %dma_wait3A_202 = arith.constant 0 : i32
      %dma_wait3A_203 = arith.constant 0 : i32
      %dma_wait3A_204 = tpu.memref_slice %arg8[%dma_wait3A_201, %dma_wait3A_202, %dma_wait3A_203] : memref<8x16x4096xf32, #tpu.memory_space<vmem>> -> memref<1x16x4096xf32, #tpu.memory_space<vmem>>
      tpu.wait_dma2 semaphore(%dma_wait3A_197 : memref<!tpu.dma_semaphore, #tpu.memory_space<semaphore_mem>>) src(%dma_wait3A_204 : memref<1x16x4096xf32, #tpu.memory_space<vmem>>) dst(%dma_wait3A_200 : memref<1x16x4096xf32, #tpu.memory_space<any>>)
      %mul3A_205 = arith.constant 8 : i32
      %mul3A_206 = arith.muli %arg0, %mul3A_205 : i32
      %add3A_207 = arith.constant 4 : i32
      %add3A_208 = arith.addi %mul3A_206, %add3A_207 : i32
      %dma_wait3A_209 = arith.constant 4 : i32
      %dma_wait3A_210 = tpu.memref_slice %arg10[%dma_wait3A_209] : memref<8x!tpu.dma_semaphore, #tpu.memory_space<semaphore_mem>> -> memref<1x!tpu.dma_semaphore, #tpu.memory_space<semaphore_mem>>
      %dma_wait3A_211 = tpu.memref_squeeze %dma_wait3A_210 : memref<1x!tpu.dma_semaphore, #tpu.memory_space<semaphore_mem>> -> memref<!tpu.dma_semaphore, #tpu.memory_space<semaphore_mem>>
      %dma_wait3A_212 = arith.constant 0 : i32
      %dma_wait3A_213 = arith.constant 0 : i32
      %dma_wait3A_214 = tpu.memref_slice %arg5[%add3A_208, %dma_wait3A_212, %dma_wait3A_213] : memref<128x16x4096xf32, #tpu.memory_space<any>> -> memref<1x16x4096xf32, #tpu.memory_space<any>>
      %dma_wait3A_215 = arith.constant 4 : i32
      %dma_wait3A_216 = arith.constant 0 : i32
      %dma_wait3A_217 = arith.constant 0 : i32
      %dma_wait3A_218 = tpu.memref_slice %arg8[%dma_wait3A_215, %dma_wait3A_216, %dma_wait3A_217] : memref<8x16x4096xf32, #tpu.memory_space<vmem>> -> memref<1x16x4096xf32, #tpu.memory_space<vmem>>
      tpu.wait_dma2 semaphore(%dma_wait3A_211 : memref<!tpu.dma_semaphore, #tpu.memory_space<semaphore_mem>>) src(%dma_wait3A_218 : memref<1x16x4096xf32, #tpu.memory_space<vmem>>) dst(%dma_wait3A_214 : memref<1x16x4096xf32, #tpu.memory_space<any>>)
      %mul3A_219 = arith.constant 8 : i32
      %mul3A_220 = arith.muli %arg0, %mul3A_219 : i32
      %add3A_221 = arith.constant 5 : i32
      %add3A_222 = arith.addi %mul3A_220, %add3A_221 : i32
      %dma_wait3A_223 = arith.constant 5 : i32
      %dma_wait3A_224 = tpu.memref_slice %arg10[%dma_wait3A_223] : memref<8x!tpu.dma_semaphore, #tpu.memory_space<semaphore_mem>> -> memref<1x!tpu.dma_semaphore, #tpu.memory_space<semaphore_mem>>
      %dma_wait3A_225 = tpu.memref_squeeze %dma_wait3A_224 : memref<1x!tpu.dma_semaphore, #tpu.memory_space<semaphore_mem>> -> memref<!tpu.dma_semaphore, #tpu.memory_space<semaphore_mem>>
      %dma_wait3A_226 = arith.constant 0 : i32
      %dma_wait3A_227 = arith.constant 0 : i32
      %dma_wait3A_228 = tpu.memref_slice %arg5[%add3A_222, %dma_wait3A_226, %dma_wait3A_227] : memref<128x16x4096xf32, #tpu.memory_space<any>> -> memref<1x16x4096xf32, #tpu.memory_space<any>>
      %dma_wait3A_229 = arith.constant 5 : i32
      %dma_wait3A_230 = arith.constant 0 : i32
      %dma_wait3A_231 = arith.constant 0 : i32
      %dma_wait3A_232 = tpu.memref_slice %arg8[%dma_wait3A_229, %dma_wait3A_230, %dma_wait3A_231] : memref<8x16x4096xf32, #tpu.memory_space<vmem>> -> memref<1x16x4096xf32, #tpu.memory_space<vmem>>
      tpu.wait_dma2 semaphore(%dma_wait3A_225 : memref<!tpu.dma_semaphore, #tpu.memory_space<semaphore_mem>>) src(%dma_wait3A_232 : memref<1x16x4096xf32, #tpu.memory_space<vmem>>) dst(%dma_wait3A_228 : memref<1x16x4096xf32, #tpu.memory_space<any>>)
      %mul3A_233 = arith.constant 8 : i32
      %mul3A_234 = arith.muli %arg0, %mul3A_233 : i32
      %add3A_235 = arith.constant 6 : i32
      %add3A_236 = arith.addi %mul3A_234, %add3A_235 : i32
      %dma_wait3A_237 = arith.constant 6 : i32
      %dma_wait3A_238 = tpu.memref_slice %arg10[%dma_wait3A_237] : memref<8x!tpu.dma_semaphore, #tpu.memory_space<semaphore_mem>> -> memref<1x!tpu.dma_semaphore, #tpu.memory_space<semaphore_mem>>
      %dma_wait3A_239 = tpu.memref_squeeze %dma_wait3A_238 : memref<1x!tpu.dma_semaphore, #tpu.memory_space<semaphore_mem>> -> memref<!tpu.dma_semaphore, #tpu.memory_space<semaphore_mem>>
      %dma_wait3A_240 = arith.constant 0 : i32
      %dma_wait3A_241 = arith.constant 0 : i32
      %dma_wait3A_242 = tpu.memref_slice %arg5[%add3A_236, %dma_wait3A_240, %dma_wait3A_241] : memref<128x16x4096xf32, #tpu.memory_space<any>> -> memref<1x16x4096xf32, #tpu.memory_space<any>>
      %dma_wait3A_243 = arith.constant 6 : i32
      %dma_wait3A_244 = arith.constant 0 : i32
      %dma_wait3A_245 = arith.constant 0 : i32
      %dma_wait3A_246 = tpu.memref_slice %arg8[%dma_wait3A_243, %dma_wait3A_244, %dma_wait3A_245] : memref<8x16x4096xf32, #tpu.memory_space<vmem>> -> memref<1x16x4096xf32, #tpu.memory_space<vmem>>
      tpu.wait_dma2 semaphore(%dma_wait3A_239 : memref<!tpu.dma_semaphore, #tpu.memory_space<semaphore_mem>>) src(%dma_wait3A_246 : memref<1x16x4096xf32, #tpu.memory_space<vmem>>) dst(%dma_wait3A_242 : memref<1x16x4096xf32, #tpu.memory_space<any>>)
      %mul3A_247 = arith.constant 8 : i32
      %mul3A_248 = arith.muli %arg0, %mul3A_247 : i32
      %add3A_249 = arith.constant 7 : i32
      %add3A_250 = arith.addi %mul3A_248, %add3A_249 : i32
      %dma_wait3A_251 = arith.constant 7 : i32
      %dma_wait3A_252 = tpu.memref_slice %arg10[%dma_wait3A_251] : memref<8x!tpu.dma_semaphore, #tpu.memory_space<semaphore_mem>> -> memref<1x!tpu.dma_semaphore, #tpu.memory_space<semaphore_mem>>
      %dma_wait3A_253 = tpu.memref_squeeze %dma_wait3A_252 : memref<1x!tpu.dma_semaphore, #tpu.memory_space<semaphore_mem>> -> memref<!tpu.dma_semaphore, #tpu.memory_space<semaphore_mem>>
      %dma_wait3A_254 = arith.constant 0 : i32
      %dma_wait3A_255 = arith.constant 0 : i32
      %dma_wait3A_256 = tpu.memref_slice %arg5[%add3A_250, %dma_wait3A_254, %dma_wait3A_255] : memref<128x16x4096xf32, #tpu.memory_space<any>> -> memref<1x16x4096xf32, #tpu.memory_space<any>>
      %dma_wait3A_257 = arith.constant 7 : i32
      %dma_wait3A_258 = arith.constant 0 : i32
      %dma_wait3A_259 = arith.constant 0 : i32
      %dma_wait3A_260 = tpu.memref_slice %arg8[%dma_wait3A_257, %dma_wait3A_258, %dma_wait3A_259] : memref<8x16x4096xf32, #tpu.memory_space<vmem>> -> memref<1x16x4096xf32, #tpu.memory_space<vmem>>
      tpu.wait_dma2 semaphore(%dma_wait3A_253 : memref<!tpu.dma_semaphore, #tpu.memory_space<semaphore_mem>>) src(%dma_wait3A_260 : memref<1x16x4096xf32, #tpu.memory_space<vmem>>) dst(%dma_wait3A_256 : memref<1x16x4096xf32, #tpu.memory_space<any>>)
    } else {
    }
    return
  }
  func.func @transform_0(%arg0: i32) -> (i32, i32) {
    %c0_i32 = arith.constant 0 : i32
    %c0_i32_0 = arith.constant 0 : i32
    %c0_i32_1 = arith.constant 0 : i32
    return %c0_i32, %c0_i32_0 : i32, i32
  }
  func.func @transform_1(%arg0: i32) -> (i32, i32) {
    %c0_i32 = arith.constant 0 : i32
    %c0_i32_0 = arith.constant 0 : i32
    %c0_i32_1 = arith.constant 0 : i32
    return %c0_i32, %c0_i32_0 : i32, i32
  }
  func.func @transform_2(%arg0: i32) -> (i32, i32) {
    %c0_i32 = arith.constant 0 : i32
    %c0_i32_0 = arith.constant 0 : i32
    %c0_i32_1 = arith.constant 0 : i32
    return %c0_i32, %c0_i32_0 : i32, i32
  }
  func.func @transform_3(%arg0: i32) -> (i32, i32) {
    %c0_i32 = arith.constant 0 : i32
    %c0_i32_0 = arith.constant 0 : i32
    return %arg0, %c0_i32 : i32, i32
  }
}

</mosaic_0001>

<sc_bundles>
// kernel: kernel.4.cloned.1.call-start
scs
__scs_entry_jumppad:
0x0: {  	(pc) =	sbr.rel $0x88, $3  }
0x1: {  	(tag) =	ssettag $0x0;
	lr =	simm.s32 $0x1  }
0x2: {  	[smem:$0x3F9B] =	sst lr;
	_ =	strace $0xD0000000  }
0x3: {  	_ = 	snop  }
0x4: {  	_ = 	snop  }
0x5: {  	_ = 	snop  }
0x6: {  	_ = 	snop  }
0x7: {  	_ = 	snop  }
__scs_overlays_trampoline_lowered:
0x8: {  	[smem:$0x3FAA] =	sst s0  }
0x9: {  	[smem:$0x3FAB] =	sst s1  }
0xa: {  	[smem:$0x3FAC] =	sst s2  }
0xb: {  	[smem:$0x3FAD] =	sst s3  }
0xc: {  	[smem:$0x3FAE] =	sst s4  }
0xd: {  	[smem:$0x3FAF] =	sst s5  }
0xe: {  	[smem:$0x3FB0] =	sst s6  }
0xf: {  	[smem:$0x3FB1] =	sst s7  }
0x10: {  	[smem:$0x3FB2] =	sst s8  }
0x11: {  	[smem:$0x3FB3] =	sst s9;
	s0 =	simm.s32 @!p0 $0x0  }
0x12: {  	s1 =	sld [smem:$0x3F99];
	s0 =	simm.s32 @p0 $0x1  }
0x13: {  	[smem:$0x3FB4] =	sst s0;
	s0 =	simm.s32 @!p1 $0x0  }
0x14: {  	s2 =	sld [smem:$0x3F98];
	s0 =	simm.s32 @p1 $0x1  }
0x15: {  	[smem:$0x3FB5] =	sst s0;
	s0 =	simm.s32 @!p2 $0x0  }
0x16: {  	s3 =	sld [smem:$0x3FDB];
	s0 =	simm.s32 @p2 $0x1  }
0x17: {  	s4 =	simm.s32 $0x1BF5;
	[smem:$0x3FB7] =	sst s0  }
0x18: {  	s0 =	sld [smem:$0x3F9A];
	_ =	swait.ge [sflag:s4], $0x0  }
0x19: {  	s7 =	sld [smem:$0x3F9B]  }
0x1a: {  	s8 =	sadd.s32 $0xFFFFE003, lr  }
0x1b: {  	s9 =	sadd.s32 $0xFFFFFEF7, lr;
	s5 =	simm.s32 $0xFFFFFFFF;
	p2 =	slt.u32 s8, $0xFFFFF086  }
0x1c: {  	p1 =	slt.u32 s9, $0xF7A;
	s5 =	simm.s32 @!p2 $0x0  }
0x1d: {  	s5 =	simm.s32 @p1 $0x1;
	p0 =	seq.s32 s7, s2  }
0x1e: {  	s7 =	smul.u32 @!p0 $0xF7A, s2;
	p2 =	seq.s32 @!p0 s5, $0x0  }
0x1f: {  	s9 =	smul.u32 $0xF7A, s1;
	s8 =	simm.s32 @!p0 $0x1BF5;
	p2 =	por !p2, p0  }
0x20: {  	[sflag:s8] =	ssyncset.s32 @!p0 $0xFFFFF086;
	s6 =	sadd.s32 @!p0 s3, s7;
	s7 =	simm.s32 @!p0 $0x108  }
0x21: {  	s3 =	sadd.s32 s3, s9;
	s6 =	sadd.s32 @!p0 $0x88, s6;
	s7 =	simm.s32 @p2 $0x1082  }
0x22: {  	[simem:s7], [sflag:s8] =	dma.local @!p0 [hbm:s6], $0xF7A  }
0x23: {  	s9 =	sor.u32 $0xD0000000, s2;
	s6 =	simm.s32 $0x108;
	_ =	swait.ge @!p0 [sflag:s8], $0x0  }
0x24: {  	s3 =	sadd.s32 $0x88, s3;
	s6 =	simm.s32 @!p1 $0x1082;
	[sflag:s4] =	ssyncset.s32 $0xFFFFF086  }
0x25: {  	[simem:s6], [sflag:s4] =	dma.local [hbm:s3], $0xF7A  }
0x26: {  	[smem:$0x3F9B] =	sst s1;
	(tag) =	ssettag s2;
	_ =	strace s9  }
0x27: {  	s1 =	sld [smem:$0x3FAB]  }
0x28: {  	s2 =	sld [smem:$0x3FAC]  }
0x29: {  	s4 =	sld [smem:$0x3FAE]  }
0x2a: {  	p0 =	seq.s32 s5, $0x0;
	s5 =	sld [smem:$0x3FAF]  }
0x2b: {  	s6 =	sld [smem:$0x3FB0]  }
0x2c: {  	s7 =	sld [smem:$0x3FB1]  }
0x2d: {  	s3 =	simm.s32 $0x108;
	s8 =	sld [smem:$0x3FB2]  }
0x2e: {  	s3 =	simm.s32 @!p0 $0x1082;
	s9 =	sld [smem:$0x3FB3]  }
0x2f: {  	lr =	sadd.s32 s0, s3;
	s0 =	sld [smem:$0x3FAA]  }
0x30: {  	s3 =	sld [smem:$0x3FAD]  }
0x31: {  	[smem:$0x3FB6] =	sst s10  }
0x32: {  	s10 =	sld [smem:$0x3FB4];
	_ =	sdelay $0x3  }
0x33: {  	p0 =	seq.s32 s10, $0x1;
	s10 =	sld [smem:$0x3FB6];
	_ =	sdelay $0x3  }
0x34: {  	[smem:$0x3FB6] =	sst s10  }
0x35: {  	s10 =	sld [smem:$0x3FB5];
	_ =	sdelay $0x3  }
0x36: {  	p1 =	seq.s32 s10, $0x1;
	s10 =	sld [smem:$0x3FB6];
	_ =	sdelay $0x3  }
0x37: {  	[smem:$0x3FB6] =	sst s10  }
0x38: {  	s10 =	sld [smem:$0x3FB7]  }
0x39: {  	_ = 	snop;
	(pc) =	sbr.ind lr, $3  }
0x3a: {  	_ = 	snop  }
0x3b: {  	_ = 	snop  }
0x3c: {  	p2 =	seq.s32 s10, $0x1;
	s10 =	sld [smem:$0x3FB6]  }
0x3d: {  	_ =	shalt  }
0x3e: {  	_ =	shalt  }
0x3f: {  	_ =	shalt  }
0x40: {  	_ =	shalt  }
0x41: {  	_ =	shalt  }
0x42: {  	_ =	shalt  }
0x43: {  	_ =	shalt  }
0x44: {  	_ =	shalt  }
0x45: {  	_ =	shalt  }
0x46: {  	_ =	shalt  }
0x47: {  	_ =	shalt  }
0x48: {  	_ =	shalt  }
0x49: {  	_ =	shalt  }
0x4a: {  	_ =	shalt  }
0x4b: {  	_ =	shalt  }
0x4c: {  	_ =	shalt  }
0x4d: {  	_ =	shalt  }
0x4e: {  	_ =	shalt  }
0x4f: {  	_ =	shalt  }
0x50: {  	_ =	shalt  }
0x51: {  	_ =	shalt  }
0x52: {  	_ =	shalt  }
0x53: {  	_ =	shalt  }
0x54: {  	_ =	shalt  }
0x55: {  	_ =	shalt  }
0x56: {  	_ =	shalt  }
0x57: {  	_ =	shalt  }
0x58: {  	_ =	shalt  }
0x59: {  	_ =	shalt  }
0x5a: {  	_ =	shalt  }
0x5b: {  	_ =	shalt  }
0x5c: {  	_ =	shalt  }
0x5d: {  	_ =	shalt  }
0x5e: {  	_ =	shalt  }
0x5f: {  	_ =	shalt  }
0x60: {  	_ =	shalt  }
0x61: {  	_ =	shalt  }
0x62: {  	_ =	shalt  }
0x63: {  	_ =	shalt  }
0x64: {  	_ =	shalt  }
0x65: {  	_ =	shalt  }
0x66: {  	_ =	shalt  }
0x67: {  	_ =	shalt  }
0x68: {  	_ =	shalt  }
0x69: {  	_ =	shalt  }
0x6a: {  	_ =	shalt  }
0x6b: {  	_ =	shalt  }
0x6c: {  	_ =	shalt  }
0x6d: {  	_ =	shalt  }
0x6e: {  	_ =	shalt  }
0x6f: {  	_ =	shalt  }
0x70: {  	_ =	shalt  }
0x71: {  	_ =	shalt  }
0x72: {  	_ =	shalt  }
0x73: {  	_ =	shalt  }
0x74: {  	_ =	shalt  }
0x75: {  	_ =	shalt  }
0x76: {  	_ =	shalt  }
0x77: {  	_ =	shalt  }
0x78: {  	_ =	shalt  }
0x79: {  	_ =	shalt  }
0x7a: {  	_ =	shalt  }
0x7b: {  	_ =	shalt  }
0x7c: {  	_ =	shalt  }
0x7d: {  	_ =	shalt  }
0x7e: {  	_ =	shalt  }
0x7f: {  	_ =	shalt  }
0x80: {  	_ =	shalt  }
0x81: {  	_ =	shalt  }
0x82: {  	_ =	shalt  }
0x83: {  	_ =	shalt  }
0x84: {  	_ =	shalt  }
0x85: {  	_ =	shalt  }
0x86: {  	_ =	shalt  }
0x87: {  	_ =	shalt  }
.Lfunc_end0:
.L_simem_size_0:
called_computation_lowered:
.L_overlay_start_0:
0x88: {  	s2 =	sld [smem:$0x3FD9]  }
0x89: {  	s3 =	sld [smem:$0x3FFE];
	_ =	sdelay $0x1  }
0x8a: {  	s1 =	srdreg.scid  }
0x8b: {  	s0 =	sand.u32 $0x1, s1  }
0x8c: {  	s17 =	sshll.u32 s0, $0xA;
	s2 =	sadd.s32 s3, s2  }
0x8d: {  	s2 =	sadd.s32 s2, s17  }
0x8e: {  	[smem:$0x3FC2] =	sst s2  }
0x8f: {  	_ = 	snop  }
0x90: {  	s2 =	sld [smem:$0x3FC8]  }
0x91: {  	s18 =	sld [smem:$0x3FC7]  }
0x92: {  	s4 =	sld [smem:$0x3FC6]  }
0x93: {  	s5 =	sld [smem:$0x3FC4]  }
0x94: {  	s6 =	sld [smem:$0x3FD0];
	(tm) =	ssettm $0x1  }
0x95: {  	s7 =	sld [smem:$0x3FFB];
	_ =	sdelay $0x3  }
0x96: {  	_ =	strace s7  }
0x97: {  	s7 =	sld [smem:$0x3FFC];
	_ =	sdelay $0x3  }
0x98: {  	_ =	strace s7  }
0x99: {  	s7 =	sld [smem:$0x3FFD];
	_ =	sdelay $0x3  }
0x9a: {  	_ =	strace s7  }
0x9b: {  	_ =	strace $0x8FFFFFFF  }
0x9c: {  	s19 =	sld [smem:$0x3FDB];
	_ =	sdelay $0x1  }
0x9d: {  	s8 =	simm.s32 $_scs_section_size  }
0x9e: {  	s9 =	simm.s32 $_size__tile_overlayer_lowered;
	s10 =	simm.s32 $_tile_overlayer_lowered  }
0x9f: {  	s22 =	simm.s32 $0x1BFF;
	s21 =	sshll.u32 s10, $0x1;
	s7 =	sadd.s32 s8, s19  }
0xa0: {  	s11 =	simm.s32 $0x0;
	s20 =	sshll.u32 s9, $0x1;
	s9 =	sadd.s32 s21, s7  }
0xa1: {  	[timem:s11], [sflag:s22] =	dma.local [hbm:s9], s20  }
0xa2: {  	_ =	swait.ge [sflag:s22], s20  }
0xa3: {  	s8 =	ssub.s32 $0x0, s20;
	[sflag:s22] =	ssyncset.done $0x0  }
0xa4: {  	[sflag:s22] =	ssyncadd.s32 s8;
	_ =	sdelay $0x1  }
0xa5: {  	s23 =	simm.s32 $0x1B8B  }
0xa6: {  	_ =	swait.ge [sflag:s23], $0x1  }
0xa7: {  	[sflag:s23] =	ssyncset.done $0x0  }
0xa8: {  	s25 =	simm.s32 $0x1B8E;
	s24 =	sld [smem:$0x3FFE];
	[sflag:s23] =	ssyncadd.s32 $0xFFFFFFFF  }
0xa9: {  	s26 =	simm.s32 $execute0_lowered;
	[smem:$0x3FD2] =	sst s25  }
0xaa: {  	s9 =	sshll.u32 s26, $0x1;
	_ =	strace $0x80000046;
	[dreg:$0x1] =	wrdreg $0xFFFFFFFF  }
0xab: {  	s28 =	simm.s32 $_size_execute0_lowered;
	s7 =	sadd.s32 s7, s9;
	[dreg:$0x0] =	wrdreg $0x0  }
0xac: {  	s9 =	sshll.u32 s28, $0x1;
	[dreg:$0x2] =	wrdreg s7  }
0xad: {  	[dreg:$0x3] =	wrdreg s9  }
0xae: {  	[dreg:$0x4] =	wrdreg $0xC0  }
0xaf: {  	_ =	task [dreg:s11], $0x5FFFF  }
0xb0: {  	[dreg:$0x1] =	wrdreg $0xFFFFFFFF  }
0xb1: {  	[dreg:$0x0] =	wrdreg $0x60  }
0xb2: {  	[dreg:$0x2] =	wrdreg s2  }
0xb3: {  	[dreg:$0x3] =	wrdreg s4  }
0xb4: {  	[dreg:$0x4] =	wrdreg s5  }
0xb5: {  	[dreg:$0x5] =	wrdreg s18  }
0xb6: {  	[dreg:$0x6] =	wrdreg s6  }
0xb7: {  	[dreg:$0x7] =	wrdreg s24  }
0xb8: {  	[dreg:$0x8] =	wrdreg $0x9  }
0xb9: {  	_ =	task.clear_ibuf [dreg:s11], $0x9FFFF;
	_ =	strace $0x90000046  }
0xba: {  	s29 =	simm.s32 $0x9;
	_ =	strace $0x80000048  }
0xbb: {  	_ =	swait.ge [sflag:s29], $0x1  }
0xbc: {  	[sflag:s29] =	ssyncadd.s32 $0xFFFFFFFF  }
0xbd: {  	_ =	strace $0x90000048  }
0xbe: {  	_ =	sfence  }
0xbf: {  	s30 =	sld [smem:$0x0];
	_ =	sdelay $0x2  }
0xc0: {  	s31 =	sshll.u32 s1, $0xD;
	s1 =	sshrl.u32 s1, $0x2  }
0xc1: {  	s3 =	sand.u32 $0x4000, s31;
	s1 =	sadd.s32 s1, s30  }
0xc2: {  	s0 =	sor.u32 s3, s0;
	s1 =	sshll.u32 s1, $0x11  }
0xc3: {  	s0 =	sor.u32 s1, s0  }
0xc4: {  	s0 =	sadd.s32 $0x8F2B, s0  }
0xc5: {  	[sflag:s0] =	ssyncadd.remote.s32 $0x1  }
0xc6: {  	_ =	sfence.sel $0xFFFF  }
0xc7: {  	[dreg:$0x0] =	wrdreg $0xFFFFFFFF;
	(pc) =	sbr.abs _section_cstart, $3  }
0xc8: {  	[dreg:$0x1] =	wrdreg $0xFFFFFFFF  }
0xc9: {  	_ =	task.clear_ibuf [dreg:s11], $0x2FFFF;
	_ =	strace $0x9FFFFFFF  }
0xca: {  	(tm) =	ssettm $0x7FFFFFFF  }
0xcb: {  	_ =	shalt  }
tec
execute0_lowered:
.L_overlay_start_1:
0x0: {  	(tag) =	ssettag $0x1  }
0x1: {  	s0 =	rddreg [dreg:$0x0]  }
0x2: {  	s5 =	rddreg [dreg:$0x1]  }
0x3: {  	s6 =	rddreg [dreg:$0x2]  }
0x4: {  	s2 =	rddreg [dreg:$0x3]  }
0x5: {  	s7 =	rddreg [dreg:$0x4];
	s1 =	stileid.u32  }
0x6: {  	s3 =	srdreg.scid;
	s8 =	rddreg [dreg:$0x5]  }
0x7: {  	s4 =	simm.s32 $0x0;
	s14 =	simm.s32 $0x1080;
	s15 =	simm.s32 $0x4  }
0x8: {  	s16 =	simm.s32 $0x5;
	s17 =	simm.s32 $0x2;
	s18 =	simm.s32 $0x3  }
0x9: {  	s19 =	simm.s32 $0x9F00;
	s9 =	sand.u32 $0x1, s3;
	s3 =	rddreg [dreg:$0x6]  }
0xa: {  	s20 =	simm.s32 $0x0;
	s10 =	sshll.u32 s1, $0x1;
	[smem:$0x7FF] =	sst s4  }
0xb: {  	s11 =	sshll.u32 s1, $0xA;
	p0 =	sgt.u32 s1, $0x7;
	s10 =	sor.u32 s9, s10  }
0xc: {  	_ =	strace $0x80000047;
	s11 =	sand.u32 $0x1000, s11;
	s9 =	ssub.s32 $0x2, s9  }
0xd: {  	s12 =	smin.u32 s10, $0xF;
	s8 =	sadd.s32 s11, s8;
	s30 =	sshrl.u32 s9, $0x1  }
0xe: {  	s31 =	sshll.u32 s10, $0x4;
	s10 =	sshll.u32 s10, $0xB;
	s13 =	sshrl.u32 s12, $0x3  }
0xf: {  	s12 =	sshll.u32 s12, $0x7;
	s9 =	ssub.s32 s9, s30;
	s13 =	smul.u32 $0x27400, s13  }
.Ltmp0:
0x10: {  	s5 =	sadd.s32 s5, s31;
	s11 =	sand.u32 $0x70, s31;
	(pc) =	sbr.rel .LBB2_1-.Ltmp0, $4  }
0x11: {  	s7 =	sadd.s32 s7, s10;
	s10 =	simm.s32 $0x80;
	s12 =	sand.u32 $0x380, s12  }
0x12: {  	s8 =	sadd.s32 s11, s8;
	s9 =	smax.u32 s9, $0x1;
	s12 =	sor.u32 s12, s13  }
0x13: {  	s11 =	simm.s32 $0x400;
	s8 =	sadd.s32 $0x1000, s8;
	s12 =	sshrl.u32 s12, $0x3  }
0x14: {  	s13 =	simm.s32 $0x1;
	s6 =	sadd.s32 s6, s12;
	s12 =	simm.s32 $0x5080  }
.LBB2_4:
0x15: {  	v5 =	vmul.f32 $1.442695020e+00, v5;
	[tilespmem:s21+$0x30] =	vst v6  }
0x16: {  	[tilespmem:s21+$0xFFFFFFD0] =	vst v7;
	v4 =	vmul.f32 $1.442695020e+00, v4  }
0x17: {  	v3 =	vmul.f32 $1.442695020e+00, v3;
	[tilespmem:s21+$0xFFFFFFE0] =	vst v5  }
0x18: {  	v1 =	vmul.f32 $1.442695020e+00, v1;
	[tilespmem:s21+$0xFFFFFFF0] =	vst v4  }
0x19: {  	v0 =	vmul.f32 $1.442695020e+00, v0;
	[tilespmem:s21+$0x0] =	vst v3  }
0x1a: {  	v2 =	vmul.f32 $1.442695020e+00, v2;
	[tilespmem:s21+$0x10] =	vst v1  }
0x1b: {  	[tilespmem:s21+$0x20] =	vst v0  }
0x1c: {  	[tilespmem:s21+$0xFFFFFFC0] =	vst v2  }
0x1d: {  	[hbm4b:s8+s10] =	stream.strided.scatter [tilespmem:s19], [sflag:$0x5], $0x1000, s11, s10, $0x38;
	[tilespmem:$0xAF00] =	vst v63  }
0x1e: {  	_ =	swait.ge [sflag:s16], $0x1000  }
0x1f: {  	[sflag:s16] =	ssyncset.done $0x0  }
0x20: {  	[sflag:s16] =	ssyncadd.s32 $0xFFFFF000  }
.LBB2_5:
0x21: {  	s20 =	sadd.s32 $0x1, s20  }
0x22: {  	p1 =	sne.s32 s20, s9  }
.Ltmp1:
0x23: {  	_ = 	snop;
	(pc) =	sbr.rel @!p1 .LBB2_6-.Ltmp1, $1  }
0x24: {  	_ =	sdelay $0x3  }
.LBB2_1:
0x25: {  	[tilespmem:s4], [sflag:$0x1] =	stream.linear.gather [hbm4b:s5+s4], $0x80, $0x38;
	[tilespmem:$0xAF00] =	vst v63  }
0x26: {  	_ = 	snop  }
0x27: {  	[tilespmem:s10], [sflag:$0x2] =	stream.linear.gather [hbm4b:s2+s4], $0x1000, $0x38;
	[tilespmem:$0xAF00] =	vst v63  }
0x28: {  	_ = 	snop  }
0x29: {  	[tilespmem:s12], [sflag:$0x3] =	stream.strided.gather [hbm4b:s6+s10], $0x4E80, s11, s10, $0x38;
	[tilespmem:$0xAF00] =	vst v63  }
0x2a: {  	_ =	swait.ge [sflag:s13], $0x80  }
0x2b: {  	[sflag:s13] =	ssyncset.done $0x0  }
0x2c: {  	[sflag:s13] =	ssyncadd.s32 $0xFFFFFF80  }
0x2d: {  	[tilespmem:s14], [sflag:$0x4] =	stream.indirect.gather [hbm4b:s0+s10], $0x80, s4, s10, $0xb8;
	[tilespmem:$0xAF00] =	vst v63  }
0x2e: {  	_ =	swait.ge [sflag:s15], $0x4000  }
0x2f: {  	[sflag:s15] =	ssyncset.done $0x0  }
0x30: {  	[sflag:s15] =	ssyncadd.s32 $0xFFFFC000  }
0x31: {  	[hbm4b:s7+s4] =	stream.linear.scatter [tilespmem:s14], [sflag:$0x5], $0x4000, $0x38;
	[tilespmem:$0xAF00] =	vst v63  }
0x32: {  	_ =	swait.ge [sflag:s16], $0x4000  }
0x33: {  	[sflag:s16] =	ssyncset.done $0x0  }
0x34: {  	[sflag:s16] =	ssyncadd.s32 $0xFFFFC000  }
0x35: {  	_ =	swait.ge [sflag:s17], $0x1000  }
.Ltmp2:
0x36: {  	[sflag:s17] =	ssyncset.done $0x0;
	(pc) =	sbr.rel @p0 .LBB2_5-.Ltmp2, $4  }
0x37: {  	[sflag:s17] =	ssyncadd.s32 $0xFFFFF000  }
0x38: {  	_ =	swait.ge [sflag:s18], $0x4E80  }
0x39: {  	[sflag:s18] =	ssyncset.done $0x0  }
0x3a: {  	[sflag:s18] =	ssyncadd.s32 $0xFFFFB180  }
0x3b: {  	s21 =	simm.s32 $0xC0  }
0x3c: {  	v0 =	vld [tilespmem:s21+$0x30]  }
0x3d: {  	v1 =	vld [tilespmem:s21+$0xFFFFFFD0]  }
0x3e: {  	v2 =	vld [tilespmem:s21+$0xFFFFFFE0]  }
0x3f: {  	v3 =	vld [tilespmem:s21+$0xFFFFFFF0]  }
0x40: {  	v6 =	vld [tilespmem:s21+$0x0]  }
0x41: {  	v7 =	vld [tilespmem:s21+$0x10]  }
0x42: {  	v8 =	vld [tilespmem:s21+$0x20]  }
0x43: {  	v9 =	vld [tilespmem:s21+$0xFFFFFFC0]  }
0x44: {  	v10 =	vld.idx.msk [tilespmem:v0+s12+$0x0], $0xffff  }
0x45: {  	v11 =	vld.idx.msk [tilespmem:v1+s12+$0x0], $0xffff  }
0x46: {  	v5 =	vld.idx.msk [tilespmem:v2+s12+$0x0], $0xffff  }
0x47: {  	v4 =	vld.idx.msk [tilespmem:v3+s12+$0x0], $0xffff  }
0x48: {  	v3 =	vld.idx.msk [tilespmem:v6+s12+$0x0], $0xffff  }
0x49: {  	v1 =	vld.idx.msk [tilespmem:v7+s12+$0x0], $0xffff  }
0x4a: {  	v0 =	vld.idx.msk [tilespmem:v8+s12+$0x0], $0xffff;
	v6 =	vmul.f32 $1.442695020e+00, v10  }
0x4b: {  	s22 =	simm.s32 $0x0;
	s23 =	simm.s32 $0x140;
	s21 =	simm.s32 $0x9F40;
	v2 =	vld.idx.msk [tilespmem:v9+s12+$0x0], $0xffff;
	v7 =	vmul.f32 $1.442695020e+00, v11  }
.LBB2_3:
0x4c: {  	v8 =	vld [tilespmem:s23+$0x30];
	s22 =	sadd.s32 $0x8, s22;
	v5 =	vmul.f32 $1.442695020e+00, v5;
	[tilespmem:s21+$0x30] =	vst v6  }
0x4d: {  	v4 =	vmul.f32 $1.442695020e+00, v4;
	v6 =	vld [tilespmem:s23+$0xFFFFFFD0];
	p1 =	slt.u32 s22, $0xF8;
	[tilespmem:s21+$0xFFFFFFD0] =	vst v7  }
0x4e: {  	v3 =	vmul.f32 $1.442695020e+00, v3;
	v7 =	vld [tilespmem:s23+$0xFFFFFFE0];
	[tilespmem:s21+$0xFFFFFFE0] =	vst v5  }
0x4f: {  	v1 =	vmul.f32 $1.442695020e+00, v1;
	v9 =	vld [tilespmem:s23+$0xFFFFFFF0];
	[tilespmem:s21+$0xFFFFFFF0] =	vst v4  }
0x50: {  	v0 =	vmul.f32 $1.442695020e+00, v0;
	v10 =	vld [tilespmem:s23+$0x0];
	[tilespmem:s21+$0x0] =	vst v3  }
0x51: {  	v2 =	vmul.f32 $1.442695020e+00, v2;
	v11 =	vld [tilespmem:s23+$0x10];
	[tilespmem:s21+$0x10] =	vst v1  }
0x52: {  	v12 =	vld [tilespmem:s23+$0x20];
	[tilespmem:s21+$0x20] =	vst v0  }
0x53: {  	v13 =	vld [tilespmem:s23+$0xFFFFFFC0];
	[tilespmem:s21+$0xFFFFFFC0] =	vst v2  }
0x54: {  	v2 =	vld.idx.msk [tilespmem:v8+s12+$0x0], $0xffff  }
0x55: {  	v8 =	vld.idx.msk [tilespmem:v6+s12+$0x0], $0xffff  }
0x56: {  	v5 =	vld.idx.msk [tilespmem:v7+s12+$0x0], $0xffff  }
.Ltmp3:
0x57: {  	v4 =	vld.idx.msk [tilespmem:v9+s12+$0x0], $0xffff;
	(pc) =	sbr.rel @p1 .LBB2_3-.Ltmp3, $4  }
0x58: {  	v3 =	vld.idx.msk [tilespmem:v10+s12+$0x0], $0xffff  }
0x59: {  	v1 =	vld.idx.msk [tilespmem:v11+s12+$0x0], $0xffff  }
0x5a: {  	v6 =	vmul.f32 $1.442695020e+00, v2;
	v0 =	vld.idx.msk [tilespmem:v12+s12+$0x0], $0xffff  }
0x5b: {  	s23 =	sadd.s32 $0x80, s23;
	s21 =	sadd.s32 $0x80, s21;
	v7 =	vmul.f32 $1.442695020e+00, v8;
	v2 =	vld.idx.msk [tilespmem:v13+s12+$0x0], $0xffff  }
.Ltmp4:
0x5c: {  	_ = 	snop;
	(pc) =	sbr.rel .LBB2_4-.Ltmp4, $1  }
0x5d: {  	_ =	sdelay $0x3  }
.LBB2_6:
0x5e: {  	_ =	sfence.sel $0x180000  }
0x5f: {  	[bflag:$0x0] =	sbarrier.arrive $0xFFFF  }
0x60: {  	p0 =	sne.s32 s1, $0x0;
	_ =	strace $0x90000047  }
0x61: {  	s0 =	sadd.s32 @!p0 $0x100000, s3;
	[bflag:$0x2] =	sbarrier.arrive $0xFFFF  }
0x62: {  	[sflag:s0] =	ssyncadd.tile.s32 @!p0 $0x1;
	_ =	shalt  }
.Lfunc_end2:
_tile_overlayer_lowered:
.L_overlay_start_2:
0x63: {  	(tag) =	ssettag $0x2  }
0x64: {  	s0 =	rddreg [dreg:$0x0];
	s2 =	stileid.u32  }
0x65: {  	s1 =	rddreg [dreg:$0x1];
	p0 =	sne.s32 s2, $0x0  }
0x66: {  	s3 =	rddreg [dreg:$0x2];
	[bflag:$0x3] =	sbarrier.arrive $0xFFFF;
	s2 =	simm.s32 @!p0 $0x1C05  }
0x67: {  	[timem:s3], [sflag:s2] =	dma.local @!p0 [hbm:s0], s1  }
0x68: {  	s0 =	simm.s32 @!p0 $0x5  }
0x69: {  	_ =	swait.ge @!p0 [sflag:s0], s1  }
0x6a: {  	s1 =	ssub.s32 @!p0 $0x0, s1;
	[sflag:s0] =	ssyncset.done @!p0 $0x0  }
0x6b: {  	[sflag:s0] =	ssyncadd.s32 @!p0 s1  }
0x6c: {  	[bflag:$0x3] =	sbarrier.arrive $0xFFFF  }
0x6d: {  	_ =	shalt  }

</sc_bundles>
